<compile_context>
chip_gen: v7x
topology: tpu7x:2x2x1
jax: 0.10.2.dev20260603
libtpu: 0.0.44.dev20260713+nightly
codegen_flags: <defaults>
</compile_context>

<pallas_src>
import functools

import jax
import jax.numpy as jnp
import numpy as np
from jax import lax
from jax.experimental import pallas as pl
from jax.experimental.pallas import tpu as pltpu
from jax.experimental.pallas import tpu_sc as plsc

N = 10000
E = 320000
HID = 128
DIVER = 32

NC = 2
NS = 16
NW = NC * NS
K = 80
CHUNKS = E // (NW * K)
TILE_STRIDE = 624
TILE_CHUNKS = 8


def _make_agg(gather):
    mesh = plsc.VectorSubcoreMesh(core_axis_name="c", subcore_axis_name="s")

    @functools.partial(
        pl.kernel,
        mesh=mesh,
        out_type=jax.ShapeDtypeStruct((NC, N, HID), jnp.float32),
        scratch_types=[
            pltpu.VMEM((K,), jnp.int32),
            pltpu.VMEM((K,), jnp.int32),
            pltpu.VMEM((K, HID), jnp.float32),
            pltpu.VMEM_SHARED((N, HID), jnp.float32),
            pltpu.SemaphoreType.DMA,
        ],
    )
    def agg(g_hbm, src_hbm, dst_hbm, zrows_hbm, out_hbm,
            idx_s, idx_d, rows, acc, sem):
        c = lax.axis_index("c")
        s = lax.axis_index("s")
        wid = s * NC + c
        base = s * TILE_STRIDE

        pltpu.sync_copy(zrows_hbm, rows)
        for t in range(TILE_CHUNKS):
            pltpu.sync_copy(rows, acc.at[pl.ds(base + t * K, K)])
        plsc.subcore_barrier()

        ebase = wid * (CHUNKS * K)
        if not gather:
            pltpu.sync_copy(g_hbm, rows)

        def chunk_body(j, carry):
            eb = ebase + j * K
            pltpu.sync_copy(dst_hbm.at[pl.ds(eb, K)], idx_d)
            if gather:
                pltpu.sync_copy(src_hbm.at[pl.ds(eb, K)], idx_s)
                pltpu.async_copy(g_hbm.at[idx_s], rows, sem).wait()
            pltpu.sync_copy(rows, acc.at[idx_d], add=True)
            return carry

        lax.fori_loop(0, CHUNKS, chunk_body, 0)
        plsc.subcore_barrier()

        for t in range(TILE_CHUNKS):
            pltpu.sync_copy(acc.at[pl.ds(base + t * K, K)], rows)
            pltpu.sync_copy(rows, out_hbm.at[c, pl.ds(base + t * K, K)])

    return agg


_agg128 = _make_agg(True)
_deg_agg = _make_agg(False)



_R = 1000


def _dis_body(d0_ref, d1_ref, out_ref):
    deg = d0_ref[:, :1] + d1_ref[:, :1] + 1.0
    out_ref[...] = lax.rsqrt(deg)


def _dis_tc(d0, d1):
    return pl.pallas_call(
        _dis_body,
        out_shape=jax.ShapeDtypeStruct((N, 1), jnp.float32),
    )(d0, d1)


def _first_body(x_ref, w_ref, b_ref, dis_ref, g_ref):
    z = jnp.dot(x_ref[...], w_ref[...],
                preferred_element_type=jnp.float32) + b_ref[...]
    g_ref[...] = dis_ref[...] * z


def _first_tc(x, w, b, dis):
    din, dout = w.shape
    return pl.pallas_call(
        _first_body,
        grid=(N // _R,),
        in_specs=[
            pl.BlockSpec((_R, din), lambda i: (i, 0)),
            pl.BlockSpec((din, dout), lambda i: (0, 0)),
            pl.BlockSpec((1, dout), lambda i: (0, 0)),
            pl.BlockSpec((_R, 1), lambda i: (i, 0)),
        ],
        out_specs=pl.BlockSpec((_R, dout), lambda i: (i, 0)),
        out_shape=jax.ShapeDtypeStruct((N, dout), jnp.float32),
    )(x, w, b, dis)


def _mid_body(a0_ref, a1_ref, g_ref, w_ref, b_ref, dis_ref, out_ref):
    h = dis_ref[...] * (a0_ref[...] + a1_ref[...] + g_ref[...])
    h = jnp.maximum(h, 0.0)
    z = jnp.dot(h, w_ref[...], preferred_element_type=jnp.float32) + b_ref[...]
    out_ref[...] = dis_ref[...] * z


def _mid_tc(a0, a1, g, w, b, dis):
    din, dout = w.shape
    return pl.pallas_call(
        _mid_body,
        grid=(N // _R,),
        in_specs=[
            pl.BlockSpec((_R, din), lambda i: (i, 0)),
            pl.BlockSpec((_R, din), lambda i: (i, 0)),
            pl.BlockSpec((_R, din), lambda i: (i, 0)),
            pl.BlockSpec((din, dout), lambda i: (0, 0)),
            pl.BlockSpec((1, dout), lambda i: (0, 0)),
            pl.BlockSpec((_R, 1), lambda i: (i, 0)),
        ],
        out_specs=pl.BlockSpec((_R, dout), lambda i: (i, 0)),
        out_shape=jax.ShapeDtypeStruct((N, dout), jnp.float32),
    )(a0, a1, g, w, b, dis)


def _final_body(a0_ref, a1_ref, g_ref, dis_ref, p_ref, out_ref):
    o = dis_ref[...] * (a0_ref[...] + a1_ref[...] + g_ref[...])
    e = jnp.exp(o[:, :DIVER * 2] * 0.01)
    denom = jnp.dot(e, p_ref[...], preferred_element_type=jnp.float32)
    out_ref[...] = e / denom


def _final_tc(a0, a1, g, dis, p):
    dout = DIVER * 2
    return pl.pallas_call(
        _final_body,
        grid=(N // _R,),
        in_specs=[
            pl.BlockSpec((_R, HID), lambda i: (i, 0)),
            pl.BlockSpec((_R, HID), lambda i: (i, 0)),
            pl.BlockSpec((_R, HID), lambda i: (i, 0)),
            pl.BlockSpec((_R, 1), lambda i: (i, 0)),
            pl.BlockSpec((dout, dout), lambda i: (0, 0)),
        ],
        out_specs=pl.BlockSpec((_R, dout), lambda i: (i, 0)),
        out_shape=jax.ShapeDtypeStruct((N, dout), jnp.float32),
    )(a0, a1, g, dis, p)


_PAIR_NP = np.kron(np.eye(DIVER, dtype=np.float32),
                   np.ones((2, 2), dtype=np.float32))


def kernel(x, edge_index, W_in, b_in, Ws, bs, W_out, b_out):
    src = edge_index[0]
    dst = edge_index[1]
    zrows = jnp.zeros((K, HID), jnp.float32)
    orows = jnp.ones((K, HID), jnp.float32)

    degs = _deg_agg(orows, src, dst, zrows)
    dis = _dis_tc(degs[0][:, :8], degs[1][:, :8])

    g = _first_tc(x, W_in, b_in.reshape(1, -1), dis)

    def step(g, wb):
        w, b = wb
        acc = _agg128(g, src, dst, zrows)
        g_new = _mid_tc(acc[0], acc[1], g, w, b.reshape(1, -1), dis)
        return g_new, None

    g, _ = lax.scan(step, g, (Ws, bs))

    w_out_pad = jnp.concatenate(
        [W_out, jnp.zeros((HID, HID - DIVER * 2), jnp.float32)], axis=1)
    b_out_pad = jnp.concatenate(
        [b_out, jnp.zeros((HID - DIVER * 2,), jnp.float32)])

    acc = _agg128(g, src, dst, zrows)
    g_out = _mid_tc(acc[0], acc[1], g, w_out_pad,
                    b_out_pad.reshape(1, -1), dis)

    acc_o = _agg128(g_out, src, dst, zrows)
    return _final_tc(acc_o[0], acc_o[1], g_out, dis,
                     jnp.asarray(_PAIR_NP))

# --- scband reference (transcript-rebuilt; emitter-appended) ---
"""Pipeline reference for scband-gcn-deep-diver-dimes-56186762166659 (READ-ONLY COPY).

The authoritative reference and input builder live on the scoring server;
editing this copy changes nothing except your own understanding.
"""

import jax, jax.numpy as jnp
import numpy as np

N = 10000
E = 320000
D_IN = 128
HID = 128
DIVER = 32
N_HID_LAYERS = 19


def setup_inputs(seed: int = 0):
    key = jax.random.key(seed)
    ks = jax.random.split(key, 6)
    x = jax.random.normal(ks[0], (N, D_IN), dtype=jnp.float32)
    edge_index = jax.random.randint(ks[1], (2, E), 0, N, dtype=jnp.int32)
    s = 0.05
    W_in = jax.random.normal(ks[2], (D_IN, HID), dtype=jnp.float32) * s
    b_in = jnp.zeros((HID,), dtype=jnp.float32)
    Ws = jax.random.normal(ks[3], (N_HID_LAYERS, HID, HID), dtype=jnp.float32) * s
    bs = jnp.zeros((N_HID_LAYERS, HID), dtype=jnp.float32)
    W_out = jax.random.normal(ks[4], (HID, DIVER * 2), dtype=jnp.float32) * s
    b_out = jnp.zeros((DIVER * 2,), dtype=jnp.float32)
    return {"x": x, "edge_index": edge_index, "W_in": W_in, "b_in": b_in,
            "Ws": Ws, "bs": bs, "W_out": W_out, "b_out": b_out}


def reference(x, edge_index, W_in, b_in, Ws, bs, W_out, b_out):
    # Deep GCN 'diver' network: stack of graph-conv layers with ReLU,
    # final layer produces diver_num * 2 logits per node, then per-diver
    # temperature-scaled softmax over the 2-way logits (T=100), matching
    # outputs_softmax = concat_i softmax(outputs[:, 2i:2i+2] / 100).
    n = x.shape[0]
    src = edge_index[0]
    dst = edge_index[1]
    # symmetric normalization with self-loops: A_hat = D^-1/2 (A + I) D^-1/2
    deg = jnp.zeros((n,), jnp.float32).at[dst].add(1.0) + 1.0
    dis = jax.lax.rsqrt(deg)

    def prop(h):
        msg = h[src] * dis[src][:, None]
        agg = jax.ops.segment_sum(msg, dst, num_segments=n)
        return agg * dis[:, None] + h * (dis * dis)[:, None]

    h = jax.nn.relu(prop(x @ W_in + b_in))
    for i in range(Ws.shape[0]):
        h = jax.nn.relu(prop(h @ Ws[i] + bs[i]))
    outputs = prop(h @ W_out + b_out)
    o = outputs.reshape(-1, DIVER, 2)
    outputs_softmax = jax.nn.softmax(o / 100.0, axis=-1).reshape(-1, DIVER * 2)
    return outputs_softmax

if __name__ == "__main__":
    import jax
    _d = setup_inputs()
    print(jax.jit(kernel)(*tuple(_d.values())))

</pallas_src>

<mosaic_0001>
#map = affine_map<(d0, d1) -> (0, 0)>
#map1 = affine_map<(d0, d1) -> (0)>
#map2 = affine_map<(d0, d1) -> (0, 0, 0)>
module attributes {stable_mosaic.version = 14 : i64} {
  func.func @agg(%arg0: i32, %arg1: i32, %arg2: memref<10000x128xf32, #tpu.memory_space<hbm>>, %arg3: memref<320000xi32, #tpu.memory_space<hbm>>, %arg4: memref<320000xi32, #tpu.memory_space<hbm>>, %arg5: memref<80x128xf32, #tpu.memory_space<hbm>>, %arg6: memref<2x10000x128xf32, #tpu.memory_space<hbm>>, %arg7: memref<80xi32, #tpu.memory_space<vmem>>, %arg8: memref<80xi32, #tpu.memory_space<vmem>>, %arg9: memref<80x128xf32, #tpu.memory_space<vmem>>, %arg10: memref<10000x128xf32, #tpu.memory_space<vmem_shared>>, %arg11: memref<!tpu.dma_semaphore, #tpu.memory_space<semaphore_mem>>) attributes {dimension_semantics = [#tpu.dimension_semantics<core_parallel>, #tpu.dimension_semantics<subcore_parallel>], iteration_bounds = array<i64: 2, 16>, scalar_prefetch = 0 : i64, scratch_operands = 5 : i64, tpu.core_type = #tpu.core_type<sc_vector_subcore>, window_params = [{transform_indices = #map}, {transform_indices = #map1}, {transform_indices = #map1}, {transform_indices = #map}, {transform_indices = #map2}]} {
    %mul3A = arith.constant 2 : i32
    %mul3A_0 = arith.muli %arg1, %mul3A : i32
    %add3A = arith.addi %mul3A_0, %arg0 : i32
    %mul3A_1 = arith.constant 624 : i32
    %mul3A_2 = arith.muli %arg1, %mul3A_1 : i32
    "tpu.region"() ({
      %run_scoped3A = tpu.sem_alloc : memref<!tpu.dma_semaphore, #tpu.memory_space<semaphore_mem>>
      tpu.enqueue_dma source(%arg5 : memref<80x128xf32, #tpu.memory_space<hbm>>) target(%arg9 : memref<80x128xf32, #tpu.memory_space<vmem>>) target_semaphore(%run_scoped3A : memref<!tpu.dma_semaphore, #tpu.memory_space<semaphore_mem>>)
      tpu.wait_dma2 semaphore(%run_scoped3A : memref<!tpu.dma_semaphore, #tpu.memory_space<semaphore_mem>>) src(%arg5 : memref<80x128xf32, #tpu.memory_space<hbm>>) dst(%arg9 : memref<80x128xf32, #tpu.memory_space<vmem>>)
      tpu.yield
    }) : () -> ()
    %add3A_3 = arith.constant 0 : i32
    %add3A_4 = arith.addi %mul3A_2, %add3A_3 : i32
    "tpu.region"() ({
      %run_scoped3A = tpu.sem_alloc : memref<!tpu.dma_semaphore, #tpu.memory_space<semaphore_mem>>
      %dma_start3A = arith.constant 0 : i32
      %dma_start3A_59 = tpu.memref_slice %arg10[%add3A_4, %dma_start3A] : memref<10000x128xf32, #tpu.memory_space<vmem_shared>> -> memref<80x128xf32, #tpu.memory_space<vmem_shared>>
      %dma_start3A_60 = arith.constant 0 : i32
      %dma_start3A_61 = tpu.memref_slice %arg10[%add3A_4, %dma_start3A_60] : memref<10000x128xf32, #tpu.memory_space<vmem_shared>> -> memref<80x128xf32, #tpu.memory_space<vmem_shared>>
      tpu.enqueue_dma source(%arg9 : memref<80x128xf32, #tpu.memory_space<vmem>>) target(%dma_start3A_61 : memref<80x128xf32, #tpu.memory_space<vmem_shared>>) target_semaphore(%run_scoped3A : memref<!tpu.dma_semaphore, #tpu.memory_space<semaphore_mem>>)
      %dma_wait3A = arith.constant 0 : i32
      %dma_wait3A_62 = tpu.memref_slice %arg10[%add3A_4, %dma_wait3A] : memref<10000x128xf32, #tpu.memory_space<vmem_shared>> -> memref<80x128xf32, #tpu.memory_space<vmem_shared>>
      %dma_wait3A_63 = arith.constant 0 : i32
      %dma_wait3A_64 = tpu.memref_slice %arg10[%add3A_4, %dma_wait3A_63] : memref<10000x128xf32, #tpu.memory_space<vmem_shared>> -> memref<80x128xf32, #tpu.memory_space<vmem_shared>>
      tpu.wait_dma2 semaphore(%run_scoped3A : memref<!tpu.dma_semaphore, #tpu.memory_space<semaphore_mem>>) src(%arg9 : memref<80x128xf32, #tpu.memory_space<vmem>>) dst(%dma_wait3A_64 : memref<80x128xf32, #tpu.memory_space<vmem_shared>>)
      tpu.yield
    }) : () -> ()
    %add3A_5 = arith.constant 80 : i32
    %add3A_6 = arith.addi %mul3A_2, %add3A_5 : i32
    "tpu.region"() ({
      %run_scoped3A = tpu.sem_alloc : memref<!tpu.dma_semaphore, #tpu.memory_space<semaphore_mem>>
      %dma_start3A = arith.constant 0 : i32
      %dma_start3A_59 = tpu.memref_slice %arg10[%add3A_6, %dma_start3A] : memref<10000x128xf32, #tpu.memory_space<vmem_shared>> -> memref<80x128xf32, #tpu.memory_space<vmem_shared>>
      %dma_start3A_60 = arith.constant 0 : i32
      %dma_start3A_61 = tpu.memref_slice %arg10[%add3A_6, %dma_start3A_60] : memref<10000x128xf32, #tpu.memory_space<vmem_shared>> -> memref<80x128xf32, #tpu.memory_space<vmem_shared>>
      tpu.enqueue_dma source(%arg9 : memref<80x128xf32, #tpu.memory_space<vmem>>) target(%dma_start3A_61 : memref<80x128xf32, #tpu.memory_space<vmem_shared>>) target_semaphore(%run_scoped3A : memref<!tpu.dma_semaphore, #tpu.memory_space<semaphore_mem>>)
      %dma_wait3A = arith.constant 0 : i32
      %dma_wait3A_62 = tpu.memref_slice %arg10[%add3A_6, %dma_wait3A] : memref<10000x128xf32, #tpu.memory_space<vmem_shared>> -> memref<80x128xf32, #tpu.memory_space<vmem_shared>>
      %dma_wait3A_63 = arith.constant 0 : i32
      %dma_wait3A_64 = tpu.memref_slice %arg10[%add3A_6, %dma_wait3A_63] : memref<10000x128xf32, #tpu.memory_space<vmem_shared>> -> memref<80x128xf32, #tpu.memory_space<vmem_shared>>
      tpu.wait_dma2 semaphore(%run_scoped3A : memref<!tpu.dma_semaphore, #tpu.memory_space<semaphore_mem>>) src(%arg9 : memref<80x128xf32, #tpu.memory_space<vmem>>) dst(%dma_wait3A_64 : memref<80x128xf32, #tpu.memory_space<vmem_shared>>)
      tpu.yield
    }) : () -> ()
    %add3A_7 = arith.constant 160 : i32
    %add3A_8 = arith.addi %mul3A_2, %add3A_7 : i32
    "tpu.region"() ({
      %run_scoped3A = tpu.sem_alloc : memref<!tpu.dma_semaphore, #tpu.memory_space<semaphore_mem>>
      %dma_start3A = arith.constant 0 : i32
      %dma_start3A_59 = tpu.memref_slice %arg10[%add3A_8, %dma_start3A] : memref<10000x128xf32, #tpu.memory_space<vmem_shared>> -> memref<80x128xf32, #tpu.memory_space<vmem_shared>>
      %dma_start3A_60 = arith.constant 0 : i32
      %dma_start3A_61 = tpu.memref_slice %arg10[%add3A_8, %dma_start3A_60] : memref<10000x128xf32, #tpu.memory_space<vmem_shared>> -> memref<80x128xf32, #tpu.memory_space<vmem_shared>>
      tpu.enqueue_dma source(%arg9 : memref<80x128xf32, #tpu.memory_space<vmem>>) target(%dma_start3A_61 : memref<80x128xf32, #tpu.memory_space<vmem_shared>>) target_semaphore(%run_scoped3A : memref<!tpu.dma_semaphore, #tpu.memory_space<semaphore_mem>>)
      %dma_wait3A = arith.constant 0 : i32
      %dma_wait3A_62 = tpu.memref_slice %arg10[%add3A_8, %dma_wait3A] : memref<10000x128xf32, #tpu.memory_space<vmem_shared>> -> memref<80x128xf32, #tpu.memory_space<vmem_shared>>
      %dma_wait3A_63 = arith.constant 0 : i32
      %dma_wait3A_64 = tpu.memref_slice %arg10[%add3A_8, %dma_wait3A_63] : memref<10000x128xf32, #tpu.memory_space<vmem_shared>> -> memref<80x128xf32, #tpu.memory_space<vmem_shared>>
      tpu.wait_dma2 semaphore(%run_scoped3A : memref<!tpu.dma_semaphore, #tpu.memory_space<semaphore_mem>>) src(%arg9 : memref<80x128xf32, #tpu.memory_space<vmem>>) dst(%dma_wait3A_64 : memref<80x128xf32, #tpu.memory_space<vmem_shared>>)
      tpu.yield
    }) : () -> ()
    %add3A_9 = arith.constant 240 : i32
    %add3A_10 = arith.addi %mul3A_2, %add3A_9 : i32
    "tpu.region"() ({
      %run_scoped3A = tpu.sem_alloc : memref<!tpu.dma_semaphore, #tpu.memory_space<semaphore_mem>>
      %dma_start3A = arith.constant 0 : i32
      %dma_start3A_59 = tpu.memref_slice %arg10[%add3A_10, %dma_start3A] : memref<10000x128xf32, #tpu.memory_space<vmem_shared>> -> memref<80x128xf32, #tpu.memory_space<vmem_shared>>
      %dma_start3A_60 = arith.constant 0 : i32
      %dma_start3A_61 = tpu.memref_slice %arg10[%add3A_10, %dma_start3A_60] : memref<10000x128xf32, #tpu.memory_space<vmem_shared>> -> memref<80x128xf32, #tpu.memory_space<vmem_shared>>
      tpu.enqueue_dma source(%arg9 : memref<80x128xf32, #tpu.memory_space<vmem>>) target(%dma_start3A_61 : memref<80x128xf32, #tpu.memory_space<vmem_shared>>) target_semaphore(%run_scoped3A : memref<!tpu.dma_semaphore, #tpu.memory_space<semaphore_mem>>)
      %dma_wait3A = arith.constant 0 : i32
      %dma_wait3A_62 = tpu.memref_slice %arg10[%add3A_10, %dma_wait3A] : memref<10000x128xf32, #tpu.memory_space<vmem_shared>> -> memref<80x128xf32, #tpu.memory_space<vmem_shared>>
      %dma_wait3A_63 = arith.constant 0 : i32
      %dma_wait3A_64 = tpu.memref_slice %arg10[%add3A_10, %dma_wait3A_63] : memref<10000x128xf32, #tpu.memory_space<vmem_shared>> -> memref<80x128xf32, #tpu.memory_space<vmem_shared>>
      tpu.wait_dma2 semaphore(%run_scoped3A : memref<!tpu.dma_semaphore, #tpu.memory_space<semaphore_mem>>) src(%arg9 : memref<80x128xf32, #tpu.memory_space<vmem>>) dst(%dma_wait3A_64 : memref<80x128xf32, #tpu.memory_space<vmem_shared>>)
      tpu.yield
    }) : () -> ()
    %add3A_11 = arith.constant 320 : i32
    %add3A_12 = arith.addi %mul3A_2, %add3A_11 : i32
    "tpu.region"() ({
      %run_scoped3A = tpu.sem_alloc : memref<!tpu.dma_semaphore, #tpu.memory_space<semaphore_mem>>
      %dma_start3A = arith.constant 0 : i32
      %dma_start3A_59 = tpu.memref_slice %arg10[%add3A_12, %dma_start3A] : memref<10000x128xf32, #tpu.memory_space<vmem_shared>> -> memref<80x128xf32, #tpu.memory_space<vmem_shared>>
      %dma_start3A_60 = arith.constant 0 : i32
      %dma_start3A_61 = tpu.memref_slice %arg10[%add3A_12, %dma_start3A_60] : memref<10000x128xf32, #tpu.memory_space<vmem_shared>> -> memref<80x128xf32, #tpu.memory_space<vmem_shared>>
      tpu.enqueue_dma source(%arg9 : memref<80x128xf32, #tpu.memory_space<vmem>>) target(%dma_start3A_61 : memref<80x128xf32, #tpu.memory_space<vmem_shared>>) target_semaphore(%run_scoped3A : memref<!tpu.dma_semaphore, #tpu.memory_space<semaphore_mem>>)
      %dma_wait3A = arith.constant 0 : i32
      %dma_wait3A_62 = tpu.memref_slice %arg10[%add3A_12, %dma_wait3A] : memref<10000x128xf32, #tpu.memory_space<vmem_shared>> -> memref<80x128xf32, #tpu.memory_space<vmem_shared>>
      %dma_wait3A_63 = arith.constant 0 : i32
      %dma_wait3A_64 = tpu.memref_slice %arg10[%add3A_12, %dma_wait3A_63] : memref<10000x128xf32, #tpu.memory_space<vmem_shared>> -> memref<80x128xf32, #tpu.memory_space<vmem_shared>>
      tpu.wait_dma2 semaphore(%run_scoped3A : memref<!tpu.dma_semaphore, #tpu.memory_space<semaphore_mem>>) src(%arg9 : memref<80x128xf32, #tpu.memory_space<vmem>>) dst(%dma_wait3A_64 : memref<80x128xf32, #tpu.memory_space<vmem_shared>>)
      tpu.yield
    }) : () -> ()
    %add3A_13 = arith.constant 400 : i32
    %add3A_14 = arith.addi %mul3A_2, %add3A_13 : i32
    "tpu.region"() ({
      %run_scoped3A = tpu.sem_alloc : memref<!tpu.dma_semaphore, #tpu.memory_space<semaphore_mem>>
      %dma_start3A = arith.constant 0 : i32
      %dma_start3A_59 = tpu.memref_slice %arg10[%add3A_14, %dma_start3A] : memref<10000x128xf32, #tpu.memory_space<vmem_shared>> -> memref<80x128xf32, #tpu.memory_space<vmem_shared>>
      %dma_start3A_60 = arith.constant 0 : i32
      %dma_start3A_61 = tpu.memref_slice %arg10[%add3A_14, %dma_start3A_60] : memref<10000x128xf32, #tpu.memory_space<vmem_shared>> -> memref<80x128xf32, #tpu.memory_space<vmem_shared>>
      tpu.enqueue_dma source(%arg9 : memref<80x128xf32, #tpu.memory_space<vmem>>) target(%dma_start3A_61 : memref<80x128xf32, #tpu.memory_space<vmem_shared>>) target_semaphore(%run_scoped3A : memref<!tpu.dma_semaphore, #tpu.memory_space<semaphore_mem>>)
      %dma_wait3A = arith.constant 0 : i32
      %dma_wait3A_62 = tpu.memref_slice %arg10[%add3A_14, %dma_wait3A] : memref<10000x128xf32, #tpu.memory_space<vmem_shared>> -> memref<80x128xf32, #tpu.memory_space<vmem_shared>>
      %dma_wait3A_63 = arith.constant 0 : i32
      %dma_wait3A_64 = tpu.memref_slice %arg10[%add3A_14, %dma_wait3A_63] : memref<10000x128xf32, #tpu.memory_space<vmem_shared>> -> memref<80x128xf32, #tpu.memory_space<vmem_shared>>
      tpu.wait_dma2 semaphore(%run_scoped3A : memref<!tpu.dma_semaphore, #tpu.memory_space<semaphore_mem>>) src(%arg9 : memref<80x128xf32, #tpu.memory_space<vmem>>) dst(%dma_wait3A_64 : memref<80x128xf32, #tpu.memory_space<vmem_shared>>)
      tpu.yield
    }) : () -> ()
    %add3A_15 = arith.constant 480 : i32
    %add3A_16 = arith.addi %mul3A_2, %add3A_15 : i32
    "tpu.region"() ({
      %run_scoped3A = tpu.sem_alloc : memref<!tpu.dma_semaphore, #tpu.memory_space<semaphore_mem>>
      %dma_start3A = arith.constant 0 : i32
      %dma_start3A_59 = tpu.memref_slice %arg10[%add3A_16, %dma_start3A] : memref<10000x128xf32, #tpu.memory_space<vmem_shared>> -> memref<80x128xf32, #tpu.memory_space<vmem_shared>>
      %dma_start3A_60 = arith.constant 0 : i32
      %dma_start3A_61 = tpu.memref_slice %arg10[%add3A_16, %dma_start3A_60] : memref<10000x128xf32, #tpu.memory_space<vmem_shared>> -> memref<80x128xf32, #tpu.memory_space<vmem_shared>>
      tpu.enqueue_dma source(%arg9 : memref<80x128xf32, #tpu.memory_space<vmem>>) target(%dma_start3A_61 : memref<80x128xf32, #tpu.memory_space<vmem_shared>>) target_semaphore(%run_scoped3A : memref<!tpu.dma_semaphore, #tpu.memory_space<semaphore_mem>>)
      %dma_wait3A = arith.constant 0 : i32
      %dma_wait3A_62 = tpu.memref_slice %arg10[%add3A_16, %dma_wait3A] : memref<10000x128xf32, #tpu.memory_space<vmem_shared>> -> memref<80x128xf32, #tpu.memory_space<vmem_shared>>
      %dma_wait3A_63 = arith.constant 0 : i32
      %dma_wait3A_64 = tpu.memref_slice %arg10[%add3A_16, %dma_wait3A_63] : memref<10000x128xf32, #tpu.memory_space<vmem_shared>> -> memref<80x128xf32, #tpu.memory_space<vmem_shared>>
      tpu.wait_dma2 semaphore(%run_scoped3A : memref<!tpu.dma_semaphore, #tpu.memory_space<semaphore_mem>>) src(%arg9 : memref<80x128xf32, #tpu.memory_space<vmem>>) dst(%dma_wait3A_64 : memref<80x128xf32, #tpu.memory_space<vmem_shared>>)
      tpu.yield
    }) : () -> ()
    %add3A_17 = arith.constant 560 : i32
    %add3A_18 = arith.addi %mul3A_2, %add3A_17 : i32
    "tpu.region"() ({
      %run_scoped3A = tpu.sem_alloc : memref<!tpu.dma_semaphore, #tpu.memory_space<semaphore_mem>>
      %dma_start3A = arith.constant 0 : i32
      %dma_start3A_59 = tpu.memref_slice %arg10[%add3A_18, %dma_start3A] : memref<10000x128xf32, #tpu.memory_space<vmem_shared>> -> memref<80x128xf32, #tpu.memory_space<vmem_shared>>
      %dma_start3A_60 = arith.constant 0 : i32
      %dma_start3A_61 = tpu.memref_slice %arg10[%add3A_18, %dma_start3A_60] : memref<10000x128xf32, #tpu.memory_space<vmem_shared>> -> memref<80x128xf32, #tpu.memory_space<vmem_shared>>
      tpu.enqueue_dma source(%arg9 : memref<80x128xf32, #tpu.memory_space<vmem>>) target(%dma_start3A_61 : memref<80x128xf32, #tpu.memory_space<vmem_shared>>) target_semaphore(%run_scoped3A : memref<!tpu.dma_semaphore, #tpu.memory_space<semaphore_mem>>)
      %dma_wait3A = arith.constant 0 : i32
      %dma_wait3A_62 = tpu.memref_slice %arg10[%add3A_18, %dma_wait3A] : memref<10000x128xf32, #tpu.memory_space<vmem_shared>> -> memref<80x128xf32, #tpu.memory_space<vmem_shared>>
      %dma_wait3A_63 = arith.constant 0 : i32
      %dma_wait3A_64 = tpu.memref_slice %arg10[%add3A_18, %dma_wait3A_63] : memref<10000x128xf32, #tpu.memory_space<vmem_shared>> -> memref<80x128xf32, #tpu.memory_space<vmem_shared>>
      tpu.wait_dma2 semaphore(%run_scoped3A : memref<!tpu.dma_semaphore, #tpu.memory_space<semaphore_mem>>) src(%arg9 : memref<80x128xf32, #tpu.memory_space<vmem>>) dst(%dma_wait3A_64 : memref<80x128xf32, #tpu.memory_space<vmem_shared>>)
      tpu.yield
    }) : () -> ()
    %barrier3A = arith.constant 0 : index
    tpu.barrier barrier_id(%barrier3A)
    %mul3A_19 = arith.constant 10000 : i32
    %mul3A_20 = arith.muli %add3A, %mul3A_19 : i32
    %scan3A = arith.constant 0 : i32
    %scan3A_21 = arith.constant 0 : i32
    %scan3A_22 = arith.constant 125 : i32
    %scan3A_23 = arith.addi %scan3A_21, %scan3A_22 : i32
    %scan3A_24 = arith.constant 1 : i32
    scf.for %scan3A_59 = %scan3A_21 to %scan3A_23 step %scan3A_24  : i32 {
      %mul3A_60 = arith.constant 80 : i32
      %mul3A_61 = arith.muli %scan3A_59, %mul3A_60 : i32
      %add3A_62 = arith.addi %mul3A_20, %mul3A_61 : i32
      "tpu.region"() ({
        %run_scoped3A = tpu.sem_alloc : memref<!tpu.dma_semaphore, #tpu.memory_space<semaphore_mem>>
        %dma_start3A_67 = tpu.memref_slice %arg4[%add3A_62] : memref<320000xi32, #tpu.memory_space<hbm>> -> memref<80xi32, #tpu.memory_space<hbm>>
        %dma_start3A_68 = tpu.memref_slice %arg4[%add3A_62] : memref<320000xi32, #tpu.memory_space<hbm>> -> memref<80xi32, #tpu.memory_space<hbm>>
        tpu.enqueue_dma source(%dma_start3A_68 : memref<80xi32, #tpu.memory_space<hbm>>) target(%arg8 : memref<80xi32, #tpu.memory_space<vmem>>) target_semaphore(%run_scoped3A : memref<!tpu.dma_semaphore, #tpu.memory_space<semaphore_mem>>)
        %dma_wait3A_69 = tpu.memref_slice %arg4[%add3A_62] : memref<320000xi32, #tpu.memory_space<hbm>> -> memref<80xi32, #tpu.memory_space<hbm>>
        %dma_wait3A_70 = tpu.memref_slice %arg4[%add3A_62] : memref<320000xi32, #tpu.memory_space<hbm>> -> memref<80xi32, #tpu.memory_space<hbm>>
        tpu.wait_dma2 semaphore(%run_scoped3A : memref<!tpu.dma_semaphore, #tpu.memory_space<semaphore_mem>>) src(%dma_wait3A_70 : memref<80xi32, #tpu.memory_space<hbm>>) dst(%arg8 : memref<80xi32, #tpu.memory_space<vmem>>)
        tpu.yield
      }) : () -> ()
      "tpu.region"() ({
        %run_scoped3A = tpu.sem_alloc : memref<!tpu.dma_semaphore, #tpu.memory_space<semaphore_mem>>
        %dma_start3A_67 = tpu.memref_slice %arg3[%add3A_62] : memref<320000xi32, #tpu.memory_space<hbm>> -> memref<80xi32, #tpu.memory_space<hbm>>
        %dma_start3A_68 = tpu.memref_slice %arg3[%add3A_62] : memref<320000xi32, #tpu.memory_space<hbm>> -> memref<80xi32, #tpu.memory_space<hbm>>
        tpu.enqueue_dma source(%dma_start3A_68 : memref<80xi32, #tpu.memory_space<hbm>>) target(%arg7 : memref<80xi32, #tpu.memory_space<vmem>>) target_semaphore(%run_scoped3A : memref<!tpu.dma_semaphore, #tpu.memory_space<semaphore_mem>>)
        %dma_wait3A_69 = tpu.memref_slice %arg3[%add3A_62] : memref<320000xi32, #tpu.memory_space<hbm>> -> memref<80xi32, #tpu.memory_space<hbm>>
        %dma_wait3A_70 = tpu.memref_slice %arg3[%add3A_62] : memref<320000xi32, #tpu.memory_space<hbm>> -> memref<80xi32, #tpu.memory_space<hbm>>
        tpu.wait_dma2 semaphore(%run_scoped3A : memref<!tpu.dma_semaphore, #tpu.memory_space<semaphore_mem>>) src(%dma_wait3A_70 : memref<80xi32, #tpu.memory_space<hbm>>) dst(%arg7 : memref<80xi32, #tpu.memory_space<vmem>>)
        tpu.yield
      }) : () -> ()
      %dma_start3A = arith.constant 0 : i32
      %dma_start3A_63 = arith.constant 0 : i32
      %dma_start3A_64 = tpu.memref_slice %arg2[%dma_start3A, %dma_start3A_63] : memref<10000x128xf32, #tpu.memory_space<hbm>> -> memref<10000x128xf32, #tpu.memory_space<hbm>>
      tpu.enqueue_indirect_dma source(%dma_start3A_64 : memref<10000x128xf32, #tpu.memory_space<hbm>>) target(%arg9 : memref<80x128xf32, #tpu.memory_space<vmem>>) offsets(%arg7 : memref<80xi32, #tpu.memory_space<vmem>>) semaphore(%arg11 : memref<!tpu.dma_semaphore, #tpu.memory_space<semaphore_mem>>)
      %dma_wait3A = arith.constant 0 : i32
      %dma_wait3A_65 = arith.constant 0 : i32
      %dma_wait3A_66 = tpu.memref_slice %arg2[%dma_wait3A, %dma_wait3A_65] : memref<10000x128xf32, #tpu.memory_space<hbm>> -> memref<10000x128xf32, #tpu.memory_space<hbm>>
      tpu.wait_indirect_dma semaphore(%arg11 : memref<!tpu.dma_semaphore, #tpu.memory_space<semaphore_mem>>) src(%dma_wait3A_66 : memref<10000x128xf32, #tpu.memory_space<hbm>>) dst(%arg9 : memref<80x128xf32, #tpu.memory_space<vmem>>)
      "tpu.region"() ({
        %run_scoped3A = tpu.sem_alloc : memref<!tpu.dma_semaphore, #tpu.memory_space<semaphore_mem>>
        %dma_start3A_67 = arith.constant 0 : i32
        %dma_start3A_68 = arith.constant 0 : i32
        %dma_start3A_69 = tpu.memref_slice %arg10[%dma_start3A_67, %dma_start3A_68] : memref<10000x128xf32, #tpu.memory_space<vmem_shared>> -> memref<10000x128xf32, #tpu.memory_space<vmem_shared>>
        tpu.enqueue_indirect_dma source(%arg9 : memref<80x128xf32, #tpu.memory_space<vmem>>) target(%dma_start3A_69 : memref<10000x128xf32, #tpu.memory_space<vmem_shared>>) offsets(%arg8 : memref<80xi32, #tpu.memory_space<vmem>>) semaphore(%run_scoped3A : memref<!tpu.dma_semaphore, #tpu.memory_space<semaphore_mem>>) {add = true}
        %dma_wait3A_70 = arith.constant 0 : i32
        %dma_wait3A_71 = arith.constant 0 : i32
        %dma_wait3A_72 = tpu.memref_slice %arg10[%dma_wait3A_70, %dma_wait3A_71] : memref<10000x128xf32, #tpu.memory_space<vmem_shared>> -> memref<10000x128xf32, #tpu.memory_space<vmem_shared>>
        tpu.wait_indirect_dma semaphore(%run_scoped3A : memref<!tpu.dma_semaphore, #tpu.memory_space<semaphore_mem>>) src(%arg9 : memref<80x128xf32, #tpu.memory_space<vmem>>) dst(%dma_wait3A_72 : memref<10000x128xf32, #tpu.memory_space<vmem_shared>>)
        tpu.yield
      }) : () -> ()
    }
    %scan3A_25 = arith.constant 125 : i32
    %barrier3A_26 = arith.constant 0 : index
    tpu.barrier barrier_id(%barrier3A_26)
    %add3A_27 = arith.constant 0 : i32
    %add3A_28 = arith.addi %mul3A_2, %add3A_27 : i32
    "tpu.region"() ({
      %run_scoped3A = tpu.sem_alloc : memref<!tpu.dma_semaphore, #tpu.memory_space<semaphore_mem>>
      %dma_start3A = arith.constant 0 : i32
      %dma_start3A_59 = tpu.memref_slice %arg10[%add3A_28, %dma_start3A] : memref<10000x128xf32, #tpu.memory_space<vmem_shared>> -> memref<80x128xf32, #tpu.memory_space<vmem_shared>>
      %dma_start3A_60 = arith.constant 0 : i32
      %dma_start3A_61 = tpu.memref_slice %arg10[%add3A_28, %dma_start3A_60] : memref<10000x128xf32, #tpu.memory_space<vmem_shared>> -> memref<80x128xf32, #tpu.memory_space<vmem_shared>>
      tpu.enqueue_dma source(%dma_start3A_61 : memref<80x128xf32, #tpu.memory_space<vmem_shared>>) target(%arg9 : memref<80x128xf32, #tpu.memory_space<vmem>>) target_semaphore(%run_scoped3A : memref<!tpu.dma_semaphore, #tpu.memory_space<semaphore_mem>>)
      %dma_wait3A = arith.constant 0 : i32
      %dma_wait3A_62 = tpu.memref_slice %arg10[%add3A_28, %dma_wait3A] : memref<10000x128xf32, #tpu.memory_space<vmem_shared>> -> memref<80x128xf32, #tpu.memory_space<vmem_shared>>
      %dma_wait3A_63 = arith.constant 0 : i32
      %dma_wait3A_64 = tpu.memref_slice %arg10[%add3A_28, %dma_wait3A_63] : memref<10000x128xf32, #tpu.memory_space<vmem_shared>> -> memref<80x128xf32, #tpu.memory_space<vmem_shared>>
      tpu.wait_dma2 semaphore(%run_scoped3A : memref<!tpu.dma_semaphore, #tpu.memory_space<semaphore_mem>>) src(%dma_wait3A_64 : memref<80x128xf32, #tpu.memory_space<vmem_shared>>) dst(%arg9 : memref<80x128xf32, #tpu.memory_space<vmem>>)
      tpu.yield
    }) : () -> ()
    %add3A_29 = arith.constant 0 : i32
    %add3A_30 = arith.addi %mul3A_2, %add3A_29 : i32
    "tpu.region"() ({
      %run_scoped3A = tpu.sem_alloc : memref<!tpu.dma_semaphore, #tpu.memory_space<semaphore_mem>>
      %dma_start3A = arith.constant 0 : i32
      %dma_start3A_59 = tpu.memref_slice %arg6[%arg0, %add3A_30, %dma_start3A] : memref<2x10000x128xf32, #tpu.memory_space<hbm>> -> memref<1x80x128xf32, #tpu.memory_space<hbm>>
      %dma_start3A_60 = tpu.memref_squeeze %dma_start3A_59 : memref<1x80x128xf32, #tpu.memory_space<hbm>> -> memref<80x128xf32, #tpu.memory_space<hbm>>
      %dma_start3A_61 = arith.constant 0 : i32
      %dma_start3A_62 = tpu.memref_slice %arg6[%arg0, %add3A_30, %dma_start3A_61] : memref<2x10000x128xf32, #tpu.memory_space<hbm>> -> memref<1x80x128xf32, #tpu.memory_space<hbm>>
      %dma_start3A_63 = tpu.memref_squeeze %dma_start3A_62 : memref<1x80x128xf32, #tpu.memory_space<hbm>> -> memref<80x128xf32, #tpu.memory_space<hbm>>
      tpu.enqueue_dma source(%arg9 : memref<80x128xf32, #tpu.memory_space<vmem>>) target(%dma_start3A_63 : memref<80x128xf32, #tpu.memory_space<hbm>>) target_semaphore(%run_scoped3A : memref<!tpu.dma_semaphore, #tpu.memory_space<semaphore_mem>>)
      %dma_wait3A = arith.constant 0 : i32
      %dma_wait3A_64 = tpu.memref_slice %arg6[%arg0, %add3A_30, %dma_wait3A] : memref<2x10000x128xf32, #tpu.memory_space<hbm>> -> memref<1x80x128xf32, #tpu.memory_space<hbm>>
      %dma_wait3A_65 = tpu.memref_squeeze %dma_wait3A_64 : memref<1x80x128xf32, #tpu.memory_space<hbm>> -> memref<80x128xf32, #tpu.memory_space<hbm>>
      %dma_wait3A_66 = arith.constant 0 : i32
      %dma_wait3A_67 = tpu.memref_slice %arg6[%arg0, %add3A_30, %dma_wait3A_66] : memref<2x10000x128xf32, #tpu.memory_space<hbm>> -> memref<1x80x128xf32, #tpu.memory_space<hbm>>
      %dma_wait3A_68 = tpu.memref_squeeze %dma_wait3A_67 : memref<1x80x128xf32, #tpu.memory_space<hbm>> -> memref<80x128xf32, #tpu.memory_space<hbm>>
      tpu.wait_dma2 semaphore(%run_scoped3A : memref<!tpu.dma_semaphore, #tpu.memory_space<semaphore_mem>>) src(%arg9 : memref<80x128xf32, #tpu.memory_space<vmem>>) dst(%dma_wait3A_68 : memref<80x128xf32, #tpu.memory_space<hbm>>)
      tpu.yield
    }) : () -> ()
    %add3A_31 = arith.constant 80 : i32
    %add3A_32 = arith.addi %mul3A_2, %add3A_31 : i32
    "tpu.region"() ({
      %run_scoped3A = tpu.sem_alloc : memref<!tpu.dma_semaphore, #tpu.memory_space<semaphore_mem>>
      %dma_start3A = arith.constant 0 : i32
      %dma_start3A_59 = tpu.memref_slice %arg10[%add3A_32, %dma_start3A] : memref<10000x128xf32, #tpu.memory_space<vmem_shared>> -> memref<80x128xf32, #tpu.memory_space<vmem_shared>>
      %dma_start3A_60 = arith.constant 0 : i32
      %dma_start3A_61 = tpu.memref_slice %arg10[%add3A_32, %dma_start3A_60] : memref<10000x128xf32, #tpu.memory_space<vmem_shared>> -> memref<80x128xf32, #tpu.memory_space<vmem_shared>>
      tpu.enqueue_dma source(%dma_start3A_61 : memref<80x128xf32, #tpu.memory_space<vmem_shared>>) target(%arg9 : memref<80x128xf32, #tpu.memory_space<vmem>>) target_semaphore(%run_scoped3A : memref<!tpu.dma_semaphore, #tpu.memory_space<semaphore_mem>>)
      %dma_wait3A = arith.constant 0 : i32
      %dma_wait3A_62 = tpu.memref_slice %arg10[%add3A_32, %dma_wait3A] : memref<10000x128xf32, #tpu.memory_space<vmem_shared>> -> memref<80x128xf32, #tpu.memory_space<vmem_shared>>
      %dma_wait3A_63 = arith.constant 0 : i32
      %dma_wait3A_64 = tpu.memref_slice %arg10[%add3A_32, %dma_wait3A_63] : memref<10000x128xf32, #tpu.memory_space<vmem_shared>> -> memref<80x128xf32, #tpu.memory_space<vmem_shared>>
      tpu.wait_dma2 semaphore(%run_scoped3A : memref<!tpu.dma_semaphore, #tpu.memory_space<semaphore_mem>>) src(%dma_wait3A_64 : memref<80x128xf32, #tpu.memory_space<vmem_shared>>) dst(%arg9 : memref<80x128xf32, #tpu.memory_space<vmem>>)
      tpu.yield
    }) : () -> ()
    %add3A_33 = arith.constant 80 : i32
    %add3A_34 = arith.addi %mul3A_2, %add3A_33 : i32
    "tpu.region"() ({
      %run_scoped3A = tpu.sem_alloc : memref<!tpu.dma_semaphore, #tpu.memory_space<semaphore_mem>>
      %dma_start3A = arith.constant 0 : i32
      %dma_start3A_59 = tpu.memref_slice %arg6[%arg0, %add3A_34, %dma_start3A] : memref<2x10000x128xf32, #tpu.memory_space<hbm>> -> memref<1x80x128xf32, #tpu.memory_space<hbm>>
      %dma_start3A_60 = tpu.memref_squeeze %dma_start3A_59 : memref<1x80x128xf32, #tpu.memory_space<hbm>> -> memref<80x128xf32, #tpu.memory_space<hbm>>
      %dma_start3A_61 = arith.constant 0 : i32
      %dma_start3A_62 = tpu.memref_slice %arg6[%arg0, %add3A_34, %dma_start3A_61] : memref<2x10000x128xf32, #tpu.memory_space<hbm>> -> memref<1x80x128xf32, #tpu.memory_space<hbm>>
      %dma_start3A_63 = tpu.memref_squeeze %dma_start3A_62 : memref<1x80x128xf32, #tpu.memory_space<hbm>> -> memref<80x128xf32, #tpu.memory_space<hbm>>
      tpu.enqueue_dma source(%arg9 : memref<80x128xf32, #tpu.memory_space<vmem>>) target(%dma_start3A_63 : memref<80x128xf32, #tpu.memory_space<hbm>>) target_semaphore(%run_scoped3A : memref<!tpu.dma_semaphore, #tpu.memory_space<semaphore_mem>>)
      %dma_wait3A = arith.constant 0 : i32
      %dma_wait3A_64 = tpu.memref_slice %arg6[%arg0, %add3A_34, %dma_wait3A] : memref<2x10000x128xf32, #tpu.memory_space<hbm>> -> memref<1x80x128xf32, #tpu.memory_space<hbm>>
      %dma_wait3A_65 = tpu.memref_squeeze %dma_wait3A_64 : memref<1x80x128xf32, #tpu.memory_space<hbm>> -> memref<80x128xf32, #tpu.memory_space<hbm>>
      %dma_wait3A_66 = arith.constant 0 : i32
      %dma_wait3A_67 = tpu.memref_slice %arg6[%arg0, %add3A_34, %dma_wait3A_66] : memref<2x10000x128xf32, #tpu.memory_space<hbm>> -> memref<1x80x128xf32, #tpu.memory_space<hbm>>
      %dma_wait3A_68 = tpu.memref_squeeze %dma_wait3A_67 : memref<1x80x128xf32, #tpu.memory_space<hbm>> -> memref<80x128xf32, #tpu.memory_space<hbm>>
      tpu.wait_dma2 semaphore(%run_scoped3A : memref<!tpu.dma_semaphore, #tpu.memory_space<semaphore_mem>>) src(%arg9 : memref<80x128xf32, #tpu.memory_space<vmem>>) dst(%dma_wait3A_68 : memref<80x128xf32, #tpu.memory_space<hbm>>)
      tpu.yield
    }) : () -> ()
    %add3A_35 = arith.constant 160 : i32
    %add3A_36 = arith.addi %mul3A_2, %add3A_35 : i32
    "tpu.region"() ({
      %run_scoped3A = tpu.sem_alloc : memref<!tpu.dma_semaphore, #tpu.memory_space<semaphore_mem>>
      %dma_start3A = arith.constant 0 : i32
      %dma_start3A_59 = tpu.memref_slice %arg10[%add3A_36, %dma_start3A] : memref<10000x128xf32, #tpu.memory_space<vmem_shared>> -> memref<80x128xf32, #tpu.memory_space<vmem_shared>>
      %dma_start3A_60 = arith.constant 0 : i32
      %dma_start3A_61 = tpu.memref_slice %arg10[%add3A_36, %dma_start3A_60] : memref<10000x128xf32, #tpu.memory_space<vmem_shared>> -> memref<80x128xf32, #tpu.memory_space<vmem_shared>>
      tpu.enqueue_dma source(%dma_start3A_61 : memref<80x128xf32, #tpu.memory_space<vmem_shared>>) target(%arg9 : memref<80x128xf32, #tpu.memory_space<vmem>>) target_semaphore(%run_scoped3A : memref<!tpu.dma_semaphore, #tpu.memory_space<semaphore_mem>>)
      %dma_wait3A = arith.constant 0 : i32
      %dma_wait3A_62 = tpu.memref_slice %arg10[%add3A_36, %dma_wait3A] : memref<10000x128xf32, #tpu.memory_space<vmem_shared>> -> memref<80x128xf32, #tpu.memory_space<vmem_shared>>
      %dma_wait3A_63 = arith.constant 0 : i32
      %dma_wait3A_64 = tpu.memref_slice %arg10[%add3A_36, %dma_wait3A_63] : memref<10000x128xf32, #tpu.memory_space<vmem_shared>> -> memref<80x128xf32, #tpu.memory_space<vmem_shared>>
      tpu.wait_dma2 semaphore(%run_scoped3A : memref<!tpu.dma_semaphore, #tpu.memory_space<semaphore_mem>>) src(%dma_wait3A_64 : memref<80x128xf32, #tpu.memory_space<vmem_shared>>) dst(%arg9 : memref<80x128xf32, #tpu.memory_space<vmem>>)
      tpu.yield
    }) : () -> ()
    %add3A_37 = arith.constant 160 : i32
    %add3A_38 = arith.addi %mul3A_2, %add3A_37 : i32
    "tpu.region"() ({
      %run_scoped3A = tpu.sem_alloc : memref<!tpu.dma_semaphore, #tpu.memory_space<semaphore_mem>>
      %dma_start3A = arith.constant 0 : i32
      %dma_start3A_59 = tpu.memref_slice %arg6[%arg0, %add3A_38, %dma_start3A] : memref<2x10000x128xf32, #tpu.memory_space<hbm>> -> memref<1x80x128xf32, #tpu.memory_space<hbm>>
      %dma_start3A_60 = tpu.memref_squeeze %dma_start3A_59 : memref<1x80x128xf32, #tpu.memory_space<hbm>> -> memref<80x128xf32, #tpu.memory_space<hbm>>
      %dma_start3A_61 = arith.constant 0 : i32
      %dma_start3A_62 = tpu.memref_slice %arg6[%arg0, %add3A_38, %dma_start3A_61] : memref<2x10000x128xf32, #tpu.memory_space<hbm>> -> memref<1x80x128xf32, #tpu.memory_space<hbm>>
      %dma_start3A_63 = tpu.memref_squeeze %dma_start3A_62 : memref<1x80x128xf32, #tpu.memory_space<hbm>> -> memref<80x128xf32, #tpu.memory_space<hbm>>
      tpu.enqueue_dma source(%arg9 : memref<80x128xf32, #tpu.memory_space<vmem>>) target(%dma_start3A_63 : memref<80x128xf32, #tpu.memory_space<hbm>>) target_semaphore(%run_scoped3A : memref<!tpu.dma_semaphore, #tpu.memory_space<semaphore_mem>>)
      %dma_wait3A = arith.constant 0 : i32
      %dma_wait3A_64 = tpu.memref_slice %arg6[%arg0, %add3A_38, %dma_wait3A] : memref<2x10000x128xf32, #tpu.memory_space<hbm>> -> memref<1x80x128xf32, #tpu.memory_space<hbm>>
      %dma_wait3A_65 = tpu.memref_squeeze %dma_wait3A_64 : memref<1x80x128xf32, #tpu.memory_space<hbm>> -> memref<80x128xf32, #tpu.memory_space<hbm>>
      %dma_wait3A_66 = arith.constant 0 : i32
      %dma_wait3A_67 = tpu.memref_slice %arg6[%arg0, %add3A_38, %dma_wait3A_66] : memref<2x10000x128xf32, #tpu.memory_space<hbm>> -> memref<1x80x128xf32, #tpu.memory_space<hbm>>
      %dma_wait3A_68 = tpu.memref_squeeze %dma_wait3A_67 : memref<1x80x128xf32, #tpu.memory_space<hbm>> -> memref<80x128xf32, #tpu.memory_space<hbm>>
      tpu.wait_dma2 semaphore(%run_scoped3A : memref<!tpu.dma_semaphore, #tpu.memory_space<semaphore_mem>>) src(%arg9 : memref<80x128xf32, #tpu.memory_space<vmem>>) dst(%dma_wait3A_68 : memref<80x128xf32, #tpu.memory_space<hbm>>)
      tpu.yield
    }) : () -> ()
    %add3A_39 = arith.constant 240 : i32
    %add3A_40 = arith.addi %mul3A_2, %add3A_39 : i32
    "tpu.region"() ({
      %run_scoped3A = tpu.sem_alloc : memref<!tpu.dma_semaphore, #tpu.memory_space<semaphore_mem>>
      %dma_start3A = arith.constant 0 : i32
      %dma_start3A_59 = tpu.memref_slice %arg10[%add3A_40, %dma_start3A] : memref<10000x128xf32, #tpu.memory_space<vmem_shared>> -> memref<80x128xf32, #tpu.memory_space<vmem_shared>>
      %dma_start3A_60 = arith.constant 0 : i32
      %dma_start3A_61 = tpu.memref_slice %arg10[%add3A_40, %dma_start3A_60] : memref<10000x128xf32, #tpu.memory_space<vmem_shared>> -> memref<80x128xf32, #tpu.memory_space<vmem_shared>>
      tpu.enqueue_dma source(%dma_start3A_61 : memref<80x128xf32, #tpu.memory_space<vmem_shared>>) target(%arg9 : memref<80x128xf32, #tpu.memory_space<vmem>>) target_semaphore(%run_scoped3A : memref<!tpu.dma_semaphore, #tpu.memory_space<semaphore_mem>>)
      %dma_wait3A = arith.constant 0 : i32
      %dma_wait3A_62 = tpu.memref_slice %arg10[%add3A_40, %dma_wait3A] : memref<10000x128xf32, #tpu.memory_space<vmem_shared>> -> memref<80x128xf32, #tpu.memory_space<vmem_shared>>
      %dma_wait3A_63 = arith.constant 0 : i32
      %dma_wait3A_64 = tpu.memref_slice %arg10[%add3A_40, %dma_wait3A_63] : memref<10000x128xf32, #tpu.memory_space<vmem_shared>> -> memref<80x128xf32, #tpu.memory_space<vmem_shared>>
      tpu.wait_dma2 semaphore(%run_scoped3A : memref<!tpu.dma_semaphore, #tpu.memory_space<semaphore_mem>>) src(%dma_wait3A_64 : memref<80x128xf32, #tpu.memory_space<vmem_shared>>) dst(%arg9 : memref<80x128xf32, #tpu.memory_space<vmem>>)
      tpu.yield
    }) : () -> ()
    %add3A_41 = arith.constant 240 : i32
    %add3A_42 = arith.addi %mul3A_2, %add3A_41 : i32
    "tpu.region"() ({
      %run_scoped3A = tpu.sem_alloc : memref<!tpu.dma_semaphore, #tpu.memory_space<semaphore_mem>>
      %dma_start3A = arith.constant 0 : i32
      %dma_start3A_59 = tpu.memref_slice %arg6[%arg0, %add3A_42, %dma_start3A] : memref<2x10000x128xf32, #tpu.memory_space<hbm>> -> memref<1x80x128xf32, #tpu.memory_space<hbm>>
      %dma_start3A_60 = tpu.memref_squeeze %dma_start3A_59 : memref<1x80x128xf32, #tpu.memory_space<hbm>> -> memref<80x128xf32, #tpu.memory_space<hbm>>
      %dma_start3A_61 = arith.constant 0 : i32
      %dma_start3A_62 = tpu.memref_slice %arg6[%arg0, %add3A_42, %dma_start3A_61] : memref<2x10000x128xf32, #tpu.memory_space<hbm>> -> memref<1x80x128xf32, #tpu.memory_space<hbm>>
      %dma_start3A_63 = tpu.memref_squeeze %dma_start3A_62 : memref<1x80x128xf32, #tpu.memory_space<hbm>> -> memref<80x128xf32, #tpu.memory_space<hbm>>
      tpu.enqueue_dma source(%arg9 : memref<80x128xf32, #tpu.memory_space<vmem>>) target(%dma_start3A_63 : memref<80x128xf32, #tpu.memory_space<hbm>>) target_semaphore(%run_scoped3A : memref<!tpu.dma_semaphore, #tpu.memory_space<semaphore_mem>>)
      %dma_wait3A = arith.constant 0 : i32
      %dma_wait3A_64 = tpu.memref_slice %arg6[%arg0, %add3A_42, %dma_wait3A] : memref<2x10000x128xf32, #tpu.memory_space<hbm>> -> memref<1x80x128xf32, #tpu.memory_space<hbm>>
      %dma_wait3A_65 = tpu.memref_squeeze %dma_wait3A_64 : memref<1x80x128xf32, #tpu.memory_space<hbm>> -> memref<80x128xf32, #tpu.memory_space<hbm>>
      %dma_wait3A_66 = arith.constant 0 : i32
      %dma_wait3A_67 = tpu.memref_slice %arg6[%arg0, %add3A_42, %dma_wait3A_66] : memref<2x10000x128xf32, #tpu.memory_space<hbm>> -> memref<1x80x128xf32, #tpu.memory_space<hbm>>
      %dma_wait3A_68 = tpu.memref_squeeze %dma_wait3A_67 : memref<1x80x128xf32, #tpu.memory_space<hbm>> -> memref<80x128xf32, #tpu.memory_space<hbm>>
      tpu.wait_dma2 semaphore(%run_scoped3A : memref<!tpu.dma_semaphore, #tpu.memory_space<semaphore_mem>>) src(%arg9 : memref<80x128xf32, #tpu.memory_space<vmem>>) dst(%dma_wait3A_68 : memref<80x128xf32, #tpu.memory_space<hbm>>)
      tpu.yield
    }) : () -> ()
    %add3A_43 = arith.constant 320 : i32
    %add3A_44 = arith.addi %mul3A_2, %add3A_43 : i32
    "tpu.region"() ({
      %run_scoped3A = tpu.sem_alloc : memref<!tpu.dma_semaphore, #tpu.memory_space<semaphore_mem>>
      %dma_start3A = arith.constant 0 : i32
      %dma_start3A_59 = tpu.memref_slice %arg10[%add3A_44, %dma_start3A] : memref<10000x128xf32, #tpu.memory_space<vmem_shared>> -> memref<80x128xf32, #tpu.memory_space<vmem_shared>>
      %dma_start3A_60 = arith.constant 0 : i32
      %dma_start3A_61 = tpu.memref_slice %arg10[%add3A_44, %dma_start3A_60] : memref<10000x128xf32, #tpu.memory_space<vmem_shared>> -> memref<80x128xf32, #tpu.memory_space<vmem_shared>>
      tpu.enqueue_dma source(%dma_start3A_61 : memref<80x128xf32, #tpu.memory_space<vmem_shared>>) target(%arg9 : memref<80x128xf32, #tpu.memory_space<vmem>>) target_semaphore(%run_scoped3A : memref<!tpu.dma_semaphore, #tpu.memory_space<semaphore_mem>>)
      %dma_wait3A = arith.constant 0 : i32
      %dma_wait3A_62 = tpu.memref_slice %arg10[%add3A_44, %dma_wait3A] : memref<10000x128xf32, #tpu.memory_space<vmem_shared>> -> memref<80x128xf32, #tpu.memory_space<vmem_shared>>
      %dma_wait3A_63 = arith.constant 0 : i32
      %dma_wait3A_64 = tpu.memref_slice %arg10[%add3A_44, %dma_wait3A_63] : memref<10000x128xf32, #tpu.memory_space<vmem_shared>> -> memref<80x128xf32, #tpu.memory_space<vmem_shared>>
      tpu.wait_dma2 semaphore(%run_scoped3A : memref<!tpu.dma_semaphore, #tpu.memory_space<semaphore_mem>>) src(%dma_wait3A_64 : memref<80x128xf32, #tpu.memory_space<vmem_shared>>) dst(%arg9 : memref<80x128xf32, #tpu.memory_space<vmem>>)
      tpu.yield
    }) : () -> ()
    %add3A_45 = arith.constant 320 : i32
    %add3A_46 = arith.addi %mul3A_2, %add3A_45 : i32
    "tpu.region"() ({
      %run_scoped3A = tpu.sem_alloc : memref<!tpu.dma_semaphore, #tpu.memory_space<semaphore_mem>>
      %dma_start3A = arith.constant 0 : i32
      %dma_start3A_59 = tpu.memref_slice %arg6[%arg0, %add3A_46, %dma_start3A] : memref<2x10000x128xf32, #tpu.memory_space<hbm>> -> memref<1x80x128xf32, #tpu.memory_space<hbm>>
      %dma_start3A_60 = tpu.memref_squeeze %dma_start3A_59 : memref<1x80x128xf32, #tpu.memory_space<hbm>> -> memref<80x128xf32, #tpu.memory_space<hbm>>
      %dma_start3A_61 = arith.constant 0 : i32
      %dma_start3A_62 = tpu.memref_slice %arg6[%arg0, %add3A_46, %dma_start3A_61] : memref<2x10000x128xf32, #tpu.memory_space<hbm>> -> memref<1x80x128xf32, #tpu.memory_space<hbm>>
      %dma_start3A_63 = tpu.memref_squeeze %dma_start3A_62 : memref<1x80x128xf32, #tpu.memory_space<hbm>> -> memref<80x128xf32, #tpu.memory_space<hbm>>
      tpu.enqueue_dma source(%arg9 : memref<80x128xf32, #tpu.memory_space<vmem>>) target(%dma_start3A_63 : memref<80x128xf32, #tpu.memory_space<hbm>>) target_semaphore(%run_scoped3A : memref<!tpu.dma_semaphore, #tpu.memory_space<semaphore_mem>>)
      %dma_wait3A = arith.constant 0 : i32
      %dma_wait3A_64 = tpu.memref_slice %arg6[%arg0, %add3A_46, %dma_wait3A] : memref<2x10000x128xf32, #tpu.memory_space<hbm>> -> memref<1x80x128xf32, #tpu.memory_space<hbm>>
      %dma_wait3A_65 = tpu.memref_squeeze %dma_wait3A_64 : memref<1x80x128xf32, #tpu.memory_space<hbm>> -> memref<80x128xf32, #tpu.memory_space<hbm>>
      %dma_wait3A_66 = arith.constant 0 : i32
      %dma_wait3A_67 = tpu.memref_slice %arg6[%arg0, %add3A_46, %dma_wait3A_66] : memref<2x10000x128xf32, #tpu.memory_space<hbm>> -> memref<1x80x128xf32, #tpu.memory_space<hbm>>
      %dma_wait3A_68 = tpu.memref_squeeze %dma_wait3A_67 : memref<1x80x128xf32, #tpu.memory_space<hbm>> -> memref<80x128xf32, #tpu.memory_space<hbm>>
      tpu.wait_dma2 semaphore(%run_scoped3A : memref<!tpu.dma_semaphore, #tpu.memory_space<semaphore_mem>>) src(%arg9 : memref<80x128xf32, #tpu.memory_space<vmem>>) dst(%dma_wait3A_68 : memref<80x128xf32, #tpu.memory_space<hbm>>)
      tpu.yield
    }) : () -> ()
    %add3A_47 = arith.constant 400 : i32
    %add3A_48 = arith.addi %mul3A_2, %add3A_47 : i32
    "tpu.region"() ({
      %run_scoped3A = tpu.sem_alloc : memref<!tpu.dma_semaphore, #tpu.memory_space<semaphore_mem>>
      %dma_start3A = arith.constant 0 : i32
      %dma_start3A_59 = tpu.memref_slice %arg10[%add3A_48, %dma_start3A] : memref<10000x128xf32, #tpu.memory_space<vmem_shared>> -> memref<80x128xf32, #tpu.memory_space<vmem_shared>>
      %dma_start3A_60 = arith.constant 0 : i32
      %dma_start3A_61 = tpu.memref_slice %arg10[%add3A_48, %dma_start3A_60] : memref<10000x128xf32, #tpu.memory_space<vmem_shared>> -> memref<80x128xf32, #tpu.memory_space<vmem_shared>>
      tpu.enqueue_dma source(%dma_start3A_61 : memref<80x128xf32, #tpu.memory_space<vmem_shared>>) target(%arg9 : memref<80x128xf32, #tpu.memory_space<vmem>>) target_semaphore(%run_scoped3A : memref<!tpu.dma_semaphore, #tpu.memory_space<semaphore_mem>>)
      %dma_wait3A = arith.constant 0 : i32
      %dma_wait3A_62 = tpu.memref_slice %arg10[%add3A_48, %dma_wait3A] : memref<10000x128xf32, #tpu.memory_space<vmem_shared>> -> memref<80x128xf32, #tpu.memory_space<vmem_shared>>
      %dma_wait3A_63 = arith.constant 0 : i32
      %dma_wait3A_64 = tpu.memref_slice %arg10[%add3A_48, %dma_wait3A_63] : memref<10000x128xf32, #tpu.memory_space<vmem_shared>> -> memref<80x128xf32, #tpu.memory_space<vmem_shared>>
      tpu.wait_dma2 semaphore(%run_scoped3A : memref<!tpu.dma_semaphore, #tpu.memory_space<semaphore_mem>>) src(%dma_wait3A_64 : memref<80x128xf32, #tpu.memory_space<vmem_shared>>) dst(%arg9 : memref<80x128xf32, #tpu.memory_space<vmem>>)
      tpu.yield
    }) : () -> ()
    %add3A_49 = arith.constant 400 : i32
    %add3A_50 = arith.addi %mul3A_2, %add3A_49 : i32
    "tpu.region"() ({
      %run_scoped3A = tpu.sem_alloc : memref<!tpu.dma_semaphore, #tpu.memory_space<semaphore_mem>>
      %dma_start3A = arith.constant 0 : i32
      %dma_start3A_59 = tpu.memref_slice %arg6[%arg0, %add3A_50, %dma_start3A] : memref<2x10000x128xf32, #tpu.memory_space<hbm>> -> memref<1x80x128xf32, #tpu.memory_space<hbm>>
      %dma_start3A_60 = tpu.memref_squeeze %dma_start3A_59 : memref<1x80x128xf32, #tpu.memory_space<hbm>> -> memref<80x128xf32, #tpu.memory_space<hbm>>
      %dma_start3A_61 = arith.constant 0 : i32
      %dma_start3A_62 = tpu.memref_slice %arg6[%arg0, %add3A_50, %dma_start3A_61] : memref<2x10000x128xf32, #tpu.memory_space<hbm>> -> memref<1x80x128xf32, #tpu.memory_space<hbm>>
      %dma_start3A_63 = tpu.memref_squeeze %dma_start3A_62 : memref<1x80x128xf32, #tpu.memory_space<hbm>> -> memref<80x128xf32, #tpu.memory_space<hbm>>
      tpu.enqueue_dma source(%arg9 : memref<80x128xf32, #tpu.memory_space<vmem>>) target(%dma_start3A_63 : memref<80x128xf32, #tpu.memory_space<hbm>>) target_semaphore(%run_scoped3A : memref<!tpu.dma_semaphore, #tpu.memory_space<semaphore_mem>>)
      %dma_wait3A = arith.constant 0 : i32
      %dma_wait3A_64 = tpu.memref_slice %arg6[%arg0, %add3A_50, %dma_wait3A] : memref<2x10000x128xf32, #tpu.memory_space<hbm>> -> memref<1x80x128xf32, #tpu.memory_space<hbm>>
      %dma_wait3A_65 = tpu.memref_squeeze %dma_wait3A_64 : memref<1x80x128xf32, #tpu.memory_space<hbm>> -> memref<80x128xf32, #tpu.memory_space<hbm>>
      %dma_wait3A_66 = arith.constant 0 : i32
      %dma_wait3A_67 = tpu.memref_slice %arg6[%arg0, %add3A_50, %dma_wait3A_66] : memref<2x10000x128xf32, #tpu.memory_space<hbm>> -> memref<1x80x128xf32, #tpu.memory_space<hbm>>
      %dma_wait3A_68 = tpu.memref_squeeze %dma_wait3A_67 : memref<1x80x128xf32, #tpu.memory_space<hbm>> -> memref<80x128xf32, #tpu.memory_space<hbm>>
      tpu.wait_dma2 semaphore(%run_scoped3A : memref<!tpu.dma_semaphore, #tpu.memory_space<semaphore_mem>>) src(%arg9 : memref<80x128xf32, #tpu.memory_space<vmem>>) dst(%dma_wait3A_68 : memref<80x128xf32, #tpu.memory_space<hbm>>)
      tpu.yield
    }) : () -> ()
    %add3A_51 = arith.constant 480 : i32
    %add3A_52 = arith.addi %mul3A_2, %add3A_51 : i32
    "tpu.region"() ({
      %run_scoped3A = tpu.sem_alloc : memref<!tpu.dma_semaphore, #tpu.memory_space<semaphore_mem>>
      %dma_start3A = arith.constant 0 : i32
      %dma_start3A_59 = tpu.memref_slice %arg10[%add3A_52, %dma_start3A] : memref<10000x128xf32, #tpu.memory_space<vmem_shared>> -> memref<80x128xf32, #tpu.memory_space<vmem_shared>>
      %dma_start3A_60 = arith.constant 0 : i32
      %dma_start3A_61 = tpu.memref_slice %arg10[%add3A_52, %dma_start3A_60] : memref<10000x128xf32, #tpu.memory_space<vmem_shared>> -> memref<80x128xf32, #tpu.memory_space<vmem_shared>>
      tpu.enqueue_dma source(%dma_start3A_61 : memref<80x128xf32, #tpu.memory_space<vmem_shared>>) target(%arg9 : memref<80x128xf32, #tpu.memory_space<vmem>>) target_semaphore(%run_scoped3A : memref<!tpu.dma_semaphore, #tpu.memory_space<semaphore_mem>>)
      %dma_wait3A = arith.constant 0 : i32
      %dma_wait3A_62 = tpu.memref_slice %arg10[%add3A_52, %dma_wait3A] : memref<10000x128xf32, #tpu.memory_space<vmem_shared>> -> memref<80x128xf32, #tpu.memory_space<vmem_shared>>
      %dma_wait3A_63 = arith.constant 0 : i32
      %dma_wait3A_64 = tpu.memref_slice %arg10[%add3A_52, %dma_wait3A_63] : memref<10000x128xf32, #tpu.memory_space<vmem_shared>> -> memref<80x128xf32, #tpu.memory_space<vmem_shared>>
      tpu.wait_dma2 semaphore(%run_scoped3A : memref<!tpu.dma_semaphore, #tpu.memory_space<semaphore_mem>>) src(%dma_wait3A_64 : memref<80x128xf32, #tpu.memory_space<vmem_shared>>) dst(%arg9 : memref<80x128xf32, #tpu.memory_space<vmem>>)
      tpu.yield
    }) : () -> ()
    %add3A_53 = arith.constant 480 : i32
    %add3A_54 = arith.addi %mul3A_2, %add3A_53 : i32
    "tpu.region"() ({
      %run_scoped3A = tpu.sem_alloc : memref<!tpu.dma_semaphore, #tpu.memory_space<semaphore_mem>>
      %dma_start3A = arith.constant 0 : i32
      %dma_start3A_59 = tpu.memref_slice %arg6[%arg0, %add3A_54, %dma_start3A] : memref<2x10000x128xf32, #tpu.memory_space<hbm>> -> memref<1x80x128xf32, #tpu.memory_space<hbm>>
      %dma_start3A_60 = tpu.memref_squeeze %dma_start3A_59 : memref<1x80x128xf32, #tpu.memory_space<hbm>> -> memref<80x128xf32, #tpu.memory_space<hbm>>
      %dma_start3A_61 = arith.constant 0 : i32
      %dma_start3A_62 = tpu.memref_slice %arg6[%arg0, %add3A_54, %dma_start3A_61] : memref<2x10000x128xf32, #tpu.memory_space<hbm>> -> memref<1x80x128xf32, #tpu.memory_space<hbm>>
      %dma_start3A_63 = tpu.memref_squeeze %dma_start3A_62 : memref<1x80x128xf32, #tpu.memory_space<hbm>> -> memref<80x128xf32, #tpu.memory_space<hbm>>
      tpu.enqueue_dma source(%arg9 : memref<80x128xf32, #tpu.memory_space<vmem>>) target(%dma_start3A_63 : memref<80x128xf32, #tpu.memory_space<hbm>>) target_semaphore(%run_scoped3A : memref<!tpu.dma_semaphore, #tpu.memory_space<semaphore_mem>>)
      %dma_wait3A = arith.constant 0 : i32
      %dma_wait3A_64 = tpu.memref_slice %arg6[%arg0, %add3A_54, %dma_wait3A] : memref<2x10000x128xf32, #tpu.memory_space<hbm>> -> memref<1x80x128xf32, #tpu.memory_space<hbm>>
      %dma_wait3A_65 = tpu.memref_squeeze %dma_wait3A_64 : memref<1x80x128xf32, #tpu.memory_space<hbm>> -> memref<80x128xf32, #tpu.memory_space<hbm>>
      %dma_wait3A_66 = arith.constant 0 : i32
      %dma_wait3A_67 = tpu.memref_slice %arg6[%arg0, %add3A_54, %dma_wait3A_66] : memref<2x10000x128xf32, #tpu.memory_space<hbm>> -> memref<1x80x128xf32, #tpu.memory_space<hbm>>
      %dma_wait3A_68 = tpu.memref_squeeze %dma_wait3A_67 : memref<1x80x128xf32, #tpu.memory_space<hbm>> -> memref<80x128xf32, #tpu.memory_space<hbm>>
      tpu.wait_dma2 semaphore(%run_scoped3A : memref<!tpu.dma_semaphore, #tpu.memory_space<semaphore_mem>>) src(%arg9 : memref<80x128xf32, #tpu.memory_space<vmem>>) dst(%dma_wait3A_68 : memref<80x128xf32, #tpu.memory_space<hbm>>)
      tpu.yield
    }) : () -> ()
    %add3A_55 = arith.constant 560 : i32
    %add3A_56 = arith.addi %mul3A_2, %add3A_55 : i32
    "tpu.region"() ({
      %run_scoped3A = tpu.sem_alloc : memref<!tpu.dma_semaphore, #tpu.memory_space<semaphore_mem>>
      %dma_start3A = arith.constant 0 : i32
      %dma_start3A_59 = tpu.memref_slice %arg10[%add3A_56, %dma_start3A] : memref<10000x128xf32, #tpu.memory_space<vmem_shared>> -> memref<80x128xf32, #tpu.memory_space<vmem_shared>>
      %dma_start3A_60 = arith.constant 0 : i32
      %dma_start3A_61 = tpu.memref_slice %arg10[%add3A_56, %dma_start3A_60] : memref<10000x128xf32, #tpu.memory_space<vmem_shared>> -> memref<80x128xf32, #tpu.memory_space<vmem_shared>>
      tpu.enqueue_dma source(%dma_start3A_61 : memref<80x128xf32, #tpu.memory_space<vmem_shared>>) target(%arg9 : memref<80x128xf32, #tpu.memory_space<vmem>>) target_semaphore(%run_scoped3A : memref<!tpu.dma_semaphore, #tpu.memory_space<semaphore_mem>>)
      %dma_wait3A = arith.constant 0 : i32
      %dma_wait3A_62 = tpu.memref_slice %arg10[%add3A_56, %dma_wait3A] : memref<10000x128xf32, #tpu.memory_space<vmem_shared>> -> memref<80x128xf32, #tpu.memory_space<vmem_shared>>
      %dma_wait3A_63 = arith.constant 0 : i32
      %dma_wait3A_64 = tpu.memref_slice %arg10[%add3A_56, %dma_wait3A_63] : memref<10000x128xf32, #tpu.memory_space<vmem_shared>> -> memref<80x128xf32, #tpu.memory_space<vmem_shared>>
      tpu.wait_dma2 semaphore(%run_scoped3A : memref<!tpu.dma_semaphore, #tpu.memory_space<semaphore_mem>>) src(%dma_wait3A_64 : memref<80x128xf32, #tpu.memory_space<vmem_shared>>) dst(%arg9 : memref<80x128xf32, #tpu.memory_space<vmem>>)
      tpu.yield
    }) : () -> ()
    %add3A_57 = arith.constant 560 : i32
    %add3A_58 = arith.addi %mul3A_2, %add3A_57 : i32
    "tpu.region"() ({
      %run_scoped3A = tpu.sem_alloc : memref<!tpu.dma_semaphore, #tpu.memory_space<semaphore_mem>>
      %dma_start3A = arith.constant 0 : i32
      %dma_start3A_59 = tpu.memref_slice %arg6[%arg0, %add3A_58, %dma_start3A] : memref<2x10000x128xf32, #tpu.memory_space<hbm>> -> memref<1x80x128xf32, #tpu.memory_space<hbm>>
      %dma_start3A_60 = tpu.memref_squeeze %dma_start3A_59 : memref<1x80x128xf32, #tpu.memory_space<hbm>> -> memref<80x128xf32, #tpu.memory_space<hbm>>
      %dma_start3A_61 = arith.constant 0 : i32
      %dma_start3A_62 = tpu.memref_slice %arg6[%arg0, %add3A_58, %dma_start3A_61] : memref<2x10000x128xf32, #tpu.memory_space<hbm>> -> memref<1x80x128xf32, #tpu.memory_space<hbm>>
      %dma_start3A_63 = tpu.memref_squeeze %dma_start3A_62 : memref<1x80x128xf32, #tpu.memory_space<hbm>> -> memref<80x128xf32, #tpu.memory_space<hbm>>
      tpu.enqueue_dma source(%arg9 : memref<80x128xf32, #tpu.memory_space<vmem>>) target(%dma_start3A_63 : memref<80x128xf32, #tpu.memory_space<hbm>>) target_semaphore(%run_scoped3A : memref<!tpu.dma_semaphore, #tpu.memory_space<semaphore_mem>>)
      %dma_wait3A = arith.constant 0 : i32
      %dma_wait3A_64 = tpu.memref_slice %arg6[%arg0, %add3A_58, %dma_wait3A] : memref<2x10000x128xf32, #tpu.memory_space<hbm>> -> memref<1x80x128xf32, #tpu.memory_space<hbm>>
      %dma_wait3A_65 = tpu.memref_squeeze %dma_wait3A_64 : memref<1x80x128xf32, #tpu.memory_space<hbm>> -> memref<80x128xf32, #tpu.memory_space<hbm>>
      %dma_wait3A_66 = arith.constant 0 : i32
      %dma_wait3A_67 = tpu.memref_slice %arg6[%arg0, %add3A_58, %dma_wait3A_66] : memref<2x10000x128xf32, #tpu.memory_space<hbm>> -> memref<1x80x128xf32, #tpu.memory_space<hbm>>
      %dma_wait3A_68 = tpu.memref_squeeze %dma_wait3A_67 : memref<1x80x128xf32, #tpu.memory_space<hbm>> -> memref<80x128xf32, #tpu.memory_space<hbm>>
      tpu.wait_dma2 semaphore(%run_scoped3A : memref<!tpu.dma_semaphore, #tpu.memory_space<semaphore_mem>>) src(%arg9 : memref<80x128xf32, #tpu.memory_space<vmem>>) dst(%dma_wait3A_68 : memref<80x128xf32, #tpu.memory_space<hbm>>)
      tpu.yield
    }) : () -> ()
    return
  }
}

#map = affine_map<(d0, d1) -> (0, 0)>
#map1 = affine_map<(d0, d1) -> (0)>
#map2 = affine_map<(d0, d1) -> (0, 0, 0)>
module attributes {stable_mosaic.version = 14 : i64} {
  func.func @agg(%arg0: i32, %arg1: i32, %arg2: memref<80x128xf32, #tpu.memory_space<hbm>>, %arg3: memref<320000xi32, #tpu.memory_space<hbm>>, %arg4: memref<320000xi32, #tpu.memory_space<hbm>>, %arg5: memref<80x128xf32, #tpu.memory_space<hbm>>, %arg6: memref<2x10000x128xf32, #tpu.memory_space<hbm>>, %arg7: memref<80xi32, #tpu.memory_space<vmem>>, %arg8: memref<80xi32, #tpu.memory_space<vmem>>, %arg9: memref<80x128xf32, #tpu.memory_space<vmem>>, %arg10: memref<10000x128xf32, #tpu.memory_space<vmem_shared>>, %arg11: memref<!tpu.dma_semaphore, #tpu.memory_space<semaphore_mem>>) attributes {dimension_semantics = [#tpu.dimension_semantics<core_parallel>, #tpu.dimension_semantics<subcore_parallel>], iteration_bounds = array<i64: 2, 16>, scalar_prefetch = 0 : i64, scratch_operands = 5 : i64, tpu.core_type = #tpu.core_type<sc_vector_subcore>, window_params = [{transform_indices = #map}, {transform_indices = #map1}, {transform_indices = #map1}, {transform_indices = #map}, {transform_indices = #map2}]} {
    %mul3A = arith.constant 2 : i32
    %mul3A_0 = arith.muli %arg1, %mul3A : i32
    %add3A = arith.addi %mul3A_0, %arg0 : i32
    %mul3A_1 = arith.constant 624 : i32
    %mul3A_2 = arith.muli %arg1, %mul3A_1 : i32
    "tpu.region"() ({
      %run_scoped3A = tpu.sem_alloc : memref<!tpu.dma_semaphore, #tpu.memory_space<semaphore_mem>>
      tpu.enqueue_dma source(%arg5 : memref<80x128xf32, #tpu.memory_space<hbm>>) target(%arg9 : memref<80x128xf32, #tpu.memory_space<vmem>>) target_semaphore(%run_scoped3A : memref<!tpu.dma_semaphore, #tpu.memory_space<semaphore_mem>>)
      tpu.wait_dma2 semaphore(%run_scoped3A : memref<!tpu.dma_semaphore, #tpu.memory_space<semaphore_mem>>) src(%arg5 : memref<80x128xf32, #tpu.memory_space<hbm>>) dst(%arg9 : memref<80x128xf32, #tpu.memory_space<vmem>>)
      tpu.yield
    }) : () -> ()
    %add3A_3 = arith.constant 0 : i32
    %add3A_4 = arith.addi %mul3A_2, %add3A_3 : i32
    "tpu.region"() ({
      %run_scoped3A = tpu.sem_alloc : memref<!tpu.dma_semaphore, #tpu.memory_space<semaphore_mem>>
      %dma_start3A = arith.constant 0 : i32
      %dma_start3A_59 = tpu.memref_slice %arg10[%add3A_4, %dma_start3A] : memref<10000x128xf32, #tpu.memory_space<vmem_shared>> -> memref<80x128xf32, #tpu.memory_space<vmem_shared>>
      %dma_start3A_60 = arith.constant 0 : i32
      %dma_start3A_61 = tpu.memref_slice %arg10[%add3A_4, %dma_start3A_60] : memref<10000x128xf32, #tpu.memory_space<vmem_shared>> -> memref<80x128xf32, #tpu.memory_space<vmem_shared>>
      tpu.enqueue_dma source(%arg9 : memref<80x128xf32, #tpu.memory_space<vmem>>) target(%dma_start3A_61 : memref<80x128xf32, #tpu.memory_space<vmem_shared>>) target_semaphore(%run_scoped3A : memref<!tpu.dma_semaphore, #tpu.memory_space<semaphore_mem>>)
      %dma_wait3A = arith.constant 0 : i32
      %dma_wait3A_62 = tpu.memref_slice %arg10[%add3A_4, %dma_wait3A] : memref<10000x128xf32, #tpu.memory_space<vmem_shared>> -> memref<80x128xf32, #tpu.memory_space<vmem_shared>>
      %dma_wait3A_63 = arith.constant 0 : i32
      %dma_wait3A_64 = tpu.memref_slice %arg10[%add3A_4, %dma_wait3A_63] : memref<10000x128xf32, #tpu.memory_space<vmem_shared>> -> memref<80x128xf32, #tpu.memory_space<vmem_shared>>
      tpu.wait_dma2 semaphore(%run_scoped3A : memref<!tpu.dma_semaphore, #tpu.memory_space<semaphore_mem>>) src(%arg9 : memref<80x128xf32, #tpu.memory_space<vmem>>) dst(%dma_wait3A_64 : memref<80x128xf32, #tpu.memory_space<vmem_shared>>)
      tpu.yield
    }) : () -> ()
    %add3A_5 = arith.constant 80 : i32
    %add3A_6 = arith.addi %mul3A_2, %add3A_5 : i32
    "tpu.region"() ({
      %run_scoped3A = tpu.sem_alloc : memref<!tpu.dma_semaphore, #tpu.memory_space<semaphore_mem>>
      %dma_start3A = arith.constant 0 : i32
      %dma_start3A_59 = tpu.memref_slice %arg10[%add3A_6, %dma_start3A] : memref<10000x128xf32, #tpu.memory_space<vmem_shared>> -> memref<80x128xf32, #tpu.memory_space<vmem_shared>>
      %dma_start3A_60 = arith.constant 0 : i32
      %dma_start3A_61 = tpu.memref_slice %arg10[%add3A_6, %dma_start3A_60] : memref<10000x128xf32, #tpu.memory_space<vmem_shared>> -> memref<80x128xf32, #tpu.memory_space<vmem_shared>>
      tpu.enqueue_dma source(%arg9 : memref<80x128xf32, #tpu.memory_space<vmem>>) target(%dma_start3A_61 : memref<80x128xf32, #tpu.memory_space<vmem_shared>>) target_semaphore(%run_scoped3A : memref<!tpu.dma_semaphore, #tpu.memory_space<semaphore_mem>>)
      %dma_wait3A = arith.constant 0 : i32
      %dma_wait3A_62 = tpu.memref_slice %arg10[%add3A_6, %dma_wait3A] : memref<10000x128xf32, #tpu.memory_space<vmem_shared>> -> memref<80x128xf32, #tpu.memory_space<vmem_shared>>
      %dma_wait3A_63 = arith.constant 0 : i32
      %dma_wait3A_64 = tpu.memref_slice %arg10[%add3A_6, %dma_wait3A_63] : memref<10000x128xf32, #tpu.memory_space<vmem_shared>> -> memref<80x128xf32, #tpu.memory_space<vmem_shared>>
      tpu.wait_dma2 semaphore(%run_scoped3A : memref<!tpu.dma_semaphore, #tpu.memory_space<semaphore_mem>>) src(%arg9 : memref<80x128xf32, #tpu.memory_space<vmem>>) dst(%dma_wait3A_64 : memref<80x128xf32, #tpu.memory_space<vmem_shared>>)
      tpu.yield
    }) : () -> ()
    %add3A_7 = arith.constant 160 : i32
    %add3A_8 = arith.addi %mul3A_2, %add3A_7 : i32
    "tpu.region"() ({
      %run_scoped3A = tpu.sem_alloc : memref<!tpu.dma_semaphore, #tpu.memory_space<semaphore_mem>>
      %dma_start3A = arith.constant 0 : i32
      %dma_start3A_59 = tpu.memref_slice %arg10[%add3A_8, %dma_start3A] : memref<10000x128xf32, #tpu.memory_space<vmem_shared>> -> memref<80x128xf32, #tpu.memory_space<vmem_shared>>
      %dma_start3A_60 = arith.constant 0 : i32
      %dma_start3A_61 = tpu.memref_slice %arg10[%add3A_8, %dma_start3A_60] : memref<10000x128xf32, #tpu.memory_space<vmem_shared>> -> memref<80x128xf32, #tpu.memory_space<vmem_shared>>
      tpu.enqueue_dma source(%arg9 : memref<80x128xf32, #tpu.memory_space<vmem>>) target(%dma_start3A_61 : memref<80x128xf32, #tpu.memory_space<vmem_shared>>) target_semaphore(%run_scoped3A : memref<!tpu.dma_semaphore, #tpu.memory_space<semaphore_mem>>)
      %dma_wait3A = arith.constant 0 : i32
      %dma_wait3A_62 = tpu.memref_slice %arg10[%add3A_8, %dma_wait3A] : memref<10000x128xf32, #tpu.memory_space<vmem_shared>> -> memref<80x128xf32, #tpu.memory_space<vmem_shared>>
      %dma_wait3A_63 = arith.constant 0 : i32
      %dma_wait3A_64 = tpu.memref_slice %arg10[%add3A_8, %dma_wait3A_63] : memref<10000x128xf32, #tpu.memory_space<vmem_shared>> -> memref<80x128xf32, #tpu.memory_space<vmem_shared>>
      tpu.wait_dma2 semaphore(%run_scoped3A : memref<!tpu.dma_semaphore, #tpu.memory_space<semaphore_mem>>) src(%arg9 : memref<80x128xf32, #tpu.memory_space<vmem>>) dst(%dma_wait3A_64 : memref<80x128xf32, #tpu.memory_space<vmem_shared>>)
      tpu.yield
    }) : () -> ()
    %add3A_9 = arith.constant 240 : i32
    %add3A_10 = arith.addi %mul3A_2, %add3A_9 : i32
    "tpu.region"() ({
      %run_scoped3A = tpu.sem_alloc : memref<!tpu.dma_semaphore, #tpu.memory_space<semaphore_mem>>
      %dma_start3A = arith.constant 0 : i32
      %dma_start3A_59 = tpu.memref_slice %arg10[%add3A_10, %dma_start3A] : memref<10000x128xf32, #tpu.memory_space<vmem_shared>> -> memref<80x128xf32, #tpu.memory_space<vmem_shared>>
      %dma_start3A_60 = arith.constant 0 : i32
      %dma_start3A_61 = tpu.memref_slice %arg10[%add3A_10, %dma_start3A_60] : memref<10000x128xf32, #tpu.memory_space<vmem_shared>> -> memref<80x128xf32, #tpu.memory_space<vmem_shared>>
      tpu.enqueue_dma source(%arg9 : memref<80x128xf32, #tpu.memory_space<vmem>>) target(%dma_start3A_61 : memref<80x128xf32, #tpu.memory_space<vmem_shared>>) target_semaphore(%run_scoped3A : memref<!tpu.dma_semaphore, #tpu.memory_space<semaphore_mem>>)
      %dma_wait3A = arith.constant 0 : i32
      %dma_wait3A_62 = tpu.memref_slice %arg10[%add3A_10, %dma_wait3A] : memref<10000x128xf32, #tpu.memory_space<vmem_shared>> -> memref<80x128xf32, #tpu.memory_space<vmem_shared>>
      %dma_wait3A_63 = arith.constant 0 : i32
      %dma_wait3A_64 = tpu.memref_slice %arg10[%add3A_10, %dma_wait3A_63] : memref<10000x128xf32, #tpu.memory_space<vmem_shared>> -> memref<80x128xf32, #tpu.memory_space<vmem_shared>>
      tpu.wait_dma2 semaphore(%run_scoped3A : memref<!tpu.dma_semaphore, #tpu.memory_space<semaphore_mem>>) src(%arg9 : memref<80x128xf32, #tpu.memory_space<vmem>>) dst(%dma_wait3A_64 : memref<80x128xf32, #tpu.memory_space<vmem_shared>>)
      tpu.yield
    }) : () -> ()
    %add3A_11 = arith.constant 320 : i32
    %add3A_12 = arith.addi %mul3A_2, %add3A_11 : i32
    "tpu.region"() ({
      %run_scoped3A = tpu.sem_alloc : memref<!tpu.dma_semaphore, #tpu.memory_space<semaphore_mem>>
      %dma_start3A = arith.constant 0 : i32
      %dma_start3A_59 = tpu.memref_slice %arg10[%add3A_12, %dma_start3A] : memref<10000x128xf32, #tpu.memory_space<vmem_shared>> -> memref<80x128xf32, #tpu.memory_space<vmem_shared>>
      %dma_start3A_60 = arith.constant 0 : i32
      %dma_start3A_61 = tpu.memref_slice %arg10[%add3A_12, %dma_start3A_60] : memref<10000x128xf32, #tpu.memory_space<vmem_shared>> -> memref<80x128xf32, #tpu.memory_space<vmem_shared>>
      tpu.enqueue_dma source(%arg9 : memref<80x128xf32, #tpu.memory_space<vmem>>) target(%dma_start3A_61 : memref<80x128xf32, #tpu.memory_space<vmem_shared>>) target_semaphore(%run_scoped3A : memref<!tpu.dma_semaphore, #tpu.memory_space<semaphore_mem>>)
      %dma_wait3A = arith.constant 0 : i32
      %dma_wait3A_62 = tpu.memref_slice %arg10[%add3A_12, %dma_wait3A] : memref<10000x128xf32, #tpu.memory_space<vmem_shared>> -> memref<80x128xf32, #tpu.memory_space<vmem_shared>>
      %dma_wait3A_63 = arith.constant 0 : i32
      %dma_wait3A_64 = tpu.memref_slice %arg10[%add3A_12, %dma_wait3A_63] : memref<10000x128xf32, #tpu.memory_space<vmem_shared>> -> memref<80x128xf32, #tpu.memory_space<vmem_shared>>
      tpu.wait_dma2 semaphore(%run_scoped3A : memref<!tpu.dma_semaphore, #tpu.memory_space<semaphore_mem>>) src(%arg9 : memref<80x128xf32, #tpu.memory_space<vmem>>) dst(%dma_wait3A_64 : memref<80x128xf32, #tpu.memory_space<vmem_shared>>)
      tpu.yield
    }) : () -> ()
    %add3A_13 = arith.constant 400 : i32
    %add3A_14 = arith.addi %mul3A_2, %add3A_13 : i32
    "tpu.region"() ({
      %run_scoped3A = tpu.sem_alloc : memref<!tpu.dma_semaphore, #tpu.memory_space<semaphore_mem>>
      %dma_start3A = arith.constant 0 : i32
      %dma_start3A_59 = tpu.memref_slice %arg10[%add3A_14, %dma_start3A] : memref<10000x128xf32, #tpu.memory_space<vmem_shared>> -> memref<80x128xf32, #tpu.memory_space<vmem_shared>>
      %dma_start3A_60 = arith.constant 0 : i32
      %dma_start3A_61 = tpu.memref_slice %arg10[%add3A_14, %dma_start3A_60] : memref<10000x128xf32, #tpu.memory_space<vmem_shared>> -> memref<80x128xf32, #tpu.memory_space<vmem_shared>>
      tpu.enqueue_dma source(%arg9 : memref<80x128xf32, #tpu.memory_space<vmem>>) target(%dma_start3A_61 : memref<80x128xf32, #tpu.memory_space<vmem_shared>>) target_semaphore(%run_scoped3A : memref<!tpu.dma_semaphore, #tpu.memory_space<semaphore_mem>>)
      %dma_wait3A = arith.constant 0 : i32
      %dma_wait3A_62 = tpu.memref_slice %arg10[%add3A_14, %dma_wait3A] : memref<10000x128xf32, #tpu.memory_space<vmem_shared>> -> memref<80x128xf32, #tpu.memory_space<vmem_shared>>
      %dma_wait3A_63 = arith.constant 0 : i32
      %dma_wait3A_64 = tpu.memref_slice %arg10[%add3A_14, %dma_wait3A_63] : memref<10000x128xf32, #tpu.memory_space<vmem_shared>> -> memref<80x128xf32, #tpu.memory_space<vmem_shared>>
      tpu.wait_dma2 semaphore(%run_scoped3A : memref<!tpu.dma_semaphore, #tpu.memory_space<semaphore_mem>>) src(%arg9 : memref<80x128xf32, #tpu.memory_space<vmem>>) dst(%dma_wait3A_64 : memref<80x128xf32, #tpu.memory_space<vmem_shared>>)
      tpu.yield
    }) : () -> ()
    %add3A_15 = arith.constant 480 : i32
    %add3A_16 = arith.addi %mul3A_2, %add3A_15 : i32
    "tpu.region"() ({
      %run_scoped3A = tpu.sem_alloc : memref<!tpu.dma_semaphore, #tpu.memory_space<semaphore_mem>>
      %dma_start3A = arith.constant 0 : i32
      %dma_start3A_59 = tpu.memref_slice %arg10[%add3A_16, %dma_start3A] : memref<10000x128xf32, #tpu.memory_space<vmem_shared>> -> memref<80x128xf32, #tpu.memory_space<vmem_shared>>
      %dma_start3A_60 = arith.constant 0 : i32
      %dma_start3A_61 = tpu.memref_slice %arg10[%add3A_16, %dma_start3A_60] : memref<10000x128xf32, #tpu.memory_space<vmem_shared>> -> memref<80x128xf32, #tpu.memory_space<vmem_shared>>
      tpu.enqueue_dma source(%arg9 : memref<80x128xf32, #tpu.memory_space<vmem>>) target(%dma_start3A_61 : memref<80x128xf32, #tpu.memory_space<vmem_shared>>) target_semaphore(%run_scoped3A : memref<!tpu.dma_semaphore, #tpu.memory_space<semaphore_mem>>)
      %dma_wait3A = arith.constant 0 : i32
      %dma_wait3A_62 = tpu.memref_slice %arg10[%add3A_16, %dma_wait3A] : memref<10000x128xf32, #tpu.memory_space<vmem_shared>> -> memref<80x128xf32, #tpu.memory_space<vmem_shared>>
      %dma_wait3A_63 = arith.constant 0 : i32
      %dma_wait3A_64 = tpu.memref_slice %arg10[%add3A_16, %dma_wait3A_63] : memref<10000x128xf32, #tpu.memory_space<vmem_shared>> -> memref<80x128xf32, #tpu.memory_space<vmem_shared>>
      tpu.wait_dma2 semaphore(%run_scoped3A : memref<!tpu.dma_semaphore, #tpu.memory_space<semaphore_mem>>) src(%arg9 : memref<80x128xf32, #tpu.memory_space<vmem>>) dst(%dma_wait3A_64 : memref<80x128xf32, #tpu.memory_space<vmem_shared>>)
      tpu.yield
    }) : () -> ()
    %add3A_17 = arith.constant 560 : i32
    %add3A_18 = arith.addi %mul3A_2, %add3A_17 : i32
    "tpu.region"() ({
      %run_scoped3A = tpu.sem_alloc : memref<!tpu.dma_semaphore, #tpu.memory_space<semaphore_mem>>
      %dma_start3A = arith.constant 0 : i32
      %dma_start3A_59 = tpu.memref_slice %arg10[%add3A_18, %dma_start3A] : memref<10000x128xf32, #tpu.memory_space<vmem_shared>> -> memref<80x128xf32, #tpu.memory_space<vmem_shared>>
      %dma_start3A_60 = arith.constant 0 : i32
      %dma_start3A_61 = tpu.memref_slice %arg10[%add3A_18, %dma_start3A_60] : memref<10000x128xf32, #tpu.memory_space<vmem_shared>> -> memref<80x128xf32, #tpu.memory_space<vmem_shared>>
      tpu.enqueue_dma source(%arg9 : memref<80x128xf32, #tpu.memory_space<vmem>>) target(%dma_start3A_61 : memref<80x128xf32, #tpu.memory_space<vmem_shared>>) target_semaphore(%run_scoped3A : memref<!tpu.dma_semaphore, #tpu.memory_space<semaphore_mem>>)
      %dma_wait3A = arith.constant 0 : i32
      %dma_wait3A_62 = tpu.memref_slice %arg10[%add3A_18, %dma_wait3A] : memref<10000x128xf32, #tpu.memory_space<vmem_shared>> -> memref<80x128xf32, #tpu.memory_space<vmem_shared>>
      %dma_wait3A_63 = arith.constant 0 : i32
      %dma_wait3A_64 = tpu.memref_slice %arg10[%add3A_18, %dma_wait3A_63] : memref<10000x128xf32, #tpu.memory_space<vmem_shared>> -> memref<80x128xf32, #tpu.memory_space<vmem_shared>>
      tpu.wait_dma2 semaphore(%run_scoped3A : memref<!tpu.dma_semaphore, #tpu.memory_space<semaphore_mem>>) src(%arg9 : memref<80x128xf32, #tpu.memory_space<vmem>>) dst(%dma_wait3A_64 : memref<80x128xf32, #tpu.memory_space<vmem_shared>>)
      tpu.yield
    }) : () -> ()
    %barrier3A = arith.constant 0 : index
    tpu.barrier barrier_id(%barrier3A)
    %mul3A_19 = arith.constant 10000 : i32
    %mul3A_20 = arith.muli %add3A, %mul3A_19 : i32
    "tpu.region"() ({
      %run_scoped3A = tpu.sem_alloc : memref<!tpu.dma_semaphore, #tpu.memory_space<semaphore_mem>>
      tpu.enqueue_dma source(%arg2 : memref<80x128xf32, #tpu.memory_space<hbm>>) target(%arg9 : memref<80x128xf32, #tpu.memory_space<vmem>>) target_semaphore(%run_scoped3A : memref<!tpu.dma_semaphore, #tpu.memory_space<semaphore_mem>>)
      tpu.wait_dma2 semaphore(%run_scoped3A : memref<!tpu.dma_semaphore, #tpu.memory_space<semaphore_mem>>) src(%arg2 : memref<80x128xf32, #tpu.memory_space<hbm>>) dst(%arg9 : memref<80x128xf32, #tpu.memory_space<vmem>>)
      tpu.yield
    }) : () -> ()
    %scan3A = arith.constant 0 : i32
    %scan3A_21 = arith.constant 0 : i32
    %scan3A_22 = arith.constant 125 : i32
    %scan3A_23 = arith.addi %scan3A_21, %scan3A_22 : i32
    %scan3A_24 = arith.constant 1 : i32
    scf.for %scan3A_59 = %scan3A_21 to %scan3A_23 step %scan3A_24  : i32 {
      %mul3A_60 = arith.constant 80 : i32
      %mul3A_61 = arith.muli %scan3A_59, %mul3A_60 : i32
      %add3A_62 = arith.addi %mul3A_20, %mul3A_61 : i32
      "tpu.region"() ({
        %run_scoped3A = tpu.sem_alloc : memref<!tpu.dma_semaphore, #tpu.memory_space<semaphore_mem>>
        %dma_start3A = tpu.memref_slice %arg4[%add3A_62] : memref<320000xi32, #tpu.memory_space<hbm>> -> memref<80xi32, #tpu.memory_space<hbm>>
        %dma_start3A_63 = tpu.memref_slice %arg4[%add3A_62] : memref<320000xi32, #tpu.memory_space<hbm>> -> memref<80xi32, #tpu.memory_space<hbm>>
        tpu.enqueue_dma source(%dma_start3A_63 : memref<80xi32, #tpu.memory_space<hbm>>) target(%arg8 : memref<80xi32, #tpu.memory_space<vmem>>) target_semaphore(%run_scoped3A : memref<!tpu.dma_semaphore, #tpu.memory_space<semaphore_mem>>)
        %dma_wait3A = tpu.memref_slice %arg4[%add3A_62] : memref<320000xi32, #tpu.memory_space<hbm>> -> memref<80xi32, #tpu.memory_space<hbm>>
        %dma_wait3A_64 = tpu.memref_slice %arg4[%add3A_62] : memref<320000xi32, #tpu.memory_space<hbm>> -> memref<80xi32, #tpu.memory_space<hbm>>
        tpu.wait_dma2 semaphore(%run_scoped3A : memref<!tpu.dma_semaphore, #tpu.memory_space<semaphore_mem>>) src(%dma_wait3A_64 : memref<80xi32, #tpu.memory_space<hbm>>) dst(%arg8 : memref<80xi32, #tpu.memory_space<vmem>>)
        tpu.yield
      }) : () -> ()
      "tpu.region"() ({
        %run_scoped3A = tpu.sem_alloc : memref<!tpu.dma_semaphore, #tpu.memory_space<semaphore_mem>>
        %dma_start3A = arith.constant 0 : i32
        %dma_start3A_63 = arith.constant 0 : i32
        %dma_start3A_64 = tpu.memref_slice %arg10[%dma_start3A, %dma_start3A_63] : memref<10000x128xf32, #tpu.memory_space<vmem_shared>> -> memref<10000x128xf32, #tpu.memory_space<vmem_shared>>
        tpu.enqueue_indirect_dma source(%arg9 : memref<80x128xf32, #tpu.memory_space<vmem>>) target(%dma_start3A_64 : memref<10000x128xf32, #tpu.memory_space<vmem_shared>>) offsets(%arg8 : memref<80xi32, #tpu.memory_space<vmem>>) semaphore(%run_scoped3A : memref<!tpu.dma_semaphore, #tpu.memory_space<semaphore_mem>>) {add = true}
        %dma_wait3A = arith.constant 0 : i32
        %dma_wait3A_65 = arith.constant 0 : i32
        %dma_wait3A_66 = tpu.memref_slice %arg10[%dma_wait3A, %dma_wait3A_65] : memref<10000x128xf32, #tpu.memory_space<vmem_shared>> -> memref<10000x128xf32, #tpu.memory_space<vmem_shared>>
        tpu.wait_indirect_dma semaphore(%run_scoped3A : memref<!tpu.dma_semaphore, #tpu.memory_space<semaphore_mem>>) src(%arg9 : memref<80x128xf32, #tpu.memory_space<vmem>>) dst(%dma_wait3A_66 : memref<10000x128xf32, #tpu.memory_space<vmem_shared>>)
        tpu.yield
      }) : () -> ()
    }
    %scan3A_25 = arith.constant 125 : i32
    %barrier3A_26 = arith.constant 0 : index
    tpu.barrier barrier_id(%barrier3A_26)
    %add3A_27 = arith.constant 0 : i32
    %add3A_28 = arith.addi %mul3A_2, %add3A_27 : i32
    "tpu.region"() ({
      %run_scoped3A = tpu.sem_alloc : memref<!tpu.dma_semaphore, #tpu.memory_space<semaphore_mem>>
      %dma_start3A = arith.constant 0 : i32
      %dma_start3A_59 = tpu.memref_slice %arg10[%add3A_28, %dma_start3A] : memref<10000x128xf32, #tpu.memory_space<vmem_shared>> -> memref<80x128xf32, #tpu.memory_space<vmem_shared>>
      %dma_start3A_60 = arith.constant 0 : i32
      %dma_start3A_61 = tpu.memref_slice %arg10[%add3A_28, %dma_start3A_60] : memref<10000x128xf32, #tpu.memory_space<vmem_shared>> -> memref<80x128xf32, #tpu.memory_space<vmem_shared>>
      tpu.enqueue_dma source(%dma_start3A_61 : memref<80x128xf32, #tpu.memory_space<vmem_shared>>) target(%arg9 : memref<80x128xf32, #tpu.memory_space<vmem>>) target_semaphore(%run_scoped3A : memref<!tpu.dma_semaphore, #tpu.memory_space<semaphore_mem>>)
      %dma_wait3A = arith.constant 0 : i32
      %dma_wait3A_62 = tpu.memref_slice %arg10[%add3A_28, %dma_wait3A] : memref<10000x128xf32, #tpu.memory_space<vmem_shared>> -> memref<80x128xf32, #tpu.memory_space<vmem_shared>>
      %dma_wait3A_63 = arith.constant 0 : i32
      %dma_wait3A_64 = tpu.memref_slice %arg10[%add3A_28, %dma_wait3A_63] : memref<10000x128xf32, #tpu.memory_space<vmem_shared>> -> memref<80x128xf32, #tpu.memory_space<vmem_shared>>
      tpu.wait_dma2 semaphore(%run_scoped3A : memref<!tpu.dma_semaphore, #tpu.memory_space<semaphore_mem>>) src(%dma_wait3A_64 : memref<80x128xf32, #tpu.memory_space<vmem_shared>>) dst(%arg9 : memref<80x128xf32, #tpu.memory_space<vmem>>)
      tpu.yield
    }) : () -> ()
    %add3A_29 = arith.constant 0 : i32
    %add3A_30 = arith.addi %mul3A_2, %add3A_29 : i32
    "tpu.region"() ({
      %run_scoped3A = tpu.sem_alloc : memref<!tpu.dma_semaphore, #tpu.memory_space<semaphore_mem>>
      %dma_start3A = arith.constant 0 : i32
      %dma_start3A_59 = tpu.memref_slice %arg6[%arg0, %add3A_30, %dma_start3A] : memref<2x10000x128xf32, #tpu.memory_space<hbm>> -> memref<1x80x128xf32, #tpu.memory_space<hbm>>
      %dma_start3A_60 = tpu.memref_squeeze %dma_start3A_59 : memref<1x80x128xf32, #tpu.memory_space<hbm>> -> memref<80x128xf32, #tpu.memory_space<hbm>>
      %dma_start3A_61 = arith.constant 0 : i32
      %dma_start3A_62 = tpu.memref_slice %arg6[%arg0, %add3A_30, %dma_start3A_61] : memref<2x10000x128xf32, #tpu.memory_space<hbm>> -> memref<1x80x128xf32, #tpu.memory_space<hbm>>
      %dma_start3A_63 = tpu.memref_squeeze %dma_start3A_62 : memref<1x80x128xf32, #tpu.memory_space<hbm>> -> memref<80x128xf32, #tpu.memory_space<hbm>>
      tpu.enqueue_dma source(%arg9 : memref<80x128xf32, #tpu.memory_space<vmem>>) target(%dma_start3A_63 : memref<80x128xf32, #tpu.memory_space<hbm>>) target_semaphore(%run_scoped3A : memref<!tpu.dma_semaphore, #tpu.memory_space<semaphore_mem>>)
      %dma_wait3A = arith.constant 0 : i32
      %dma_wait3A_64 = tpu.memref_slice %arg6[%arg0, %add3A_30, %dma_wait3A] : memref<2x10000x128xf32, #tpu.memory_space<hbm>> -> memref<1x80x128xf32, #tpu.memory_space<hbm>>
      %dma_wait3A_65 = tpu.memref_squeeze %dma_wait3A_64 : memref<1x80x128xf32, #tpu.memory_space<hbm>> -> memref<80x128xf32, #tpu.memory_space<hbm>>
      %dma_wait3A_66 = arith.constant 0 : i32
      %dma_wait3A_67 = tpu.memref_slice %arg6[%arg0, %add3A_30, %dma_wait3A_66] : memref<2x10000x128xf32, #tpu.memory_space<hbm>> -> memref<1x80x128xf32, #tpu.memory_space<hbm>>
      %dma_wait3A_68 = tpu.memref_squeeze %dma_wait3A_67 : memref<1x80x128xf32, #tpu.memory_space<hbm>> -> memref<80x128xf32, #tpu.memory_space<hbm>>
      tpu.wait_dma2 semaphore(%run_scoped3A : memref<!tpu.dma_semaphore, #tpu.memory_space<semaphore_mem>>) src(%arg9 : memref<80x128xf32, #tpu.memory_space<vmem>>) dst(%dma_wait3A_68 : memref<80x128xf32, #tpu.memory_space<hbm>>)
      tpu.yield
    }) : () -> ()
    %add3A_31 = arith.constant 80 : i32
    %add3A_32 = arith.addi %mul3A_2, %add3A_31 : i32
    "tpu.region"() ({
      %run_scoped3A = tpu.sem_alloc : memref<!tpu.dma_semaphore, #tpu.memory_space<semaphore_mem>>
      %dma_start3A = arith.constant 0 : i32
      %dma_start3A_59 = tpu.memref_slice %arg10[%add3A_32, %dma_start3A] : memref<10000x128xf32, #tpu.memory_space<vmem_shared>> -> memref<80x128xf32, #tpu.memory_space<vmem_shared>>
      %dma_start3A_60 = arith.constant 0 : i32
      %dma_start3A_61 = tpu.memref_slice %arg10[%add3A_32, %dma_start3A_60] : memref<10000x128xf32, #tpu.memory_space<vmem_shared>> -> memref<80x128xf32, #tpu.memory_space<vmem_shared>>
      tpu.enqueue_dma source(%dma_start3A_61 : memref<80x128xf32, #tpu.memory_space<vmem_shared>>) target(%arg9 : memref<80x128xf32, #tpu.memory_space<vmem>>) target_semaphore(%run_scoped3A : memref<!tpu.dma_semaphore, #tpu.memory_space<semaphore_mem>>)
      %dma_wait3A = arith.constant 0 : i32
      %dma_wait3A_62 = tpu.memref_slice %arg10[%add3A_32, %dma_wait3A] : memref<10000x128xf32, #tpu.memory_space<vmem_shared>> -> memref<80x128xf32, #tpu.memory_space<vmem_shared>>
      %dma_wait3A_63 = arith.constant 0 : i32
      %dma_wait3A_64 = tpu.memref_slice %arg10[%add3A_32, %dma_wait3A_63] : memref<10000x128xf32, #tpu.memory_space<vmem_shared>> -> memref<80x128xf32, #tpu.memory_space<vmem_shared>>
      tpu.wait_dma2 semaphore(%run_scoped3A : memref<!tpu.dma_semaphore, #tpu.memory_space<semaphore_mem>>) src(%dma_wait3A_64 : memref<80x128xf32, #tpu.memory_space<vmem_shared>>) dst(%arg9 : memref<80x128xf32, #tpu.memory_space<vmem>>)
      tpu.yield
    }) : () -> ()
    %add3A_33 = arith.constant 80 : i32
    %add3A_34 = arith.addi %mul3A_2, %add3A_33 : i32
    "tpu.region"() ({
      %run_scoped3A = tpu.sem_alloc : memref<!tpu.dma_semaphore, #tpu.memory_space<semaphore_mem>>
      %dma_start3A = arith.constant 0 : i32
      %dma_start3A_59 = tpu.memref_slice %arg6[%arg0, %add3A_34, %dma_start3A] : memref<2x10000x128xf32, #tpu.memory_space<hbm>> -> memref<1x80x128xf32, #tpu.memory_space<hbm>>
      %dma_start3A_60 = tpu.memref_squeeze %dma_start3A_59 : memref<1x80x128xf32, #tpu.memory_space<hbm>> -> memref<80x128xf32, #tpu.memory_space<hbm>>
      %dma_start3A_61 = arith.constant 0 : i32
      %dma_start3A_62 = tpu.memref_slice %arg6[%arg0, %add3A_34, %dma_start3A_61] : memref<2x10000x128xf32, #tpu.memory_space<hbm>> -> memref<1x80x128xf32, #tpu.memory_space<hbm>>
      %dma_start3A_63 = tpu.memref_squeeze %dma_start3A_62 : memref<1x80x128xf32, #tpu.memory_space<hbm>> -> memref<80x128xf32, #tpu.memory_space<hbm>>
      tpu.enqueue_dma source(%arg9 : memref<80x128xf32, #tpu.memory_space<vmem>>) target(%dma_start3A_63 : memref<80x128xf32, #tpu.memory_space<hbm>>) target_semaphore(%run_scoped3A : memref<!tpu.dma_semaphore, #tpu.memory_space<semaphore_mem>>)
      %dma_wait3A = arith.constant 0 : i32
      %dma_wait3A_64 = tpu.memref_slice %arg6[%arg0, %add3A_34, %dma_wait3A] : memref<2x10000x128xf32, #tpu.memory_space<hbm>> -> memref<1x80x128xf32, #tpu.memory_space<hbm>>
      %dma_wait3A_65 = tpu.memref_squeeze %dma_wait3A_64 : memref<1x80x128xf32, #tpu.memory_space<hbm>> -> memref<80x128xf32, #tpu.memory_space<hbm>>
      %dma_wait3A_66 = arith.constant 0 : i32
      %dma_wait3A_67 = tpu.memref_slice %arg6[%arg0, %add3A_34, %dma_wait3A_66] : memref<2x10000x128xf32, #tpu.memory_space<hbm>> -> memref<1x80x128xf32, #tpu.memory_space<hbm>>
      %dma_wait3A_68 = tpu.memref_squeeze %dma_wait3A_67 : memref<1x80x128xf32, #tpu.memory_space<hbm>> -> memref<80x128xf32, #tpu.memory_space<hbm>>
      tpu.wait_dma2 semaphore(%run_scoped3A : memref<!tpu.dma_semaphore, #tpu.memory_space<semaphore_mem>>) src(%arg9 : memref<80x128xf32, #tpu.memory_space<vmem>>) dst(%dma_wait3A_68 : memref<80x128xf32, #tpu.memory_space<hbm>>)
      tpu.yield
    }) : () -> ()
    %add3A_35 = arith.constant 160 : i32
    %add3A_36 = arith.addi %mul3A_2, %add3A_35 : i32
    "tpu.region"() ({
      %run_scoped3A = tpu.sem_alloc : memref<!tpu.dma_semaphore, #tpu.memory_space<semaphore_mem>>
      %dma_start3A = arith.constant 0 : i32
      %dma_start3A_59 = tpu.memref_slice %arg10[%add3A_36, %dma_start3A] : memref<10000x128xf32, #tpu.memory_space<vmem_shared>> -> memref<80x128xf32, #tpu.memory_space<vmem_shared>>
      %dma_start3A_60 = arith.constant 0 : i32
      %dma_start3A_61 = tpu.memref_slice %arg10[%add3A_36, %dma_start3A_60] : memref<10000x128xf32, #tpu.memory_space<vmem_shared>> -> memref<80x128xf32, #tpu.memory_space<vmem_shared>>
      tpu.enqueue_dma source(%dma_start3A_61 : memref<80x128xf32, #tpu.memory_space<vmem_shared>>) target(%arg9 : memref<80x128xf32, #tpu.memory_space<vmem>>) target_semaphore(%run_scoped3A : memref<!tpu.dma_semaphore, #tpu.memory_space<semaphore_mem>>)
      %dma_wait3A = arith.constant 0 : i32
      %dma_wait3A_62 = tpu.memref_slice %arg10[%add3A_36, %dma_wait3A] : memref<10000x128xf32, #tpu.memory_space<vmem_shared>> -> memref<80x128xf32, #tpu.memory_space<vmem_shared>>
      %dma_wait3A_63 = arith.constant 0 : i32
      %dma_wait3A_64 = tpu.memref_slice %arg10[%add3A_36, %dma_wait3A_63] : memref<10000x128xf32, #tpu.memory_space<vmem_shared>> -> memref<80x128xf32, #tpu.memory_space<vmem_shared>>
      tpu.wait_dma2 semaphore(%run_scoped3A : memref<!tpu.dma_semaphore, #tpu.memory_space<semaphore_mem>>) src(%dma_wait3A_64 : memref<80x128xf32, #tpu.memory_space<vmem_shared>>) dst(%arg9 : memref<80x128xf32, #tpu.memory_space<vmem>>)
      tpu.yield
    }) : () -> ()
    %add3A_37 = arith.constant 160 : i32
    %add3A_38 = arith.addi %mul3A_2, %add3A_37 : i32
    "tpu.region"() ({
      %run_scoped3A = tpu.sem_alloc : memref<!tpu.dma_semaphore, #tpu.memory_space<semaphore_mem>>
      %dma_start3A = arith.constant 0 : i32
      %dma_start3A_59 = tpu.memref_slice %arg6[%arg0, %add3A_38, %dma_start3A] : memref<2x10000x128xf32, #tpu.memory_space<hbm>> -> memref<1x80x128xf32, #tpu.memory_space<hbm>>
      %dma_start3A_60 = tpu.memref_squeeze %dma_start3A_59 : memref<1x80x128xf32, #tpu.memory_space<hbm>> -> memref<80x128xf32, #tpu.memory_space<hbm>>
      %dma_start3A_61 = arith.constant 0 : i32
      %dma_start3A_62 = tpu.memref_slice %arg6[%arg0, %add3A_38, %dma_start3A_61] : memref<2x10000x128xf32, #tpu.memory_space<hbm>> -> memref<1x80x128xf32, #tpu.memory_space<hbm>>
      %dma_start3A_63 = tpu.memref_squeeze %dma_start3A_62 : memref<1x80x128xf32, #tpu.memory_space<hbm>> -> memref<80x128xf32, #tpu.memory_space<hbm>>
      tpu.enqueue_dma source(%arg9 : memref<80x128xf32, #tpu.memory_space<vmem>>) target(%dma_start3A_63 : memref<80x128xf32, #tpu.memory_space<hbm>>) target_semaphore(%run_scoped3A : memref<!tpu.dma_semaphore, #tpu.memory_space<semaphore_mem>>)
      %dma_wait3A = arith.constant 0 : i32
      %dma_wait3A_64 = tpu.memref_slice %arg6[%arg0, %add3A_38, %dma_wait3A] : memref<2x10000x128xf32, #tpu.memory_space<hbm>> -> memref<1x80x128xf32, #tpu.memory_space<hbm>>
      %dma_wait3A_65 = tpu.memref_squeeze %dma_wait3A_64 : memref<1x80x128xf32, #tpu.memory_space<hbm>> -> memref<80x128xf32, #tpu.memory_space<hbm>>
      %dma_wait3A_66 = arith.constant 0 : i32
      %dma_wait3A_67 = tpu.memref_slice %arg6[%arg0, %add3A_38, %dma_wait3A_66] : memref<2x10000x128xf32, #tpu.memory_space<hbm>> -> memref<1x80x128xf32, #tpu.memory_space<hbm>>
      %dma_wait3A_68 = tpu.memref_squeeze %dma_wait3A_67 : memref<1x80x128xf32, #tpu.memory_space<hbm>> -> memref<80x128xf32, #tpu.memory_space<hbm>>
      tpu.wait_dma2 semaphore(%run_scoped3A : memref<!tpu.dma_semaphore, #tpu.memory_space<semaphore_mem>>) src(%arg9 : memref<80x128xf32, #tpu.memory_space<vmem>>) dst(%dma_wait3A_68 : memref<80x128xf32, #tpu.memory_space<hbm>>)
      tpu.yield
    }) : () -> ()
    %add3A_39 = arith.constant 240 : i32
    %add3A_40 = arith.addi %mul3A_2, %add3A_39 : i32
    "tpu.region"() ({
      %run_scoped3A = tpu.sem_alloc : memref<!tpu.dma_semaphore, #tpu.memory_space<semaphore_mem>>
      %dma_start3A = arith.constant 0 : i32
      %dma_start3A_59 = tpu.memref_slice %arg10[%add3A_40, %dma_start3A] : memref<10000x128xf32, #tpu.memory_space<vmem_shared>> -> memref<80x128xf32, #tpu.memory_space<vmem_shared>>
      %dma_start3A_60 = arith.constant 0 : i32
      %dma_start3A_61 = tpu.memref_slice %arg10[%add3A_40, %dma_start3A_60] : memref<10000x128xf32, #tpu.memory_space<vmem_shared>> -> memref<80x128xf32, #tpu.memory_space<vmem_shared>>
      tpu.enqueue_dma source(%dma_start3A_61 : memref<80x128xf32, #tpu.memory_space<vmem_shared>>) target(%arg9 : memref<80x128xf32, #tpu.memory_space<vmem>>) target_semaphore(%run_scoped3A : memref<!tpu.dma_semaphore, #tpu.memory_space<semaphore_mem>>)
      %dma_wait3A = arith.constant 0 : i32
      %dma_wait3A_62 = tpu.memref_slice %arg10[%add3A_40, %dma_wait3A] : memref<10000x128xf32, #tpu.memory_space<vmem_shared>> -> memref<80x128xf32, #tpu.memory_space<vmem_shared>>
      %dma_wait3A_63 = arith.constant 0 : i32
      %dma_wait3A_64 = tpu.memref_slice %arg10[%add3A_40, %dma_wait3A_63] : memref<10000x128xf32, #tpu.memory_space<vmem_shared>> -> memref<80x128xf32, #tpu.memory_space<vmem_shared>>
      tpu.wait_dma2 semaphore(%run_scoped3A : memref<!tpu.dma_semaphore, #tpu.memory_space<semaphore_mem>>) src(%dma_wait3A_64 : memref<80x128xf32, #tpu.memory_space<vmem_shared>>) dst(%arg9 : memref<80x128xf32, #tpu.memory_space<vmem>>)
      tpu.yield
    }) : () -> ()
    %add3A_41 = arith.constant 240 : i32
    %add3A_42 = arith.addi %mul3A_2, %add3A_41 : i32
    "tpu.region"() ({
      %run_scoped3A = tpu.sem_alloc : memref<!tpu.dma_semaphore, #tpu.memory_space<semaphore_mem>>
      %dma_start3A = arith.constant 0 : i32
      %dma_start3A_59 = tpu.memref_slice %arg6[%arg0, %add3A_42, %dma_start3A] : memref<2x10000x128xf32, #tpu.memory_space<hbm>> -> memref<1x80x128xf32, #tpu.memory_space<hbm>>
      %dma_start3A_60 = tpu.memref_squeeze %dma_start3A_59 : memref<1x80x128xf32, #tpu.memory_space<hbm>> -> memref<80x128xf32, #tpu.memory_space<hbm>>
      %dma_start3A_61 = arith.constant 0 : i32
      %dma_start3A_62 = tpu.memref_slice %arg6[%arg0, %add3A_42, %dma_start3A_61] : memref<2x10000x128xf32, #tpu.memory_space<hbm>> -> memref<1x80x128xf32, #tpu.memory_space<hbm>>
      %dma_start3A_63 = tpu.memref_squeeze %dma_start3A_62 : memref<1x80x128xf32, #tpu.memory_space<hbm>> -> memref<80x128xf32, #tpu.memory_space<hbm>>
      tpu.enqueue_dma source(%arg9 : memref<80x128xf32, #tpu.memory_space<vmem>>) target(%dma_start3A_63 : memref<80x128xf32, #tpu.memory_space<hbm>>) target_semaphore(%run_scoped3A : memref<!tpu.dma_semaphore, #tpu.memory_space<semaphore_mem>>)
      %dma_wait3A = arith.constant 0 : i32
      %dma_wait3A_64 = tpu.memref_slice %arg6[%arg0, %add3A_42, %dma_wait3A] : memref<2x10000x128xf32, #tpu.memory_space<hbm>> -> memref<1x80x128xf32, #tpu.memory_space<hbm>>
      %dma_wait3A_65 = tpu.memref_squeeze %dma_wait3A_64 : memref<1x80x128xf32, #tpu.memory_space<hbm>> -> memref<80x128xf32, #tpu.memory_space<hbm>>
      %dma_wait3A_66 = arith.constant 0 : i32
      %dma_wait3A_67 = tpu.memref_slice %arg6[%arg0, %add3A_42, %dma_wait3A_66] : memref<2x10000x128xf32, #tpu.memory_space<hbm>> -> memref<1x80x128xf32, #tpu.memory_space<hbm>>
      %dma_wait3A_68 = tpu.memref_squeeze %dma_wait3A_67 : memref<1x80x128xf32, #tpu.memory_space<hbm>> -> memref<80x128xf32, #tpu.memory_space<hbm>>
      tpu.wait_dma2 semaphore(%run_scoped3A : memref<!tpu.dma_semaphore, #tpu.memory_space<semaphore_mem>>) src(%arg9 : memref<80x128xf32, #tpu.memory_space<vmem>>) dst(%dma_wait3A_68 : memref<80x128xf32, #tpu.memory_space<hbm>>)
      tpu.yield
    }) : () -> ()
    %add3A_43 = arith.constant 320 : i32
    %add3A_44 = arith.addi %mul3A_2, %add3A_43 : i32
    "tpu.region"() ({
      %run_scoped3A = tpu.sem_alloc : memref<!tpu.dma_semaphore, #tpu.memory_space<semaphore_mem>>
      %dma_start3A = arith.constant 0 : i32
      %dma_start3A_59 = tpu.memref_slice %arg10[%add3A_44, %dma_start3A] : memref<10000x128xf32, #tpu.memory_space<vmem_shared>> -> memref<80x128xf32, #tpu.memory_space<vmem_shared>>
      %dma_start3A_60 = arith.constant 0 : i32
      %dma_start3A_61 = tpu.memref_slice %arg10[%add3A_44, %dma_start3A_60] : memref<10000x128xf32, #tpu.memory_space<vmem_shared>> -> memref<80x128xf32, #tpu.memory_space<vmem_shared>>
      tpu.enqueue_dma source(%dma_start3A_61 : memref<80x128xf32, #tpu.memory_space<vmem_shared>>) target(%arg9 : memref<80x128xf32, #tpu.memory_space<vmem>>) target_semaphore(%run_scoped3A : memref<!tpu.dma_semaphore, #tpu.memory_space<semaphore_mem>>)
      %dma_wait3A = arith.constant 0 : i32
      %dma_wait3A_62 = tpu.memref_slice %arg10[%add3A_44, %dma_wait3A] : memref<10000x128xf32, #tpu.memory_space<vmem_shared>> -> memref<80x128xf32, #tpu.memory_space<vmem_shared>>
      %dma_wait3A_63 = arith.constant 0 : i32
      %dma_wait3A_64 = tpu.memref_slice %arg10[%add3A_44, %dma_wait3A_63] : memref<10000x128xf32, #tpu.memory_space<vmem_shared>> -> memref<80x128xf32, #tpu.memory_space<vmem_shared>>
      tpu.wait_dma2 semaphore(%run_scoped3A : memref<!tpu.dma_semaphore, #tpu.memory_space<semaphore_mem>>) src(%dma_wait3A_64 : memref<80x128xf32, #tpu.memory_space<vmem_shared>>) dst(%arg9 : memref<80x128xf32, #tpu.memory_space<vmem>>)
      tpu.yield
    }) : () -> ()
    %add3A_45 = arith.constant 320 : i32
    %add3A_46 = arith.addi %mul3A_2, %add3A_45 : i32
    "tpu.region"() ({
      %run_scoped3A = tpu.sem_alloc : memref<!tpu.dma_semaphore, #tpu.memory_space<semaphore_mem>>
      %dma_start3A = arith.constant 0 : i32
      %dma_start3A_59 = tpu.memref_slice %arg6[%arg0, %add3A_46, %dma_start3A] : memref<2x10000x128xf32, #tpu.memory_space<hbm>> -> memref<1x80x128xf32, #tpu.memory_space<hbm>>
      %dma_start3A_60 = tpu.memref_squeeze %dma_start3A_59 : memref<1x80x128xf32, #tpu.memory_space<hbm>> -> memref<80x128xf32, #tpu.memory_space<hbm>>
      %dma_start3A_61 = arith.constant 0 : i32
      %dma_start3A_62 = tpu.memref_slice %arg6[%arg0, %add3A_46, %dma_start3A_61] : memref<2x10000x128xf32, #tpu.memory_space<hbm>> -> memref<1x80x128xf32, #tpu.memory_space<hbm>>
      %dma_start3A_63 = tpu.memref_squeeze %dma_start3A_62 : memref<1x80x128xf32, #tpu.memory_space<hbm>> -> memref<80x128xf32, #tpu.memory_space<hbm>>
      tpu.enqueue_dma source(%arg9 : memref<80x128xf32, #tpu.memory_space<vmem>>) target(%dma_start3A_63 : memref<80x128xf32, #tpu.memory_space<hbm>>) target_semaphore(%run_scoped3A : memref<!tpu.dma_semaphore, #tpu.memory_space<semaphore_mem>>)
      %dma_wait3A = arith.constant 0 : i32
      %dma_wait3A_64 = tpu.memref_slice %arg6[%arg0, %add3A_46, %dma_wait3A] : memref<2x10000x128xf32, #tpu.memory_space<hbm>> -> memref<1x80x128xf32, #tpu.memory_space<hbm>>
      %dma_wait3A_65 = tpu.memref_squeeze %dma_wait3A_64 : memref<1x80x128xf32, #tpu.memory_space<hbm>> -> memref<80x128xf32, #tpu.memory_space<hbm>>
      %dma_wait3A_66 = arith.constant 0 : i32
      %dma_wait3A_67 = tpu.memref_slice %arg6[%arg0, %add3A_46, %dma_wait3A_66] : memref<2x10000x128xf32, #tpu.memory_space<hbm>> -> memref<1x80x128xf32, #tpu.memory_space<hbm>>
      %dma_wait3A_68 = tpu.memref_squeeze %dma_wait3A_67 : memref<1x80x128xf32, #tpu.memory_space<hbm>> -> memref<80x128xf32, #tpu.memory_space<hbm>>
      tpu.wait_dma2 semaphore(%run_scoped3A : memref<!tpu.dma_semaphore, #tpu.memory_space<semaphore_mem>>) src(%arg9 : memref<80x128xf32, #tpu.memory_space<vmem>>) dst(%dma_wait3A_68 : memref<80x128xf32, #tpu.memory_space<hbm>>)
      tpu.yield
    }) : () -> ()
    %add3A_47 = arith.constant 400 : i32
    %add3A_48 = arith.addi %mul3A_2, %add3A_47 : i32
    "tpu.region"() ({
      %run_scoped3A = tpu.sem_alloc : memref<!tpu.dma_semaphore, #tpu.memory_space<semaphore_mem>>
      %dma_start3A = arith.constant 0 : i32
      %dma_start3A_59 = tpu.memref_slice %arg10[%add3A_48, %dma_start3A] : memref<10000x128xf32, #tpu.memory_space<vmem_shared>> -> memref<80x128xf32, #tpu.memory_space<vmem_shared>>
      %dma_start3A_60 = arith.constant 0 : i32
      %dma_start3A_61 = tpu.memref_slice %arg10[%add3A_48, %dma_start3A_60] : memref<10000x128xf32, #tpu.memory_space<vmem_shared>> -> memref<80x128xf32, #tpu.memory_space<vmem_shared>>
      tpu.enqueue_dma source(%dma_start3A_61 : memref<80x128xf32, #tpu.memory_space<vmem_shared>>) target(%arg9 : memref<80x128xf32, #tpu.memory_space<vmem>>) target_semaphore(%run_scoped3A : memref<!tpu.dma_semaphore, #tpu.memory_space<semaphore_mem>>)
      %dma_wait3A = arith.constant 0 : i32
      %dma_wait3A_62 = tpu.memref_slice %arg10[%add3A_48, %dma_wait3A] : memref<10000x128xf32, #tpu.memory_space<vmem_shared>> -> memref<80x128xf32, #tpu.memory_space<vmem_shared>>
      %dma_wait3A_63 = arith.constant 0 : i32
      %dma_wait3A_64 = tpu.memref_slice %arg10[%add3A_48, %dma_wait3A_63] : memref<10000x128xf32, #tpu.memory_space<vmem_shared>> -> memref<80x128xf32, #tpu.memory_space<vmem_shared>>
      tpu.wait_dma2 semaphore(%run_scoped3A : memref<!tpu.dma_semaphore, #tpu.memory_space<semaphore_mem>>) src(%dma_wait3A_64 : memref<80x128xf32, #tpu.memory_space<vmem_shared>>) dst(%arg9 : memref<80x128xf32, #tpu.memory_space<vmem>>)
      tpu.yield
    }) : () -> ()
    %add3A_49 = arith.constant 400 : i32
    %add3A_50 = arith.addi %mul3A_2, %add3A_49 : i32
    "tpu.region"() ({
      %run_scoped3A = tpu.sem_alloc : memref<!tpu.dma_semaphore, #tpu.memory_space<semaphore_mem>>
      %dma_start3A = arith.constant 0 : i32
      %dma_start3A_59 = tpu.memref_slice %arg6[%arg0, %add3A_50, %dma_start3A] : memref<2x10000x128xf32, #tpu.memory_space<hbm>> -> memref<1x80x128xf32, #tpu.memory_space<hbm>>
      %dma_start3A_60 = tpu.memref_squeeze %dma_start3A_59 : memref<1x80x128xf32, #tpu.memory_space<hbm>> -> memref<80x128xf32, #tpu.memory_space<hbm>>
      %dma_start3A_61 = arith.constant 0 : i32
      %dma_start3A_62 = tpu.memref_slice %arg6[%arg0, %add3A_50, %dma_start3A_61] : memref<2x10000x128xf32, #tpu.memory_space<hbm>> -> memref<1x80x128xf32, #tpu.memory_space<hbm>>
      %dma_start3A_63 = tpu.memref_squeeze %dma_start3A_62 : memref<1x80x128xf32, #tpu.memory_space<hbm>> -> memref<80x128xf32, #tpu.memory_space<hbm>>
      tpu.enqueue_dma source(%arg9 : memref<80x128xf32, #tpu.memory_space<vmem>>) target(%dma_start3A_63 : memref<80x128xf32, #tpu.memory_space<hbm>>) target_semaphore(%run_scoped3A : memref<!tpu.dma_semaphore, #tpu.memory_space<semaphore_mem>>)
      %dma_wait3A = arith.constant 0 : i32
      %dma_wait3A_64 = tpu.memref_slice %arg6[%arg0, %add3A_50, %dma_wait3A] : memref<2x10000x128xf32, #tpu.memory_space<hbm>> -> memref<1x80x128xf32, #tpu.memory_space<hbm>>
      %dma_wait3A_65 = tpu.memref_squeeze %dma_wait3A_64 : memref<1x80x128xf32, #tpu.memory_space<hbm>> -> memref<80x128xf32, #tpu.memory_space<hbm>>
      %dma_wait3A_66 = arith.constant 0 : i32
      %dma_wait3A_67 = tpu.memref_slice %arg6[%arg0, %add3A_50, %dma_wait3A_66] : memref<2x10000x128xf32, #tpu.memory_space<hbm>> -> memref<1x80x128xf32, #tpu.memory_space<hbm>>
      %dma_wait3A_68 = tpu.memref_squeeze %dma_wait3A_67 : memref<1x80x128xf32, #tpu.memory_space<hbm>> -> memref<80x128xf32, #tpu.memory_space<hbm>>
      tpu.wait_dma2 semaphore(%run_scoped3A : memref<!tpu.dma_semaphore, #tpu.memory_space<semaphore_mem>>) src(%arg9 : memref<80x128xf32, #tpu.memory_space<vmem>>) dst(%dma_wait3A_68 : memref<80x128xf32, #tpu.memory_space<hbm>>)
      tpu.yield
    }) : () -> ()
    %add3A_51 = arith.constant 480 : i32
    %add3A_52 = arith.addi %mul3A_2, %add3A_51 : i32
    "tpu.region"() ({
      %run_scoped3A = tpu.sem_alloc : memref<!tpu.dma_semaphore, #tpu.memory_space<semaphore_mem>>
      %dma_start3A = arith.constant 0 : i32
      %dma_start3A_59 = tpu.memref_slice %arg10[%add3A_52, %dma_start3A] : memref<10000x128xf32, #tpu.memory_space<vmem_shared>> -> memref<80x128xf32, #tpu.memory_space<vmem_shared>>
      %dma_start3A_60 = arith.constant 0 : i32
      %dma_start3A_61 = tpu.memref_slice %arg10[%add3A_52, %dma_start3A_60] : memref<10000x128xf32, #tpu.memory_space<vmem_shared>> -> memref<80x128xf32, #tpu.memory_space<vmem_shared>>
      tpu.enqueue_dma source(%dma_start3A_61 : memref<80x128xf32, #tpu.memory_space<vmem_shared>>) target(%arg9 : memref<80x128xf32, #tpu.memory_space<vmem>>) target_semaphore(%run_scoped3A : memref<!tpu.dma_semaphore, #tpu.memory_space<semaphore_mem>>)
      %dma_wait3A = arith.constant 0 : i32
      %dma_wait3A_62 = tpu.memref_slice %arg10[%add3A_52, %dma_wait3A] : memref<10000x128xf32, #tpu.memory_space<vmem_shared>> -> memref<80x128xf32, #tpu.memory_space<vmem_shared>>
      %dma_wait3A_63 = arith.constant 0 : i32
      %dma_wait3A_64 = tpu.memref_slice %arg10[%add3A_52, %dma_wait3A_63] : memref<10000x128xf32, #tpu.memory_space<vmem_shared>> -> memref<80x128xf32, #tpu.memory_space<vmem_shared>>
      tpu.wait_dma2 semaphore(%run_scoped3A : memref<!tpu.dma_semaphore, #tpu.memory_space<semaphore_mem>>) src(%dma_wait3A_64 : memref<80x128xf32, #tpu.memory_space<vmem_shared>>) dst(%arg9 : memref<80x128xf32, #tpu.memory_space<vmem>>)
      tpu.yield
    }) : () -> ()
    %add3A_53 = arith.constant 480 : i32
    %add3A_54 = arith.addi %mul3A_2, %add3A_53 : i32
    "tpu.region"() ({
      %run_scoped3A = tpu.sem_alloc : memref<!tpu.dma_semaphore, #tpu.memory_space<semaphore_mem>>
      %dma_start3A = arith.constant 0 : i32
      %dma_start3A_59 = tpu.memref_slice %arg6[%arg0, %add3A_54, %dma_start3A] : memref<2x10000x128xf32, #tpu.memory_space<hbm>> -> memref<1x80x128xf32, #tpu.memory_space<hbm>>
      %dma_start3A_60 = tpu.memref_squeeze %dma_start3A_59 : memref<1x80x128xf32, #tpu.memory_space<hbm>> -> memref<80x128xf32, #tpu.memory_space<hbm>>
      %dma_start3A_61 = arith.constant 0 : i32
      %dma_start3A_62 = tpu.memref_slice %arg6[%arg0, %add3A_54, %dma_start3A_61] : memref<2x10000x128xf32, #tpu.memory_space<hbm>> -> memref<1x80x128xf32, #tpu.memory_space<hbm>>
      %dma_start3A_63 = tpu.memref_squeeze %dma_start3A_62 : memref<1x80x128xf32, #tpu.memory_space<hbm>> -> memref<80x128xf32, #tpu.memory_space<hbm>>
      tpu.enqueue_dma source(%arg9 : memref<80x128xf32, #tpu.memory_space<vmem>>) target(%dma_start3A_63 : memref<80x128xf32, #tpu.memory_space<hbm>>) target_semaphore(%run_scoped3A : memref<!tpu.dma_semaphore, #tpu.memory_space<semaphore_mem>>)
      %dma_wait3A = arith.constant 0 : i32
      %dma_wait3A_64 = tpu.memref_slice %arg6[%arg0, %add3A_54, %dma_wait3A] : memref<2x10000x128xf32, #tpu.memory_space<hbm>> -> memref<1x80x128xf32, #tpu.memory_space<hbm>>
      %dma_wait3A_65 = tpu.memref_squeeze %dma_wait3A_64 : memref<1x80x128xf32, #tpu.memory_space<hbm>> -> memref<80x128xf32, #tpu.memory_space<hbm>>
      %dma_wait3A_66 = arith.constant 0 : i32
      %dma_wait3A_67 = tpu.memref_slice %arg6[%arg0, %add3A_54, %dma_wait3A_66] : memref<2x10000x128xf32, #tpu.memory_space<hbm>> -> memref<1x80x128xf32, #tpu.memory_space<hbm>>
      %dma_wait3A_68 = tpu.memref_squeeze %dma_wait3A_67 : memref<1x80x128xf32, #tpu.memory_space<hbm>> -> memref<80x128xf32, #tpu.memory_space<hbm>>
      tpu.wait_dma2 semaphore(%run_scoped3A : memref<!tpu.dma_semaphore, #tpu.memory_space<semaphore_mem>>) src(%arg9 : memref<80x128xf32, #tpu.memory_space<vmem>>) dst(%dma_wait3A_68 : memref<80x128xf32, #tpu.memory_space<hbm>>)
      tpu.yield
    }) : () -> ()
    %add3A_55 = arith.constant 560 : i32
    %add3A_56 = arith.addi %mul3A_2, %add3A_55 : i32
    "tpu.region"() ({
      %run_scoped3A = tpu.sem_alloc : memref<!tpu.dma_semaphore, #tpu.memory_space<semaphore_mem>>
      %dma_start3A = arith.constant 0 : i32
      %dma_start3A_59 = tpu.memref_slice %arg10[%add3A_56, %dma_start3A] : memref<10000x128xf32, #tpu.memory_space<vmem_shared>> -> memref<80x128xf32, #tpu.memory_space<vmem_shared>>
      %dma_start3A_60 = arith.constant 0 : i32
      %dma_start3A_61 = tpu.memref_slice %arg10[%add3A_56, %dma_start3A_60] : memref<10000x128xf32, #tpu.memory_space<vmem_shared>> -> memref<80x128xf32, #tpu.memory_space<vmem_shared>>
      tpu.enqueue_dma source(%dma_start3A_61 : memref<80x128xf32, #tpu.memory_space<vmem_shared>>) target(%arg9 : memref<80x128xf32, #tpu.memory_space<vmem>>) target_semaphore(%run_scoped3A : memref<!tpu.dma_semaphore, #tpu.memory_space<semaphore_mem>>)
      %dma_wait3A = arith.constant 0 : i32
      %dma_wait3A_62 = tpu.memref_slice %arg10[%add3A_56, %dma_wait3A] : memref<10000x128xf32, #tpu.memory_space<vmem_shared>> -> memref<80x128xf32, #tpu.memory_space<vmem_shared>>
      %dma_wait3A_63 = arith.constant 0 : i32
      %dma_wait3A_64 = tpu.memref_slice %arg10[%add3A_56, %dma_wait3A_63] : memref<10000x128xf32, #tpu.memory_space<vmem_shared>> -> memref<80x128xf32, #tpu.memory_space<vmem_shared>>
      tpu.wait_dma2 semaphore(%run_scoped3A : memref<!tpu.dma_semaphore, #tpu.memory_space<semaphore_mem>>) src(%dma_wait3A_64 : memref<80x128xf32, #tpu.memory_space<vmem_shared>>) dst(%arg9 : memref<80x128xf32, #tpu.memory_space<vmem>>)
      tpu.yield
    }) : () -> ()
    %add3A_57 = arith.constant 560 : i32
    %add3A_58 = arith.addi %mul3A_2, %add3A_57 : i32
    "tpu.region"() ({
      %run_scoped3A = tpu.sem_alloc : memref<!tpu.dma_semaphore, #tpu.memory_space<semaphore_mem>>
      %dma_start3A = arith.constant 0 : i32
      %dma_start3A_59 = tpu.memref_slice %arg6[%arg0, %add3A_58, %dma_start3A] : memref<2x10000x128xf32, #tpu.memory_space<hbm>> -> memref<1x80x128xf32, #tpu.memory_space<hbm>>
      %dma_start3A_60 = tpu.memref_squeeze %dma_start3A_59 : memref<1x80x128xf32, #tpu.memory_space<hbm>> -> memref<80x128xf32, #tpu.memory_space<hbm>>
      %dma_start3A_61 = arith.constant 0 : i32
      %dma_start3A_62 = tpu.memref_slice %arg6[%arg0, %add3A_58, %dma_start3A_61] : memref<2x10000x128xf32, #tpu.memory_space<hbm>> -> memref<1x80x128xf32, #tpu.memory_space<hbm>>
      %dma_start3A_63 = tpu.memref_squeeze %dma_start3A_62 : memref<1x80x128xf32, #tpu.memory_space<hbm>> -> memref<80x128xf32, #tpu.memory_space<hbm>>
      tpu.enqueue_dma source(%arg9 : memref<80x128xf32, #tpu.memory_space<vmem>>) target(%dma_start3A_63 : memref<80x128xf32, #tpu.memory_space<hbm>>) target_semaphore(%run_scoped3A : memref<!tpu.dma_semaphore, #tpu.memory_space<semaphore_mem>>)
      %dma_wait3A = arith.constant 0 : i32
      %dma_wait3A_64 = tpu.memref_slice %arg6[%arg0, %add3A_58, %dma_wait3A] : memref<2x10000x128xf32, #tpu.memory_space<hbm>> -> memref<1x80x128xf32, #tpu.memory_space<hbm>>
      %dma_wait3A_65 = tpu.memref_squeeze %dma_wait3A_64 : memref<1x80x128xf32, #tpu.memory_space<hbm>> -> memref<80x128xf32, #tpu.memory_space<hbm>>
      %dma_wait3A_66 = arith.constant 0 : i32
      %dma_wait3A_67 = tpu.memref_slice %arg6[%arg0, %add3A_58, %dma_wait3A_66] : memref<2x10000x128xf32, #tpu.memory_space<hbm>> -> memref<1x80x128xf32, #tpu.memory_space<hbm>>
      %dma_wait3A_68 = tpu.memref_squeeze %dma_wait3A_67 : memref<1x80x128xf32, #tpu.memory_space<hbm>> -> memref<80x128xf32, #tpu.memory_space<hbm>>
      tpu.wait_dma2 semaphore(%run_scoped3A : memref<!tpu.dma_semaphore, #tpu.memory_space<semaphore_mem>>) src(%arg9 : memref<80x128xf32, #tpu.memory_space<vmem>>) dst(%dma_wait3A_68 : memref<80x128xf32, #tpu.memory_space<hbm>>)
      tpu.yield
    }) : () -> ()
    return
  }
}

#map = affine_map<(d0, d1) -> (0, 0)>
#map1 = affine_map<(d0, d1) -> (0)>
#map2 = affine_map<(d0, d1) -> (0, 0, 0)>
module attributes {stable_mosaic.version = 14 : i64} {
  func.func @agg(%arg0: i32, %arg1: i32, %arg2: memref<10000x128xf32, #tpu.memory_space<hbm>>, %arg3: memref<320000xi32, #tpu.memory_space<hbm>>, %arg4: memref<320000xi32, #tpu.memory_space<hbm>>, %arg5: memref<80x128xf32, #tpu.memory_space<hbm>>, %arg6: memref<2x10000x128xf32, #tpu.memory_space<hbm>>, %arg7: memref<80xi32, #tpu.memory_space<vmem>>, %arg8: memref<80xi32, #tpu.memory_space<vmem>>, %arg9: memref<80x128xf32, #tpu.memory_space<vmem>>, %arg10: memref<10000x128xf32, #tpu.memory_space<vmem_shared>>, %arg11: memref<!tpu.dma_semaphore, #tpu.memory_space<semaphore_mem>>) attributes {dimension_semantics = [#tpu.dimension_semantics<core_parallel>, #tpu.dimension_semantics<subcore_parallel>], iteration_bounds = array<i64: 2, 16>, scalar_prefetch = 0 : i64, scratch_operands = 5 : i64, tpu.core_type = #tpu.core_type<sc_vector_subcore>, window_params = [{transform_indices = #map}, {transform_indices = #map1}, {transform_indices = #map1}, {transform_indices = #map}, {transform_indices = #map2}]} {
    %mul3A = arith.constant 2 : i32
    %mul3A_0 = arith.muli %arg1, %mul3A : i32
    %add3A = arith.addi %mul3A_0, %arg0 : i32
    %mul3A_1 = arith.constant 624 : i32
    %mul3A_2 = arith.muli %arg1, %mul3A_1 : i32
    "tpu.region"() ({
      %run_scoped3A = tpu.sem_alloc : memref<!tpu.dma_semaphore, #tpu.memory_space<semaphore_mem>>
      tpu.enqueue_dma source(%arg5 : memref<80x128xf32, #tpu.memory_space<hbm>>) target(%arg9 : memref<80x128xf32, #tpu.memory_space<vmem>>) target_semaphore(%run_scoped3A : memref<!tpu.dma_semaphore, #tpu.memory_space<semaphore_mem>>)
      tpu.wait_dma2 semaphore(%run_scoped3A : memref<!tpu.dma_semaphore, #tpu.memory_space<semaphore_mem>>) src(%arg5 : memref<80x128xf32, #tpu.memory_space<hbm>>) dst(%arg9 : memref<80x128xf32, #tpu.memory_space<vmem>>)
      tpu.yield
    }) : () -> ()
    %add3A_3 = arith.constant 0 : i32
    %add3A_4 = arith.addi %mul3A_2, %add3A_3 : i32
    "tpu.region"() ({
      %run_scoped3A = tpu.sem_alloc : memref<!tpu.dma_semaphore, #tpu.memory_space<semaphore_mem>>
      %dma_start3A = arith.constant 0 : i32
      %dma_start3A_59 = tpu.memref_slice %arg10[%add3A_4, %dma_start3A] : memref<10000x128xf32, #tpu.memory_space<vmem_shared>> -> memref<80x128xf32, #tpu.memory_space<vmem_shared>>
      %dma_start3A_60 = arith.constant 0 : i32
      %dma_start3A_61 = tpu.memref_slice %arg10[%add3A_4, %dma_start3A_60] : memref<10000x128xf32, #tpu.memory_space<vmem_shared>> -> memref<80x128xf32, #tpu.memory_space<vmem_shared>>
      tpu.enqueue_dma source(%arg9 : memref<80x128xf32, #tpu.memory_space<vmem>>) target(%dma_start3A_61 : memref<80x128xf32, #tpu.memory_space<vmem_shared>>) target_semaphore(%run_scoped3A : memref<!tpu.dma_semaphore, #tpu.memory_space<semaphore_mem>>)
      %dma_wait3A = arith.constant 0 : i32
      %dma_wait3A_62 = tpu.memref_slice %arg10[%add3A_4, %dma_wait3A] : memref<10000x128xf32, #tpu.memory_space<vmem_shared>> -> memref<80x128xf32, #tpu.memory_space<vmem_shared>>
      %dma_wait3A_63 = arith.constant 0 : i32
      %dma_wait3A_64 = tpu.memref_slice %arg10[%add3A_4, %dma_wait3A_63] : memref<10000x128xf32, #tpu.memory_space<vmem_shared>> -> memref<80x128xf32, #tpu.memory_space<vmem_shared>>
      tpu.wait_dma2 semaphore(%run_scoped3A : memref<!tpu.dma_semaphore, #tpu.memory_space<semaphore_mem>>) src(%arg9 : memref<80x128xf32, #tpu.memory_space<vmem>>) dst(%dma_wait3A_64 : memref<80x128xf32, #tpu.memory_space<vmem_shared>>)
      tpu.yield
    }) : () -> ()
    %add3A_5 = arith.constant 80 : i32
    %add3A_6 = arith.addi %mul3A_2, %add3A_5 : i32
    "tpu.region"() ({
      %run_scoped3A = tpu.sem_alloc : memref<!tpu.dma_semaphore, #tpu.memory_space<semaphore_mem>>
      %dma_start3A = arith.constant 0 : i32
      %dma_start3A_59 = tpu.memref_slice %arg10[%add3A_6, %dma_start3A] : memref<10000x128xf32, #tpu.memory_space<vmem_shared>> -> memref<80x128xf32, #tpu.memory_space<vmem_shared>>
      %dma_start3A_60 = arith.constant 0 : i32
      %dma_start3A_61 = tpu.memref_slice %arg10[%add3A_6, %dma_start3A_60] : memref<10000x128xf32, #tpu.memory_space<vmem_shared>> -> memref<80x128xf32, #tpu.memory_space<vmem_shared>>
      tpu.enqueue_dma source(%arg9 : memref<80x128xf32, #tpu.memory_space<vmem>>) target(%dma_start3A_61 : memref<80x128xf32, #tpu.memory_space<vmem_shared>>) target_semaphore(%run_scoped3A : memref<!tpu.dma_semaphore, #tpu.memory_space<semaphore_mem>>)
      %dma_wait3A = arith.constant 0 : i32
      %dma_wait3A_62 = tpu.memref_slice %arg10[%add3A_6, %dma_wait3A] : memref<10000x128xf32, #tpu.memory_space<vmem_shared>> -> memref<80x128xf32, #tpu.memory_space<vmem_shared>>
      %dma_wait3A_63 = arith.constant 0 : i32
      %dma_wait3A_64 = tpu.memref_slice %arg10[%add3A_6, %dma_wait3A_63] : memref<10000x128xf32, #tpu.memory_space<vmem_shared>> -> memref<80x128xf32, #tpu.memory_space<vmem_shared>>
      tpu.wait_dma2 semaphore(%run_scoped3A : memref<!tpu.dma_semaphore, #tpu.memory_space<semaphore_mem>>) src(%arg9 : memref<80x128xf32, #tpu.memory_space<vmem>>) dst(%dma_wait3A_64 : memref<80x128xf32, #tpu.memory_space<vmem_shared>>)
      tpu.yield
    }) : () -> ()
    %add3A_7 = arith.constant 160 : i32
    %add3A_8 = arith.addi %mul3A_2, %add3A_7 : i32
    "tpu.region"() ({
      %run_scoped3A = tpu.sem_alloc : memref<!tpu.dma_semaphore, #tpu.memory_space<semaphore_mem>>
      %dma_start3A = arith.constant 0 : i32
      %dma_start3A_59 = tpu.memref_slice %arg10[%add3A_8, %dma_start3A] : memref<10000x128xf32, #tpu.memory_space<vmem_shared>> -> memref<80x128xf32, #tpu.memory_space<vmem_shared>>
      %dma_start3A_60 = arith.constant 0 : i32
      %dma_start3A_61 = tpu.memref_slice %arg10[%add3A_8, %dma_start3A_60] : memref<10000x128xf32, #tpu.memory_space<vmem_shared>> -> memref<80x128xf32, #tpu.memory_space<vmem_shared>>
      tpu.enqueue_dma source(%arg9 : memref<80x128xf32, #tpu.memory_space<vmem>>) target(%dma_start3A_61 : memref<80x128xf32, #tpu.memory_space<vmem_shared>>) target_semaphore(%run_scoped3A : memref<!tpu.dma_semaphore, #tpu.memory_space<semaphore_mem>>)
      %dma_wait3A = arith.constant 0 : i32
      %dma_wait3A_62 = tpu.memref_slice %arg10[%add3A_8, %dma_wait3A] : memref<10000x128xf32, #tpu.memory_space<vmem_shared>> -> memref<80x128xf32, #tpu.memory_space<vmem_shared>>
      %dma_wait3A_63 = arith.constant 0 : i32
      %dma_wait3A_64 = tpu.memref_slice %arg10[%add3A_8, %dma_wait3A_63] : memref<10000x128xf32, #tpu.memory_space<vmem_shared>> -> memref<80x128xf32, #tpu.memory_space<vmem_shared>>
      tpu.wait_dma2 semaphore(%run_scoped3A : memref<!tpu.dma_semaphore, #tpu.memory_space<semaphore_mem>>) src(%arg9 : memref<80x128xf32, #tpu.memory_space<vmem>>) dst(%dma_wait3A_64 : memref<80x128xf32, #tpu.memory_space<vmem_shared>>)
      tpu.yield
    }) : () -> ()
    %add3A_9 = arith.constant 240 : i32
    %add3A_10 = arith.addi %mul3A_2, %add3A_9 : i32
    "tpu.region"() ({
      %run_scoped3A = tpu.sem_alloc : memref<!tpu.dma_semaphore, #tpu.memory_space<semaphore_mem>>
      %dma_start3A = arith.constant 0 : i32
      %dma_start3A_59 = tpu.memref_slice %arg10[%add3A_10, %dma_start3A] : memref<10000x128xf32, #tpu.memory_space<vmem_shared>> -> memref<80x128xf32, #tpu.memory_space<vmem_shared>>
      %dma_start3A_60 = arith.constant 0 : i32
      %dma_start3A_61 = tpu.memref_slice %arg10[%add3A_10, %dma_start3A_60] : memref<10000x128xf32, #tpu.memory_space<vmem_shared>> -> memref<80x128xf32, #tpu.memory_space<vmem_shared>>
      tpu.enqueue_dma source(%arg9 : memref<80x128xf32, #tpu.memory_space<vmem>>) target(%dma_start3A_61 : memref<80x128xf32, #tpu.memory_space<vmem_shared>>) target_semaphore(%run_scoped3A : memref<!tpu.dma_semaphore, #tpu.memory_space<semaphore_mem>>)
      %dma_wait3A = arith.constant 0 : i32
      %dma_wait3A_62 = tpu.memref_slice %arg10[%add3A_10, %dma_wait3A] : memref<10000x128xf32, #tpu.memory_space<vmem_shared>> -> memref<80x128xf32, #tpu.memory_space<vmem_shared>>
      %dma_wait3A_63 = arith.constant 0 : i32
      %dma_wait3A_64 = tpu.memref_slice %arg10[%add3A_10, %dma_wait3A_63] : memref<10000x128xf32, #tpu.memory_space<vmem_shared>> -> memref<80x128xf32, #tpu.memory_space<vmem_shared>>
      tpu.wait_dma2 semaphore(%run_scoped3A : memref<!tpu.dma_semaphore, #tpu.memory_space<semaphore_mem>>) src(%arg9 : memref<80x128xf32, #tpu.memory_space<vmem>>) dst(%dma_wait3A_64 : memref<80x128xf32, #tpu.memory_space<vmem_shared>>)
      tpu.yield
    }) : () -> ()
    %add3A_11 = arith.constant 320 : i32
    %add3A_12 = arith.addi %mul3A_2, %add3A_11 : i32
    "tpu.region"() ({
      %run_scoped3A = tpu.sem_alloc : memref<!tpu.dma_semaphore, #tpu.memory_space<semaphore_mem>>
      %dma_start3A = arith.constant 0 : i32
      %dma_start3A_59 = tpu.memref_slice %arg10[%add3A_12, %dma_start3A] : memref<10000x128xf32, #tpu.memory_space<vmem_shared>> -> memref<80x128xf32, #tpu.memory_space<vmem_shared>>
      %dma_start3A_60 = arith.constant 0 : i32
      %dma_start3A_61 = tpu.memref_slice %arg10[%add3A_12, %dma_start3A_60] : memref<10000x128xf32, #tpu.memory_space<vmem_shared>> -> memref<80x128xf32, #tpu.memory_space<vmem_shared>>
      tpu.enqueue_dma source(%arg9 : memref<80x128xf32, #tpu.memory_space<vmem>>) target(%dma_start3A_61 : memref<80x128xf32, #tpu.memory_space<vmem_shared>>) target_semaphore(%run_scoped3A : memref<!tpu.dma_semaphore, #tpu.memory_space<semaphore_mem>>)
      %dma_wait3A = arith.constant 0 : i32
      %dma_wait3A_62 = tpu.memref_slice %arg10[%add3A_12, %dma_wait3A] : memref<10000x128xf32, #tpu.memory_space<vmem_shared>> -> memref<80x128xf32, #tpu.memory_space<vmem_shared>>
      %dma_wait3A_63 = arith.constant 0 : i32
      %dma_wait3A_64 = tpu.memref_slice %arg10[%add3A_12, %dma_wait3A_63] : memref<10000x128xf32, #tpu.memory_space<vmem_shared>> -> memref<80x128xf32, #tpu.memory_space<vmem_shared>>
      tpu.wait_dma2 semaphore(%run_scoped3A : memref<!tpu.dma_semaphore, #tpu.memory_space<semaphore_mem>>) src(%arg9 : memref<80x128xf32, #tpu.memory_space<vmem>>) dst(%dma_wait3A_64 : memref<80x128xf32, #tpu.memory_space<vmem_shared>>)
      tpu.yield
    }) : () -> ()
    %add3A_13 = arith.constant 400 : i32
    %add3A_14 = arith.addi %mul3A_2, %add3A_13 : i32
    "tpu.region"() ({
      %run_scoped3A = tpu.sem_alloc : memref<!tpu.dma_semaphore, #tpu.memory_space<semaphore_mem>>
      %dma_start3A = arith.constant 0 : i32
      %dma_start3A_59 = tpu.memref_slice %arg10[%add3A_14, %dma_start3A] : memref<10000x128xf32, #tpu.memory_space<vmem_shared>> -> memref<80x128xf32, #tpu.memory_space<vmem_shared>>
      %dma_start3A_60 = arith.constant 0 : i32
      %dma_start3A_61 = tpu.memref_slice %arg10[%add3A_14, %dma_start3A_60] : memref<10000x128xf32, #tpu.memory_space<vmem_shared>> -> memref<80x128xf32, #tpu.memory_space<vmem_shared>>
      tpu.enqueue_dma source(%arg9 : memref<80x128xf32, #tpu.memory_space<vmem>>) target(%dma_start3A_61 : memref<80x128xf32, #tpu.memory_space<vmem_shared>>) target_semaphore(%run_scoped3A : memref<!tpu.dma_semaphore, #tpu.memory_space<semaphore_mem>>)
      %dma_wait3A = arith.constant 0 : i32
      %dma_wait3A_62 = tpu.memref_slice %arg10[%add3A_14, %dma_wait3A] : memref<10000x128xf32, #tpu.memory_space<vmem_shared>> -> memref<80x128xf32, #tpu.memory_space<vmem_shared>>
      %dma_wait3A_63 = arith.constant 0 : i32
      %dma_wait3A_64 = tpu.memref_slice %arg10[%add3A_14, %dma_wait3A_63] : memref<10000x128xf32, #tpu.memory_space<vmem_shared>> -> memref<80x128xf32, #tpu.memory_space<vmem_shared>>
      tpu.wait_dma2 semaphore(%run_scoped3A : memref<!tpu.dma_semaphore, #tpu.memory_space<semaphore_mem>>) src(%arg9 : memref<80x128xf32, #tpu.memory_space<vmem>>) dst(%dma_wait3A_64 : memref<80x128xf32, #tpu.memory_space<vmem_shared>>)
      tpu.yield
    }) : () -> ()
    %add3A_15 = arith.constant 480 : i32
    %add3A_16 = arith.addi %mul3A_2, %add3A_15 : i32
    "tpu.region"() ({
      %run_scoped3A = tpu.sem_alloc : memref<!tpu.dma_semaphore, #tpu.memory_space<semaphore_mem>>
      %dma_start3A = arith.constant 0 : i32
      %dma_start3A_59 = tpu.memref_slice %arg10[%add3A_16, %dma_start3A] : memref<10000x128xf32, #tpu.memory_space<vmem_shared>> -> memref<80x128xf32, #tpu.memory_space<vmem_shared>>
      %dma_start3A_60 = arith.constant 0 : i32
      %dma_start3A_61 = tpu.memref_slice %arg10[%add3A_16, %dma_start3A_60] : memref<10000x128xf32, #tpu.memory_space<vmem_shared>> -> memref<80x128xf32, #tpu.memory_space<vmem_shared>>
      tpu.enqueue_dma source(%arg9 : memref<80x128xf32, #tpu.memory_space<vmem>>) target(%dma_start3A_61 : memref<80x128xf32, #tpu.memory_space<vmem_shared>>) target_semaphore(%run_scoped3A : memref<!tpu.dma_semaphore, #tpu.memory_space<semaphore_mem>>)
      %dma_wait3A = arith.constant 0 : i32
      %dma_wait3A_62 = tpu.memref_slice %arg10[%add3A_16, %dma_wait3A] : memref<10000x128xf32, #tpu.memory_space<vmem_shared>> -> memref<80x128xf32, #tpu.memory_space<vmem_shared>>
      %dma_wait3A_63 = arith.constant 0 : i32
      %dma_wait3A_64 = tpu.memref_slice %arg10[%add3A_16, %dma_wait3A_63] : memref<10000x128xf32, #tpu.memory_space<vmem_shared>> -> memref<80x128xf32, #tpu.memory_space<vmem_shared>>
      tpu.wait_dma2 semaphore(%run_scoped3A : memref<!tpu.dma_semaphore, #tpu.memory_space<semaphore_mem>>) src(%arg9 : memref<80x128xf32, #tpu.memory_space<vmem>>) dst(%dma_wait3A_64 : memref<80x128xf32, #tpu.memory_space<vmem_shared>>)
      tpu.yield
    }) : () -> ()
    %add3A_17 = arith.constant 560 : i32
    %add3A_18 = arith.addi %mul3A_2, %add3A_17 : i32
    "tpu.region"() ({
      %run_scoped3A = tpu.sem_alloc : memref<!tpu.dma_semaphore, #tpu.memory_space<semaphore_mem>>
      %dma_start3A = arith.constant 0 : i32
      %dma_start3A_59 = tpu.memref_slice %arg10[%add3A_18, %dma_start3A] : memref<10000x128xf32, #tpu.memory_space<vmem_shared>> -> memref<80x128xf32, #tpu.memory_space<vmem_shared>>
      %dma_start3A_60 = arith.constant 0 : i32
      %dma_start3A_61 = tpu.memref_slice %arg10[%add3A_18, %dma_start3A_60] : memref<10000x128xf32, #tpu.memory_space<vmem_shared>> -> memref<80x128xf32, #tpu.memory_space<vmem_shared>>
      tpu.enqueue_dma source(%arg9 : memref<80x128xf32, #tpu.memory_space<vmem>>) target(%dma_start3A_61 : memref<80x128xf32, #tpu.memory_space<vmem_shared>>) target_semaphore(%run_scoped3A : memref<!tpu.dma_semaphore, #tpu.memory_space<semaphore_mem>>)
      %dma_wait3A = arith.constant 0 : i32
      %dma_wait3A_62 = tpu.memref_slice %arg10[%add3A_18, %dma_wait3A] : memref<10000x128xf32, #tpu.memory_space<vmem_shared>> -> memref<80x128xf32, #tpu.memory_space<vmem_shared>>
      %dma_wait3A_63 = arith.constant 0 : i32
      %dma_wait3A_64 = tpu.memref_slice %arg10[%add3A_18, %dma_wait3A_63] : memref<10000x128xf32, #tpu.memory_space<vmem_shared>> -> memref<80x128xf32, #tpu.memory_space<vmem_shared>>
      tpu.wait_dma2 semaphore(%run_scoped3A : memref<!tpu.dma_semaphore, #tpu.memory_space<semaphore_mem>>) src(%arg9 : memref<80x128xf32, #tpu.memory_space<vmem>>) dst(%dma_wait3A_64 : memref<80x128xf32, #tpu.memory_space<vmem_shared>>)
      tpu.yield
    }) : () -> ()
    %barrier3A = arith.constant 0 : index
    tpu.barrier barrier_id(%barrier3A)
    %mul3A_19 = arith.constant 10000 : i32
    %mul3A_20 = arith.muli %add3A, %mul3A_19 : i32
    %scan3A = arith.constant 0 : i32
    %scan3A_21 = arith.constant 0 : i32
    %scan3A_22 = arith.constant 125 : i32
    %scan3A_23 = arith.addi %scan3A_21, %scan3A_22 : i32
    %scan3A_24 = arith.constant 1 : i32
    scf.for %scan3A_59 = %scan3A_21 to %scan3A_23 step %scan3A_24  : i32 {
      %mul3A_60 = arith.constant 80 : i32
      %mul3A_61 = arith.muli %scan3A_59, %mul3A_60 : i32
      %add3A_62 = arith.addi %mul3A_20, %mul3A_61 : i32
      "tpu.region"() ({
        %run_scoped3A = tpu.sem_alloc : memref<!tpu.dma_semaphore, #tpu.memory_space<semaphore_mem>>
        %dma_start3A_67 = tpu.memref_slice %arg4[%add3A_62] : memref<320000xi32, #tpu.memory_space<hbm>> -> memref<80xi32, #tpu.memory_space<hbm>>
        %dma_start3A_68 = tpu.memref_slice %arg4[%add3A_62] : memref<320000xi32, #tpu.memory_space<hbm>> -> memref<80xi32, #tpu.memory_space<hbm>>
        tpu.enqueue_dma source(%dma_start3A_68 : memref<80xi32, #tpu.memory_space<hbm>>) target(%arg8 : memref<80xi32, #tpu.memory_space<vmem>>) target_semaphore(%run_scoped3A : memref<!tpu.dma_semaphore, #tpu.memory_space<semaphore_mem>>)
        %dma_wait3A_69 = tpu.memref_slice %arg4[%add3A_62] : memref<320000xi32, #tpu.memory_space<hbm>> -> memref<80xi32, #tpu.memory_space<hbm>>
        %dma_wait3A_70 = tpu.memref_slice %arg4[%add3A_62] : memref<320000xi32, #tpu.memory_space<hbm>> -> memref<80xi32, #tpu.memory_space<hbm>>
        tpu.wait_dma2 semaphore(%run_scoped3A : memref<!tpu.dma_semaphore, #tpu.memory_space<semaphore_mem>>) src(%dma_wait3A_70 : memref<80xi32, #tpu.memory_space<hbm>>) dst(%arg8 : memref<80xi32, #tpu.memory_space<vmem>>)
        tpu.yield
      }) : () -> ()
      "tpu.region"() ({
        %run_scoped3A = tpu.sem_alloc : memref<!tpu.dma_semaphore, #tpu.memory_space<semaphore_mem>>
        %dma_start3A_67 = tpu.memref_slice %arg3[%add3A_62] : memref<320000xi32, #tpu.memory_space<hbm>> -> memref<80xi32, #tpu.memory_space<hbm>>
        %dma_start3A_68 = tpu.memref_slice %arg3[%add3A_62] : memref<320000xi32, #tpu.memory_space<hbm>> -> memref<80xi32, #tpu.memory_space<hbm>>
        tpu.enqueue_dma source(%dma_start3A_68 : memref<80xi32, #tpu.memory_space<hbm>>) target(%arg7 : memref<80xi32, #tpu.memory_space<vmem>>) target_semaphore(%run_scoped3A : memref<!tpu.dma_semaphore, #tpu.memory_space<semaphore_mem>>)
        %dma_wait3A_69 = tpu.memref_slice %arg3[%add3A_62] : memref<320000xi32, #tpu.memory_space<hbm>> -> memref<80xi32, #tpu.memory_space<hbm>>
        %dma_wait3A_70 = tpu.memref_slice %arg3[%add3A_62] : memref<320000xi32, #tpu.memory_space<hbm>> -> memref<80xi32, #tpu.memory_space<hbm>>
        tpu.wait_dma2 semaphore(%run_scoped3A : memref<!tpu.dma_semaphore, #tpu.memory_space<semaphore_mem>>) src(%dma_wait3A_70 : memref<80xi32, #tpu.memory_space<hbm>>) dst(%arg7 : memref<80xi32, #tpu.memory_space<vmem>>)
        tpu.yield
      }) : () -> ()
      %dma_start3A = arith.constant 0 : i32
      %dma_start3A_63 = arith.constant 0 : i32
      %dma_start3A_64 = tpu.memref_slice %arg2[%dma_start3A, %dma_start3A_63] : memref<10000x128xf32, #tpu.memory_space<hbm>> -> memref<10000x128xf32, #tpu.memory_space<hbm>>
      tpu.enqueue_indirect_dma source(%dma_start3A_64 : memref<10000x128xf32, #tpu.memory_space<hbm>>) target(%arg9 : memref<80x128xf32, #tpu.memory_space<vmem>>) offsets(%arg7 : memref<80xi32, #tpu.memory_space<vmem>>) semaphore(%arg11 : memref<!tpu.dma_semaphore, #tpu.memory_space<semaphore_mem>>)
      %dma_wait3A = arith.constant 0 : i32
      %dma_wait3A_65 = arith.constant 0 : i32
      %dma_wait3A_66 = tpu.memref_slice %arg2[%dma_wait3A, %dma_wait3A_65] : memref<10000x128xf32, #tpu.memory_space<hbm>> -> memref<10000x128xf32, #tpu.memory_space<hbm>>
      tpu.wait_indirect_dma semaphore(%arg11 : memref<!tpu.dma_semaphore, #tpu.memory_space<semaphore_mem>>) src(%dma_wait3A_66 : memref<10000x128xf32, #tpu.memory_space<hbm>>) dst(%arg9 : memref<80x128xf32, #tpu.memory_space<vmem>>)
      "tpu.region"() ({
        %run_scoped3A = tpu.sem_alloc : memref<!tpu.dma_semaphore, #tpu.memory_space<semaphore_mem>>
        %dma_start3A_67 = arith.constant 0 : i32
        %dma_start3A_68 = arith.constant 0 : i32
        %dma_start3A_69 = tpu.memref_slice %arg10[%dma_start3A_67, %dma_start3A_68] : memref<10000x128xf32, #tpu.memory_space<vmem_shared>> -> memref<10000x128xf32, #tpu.memory_space<vmem_shared>>
        tpu.enqueue_indirect_dma source(%arg9 : memref<80x128xf32, #tpu.memory_space<vmem>>) target(%dma_start3A_69 : memref<10000x128xf32, #tpu.memory_space<vmem_shared>>) offsets(%arg8 : memref<80xi32, #tpu.memory_space<vmem>>) semaphore(%run_scoped3A : memref<!tpu.dma_semaphore, #tpu.memory_space<semaphore_mem>>) {add = true}
        %dma_wait3A_70 = arith.constant 0 : i32
        %dma_wait3A_71 = arith.constant 0 : i32
        %dma_wait3A_72 = tpu.memref_slice %arg10[%dma_wait3A_70, %dma_wait3A_71] : memref<10000x128xf32, #tpu.memory_space<vmem_shared>> -> memref<10000x128xf32, #tpu.memory_space<vmem_shared>>
        tpu.wait_indirect_dma semaphore(%run_scoped3A : memref<!tpu.dma_semaphore, #tpu.memory_space<semaphore_mem>>) src(%arg9 : memref<80x128xf32, #tpu.memory_space<vmem>>) dst(%dma_wait3A_72 : memref<10000x128xf32, #tpu.memory_space<vmem_shared>>)
        tpu.yield
      }) : () -> ()
    }
    %scan3A_25 = arith.constant 125 : i32
    %barrier3A_26 = arith.constant 0 : index
    tpu.barrier barrier_id(%barrier3A_26)
    %add3A_27 = arith.constant 0 : i32
    %add3A_28 = arith.addi %mul3A_2, %add3A_27 : i32
    "tpu.region"() ({
      %run_scoped3A = tpu.sem_alloc : memref<!tpu.dma_semaphore, #tpu.memory_space<semaphore_mem>>
      %dma_start3A = arith.constant 0 : i32
      %dma_start3A_59 = tpu.memref_slice %arg10[%add3A_28, %dma_start3A] : memref<10000x128xf32, #tpu.memory_space<vmem_shared>> -> memref<80x128xf32, #tpu.memory_space<vmem_shared>>
      %dma_start3A_60 = arith.constant 0 : i32
      %dma_start3A_61 = tpu.memref_slice %arg10[%add3A_28, %dma_start3A_60] : memref<10000x128xf32, #tpu.memory_space<vmem_shared>> -> memref<80x128xf32, #tpu.memory_space<vmem_shared>>
      tpu.enqueue_dma source(%dma_start3A_61 : memref<80x128xf32, #tpu.memory_space<vmem_shared>>) target(%arg9 : memref<80x128xf32, #tpu.memory_space<vmem>>) target_semaphore(%run_scoped3A : memref<!tpu.dma_semaphore, #tpu.memory_space<semaphore_mem>>)
      %dma_wait3A = arith.constant 0 : i32
      %dma_wait3A_62 = tpu.memref_slice %arg10[%add3A_28, %dma_wait3A] : memref<10000x128xf32, #tpu.memory_space<vmem_shared>> -> memref<80x128xf32, #tpu.memory_space<vmem_shared>>
      %dma_wait3A_63 = arith.constant 0 : i32
      %dma_wait3A_64 = tpu.memref_slice %arg10[%add3A_28, %dma_wait3A_63] : memref<10000x128xf32, #tpu.memory_space<vmem_shared>> -> memref<80x128xf32, #tpu.memory_space<vmem_shared>>
      tpu.wait_dma2 semaphore(%run_scoped3A : memref<!tpu.dma_semaphore, #tpu.memory_space<semaphore_mem>>) src(%dma_wait3A_64 : memref<80x128xf32, #tpu.memory_space<vmem_shared>>) dst(%arg9 : memref<80x128xf32, #tpu.memory_space<vmem>>)
      tpu.yield
    }) : () -> ()
    %add3A_29 = arith.constant 0 : i32
    %add3A_30 = arith.addi %mul3A_2, %add3A_29 : i32
    "tpu.region"() ({
      %run_scoped3A = tpu.sem_alloc : memref<!tpu.dma_semaphore, #tpu.memory_space<semaphore_mem>>
      %dma_start3A = arith.constant 0 : i32
      %dma_start3A_59 = tpu.memref_slice %arg6[%arg0, %add3A_30, %dma_start3A] : memref<2x10000x128xf32, #tpu.memory_space<hbm>> -> memref<1x80x128xf32, #tpu.memory_space<hbm>>
      %dma_start3A_60 = tpu.memref_squeeze %dma_start3A_59 : memref<1x80x128xf32, #tpu.memory_space<hbm>> -> memref<80x128xf32, #tpu.memory_space<hbm>>
      %dma_start3A_61 = arith.constant 0 : i32
      %dma_start3A_62 = tpu.memref_slice %arg6[%arg0, %add3A_30, %dma_start3A_61] : memref<2x10000x128xf32, #tpu.memory_space<hbm>> -> memref<1x80x128xf32, #tpu.memory_space<hbm>>
      %dma_start3A_63 = tpu.memref_squeeze %dma_start3A_62 : memref<1x80x128xf32, #tpu.memory_space<hbm>> -> memref<80x128xf32, #tpu.memory_space<hbm>>
      tpu.enqueue_dma source(%arg9 : memref<80x128xf32, #tpu.memory_space<vmem>>) target(%dma_start3A_63 : memref<80x128xf32, #tpu.memory_space<hbm>>) target_semaphore(%run_scoped3A : memref<!tpu.dma_semaphore, #tpu.memory_space<semaphore_mem>>)
      %dma_wait3A = arith.constant 0 : i32
      %dma_wait3A_64 = tpu.memref_slice %arg6[%arg0, %add3A_30, %dma_wait3A] : memref<2x10000x128xf32, #tpu.memory_space<hbm>> -> memref<1x80x128xf32, #tpu.memory_space<hbm>>
      %dma_wait3A_65 = tpu.memref_squeeze %dma_wait3A_64 : memref<1x80x128xf32, #tpu.memory_space<hbm>> -> memref<80x128xf32, #tpu.memory_space<hbm>>
      %dma_wait3A_66 = arith.constant 0 : i32
      %dma_wait3A_67 = tpu.memref_slice %arg6[%arg0, %add3A_30, %dma_wait3A_66] : memref<2x10000x128xf32, #tpu.memory_space<hbm>> -> memref<1x80x128xf32, #tpu.memory_space<hbm>>
      %dma_wait3A_68 = tpu.memref_squeeze %dma_wait3A_67 : memref<1x80x128xf32, #tpu.memory_space<hbm>> -> memref<80x128xf32, #tpu.memory_space<hbm>>
      tpu.wait_dma2 semaphore(%run_scoped3A : memref<!tpu.dma_semaphore, #tpu.memory_space<semaphore_mem>>) src(%arg9 : memref<80x128xf32, #tpu.memory_space<vmem>>) dst(%dma_wait3A_68 : memref<80x128xf32, #tpu.memory_space<hbm>>)
      tpu.yield
    }) : () -> ()
    %add3A_31 = arith.constant 80 : i32
    %add3A_32 = arith.addi %mul3A_2, %add3A_31 : i32
    "tpu.region"() ({
      %run_scoped3A = tpu.sem_alloc : memref<!tpu.dma_semaphore, #tpu.memory_space<semaphore_mem>>
      %dma_start3A = arith.constant 0 : i32
      %dma_start3A_59 = tpu.memref_slice %arg10[%add3A_32, %dma_start3A] : memref<10000x128xf32, #tpu.memory_space<vmem_shared>> -> memref<80x128xf32, #tpu.memory_space<vmem_shared>>
      %dma_start3A_60 = arith.constant 0 : i32
      %dma_start3A_61 = tpu.memref_slice %arg10[%add3A_32, %dma_start3A_60] : memref<10000x128xf32, #tpu.memory_space<vmem_shared>> -> memref<80x128xf32, #tpu.memory_space<vmem_shared>>
      tpu.enqueue_dma source(%dma_start3A_61 : memref<80x128xf32, #tpu.memory_space<vmem_shared>>) target(%arg9 : memref<80x128xf32, #tpu.memory_space<vmem>>) target_semaphore(%run_scoped3A : memref<!tpu.dma_semaphore, #tpu.memory_space<semaphore_mem>>)
      %dma_wait3A = arith.constant 0 : i32
      %dma_wait3A_62 = tpu.memref_slice %arg10[%add3A_32, %dma_wait3A] : memref<10000x128xf32, #tpu.memory_space<vmem_shared>> -> memref<80x128xf32, #tpu.memory_space<vmem_shared>>
      %dma_wait3A_63 = arith.constant 0 : i32
      %dma_wait3A_64 = tpu.memref_slice %arg10[%add3A_32, %dma_wait3A_63] : memref<10000x128xf32, #tpu.memory_space<vmem_shared>> -> memref<80x128xf32, #tpu.memory_space<vmem_shared>>
      tpu.wait_dma2 semaphore(%run_scoped3A : memref<!tpu.dma_semaphore, #tpu.memory_space<semaphore_mem>>) src(%dma_wait3A_64 : memref<80x128xf32, #tpu.memory_space<vmem_shared>>) dst(%arg9 : memref<80x128xf32, #tpu.memory_space<vmem>>)
      tpu.yield
    }) : () -> ()
    %add3A_33 = arith.constant 80 : i32
    %add3A_34 = arith.addi %mul3A_2, %add3A_33 : i32
    "tpu.region"() ({
      %run_scoped3A = tpu.sem_alloc : memref<!tpu.dma_semaphore, #tpu.memory_space<semaphore_mem>>
      %dma_start3A = arith.constant 0 : i32
      %dma_start3A_59 = tpu.memref_slice %arg6[%arg0, %add3A_34, %dma_start3A] : memref<2x10000x128xf32, #tpu.memory_space<hbm>> -> memref<1x80x128xf32, #tpu.memory_space<hbm>>
      %dma_start3A_60 = tpu.memref_squeeze %dma_start3A_59 : memref<1x80x128xf32, #tpu.memory_space<hbm>> -> memref<80x128xf32, #tpu.memory_space<hbm>>
      %dma_start3A_61 = arith.constant 0 : i32
      %dma_start3A_62 = tpu.memref_slice %arg6[%arg0, %add3A_34, %dma_start3A_61] : memref<2x10000x128xf32, #tpu.memory_space<hbm>> -> memref<1x80x128xf32, #tpu.memory_space<hbm>>
      %dma_start3A_63 = tpu.memref_squeeze %dma_start3A_62 : memref<1x80x128xf32, #tpu.memory_space<hbm>> -> memref<80x128xf32, #tpu.memory_space<hbm>>
      tpu.enqueue_dma source(%arg9 : memref<80x128xf32, #tpu.memory_space<vmem>>) target(%dma_start3A_63 : memref<80x128xf32, #tpu.memory_space<hbm>>) target_semaphore(%run_scoped3A : memref<!tpu.dma_semaphore, #tpu.memory_space<semaphore_mem>>)
      %dma_wait3A = arith.constant 0 : i32
      %dma_wait3A_64 = tpu.memref_slice %arg6[%arg0, %add3A_34, %dma_wait3A] : memref<2x10000x128xf32, #tpu.memory_space<hbm>> -> memref<1x80x128xf32, #tpu.memory_space<hbm>>
      %dma_wait3A_65 = tpu.memref_squeeze %dma_wait3A_64 : memref<1x80x128xf32, #tpu.memory_space<hbm>> -> memref<80x128xf32, #tpu.memory_space<hbm>>
      %dma_wait3A_66 = arith.constant 0 : i32
      %dma_wait3A_67 = tpu.memref_slice %arg6[%arg0, %add3A_34, %dma_wait3A_66] : memref<2x10000x128xf32, #tpu.memory_space<hbm>> -> memref<1x80x128xf32, #tpu.memory_space<hbm>>
      %dma_wait3A_68 = tpu.memref_squeeze %dma_wait3A_67 : memref<1x80x128xf32, #tpu.memory_space<hbm>> -> memref<80x128xf32, #tpu.memory_space<hbm>>
      tpu.wait_dma2 semaphore(%run_scoped3A : memref<!tpu.dma_semaphore, #tpu.memory_space<semaphore_mem>>) src(%arg9 : memref<80x128xf32, #tpu.memory_space<vmem>>) dst(%dma_wait3A_68 : memref<80x128xf32, #tpu.memory_space<hbm>>)
      tpu.yield
    }) : () -> ()
    %add3A_35 = arith.constant 160 : i32
    %add3A_36 = arith.addi %mul3A_2, %add3A_35 : i32
    "tpu.region"() ({
      %run_scoped3A = tpu.sem_alloc : memref<!tpu.dma_semaphore, #tpu.memory_space<semaphore_mem>>
      %dma_start3A = arith.constant 0 : i32
      %dma_start3A_59 = tpu.memref_slice %arg10[%add3A_36, %dma_start3A] : memref<10000x128xf32, #tpu.memory_space<vmem_shared>> -> memref<80x128xf32, #tpu.memory_space<vmem_shared>>
      %dma_start3A_60 = arith.constant 0 : i32
      %dma_start3A_61 = tpu.memref_slice %arg10[%add3A_36, %dma_start3A_60] : memref<10000x128xf32, #tpu.memory_space<vmem_shared>> -> memref<80x128xf32, #tpu.memory_space<vmem_shared>>
      tpu.enqueue_dma source(%dma_start3A_61 : memref<80x128xf32, #tpu.memory_space<vmem_shared>>) target(%arg9 : memref<80x128xf32, #tpu.memory_space<vmem>>) target_semaphore(%run_scoped3A : memref<!tpu.dma_semaphore, #tpu.memory_space<semaphore_mem>>)
      %dma_wait3A = arith.constant 0 : i32
      %dma_wait3A_62 = tpu.memref_slice %arg10[%add3A_36, %dma_wait3A] : memref<10000x128xf32, #tpu.memory_space<vmem_shared>> -> memref<80x128xf32, #tpu.memory_space<vmem_shared>>
      %dma_wait3A_63 = arith.constant 0 : i32
      %dma_wait3A_64 = tpu.memref_slice %arg10[%add3A_36, %dma_wait3A_63] : memref<10000x128xf32, #tpu.memory_space<vmem_shared>> -> memref<80x128xf32, #tpu.memory_space<vmem_shared>>
      tpu.wait_dma2 semaphore(%run_scoped3A : memref<!tpu.dma_semaphore, #tpu.memory_space<semaphore_mem>>) src(%dma_wait3A_64 : memref<80x128xf32, #tpu.memory_space<vmem_shared>>) dst(%arg9 : memref<80x128xf32, #tpu.memory_space<vmem>>)
      tpu.yield
    }) : () -> ()
    %add3A_37 = arith.constant 160 : i32
    %add3A_38 = arith.addi %mul3A_2, %add3A_37 : i32
    "tpu.region"() ({
      %run_scoped3A = tpu.sem_alloc : memref<!tpu.dma_semaphore, #tpu.memory_space<semaphore_mem>>
      %dma_start3A = arith.constant 0 : i32
      %dma_start3A_59 = tpu.memref_slice %arg6[%arg0, %add3A_38, %dma_start3A] : memref<2x10000x128xf32, #tpu.memory_space<hbm>> -> memref<1x80x128xf32, #tpu.memory_space<hbm>>
      %dma_start3A_60 = tpu.memref_squeeze %dma_start3A_59 : memref<1x80x128xf32, #tpu.memory_space<hbm>> -> memref<80x128xf32, #tpu.memory_space<hbm>>
      %dma_start3A_61 = arith.constant 0 : i32
      %dma_start3A_62 = tpu.memref_slice %arg6[%arg0, %add3A_38, %dma_start3A_61] : memref<2x10000x128xf32, #tpu.memory_space<hbm>> -> memref<1x80x128xf32, #tpu.memory_space<hbm>>
      %dma_start3A_63 = tpu.memref_squeeze %dma_start3A_62 : memref<1x80x128xf32, #tpu.memory_space<hbm>> -> memref<80x128xf32, #tpu.memory_space<hbm>>
      tpu.enqueue_dma source(%arg9 : memref<80x128xf32, #tpu.memory_space<vmem>>) target(%dma_start3A_63 : memref<80x128xf32, #tpu.memory_space<hbm>>) target_semaphore(%run_scoped3A : memref<!tpu.dma_semaphore, #tpu.memory_space<semaphore_mem>>)
      %dma_wait3A = arith.constant 0 : i32
      %dma_wait3A_64 = tpu.memref_slice %arg6[%arg0, %add3A_38, %dma_wait3A] : memref<2x10000x128xf32, #tpu.memory_space<hbm>> -> memref<1x80x128xf32, #tpu.memory_space<hbm>>
      %dma_wait3A_65 = tpu.memref_squeeze %dma_wait3A_64 : memref<1x80x128xf32, #tpu.memory_space<hbm>> -> memref<80x128xf32, #tpu.memory_space<hbm>>
      %dma_wait3A_66 = arith.constant 0 : i32
      %dma_wait3A_67 = tpu.memref_slice %arg6[%arg0, %add3A_38, %dma_wait3A_66] : memref<2x10000x128xf32, #tpu.memory_space<hbm>> -> memref<1x80x128xf32, #tpu.memory_space<hbm>>
      %dma_wait3A_68 = tpu.memref_squeeze %dma_wait3A_67 : memref<1x80x128xf32, #tpu.memory_space<hbm>> -> memref<80x128xf32, #tpu.memory_space<hbm>>
      tpu.wait_dma2 semaphore(%run_scoped3A : memref<!tpu.dma_semaphore, #tpu.memory_space<semaphore_mem>>) src(%arg9 : memref<80x128xf32, #tpu.memory_space<vmem>>) dst(%dma_wait3A_68 : memref<80x128xf32, #tpu.memory_space<hbm>>)
      tpu.yield
    }) : () -> ()
    %add3A_39 = arith.constant 240 : i32
    %add3A_40 = arith.addi %mul3A_2, %add3A_39 : i32
    "tpu.region"() ({
      %run_scoped3A = tpu.sem_alloc : memref<!tpu.dma_semaphore, #tpu.memory_space<semaphore_mem>>
      %dma_start3A = arith.constant 0 : i32
      %dma_start3A_59 = tpu.memref_slice %arg10[%add3A_40, %dma_start3A] : memref<10000x128xf32, #tpu.memory_space<vmem_shared>> -> memref<80x128xf32, #tpu.memory_space<vmem_shared>>
      %dma_start3A_60 = arith.constant 0 : i32
      %dma_start3A_61 = tpu.memref_slice %arg10[%add3A_40, %dma_start3A_60] : memref<10000x128xf32, #tpu.memory_space<vmem_shared>> -> memref<80x128xf32, #tpu.memory_space<vmem_shared>>
      tpu.enqueue_dma source(%dma_start3A_61 : memref<80x128xf32, #tpu.memory_space<vmem_shared>>) target(%arg9 : memref<80x128xf32, #tpu.memory_space<vmem>>) target_semaphore(%run_scoped3A : memref<!tpu.dma_semaphore, #tpu.memory_space<semaphore_mem>>)
      %dma_wait3A = arith.constant 0 : i32
      %dma_wait3A_62 = tpu.memref_slice %arg10[%add3A_40, %dma_wait3A] : memref<10000x128xf32, #tpu.memory_space<vmem_shared>> -> memref<80x128xf32, #tpu.memory_space<vmem_shared>>
      %dma_wait3A_63 = arith.constant 0 : i32
      %dma_wait3A_64 = tpu.memref_slice %arg10[%add3A_40, %dma_wait3A_63] : memref<10000x128xf32, #tpu.memory_space<vmem_shared>> -> memref<80x128xf32, #tpu.memory_space<vmem_shared>>
      tpu.wait_dma2 semaphore(%run_scoped3A : memref<!tpu.dma_semaphore, #tpu.memory_space<semaphore_mem>>) src(%dma_wait3A_64 : memref<80x128xf32, #tpu.memory_space<vmem_shared>>) dst(%arg9 : memref<80x128xf32, #tpu.memory_space<vmem>>)
      tpu.yield
    }) : () -> ()
    %add3A_41 = arith.constant 240 : i32
    %add3A_42 = arith.addi %mul3A_2, %add3A_41 : i32
    "tpu.region"() ({
      %run_scoped3A = tpu.sem_alloc : memref<!tpu.dma_semaphore, #tpu.memory_space<semaphore_mem>>
      %dma_start3A = arith.constant 0 : i32
      %dma_start3A_59 = tpu.memref_slice %arg6[%arg0, %add3A_42, %dma_start3A] : memref<2x10000x128xf32, #tpu.memory_space<hbm>> -> memref<1x80x128xf32, #tpu.memory_space<hbm>>
      %dma_start3A_60 = tpu.memref_squeeze %dma_start3A_59 : memref<1x80x128xf32, #tpu.memory_space<hbm>> -> memref<80x128xf32, #tpu.memory_space<hbm>>
      %dma_start3A_61 = arith.constant 0 : i32
      %dma_start3A_62 = tpu.memref_slice %arg6[%arg0, %add3A_42, %dma_start3A_61] : memref<2x10000x128xf32, #tpu.memory_space<hbm>> -> memref<1x80x128xf32, #tpu.memory_space<hbm>>
      %dma_start3A_63 = tpu.memref_squeeze %dma_start3A_62 : memref<1x80x128xf32, #tpu.memory_space<hbm>> -> memref<80x128xf32, #tpu.memory_space<hbm>>
      tpu.enqueue_dma source(%arg9 : memref<80x128xf32, #tpu.memory_space<vmem>>) target(%dma_start3A_63 : memref<80x128xf32, #tpu.memory_space<hbm>>) target_semaphore(%run_scoped3A : memref<!tpu.dma_semaphore, #tpu.memory_space<semaphore_mem>>)
      %dma_wait3A = arith.constant 0 : i32
      %dma_wait3A_64 = tpu.memref_slice %arg6[%arg0, %add3A_42, %dma_wait3A] : memref<2x10000x128xf32, #tpu.memory_space<hbm>> -> memref<1x80x128xf32, #tpu.memory_space<hbm>>
      %dma_wait3A_65 = tpu.memref_squeeze %dma_wait3A_64 : memref<1x80x128xf32, #tpu.memory_space<hbm>> -> memref<80x128xf32, #tpu.memory_space<hbm>>
      %dma_wait3A_66 = arith.constant 0 : i32
      %dma_wait3A_67 = tpu.memref_slice %arg6[%arg0, %add3A_42, %dma_wait3A_66] : memref<2x10000x128xf32, #tpu.memory_space<hbm>> -> memref<1x80x128xf32, #tpu.memory_space<hbm>>
      %dma_wait3A_68 = tpu.memref_squeeze %dma_wait3A_67 : memref<1x80x128xf32, #tpu.memory_space<hbm>> -> memref<80x128xf32, #tpu.memory_space<hbm>>
      tpu.wait_dma2 semaphore(%run_scoped3A : memref<!tpu.dma_semaphore, #tpu.memory_space<semaphore_mem>>) src(%arg9 : memref<80x128xf32, #tpu.memory_space<vmem>>) dst(%dma_wait3A_68 : memref<80x128xf32, #tpu.memory_space<hbm>>)
      tpu.yield
    }) : () -> ()
    %add3A_43 = arith.constant 320 : i32
    %add3A_44 = arith.addi %mul3A_2, %add3A_43 : i32
    "tpu.region"() ({
      %run_scoped3A = tpu.sem_alloc : memref<!tpu.dma_semaphore, #tpu.memory_space<semaphore_mem>>
      %dma_start3A = arith.constant 0 : i32
      %dma_start3A_59 = tpu.memref_slice %arg10[%add3A_44, %dma_start3A] : memref<10000x128xf32, #tpu.memory_space<vmem_shared>> -> memref<80x128xf32, #tpu.memory_space<vmem_shared>>
      %dma_start3A_60 = arith.constant 0 : i32
      %dma_start3A_61 = tpu.memref_slice %arg10[%add3A_44, %dma_start3A_60] : memref<10000x128xf32, #tpu.memory_space<vmem_shared>> -> memref<80x128xf32, #tpu.memory_space<vmem_shared>>
      tpu.enqueue_dma source(%dma_start3A_61 : memref<80x128xf32, #tpu.memory_space<vmem_shared>>) target(%arg9 : memref<80x128xf32, #tpu.memory_space<vmem>>) target_semaphore(%run_scoped3A : memref<!tpu.dma_semaphore, #tpu.memory_space<semaphore_mem>>)
      %dma_wait3A = arith.constant 0 : i32
      %dma_wait3A_62 = tpu.memref_slice %arg10[%add3A_44, %dma_wait3A] : memref<10000x128xf32, #tpu.memory_space<vmem_shared>> -> memref<80x128xf32, #tpu.memory_space<vmem_shared>>
      %dma_wait3A_63 = arith.constant 0 : i32
      %dma_wait3A_64 = tpu.memref_slice %arg10[%add3A_44, %dma_wait3A_63] : memref<10000x128xf32, #tpu.memory_space<vmem_shared>> -> memref<80x128xf32, #tpu.memory_space<vmem_shared>>
      tpu.wait_dma2 semaphore(%run_scoped3A : memref<!tpu.dma_semaphore, #tpu.memory_space<semaphore_mem>>) src(%dma_wait3A_64 : memref<80x128xf32, #tpu.memory_space<vmem_shared>>) dst(%arg9 : memref<80x128xf32, #tpu.memory_space<vmem>>)
      tpu.yield
    }) : () -> ()
    %add3A_45 = arith.constant 320 : i32
    %add3A_46 = arith.addi %mul3A_2, %add3A_45 : i32
    "tpu.region"() ({
      %run_scoped3A = tpu.sem_alloc : memref<!tpu.dma_semaphore, #tpu.memory_space<semaphore_mem>>
      %dma_start3A = arith.constant 0 : i32
      %dma_start3A_59 = tpu.memref_slice %arg6[%arg0, %add3A_46, %dma_start3A] : memref<2x10000x128xf32, #tpu.memory_space<hbm>> -> memref<1x80x128xf32, #tpu.memory_space<hbm>>
      %dma_start3A_60 = tpu.memref_squeeze %dma_start3A_59 : memref<1x80x128xf32, #tpu.memory_space<hbm>> -> memref<80x128xf32, #tpu.memory_space<hbm>>
      %dma_start3A_61 = arith.constant 0 : i32
      %dma_start3A_62 = tpu.memref_slice %arg6[%arg0, %add3A_46, %dma_start3A_61] : memref<2x10000x128xf32, #tpu.memory_space<hbm>> -> memref<1x80x128xf32, #tpu.memory_space<hbm>>
      %dma_start3A_63 = tpu.memref_squeeze %dma_start3A_62 : memref<1x80x128xf32, #tpu.memory_space<hbm>> -> memref<80x128xf32, #tpu.memory_space<hbm>>
      tpu.enqueue_dma source(%arg9 : memref<80x128xf32, #tpu.memory_space<vmem>>) target(%dma_start3A_63 : memref<80x128xf32, #tpu.memory_space<hbm>>) target_semaphore(%run_scoped3A : memref<!tpu.dma_semaphore, #tpu.memory_space<semaphore_mem>>)
      %dma_wait3A = arith.constant 0 : i32
      %dma_wait3A_64 = tpu.memref_slice %arg6[%arg0, %add3A_46, %dma_wait3A] : memref<2x10000x128xf32, #tpu.memory_space<hbm>> -> memref<1x80x128xf32, #tpu.memory_space<hbm>>
      %dma_wait3A_65 = tpu.memref_squeeze %dma_wait3A_64 : memref<1x80x128xf32, #tpu.memory_space<hbm>> -> memref<80x128xf32, #tpu.memory_space<hbm>>
      %dma_wait3A_66 = arith.constant 0 : i32
      %dma_wait3A_67 = tpu.memref_slice %arg6[%arg0, %add3A_46, %dma_wait3A_66] : memref<2x10000x128xf32, #tpu.memory_space<hbm>> -> memref<1x80x128xf32, #tpu.memory_space<hbm>>
      %dma_wait3A_68 = tpu.memref_squeeze %dma_wait3A_67 : memref<1x80x128xf32, #tpu.memory_space<hbm>> -> memref<80x128xf32, #tpu.memory_space<hbm>>
      tpu.wait_dma2 semaphore(%run_scoped3A : memref<!tpu.dma_semaphore, #tpu.memory_space<semaphore_mem>>) src(%arg9 : memref<80x128xf32, #tpu.memory_space<vmem>>) dst(%dma_wait3A_68 : memref<80x128xf32, #tpu.memory_space<hbm>>)
      tpu.yield
    }) : () -> ()
    %add3A_47 = arith.constant 400 : i32
    %add3A_48 = arith.addi %mul3A_2, %add3A_47 : i32
    "tpu.region"() ({
      %run_scoped3A = tpu.sem_alloc : memref<!tpu.dma_semaphore, #tpu.memory_space<semaphore_mem>>
      %dma_start3A = arith.constant 0 : i32
      %dma_start3A_59 = tpu.memref_slice %arg10[%add3A_48, %dma_start3A] : memref<10000x128xf32, #tpu.memory_space<vmem_shared>> -> memref<80x128xf32, #tpu.memory_space<vmem_shared>>
      %dma_start3A_60 = arith.constant 0 : i32
      %dma_start3A_61 = tpu.memref_slice %arg10[%add3A_48, %dma_start3A_60] : memref<10000x128xf32, #tpu.memory_space<vmem_shared>> -> memref<80x128xf32, #tpu.memory_space<vmem_shared>>
      tpu.enqueue_dma source(%dma_start3A_61 : memref<80x128xf32, #tpu.memory_space<vmem_shared>>) target(%arg9 : memref<80x128xf32, #tpu.memory_space<vmem>>) target_semaphore(%run_scoped3A : memref<!tpu.dma_semaphore, #tpu.memory_space<semaphore_mem>>)
      %dma_wait3A = arith.constant 0 : i32
      %dma_wait3A_62 = tpu.memref_slice %arg10[%add3A_48, %dma_wait3A] : memref<10000x128xf32, #tpu.memory_space<vmem_shared>> -> memref<80x128xf32, #tpu.memory_space<vmem_shared>>
      %dma_wait3A_63 = arith.constant 0 : i32
      %dma_wait3A_64 = tpu.memref_slice %arg10[%add3A_48, %dma_wait3A_63] : memref<10000x128xf32, #tpu.memory_space<vmem_shared>> -> memref<80x128xf32, #tpu.memory_space<vmem_shared>>
      tpu.wait_dma2 semaphore(%run_scoped3A : memref<!tpu.dma_semaphore, #tpu.memory_space<semaphore_mem>>) src(%dma_wait3A_64 : memref<80x128xf32, #tpu.memory_space<vmem_shared>>) dst(%arg9 : memref<80x128xf32, #tpu.memory_space<vmem>>)
      tpu.yield
    }) : () -> ()
    %add3A_49 = arith.constant 400 : i32
    %add3A_50 = arith.addi %mul3A_2, %add3A_49 : i32
    "tpu.region"() ({
      %run_scoped3A = tpu.sem_alloc : memref<!tpu.dma_semaphore, #tpu.memory_space<semaphore_mem>>
      %dma_start3A = arith.constant 0 : i32
      %dma_start3A_59 = tpu.memref_slice %arg6[%arg0, %add3A_50, %dma_start3A] : memref<2x10000x128xf32, #tpu.memory_space<hbm>> -> memref<1x80x128xf32, #tpu.memory_space<hbm>>
      %dma_start3A_60 = tpu.memref_squeeze %dma_start3A_59 : memref<1x80x128xf32, #tpu.memory_space<hbm>> -> memref<80x128xf32, #tpu.memory_space<hbm>>
      %dma_start3A_61 = arith.constant 0 : i32
      %dma_start3A_62 = tpu.memref_slice %arg6[%arg0, %add3A_50, %dma_start3A_61] : memref<2x10000x128xf32, #tpu.memory_space<hbm>> -> memref<1x80x128xf32, #tpu.memory_space<hbm>>
      %dma_start3A_63 = tpu.memref_squeeze %dma_start3A_62 : memref<1x80x128xf32, #tpu.memory_space<hbm>> -> memref<80x128xf32, #tpu.memory_space<hbm>>
      tpu.enqueue_dma source(%arg9 : memref<80x128xf32, #tpu.memory_space<vmem>>) target(%dma_start3A_63 : memref<80x128xf32, #tpu.memory_space<hbm>>) target_semaphore(%run_scoped3A : memref<!tpu.dma_semaphore, #tpu.memory_space<semaphore_mem>>)
      %dma_wait3A = arith.constant 0 : i32
      %dma_wait3A_64 = tpu.memref_slice %arg6[%arg0, %add3A_50, %dma_wait3A] : memref<2x10000x128xf32, #tpu.memory_space<hbm>> -> memref<1x80x128xf32, #tpu.memory_space<hbm>>
      %dma_wait3A_65 = tpu.memref_squeeze %dma_wait3A_64 : memref<1x80x128xf32, #tpu.memory_space<hbm>> -> memref<80x128xf32, #tpu.memory_space<hbm>>
      %dma_wait3A_66 = arith.constant 0 : i32
      %dma_wait3A_67 = tpu.memref_slice %arg6[%arg0, %add3A_50, %dma_wait3A_66] : memref<2x10000x128xf32, #tpu.memory_space<hbm>> -> memref<1x80x128xf32, #tpu.memory_space<hbm>>
      %dma_wait3A_68 = tpu.memref_squeeze %dma_wait3A_67 : memref<1x80x128xf32, #tpu.memory_space<hbm>> -> memref<80x128xf32, #tpu.memory_space<hbm>>
      tpu.wait_dma2 semaphore(%run_scoped3A : memref<!tpu.dma_semaphore, #tpu.memory_space<semaphore_mem>>) src(%arg9 : memref<80x128xf32, #tpu.memory_space<vmem>>) dst(%dma_wait3A_68 : memref<80x128xf32, #tpu.memory_space<hbm>>)
      tpu.yield
    }) : () -> ()
    %add3A_51 = arith.constant 480 : i32
    %add3A_52 = arith.addi %mul3A_2, %add3A_51 : i32
    "tpu.region"() ({
      %run_scoped3A = tpu.sem_alloc : memref<!tpu.dma_semaphore, #tpu.memory_space<semaphore_mem>>
      %dma_start3A = arith.constant 0 : i32
      %dma_start3A_59 = tpu.memref_slice %arg10[%add3A_52, %dma_start3A] : memref<10000x128xf32, #tpu.memory_space<vmem_shared>> -> memref<80x128xf32, #tpu.memory_space<vmem_shared>>
      %dma_start3A_60 = arith.constant 0 : i32
      %dma_start3A_61 = tpu.memref_slice %arg10[%add3A_52, %dma_start3A_60] : memref<10000x128xf32, #tpu.memory_space<vmem_shared>> -> memref<80x128xf32, #tpu.memory_space<vmem_shared>>
      tpu.enqueue_dma source(%dma_start3A_61 : memref<80x128xf32, #tpu.memory_space<vmem_shared>>) target(%arg9 : memref<80x128xf32, #tpu.memory_space<vmem>>) target_semaphore(%run_scoped3A : memref<!tpu.dma_semaphore, #tpu.memory_space<semaphore_mem>>)
      %dma_wait3A = arith.constant 0 : i32
      %dma_wait3A_62 = tpu.memref_slice %arg10[%add3A_52, %dma_wait3A] : memref<10000x128xf32, #tpu.memory_space<vmem_shared>> -> memref<80x128xf32, #tpu.memory_space<vmem_shared>>
      %dma_wait3A_63 = arith.constant 0 : i32
      %dma_wait3A_64 = tpu.memref_slice %arg10[%add3A_52, %dma_wait3A_63] : memref<10000x128xf32, #tpu.memory_space<vmem_shared>> -> memref<80x128xf32, #tpu.memory_space<vmem_shared>>
      tpu.wait_dma2 semaphore(%run_scoped3A : memref<!tpu.dma_semaphore, #tpu.memory_space<semaphore_mem>>) src(%dma_wait3A_64 : memref<80x128xf32, #tpu.memory_space<vmem_shared>>) dst(%arg9 : memref<80x128xf32, #tpu.memory_space<vmem>>)
      tpu.yield
    }) : () -> ()
    %add3A_53 = arith.constant 480 : i32
    %add3A_54 = arith.addi %mul3A_2, %add3A_53 : i32
    "tpu.region"() ({
      %run_scoped3A = tpu.sem_alloc : memref<!tpu.dma_semaphore, #tpu.memory_space<semaphore_mem>>
      %dma_start3A = arith.constant 0 : i32
      %dma_start3A_59 = tpu.memref_slice %arg6[%arg0, %add3A_54, %dma_start3A] : memref<2x10000x128xf32, #tpu.memory_space<hbm>> -> memref<1x80x128xf32, #tpu.memory_space<hbm>>
      %dma_start3A_60 = tpu.memref_squeeze %dma_start3A_59 : memref<1x80x128xf32, #tpu.memory_space<hbm>> -> memref<80x128xf32, #tpu.memory_space<hbm>>
      %dma_start3A_61 = arith.constant 0 : i32
      %dma_start3A_62 = tpu.memref_slice %arg6[%arg0, %add3A_54, %dma_start3A_61] : memref<2x10000x128xf32, #tpu.memory_space<hbm>> -> memref<1x80x128xf32, #tpu.memory_space<hbm>>
      %dma_start3A_63 = tpu.memref_squeeze %dma_start3A_62 : memref<1x80x128xf32, #tpu.memory_space<hbm>> -> memref<80x128xf32, #tpu.memory_space<hbm>>
      tpu.enqueue_dma source(%arg9 : memref<80x128xf32, #tpu.memory_space<vmem>>) target(%dma_start3A_63 : memref<80x128xf32, #tpu.memory_space<hbm>>) target_semaphore(%run_scoped3A : memref<!tpu.dma_semaphore, #tpu.memory_space<semaphore_mem>>)
      %dma_wait3A = arith.constant 0 : i32
      %dma_wait3A_64 = tpu.memref_slice %arg6[%arg0, %add3A_54, %dma_wait3A] : memref<2x10000x128xf32, #tpu.memory_space<hbm>> -> memref<1x80x128xf32, #tpu.memory_space<hbm>>
      %dma_wait3A_65 = tpu.memref_squeeze %dma_wait3A_64 : memref<1x80x128xf32, #tpu.memory_space<hbm>> -> memref<80x128xf32, #tpu.memory_space<hbm>>
      %dma_wait3A_66 = arith.constant 0 : i32
      %dma_wait3A_67 = tpu.memref_slice %arg6[%arg0, %add3A_54, %dma_wait3A_66] : memref<2x10000x128xf32, #tpu.memory_space<hbm>> -> memref<1x80x128xf32, #tpu.memory_space<hbm>>
      %dma_wait3A_68 = tpu.memref_squeeze %dma_wait3A_67 : memref<1x80x128xf32, #tpu.memory_space<hbm>> -> memref<80x128xf32, #tpu.memory_space<hbm>>
      tpu.wait_dma2 semaphore(%run_scoped3A : memref<!tpu.dma_semaphore, #tpu.memory_space<semaphore_mem>>) src(%arg9 : memref<80x128xf32, #tpu.memory_space<vmem>>) dst(%dma_wait3A_68 : memref<80x128xf32, #tpu.memory_space<hbm>>)
      tpu.yield
    }) : () -> ()
    %add3A_55 = arith.constant 560 : i32
    %add3A_56 = arith.addi %mul3A_2, %add3A_55 : i32
    "tpu.region"() ({
      %run_scoped3A = tpu.sem_alloc : memref<!tpu.dma_semaphore, #tpu.memory_space<semaphore_mem>>
      %dma_start3A = arith.constant 0 : i32
      %dma_start3A_59 = tpu.memref_slice %arg10[%add3A_56, %dma_start3A] : memref<10000x128xf32, #tpu.memory_space<vmem_shared>> -> memref<80x128xf32, #tpu.memory_space<vmem_shared>>
      %dma_start3A_60 = arith.constant 0 : i32
      %dma_start3A_61 = tpu.memref_slice %arg10[%add3A_56, %dma_start3A_60] : memref<10000x128xf32, #tpu.memory_space<vmem_shared>> -> memref<80x128xf32, #tpu.memory_space<vmem_shared>>
      tpu.enqueue_dma source(%dma_start3A_61 : memref<80x128xf32, #tpu.memory_space<vmem_shared>>) target(%arg9 : memref<80x128xf32, #tpu.memory_space<vmem>>) target_semaphore(%run_scoped3A : memref<!tpu.dma_semaphore, #tpu.memory_space<semaphore_mem>>)
      %dma_wait3A = arith.constant 0 : i32
      %dma_wait3A_62 = tpu.memref_slice %arg10[%add3A_56, %dma_wait3A] : memref<10000x128xf32, #tpu.memory_space<vmem_shared>> -> memref<80x128xf32, #tpu.memory_space<vmem_shared>>
      %dma_wait3A_63 = arith.constant 0 : i32
      %dma_wait3A_64 = tpu.memref_slice %arg10[%add3A_56, %dma_wait3A_63] : memref<10000x128xf32, #tpu.memory_space<vmem_shared>> -> memref<80x128xf32, #tpu.memory_space<vmem_shared>>
      tpu.wait_dma2 semaphore(%run_scoped3A : memref<!tpu.dma_semaphore, #tpu.memory_space<semaphore_mem>>) src(%dma_wait3A_64 : memref<80x128xf32, #tpu.memory_space<vmem_shared>>) dst(%arg9 : memref<80x128xf32, #tpu.memory_space<vmem>>)
      tpu.yield
    }) : () -> ()
    %add3A_57 = arith.constant 560 : i32
    %add3A_58 = arith.addi %mul3A_2, %add3A_57 : i32
    "tpu.region"() ({
      %run_scoped3A = tpu.sem_alloc : memref<!tpu.dma_semaphore, #tpu.memory_space<semaphore_mem>>
      %dma_start3A = arith.constant 0 : i32
      %dma_start3A_59 = tpu.memref_slice %arg6[%arg0, %add3A_58, %dma_start3A] : memref<2x10000x128xf32, #tpu.memory_space<hbm>> -> memref<1x80x128xf32, #tpu.memory_space<hbm>>
      %dma_start3A_60 = tpu.memref_squeeze %dma_start3A_59 : memref<1x80x128xf32, #tpu.memory_space<hbm>> -> memref<80x128xf32, #tpu.memory_space<hbm>>
      %dma_start3A_61 = arith.constant 0 : i32
      %dma_start3A_62 = tpu.memref_slice %arg6[%arg0, %add3A_58, %dma_start3A_61] : memref<2x10000x128xf32, #tpu.memory_space<hbm>> -> memref<1x80x128xf32, #tpu.memory_space<hbm>>
      %dma_start3A_63 = tpu.memref_squeeze %dma_start3A_62 : memref<1x80x128xf32, #tpu.memory_space<hbm>> -> memref<80x128xf32, #tpu.memory_space<hbm>>
      tpu.enqueue_dma source(%arg9 : memref<80x128xf32, #tpu.memory_space<vmem>>) target(%dma_start3A_63 : memref<80x128xf32, #tpu.memory_space<hbm>>) target_semaphore(%run_scoped3A : memref<!tpu.dma_semaphore, #tpu.memory_space<semaphore_mem>>)
      %dma_wait3A = arith.constant 0 : i32
      %dma_wait3A_64 = tpu.memref_slice %arg6[%arg0, %add3A_58, %dma_wait3A] : memref<2x10000x128xf32, #tpu.memory_space<hbm>> -> memref<1x80x128xf32, #tpu.memory_space<hbm>>
      %dma_wait3A_65 = tpu.memref_squeeze %dma_wait3A_64 : memref<1x80x128xf32, #tpu.memory_space<hbm>> -> memref<80x128xf32, #tpu.memory_space<hbm>>
      %dma_wait3A_66 = arith.constant 0 : i32
      %dma_wait3A_67 = tpu.memref_slice %arg6[%arg0, %add3A_58, %dma_wait3A_66] : memref<2x10000x128xf32, #tpu.memory_space<hbm>> -> memref<1x80x128xf32, #tpu.memory_space<hbm>>
      %dma_wait3A_68 = tpu.memref_squeeze %dma_wait3A_67 : memref<1x80x128xf32, #tpu.memory_space<hbm>> -> memref<80x128xf32, #tpu.memory_space<hbm>>
      tpu.wait_dma2 semaphore(%run_scoped3A : memref<!tpu.dma_semaphore, #tpu.memory_space<semaphore_mem>>) src(%arg9 : memref<80x128xf32, #tpu.memory_space<vmem>>) dst(%dma_wait3A_68 : memref<80x128xf32, #tpu.memory_space<hbm>>)
      tpu.yield
    }) : () -> ()
    return
  }
}

#map = affine_map<(d0, d1) -> (0, 0)>
#map1 = affine_map<(d0, d1) -> (0)>
#map2 = affine_map<(d0, d1) -> (0, 0, 0)>
module attributes {stable_mosaic.version = 14 : i64} {
  func.func @agg(%arg0: i32, %arg1: i32, %arg2: memref<10000x128xf32, #tpu.memory_space<hbm>>, %arg3: memref<320000xi32, #tpu.memory_space<hbm>>, %arg4: memref<320000xi32, #tpu.memory_space<hbm>>, %arg5: memref<80x128xf32, #tpu.memory_space<hbm>>, %arg6: memref<2x10000x128xf32, #tpu.memory_space<hbm>>, %arg7: memref<80xi32, #tpu.memory_space<vmem>>, %arg8: memref<80xi32, #tpu.memory_space<vmem>>, %arg9: memref<80x128xf32, #tpu.memory_space<vmem>>, %arg10: memref<10000x128xf32, #tpu.memory_space<vmem_shared>>, %arg11: memref<!tpu.dma_semaphore, #tpu.memory_space<semaphore_mem>>) attributes {dimension_semantics = [#tpu.dimension_semantics<core_parallel>, #tpu.dimension_semantics<subcore_parallel>], iteration_bounds = array<i64: 2, 16>, scalar_prefetch = 0 : i64, scratch_operands = 5 : i64, tpu.core_type = #tpu.core_type<sc_vector_subcore>, window_params = [{transform_indices = #map}, {transform_indices = #map1}, {transform_indices = #map1}, {transform_indices = #map}, {transform_indices = #map2}]} {
    %mul3A = arith.constant 2 : i32
    %mul3A_0 = arith.muli %arg1, %mul3A : i32
    %add3A = arith.addi %mul3A_0, %arg0 : i32
    %mul3A_1 = arith.constant 624 : i32
    %mul3A_2 = arith.muli %arg1, %mul3A_1 : i32
    "tpu.region"() ({
      %run_scoped3A = tpu.sem_alloc : memref<!tpu.dma_semaphore, #tpu.memory_space<semaphore_mem>>
      tpu.enqueue_dma source(%arg5 : memref<80x128xf32, #tpu.memory_space<hbm>>) target(%arg9 : memref<80x128xf32, #tpu.memory_space<vmem>>) target_semaphore(%run_scoped3A : memref<!tpu.dma_semaphore, #tpu.memory_space<semaphore_mem>>)
      tpu.wait_dma2 semaphore(%run_scoped3A : memref<!tpu.dma_semaphore, #tpu.memory_space<semaphore_mem>>) src(%arg5 : memref<80x128xf32, #tpu.memory_space<hbm>>) dst(%arg9 : memref<80x128xf32, #tpu.memory_space<vmem>>)
      tpu.yield
    }) : () -> ()
    %add3A_3 = arith.constant 0 : i32
    %add3A_4 = arith.addi %mul3A_2, %add3A_3 : i32
    "tpu.region"() ({
      %run_scoped3A = tpu.sem_alloc : memref<!tpu.dma_semaphore, #tpu.memory_space<semaphore_mem>>
      %dma_start3A = arith.constant 0 : i32
      %dma_start3A_59 = tpu.memref_slice %arg10[%add3A_4, %dma_start3A] : memref<10000x128xf32, #tpu.memory_space<vmem_shared>> -> memref<80x128xf32, #tpu.memory_space<vmem_shared>>
      %dma_start3A_60 = arith.constant 0 : i32
      %dma_start3A_61 = tpu.memref_slice %arg10[%add3A_4, %dma_start3A_60] : memref<10000x128xf32, #tpu.memory_space<vmem_shared>> -> memref<80x128xf32, #tpu.memory_space<vmem_shared>>
      tpu.enqueue_dma source(%arg9 : memref<80x128xf32, #tpu.memory_space<vmem>>) target(%dma_start3A_61 : memref<80x128xf32, #tpu.memory_space<vmem_shared>>) target_semaphore(%run_scoped3A : memref<!tpu.dma_semaphore, #tpu.memory_space<semaphore_mem>>)
      %dma_wait3A = arith.constant 0 : i32
      %dma_wait3A_62 = tpu.memref_slice %arg10[%add3A_4, %dma_wait3A] : memref<10000x128xf32, #tpu.memory_space<vmem_shared>> -> memref<80x128xf32, #tpu.memory_space<vmem_shared>>
      %dma_wait3A_63 = arith.constant 0 : i32
      %dma_wait3A_64 = tpu.memref_slice %arg10[%add3A_4, %dma_wait3A_63] : memref<10000x128xf32, #tpu.memory_space<vmem_shared>> -> memref<80x128xf32, #tpu.memory_space<vmem_shared>>
      tpu.wait_dma2 semaphore(%run_scoped3A : memref<!tpu.dma_semaphore, #tpu.memory_space<semaphore_mem>>) src(%arg9 : memref<80x128xf32, #tpu.memory_space<vmem>>) dst(%dma_wait3A_64 : memref<80x128xf32, #tpu.memory_space<vmem_shared>>)
      tpu.yield
    }) : () -> ()
    %add3A_5 = arith.constant 80 : i32
    %add3A_6 = arith.addi %mul3A_2, %add3A_5 : i32
    "tpu.region"() ({
      %run_scoped3A = tpu.sem_alloc : memref<!tpu.dma_semaphore, #tpu.memory_space<semaphore_mem>>
      %dma_start3A = arith.constant 0 : i32
      %dma_start3A_59 = tpu.memref_slice %arg10[%add3A_6, %dma_start3A] : memref<10000x128xf32, #tpu.memory_space<vmem_shared>> -> memref<80x128xf32, #tpu.memory_space<vmem_shared>>
      %dma_start3A_60 = arith.constant 0 : i32
      %dma_start3A_61 = tpu.memref_slice %arg10[%add3A_6, %dma_start3A_60] : memref<10000x128xf32, #tpu.memory_space<vmem_shared>> -> memref<80x128xf32, #tpu.memory_space<vmem_shared>>
      tpu.enqueue_dma source(%arg9 : memref<80x128xf32, #tpu.memory_space<vmem>>) target(%dma_start3A_61 : memref<80x128xf32, #tpu.memory_space<vmem_shared>>) target_semaphore(%run_scoped3A : memref<!tpu.dma_semaphore, #tpu.memory_space<semaphore_mem>>)
      %dma_wait3A = arith.constant 0 : i32
      %dma_wait3A_62 = tpu.memref_slice %arg10[%add3A_6, %dma_wait3A] : memref<10000x128xf32, #tpu.memory_space<vmem_shared>> -> memref<80x128xf32, #tpu.memory_space<vmem_shared>>
      %dma_wait3A_63 = arith.constant 0 : i32
      %dma_wait3A_64 = tpu.memref_slice %arg10[%add3A_6, %dma_wait3A_63] : memref<10000x128xf32, #tpu.memory_space<vmem_shared>> -> memref<80x128xf32, #tpu.memory_space<vmem_shared>>
      tpu.wait_dma2 semaphore(%run_scoped3A : memref<!tpu.dma_semaphore, #tpu.memory_space<semaphore_mem>>) src(%arg9 : memref<80x128xf32, #tpu.memory_space<vmem>>) dst(%dma_wait3A_64 : memref<80x128xf32, #tpu.memory_space<vmem_shared>>)
      tpu.yield
    }) : () -> ()
    %add3A_7 = arith.constant 160 : i32
    %add3A_8 = arith.addi %mul3A_2, %add3A_7 : i32
    "tpu.region"() ({
      %run_scoped3A = tpu.sem_alloc : memref<!tpu.dma_semaphore, #tpu.memory_space<semaphore_mem>>
      %dma_start3A = arith.constant 0 : i32
      %dma_start3A_59 = tpu.memref_slice %arg10[%add3A_8, %dma_start3A] : memref<10000x128xf32, #tpu.memory_space<vmem_shared>> -> memref<80x128xf32, #tpu.memory_space<vmem_shared>>
      %dma_start3A_60 = arith.constant 0 : i32
      %dma_start3A_61 = tpu.memref_slice %arg10[%add3A_8, %dma_start3A_60] : memref<10000x128xf32, #tpu.memory_space<vmem_shared>> -> memref<80x128xf32, #tpu.memory_space<vmem_shared>>
      tpu.enqueue_dma source(%arg9 : memref<80x128xf32, #tpu.memory_space<vmem>>) target(%dma_start3A_61 : memref<80x128xf32, #tpu.memory_space<vmem_shared>>) target_semaphore(%run_scoped3A : memref<!tpu.dma_semaphore, #tpu.memory_space<semaphore_mem>>)
      %dma_wait3A = arith.constant 0 : i32
      %dma_wait3A_62 = tpu.memref_slice %arg10[%add3A_8, %dma_wait3A] : memref<10000x128xf32, #tpu.memory_space<vmem_shared>> -> memref<80x128xf32, #tpu.memory_space<vmem_shared>>
      %dma_wait3A_63 = arith.constant 0 : i32
      %dma_wait3A_64 = tpu.memref_slice %arg10[%add3A_8, %dma_wait3A_63] : memref<10000x128xf32, #tpu.memory_space<vmem_shared>> -> memref<80x128xf32, #tpu.memory_space<vmem_shared>>
      tpu.wait_dma2 semaphore(%run_scoped3A : memref<!tpu.dma_semaphore, #tpu.memory_space<semaphore_mem>>) src(%arg9 : memref<80x128xf32, #tpu.memory_space<vmem>>) dst(%dma_wait3A_64 : memref<80x128xf32, #tpu.memory_space<vmem_shared>>)
      tpu.yield
    }) : () -> ()
    %add3A_9 = arith.constant 240 : i32
    %add3A_10 = arith.addi %mul3A_2, %add3A_9 : i32
    "tpu.region"() ({
      %run_scoped3A = tpu.sem_alloc : memref<!tpu.dma_semaphore, #tpu.memory_space<semaphore_mem>>
      %dma_start3A = arith.constant 0 : i32
      %dma_start3A_59 = tpu.memref_slice %arg10[%add3A_10, %dma_start3A] : memref<10000x128xf32, #tpu.memory_space<vmem_shared>> -> memref<80x128xf32, #tpu.memory_space<vmem_shared>>
      %dma_start3A_60 = arith.constant 0 : i32
      %dma_start3A_61 = tpu.memref_slice %arg10[%add3A_10, %dma_start3A_60] : memref<10000x128xf32, #tpu.memory_space<vmem_shared>> -> memref<80x128xf32, #tpu.memory_space<vmem_shared>>
      tpu.enqueue_dma source(%arg9 : memref<80x128xf32, #tpu.memory_space<vmem>>) target(%dma_start3A_61 : memref<80x128xf32, #tpu.memory_space<vmem_shared>>) target_semaphore(%run_scoped3A : memref<!tpu.dma_semaphore, #tpu.memory_space<semaphore_mem>>)
      %dma_wait3A = arith.constant 0 : i32
      %dma_wait3A_62 = tpu.memref_slice %arg10[%add3A_10, %dma_wait3A] : memref<10000x128xf32, #tpu.memory_space<vmem_shared>> -> memref<80x128xf32, #tpu.memory_space<vmem_shared>>
      %dma_wait3A_63 = arith.constant 0 : i32
      %dma_wait3A_64 = tpu.memref_slice %arg10[%add3A_10, %dma_wait3A_63] : memref<10000x128xf32, #tpu.memory_space<vmem_shared>> -> memref<80x128xf32, #tpu.memory_space<vmem_shared>>
      tpu.wait_dma2 semaphore(%run_scoped3A : memref<!tpu.dma_semaphore, #tpu.memory_space<semaphore_mem>>) src(%arg9 : memref<80x128xf32, #tpu.memory_space<vmem>>) dst(%dma_wait3A_64 : memref<80x128xf32, #tpu.memory_space<vmem_shared>>)
      tpu.yield
    }) : () -> ()
    %add3A_11 = arith.constant 320 : i32
    %add3A_12 = arith.addi %mul3A_2, %add3A_11 : i32
    "tpu.region"() ({
      %run_scoped3A = tpu.sem_alloc : memref<!tpu.dma_semaphore, #tpu.memory_space<semaphore_mem>>
      %dma_start3A = arith.constant 0 : i32
      %dma_start3A_59 = tpu.memref_slice %arg10[%add3A_12, %dma_start3A] : memref<10000x128xf32, #tpu.memory_space<vmem_shared>> -> memref<80x128xf32, #tpu.memory_space<vmem_shared>>
      %dma_start3A_60 = arith.constant 0 : i32
      %dma_start3A_61 = tpu.memref_slice %arg10[%add3A_12, %dma_start3A_60] : memref<10000x128xf32, #tpu.memory_space<vmem_shared>> -> memref<80x128xf32, #tpu.memory_space<vmem_shared>>
      tpu.enqueue_dma source(%arg9 : memref<80x128xf32, #tpu.memory_space<vmem>>) target(%dma_start3A_61 : memref<80x128xf32, #tpu.memory_space<vmem_shared>>) target_semaphore(%run_scoped3A : memref<!tpu.dma_semaphore, #tpu.memory_space<semaphore_mem>>)
      %dma_wait3A = arith.constant 0 : i32
      %dma_wait3A_62 = tpu.memref_slice %arg10[%add3A_12, %dma_wait3A] : memref<10000x128xf32, #tpu.memory_space<vmem_shared>> -> memref<80x128xf32, #tpu.memory_space<vmem_shared>>
      %dma_wait3A_63 = arith.constant 0 : i32
      %dma_wait3A_64 = tpu.memref_slice %arg10[%add3A_12, %dma_wait3A_63] : memref<10000x128xf32, #tpu.memory_space<vmem_shared>> -> memref<80x128xf32, #tpu.memory_space<vmem_shared>>
      tpu.wait_dma2 semaphore(%run_scoped3A : memref<!tpu.dma_semaphore, #tpu.memory_space<semaphore_mem>>) src(%arg9 : memref<80x128xf32, #tpu.memory_space<vmem>>) dst(%dma_wait3A_64 : memref<80x128xf32, #tpu.memory_space<vmem_shared>>)
      tpu.yield
    }) : () -> ()
    %add3A_13 = arith.constant 400 : i32
    %add3A_14 = arith.addi %mul3A_2, %add3A_13 : i32
    "tpu.region"() ({
      %run_scoped3A = tpu.sem_alloc : memref<!tpu.dma_semaphore, #tpu.memory_space<semaphore_mem>>
      %dma_start3A = arith.constant 0 : i32
      %dma_start3A_59 = tpu.memref_slice %arg10[%add3A_14, %dma_start3A] : memref<10000x128xf32, #tpu.memory_space<vmem_shared>> -> memref<80x128xf32, #tpu.memory_space<vmem_shared>>
      %dma_start3A_60 = arith.constant 0 : i32
      %dma_start3A_61 = tpu.memref_slice %arg10[%add3A_14, %dma_start3A_60] : memref<10000x128xf32, #tpu.memory_space<vmem_shared>> -> memref<80x128xf32, #tpu.memory_space<vmem_shared>>
      tpu.enqueue_dma source(%arg9 : memref<80x128xf32, #tpu.memory_space<vmem>>) target(%dma_start3A_61 : memref<80x128xf32, #tpu.memory_space<vmem_shared>>) target_semaphore(%run_scoped3A : memref<!tpu.dma_semaphore, #tpu.memory_space<semaphore_mem>>)
      %dma_wait3A = arith.constant 0 : i32
      %dma_wait3A_62 = tpu.memref_slice %arg10[%add3A_14, %dma_wait3A] : memref<10000x128xf32, #tpu.memory_space<vmem_shared>> -> memref<80x128xf32, #tpu.memory_space<vmem_shared>>
      %dma_wait3A_63 = arith.constant 0 : i32
      %dma_wait3A_64 = tpu.memref_slice %arg10[%add3A_14, %dma_wait3A_63] : memref<10000x128xf32, #tpu.memory_space<vmem_shared>> -> memref<80x128xf32, #tpu.memory_space<vmem_shared>>
      tpu.wait_dma2 semaphore(%run_scoped3A : memref<!tpu.dma_semaphore, #tpu.memory_space<semaphore_mem>>) src(%arg9 : memref<80x128xf32, #tpu.memory_space<vmem>>) dst(%dma_wait3A_64 : memref<80x128xf32, #tpu.memory_space<vmem_shared>>)
      tpu.yield
    }) : () -> ()
    %add3A_15 = arith.constant 480 : i32
    %add3A_16 = arith.addi %mul3A_2, %add3A_15 : i32
    "tpu.region"() ({
      %run_scoped3A = tpu.sem_alloc : memref<!tpu.dma_semaphore, #tpu.memory_space<semaphore_mem>>
      %dma_start3A = arith.constant 0 : i32
      %dma_start3A_59 = tpu.memref_slice %arg10[%add3A_16, %dma_start3A] : memref<10000x128xf32, #tpu.memory_space<vmem_shared>> -> memref<80x128xf32, #tpu.memory_space<vmem_shared>>
      %dma_start3A_60 = arith.constant 0 : i32
      %dma_start3A_61 = tpu.memref_slice %arg10[%add3A_16, %dma_start3A_60] : memref<10000x128xf32, #tpu.memory_space<vmem_shared>> -> memref<80x128xf32, #tpu.memory_space<vmem_shared>>
      tpu.enqueue_dma source(%arg9 : memref<80x128xf32, #tpu.memory_space<vmem>>) target(%dma_start3A_61 : memref<80x128xf32, #tpu.memory_space<vmem_shared>>) target_semaphore(%run_scoped3A : memref<!tpu.dma_semaphore, #tpu.memory_space<semaphore_mem>>)
      %dma_wait3A = arith.constant 0 : i32
      %dma_wait3A_62 = tpu.memref_slice %arg10[%add3A_16, %dma_wait3A] : memref<10000x128xf32, #tpu.memory_space<vmem_shared>> -> memref<80x128xf32, #tpu.memory_space<vmem_shared>>
      %dma_wait3A_63 = arith.constant 0 : i32
      %dma_wait3A_64 = tpu.memref_slice %arg10[%add3A_16, %dma_wait3A_63] : memref<10000x128xf32, #tpu.memory_space<vmem_shared>> -> memref<80x128xf32, #tpu.memory_space<vmem_shared>>
      tpu.wait_dma2 semaphore(%run_scoped3A : memref<!tpu.dma_semaphore, #tpu.memory_space<semaphore_mem>>) src(%arg9 : memref<80x128xf32, #tpu.memory_space<vmem>>) dst(%dma_wait3A_64 : memref<80x128xf32, #tpu.memory_space<vmem_shared>>)
      tpu.yield
    }) : () -> ()
    %add3A_17 = arith.constant 560 : i32
    %add3A_18 = arith.addi %mul3A_2, %add3A_17 : i32
    "tpu.region"() ({
      %run_scoped3A = tpu.sem_alloc : memref<!tpu.dma_semaphore, #tpu.memory_space<semaphore_mem>>
      %dma_start3A = arith.constant 0 : i32
      %dma_start3A_59 = tpu.memref_slice %arg10[%add3A_18, %dma_start3A] : memref<10000x128xf32, #tpu.memory_space<vmem_shared>> -> memref<80x128xf32, #tpu.memory_space<vmem_shared>>
      %dma_start3A_60 = arith.constant 0 : i32
      %dma_start3A_61 = tpu.memref_slice %arg10[%add3A_18, %dma_start3A_60] : memref<10000x128xf32, #tpu.memory_space<vmem_shared>> -> memref<80x128xf32, #tpu.memory_space<vmem_shared>>
      tpu.enqueue_dma source(%arg9 : memref<80x128xf32, #tpu.memory_space<vmem>>) target(%dma_start3A_61 : memref<80x128xf32, #tpu.memory_space<vmem_shared>>) target_semaphore(%run_scoped3A : memref<!tpu.dma_semaphore, #tpu.memory_space<semaphore_mem>>)
      %dma_wait3A = arith.constant 0 : i32
      %dma_wait3A_62 = tpu.memref_slice %arg10[%add3A_18, %dma_wait3A] : memref<10000x128xf32, #tpu.memory_space<vmem_shared>> -> memref<80x128xf32, #tpu.memory_space<vmem_shared>>
      %dma_wait3A_63 = arith.constant 0 : i32
      %dma_wait3A_64 = tpu.memref_slice %arg10[%add3A_18, %dma_wait3A_63] : memref<10000x128xf32, #tpu.memory_space<vmem_shared>> -> memref<80x128xf32, #tpu.memory_space<vmem_shared>>
      tpu.wait_dma2 semaphore(%run_scoped3A : memref<!tpu.dma_semaphore, #tpu.memory_space<semaphore_mem>>) src(%arg9 : memref<80x128xf32, #tpu.memory_space<vmem>>) dst(%dma_wait3A_64 : memref<80x128xf32, #tpu.memory_space<vmem_shared>>)
      tpu.yield
    }) : () -> ()
    %barrier3A = arith.constant 0 : index
    tpu.barrier barrier_id(%barrier3A)
    %mul3A_19 = arith.constant 10000 : i32
    %mul3A_20 = arith.muli %add3A, %mul3A_19 : i32
    %scan3A = arith.constant 0 : i32
    %scan3A_21 = arith.constant 0 : i32
    %scan3A_22 = arith.constant 125 : i32
    %scan3A_23 = arith.addi %scan3A_21, %scan3A_22 : i32
    %scan3A_24 = arith.constant 1 : i32
    scf.for %scan3A_59 = %scan3A_21 to %scan3A_23 step %scan3A_24  : i32 {
      %mul3A_60 = arith.constant 80 : i32
      %mul3A_61 = arith.muli %scan3A_59, %mul3A_60 : i32
      %add3A_62 = arith.addi %mul3A_20, %mul3A_61 : i32
      "tpu.region"() ({
        %run_scoped3A = tpu.sem_alloc : memref<!tpu.dma_semaphore, #tpu.memory_space<semaphore_mem>>
        %dma_start3A_67 = tpu.memref_slice %arg4[%add3A_62] : memref<320000xi32, #tpu.memory_space<hbm>> -> memref<80xi32, #tpu.memory_space<hbm>>
        %dma_start3A_68 = tpu.memref_slice %arg4[%add3A_62] : memref<320000xi32, #tpu.memory_space<hbm>> -> memref<80xi32, #tpu.memory_space<hbm>>
        tpu.enqueue_dma source(%dma_start3A_68 : memref<80xi32, #tpu.memory_space<hbm>>) target(%arg8 : memref<80xi32, #tpu.memory_space<vmem>>) target_semaphore(%run_scoped3A : memref<!tpu.dma_semaphore, #tpu.memory_space<semaphore_mem>>)
        %dma_wait3A_69 = tpu.memref_slice %arg4[%add3A_62] : memref<320000xi32, #tpu.memory_space<hbm>> -> memref<80xi32, #tpu.memory_space<hbm>>
        %dma_wait3A_70 = tpu.memref_slice %arg4[%add3A_62] : memref<320000xi32, #tpu.memory_space<hbm>> -> memref<80xi32, #tpu.memory_space<hbm>>
        tpu.wait_dma2 semaphore(%run_scoped3A : memref<!tpu.dma_semaphore, #tpu.memory_space<semaphore_mem>>) src(%dma_wait3A_70 : memref<80xi32, #tpu.memory_space<hbm>>) dst(%arg8 : memref<80xi32, #tpu.memory_space<vmem>>)
        tpu.yield
      }) : () -> ()
      "tpu.region"() ({
        %run_scoped3A = tpu.sem_alloc : memref<!tpu.dma_semaphore, #tpu.memory_space<semaphore_mem>>
        %dma_start3A_67 = tpu.memref_slice %arg3[%add3A_62] : memref<320000xi32, #tpu.memory_space<hbm>> -> memref<80xi32, #tpu.memory_space<hbm>>
        %dma_start3A_68 = tpu.memref_slice %arg3[%add3A_62] : memref<320000xi32, #tpu.memory_space<hbm>> -> memref<80xi32, #tpu.memory_space<hbm>>
        tpu.enqueue_dma source(%dma_start3A_68 : memref<80xi32, #tpu.memory_space<hbm>>) target(%arg7 : memref<80xi32, #tpu.memory_space<vmem>>) target_semaphore(%run_scoped3A : memref<!tpu.dma_semaphore, #tpu.memory_space<semaphore_mem>>)
        %dma_wait3A_69 = tpu.memref_slice %arg3[%add3A_62] : memref<320000xi32, #tpu.memory_space<hbm>> -> memref<80xi32, #tpu.memory_space<hbm>>
        %dma_wait3A_70 = tpu.memref_slice %arg3[%add3A_62] : memref<320000xi32, #tpu.memory_space<hbm>> -> memref<80xi32, #tpu.memory_space<hbm>>
        tpu.wait_dma2 semaphore(%run_scoped3A : memref<!tpu.dma_semaphore, #tpu.memory_space<semaphore_mem>>) src(%dma_wait3A_70 : memref<80xi32, #tpu.memory_space<hbm>>) dst(%arg7 : memref<80xi32, #tpu.memory_space<vmem>>)
        tpu.yield
      }) : () -> ()
      %dma_start3A = arith.constant 0 : i32
      %dma_start3A_63 = arith.constant 0 : i32
      %dma_start3A_64 = tpu.memref_slice %arg2[%dma_start3A, %dma_start3A_63] : memref<10000x128xf32, #tpu.memory_space<hbm>> -> memref<10000x128xf32, #tpu.memory_space<hbm>>
      tpu.enqueue_indirect_dma source(%dma_start3A_64 : memref<10000x128xf32, #tpu.memory_space<hbm>>) target(%arg9 : memref<80x128xf32, #tpu.memory_space<vmem>>) offsets(%arg7 : memref<80xi32, #tpu.memory_space<vmem>>) semaphore(%arg11 : memref<!tpu.dma_semaphore, #tpu.memory_space<semaphore_mem>>)
      %dma_wait3A = arith.constant 0 : i32
      %dma_wait3A_65 = arith.constant 0 : i32
      %dma_wait3A_66 = tpu.memref_slice %arg2[%dma_wait3A, %dma_wait3A_65] : memref<10000x128xf32, #tpu.memory_space<hbm>> -> memref<10000x128xf32, #tpu.memory_space<hbm>>
      tpu.wait_indirect_dma semaphore(%arg11 : memref<!tpu.dma_semaphore, #tpu.memory_space<semaphore_mem>>) src(%dma_wait3A_66 : memref<10000x128xf32, #tpu.memory_space<hbm>>) dst(%arg9 : memref<80x128xf32, #tpu.memory_space<vmem>>)
      "tpu.region"() ({
        %run_scoped3A = tpu.sem_alloc : memref<!tpu.dma_semaphore, #tpu.memory_space<semaphore_mem>>
        %dma_start3A_67 = arith.constant 0 : i32
        %dma_start3A_68 = arith.constant 0 : i32
        %dma_start3A_69 = tpu.memref_slice %arg10[%dma_start3A_67, %dma_start3A_68] : memref<10000x128xf32, #tpu.memory_space<vmem_shared>> -> memref<10000x128xf32, #tpu.memory_space<vmem_shared>>
        tpu.enqueue_indirect_dma source(%arg9 : memref<80x128xf32, #tpu.memory_space<vmem>>) target(%dma_start3A_69 : memref<10000x128xf32, #tpu.memory_space<vmem_shared>>) offsets(%arg8 : memref<80xi32, #tpu.memory_space<vmem>>) semaphore(%run_scoped3A : memref<!tpu.dma_semaphore, #tpu.memory_space<semaphore_mem>>) {add = true}
        %dma_wait3A_70 = arith.constant 0 : i32
        %dma_wait3A_71 = arith.constant 0 : i32
        %dma_wait3A_72 = tpu.memref_slice %arg10[%dma_wait3A_70, %dma_wait3A_71] : memref<10000x128xf32, #tpu.memory_space<vmem_shared>> -> memref<10000x128xf32, #tpu.memory_space<vmem_shared>>
        tpu.wait_indirect_dma semaphore(%run_scoped3A : memref<!tpu.dma_semaphore, #tpu.memory_space<semaphore_mem>>) src(%arg9 : memref<80x128xf32, #tpu.memory_space<vmem>>) dst(%dma_wait3A_72 : memref<10000x128xf32, #tpu.memory_space<vmem_shared>>)
        tpu.yield
      }) : () -> ()
    }
    %scan3A_25 = arith.constant 125 : i32
    %barrier3A_26 = arith.constant 0 : index
    tpu.barrier barrier_id(%barrier3A_26)
    %add3A_27 = arith.constant 0 : i32
    %add3A_28 = arith.addi %mul3A_2, %add3A_27 : i32
    "tpu.region"() ({
      %run_scoped3A = tpu.sem_alloc : memref<!tpu.dma_semaphore, #tpu.memory_space<semaphore_mem>>
      %dma_start3A = arith.constant 0 : i32
      %dma_start3A_59 = tpu.memref_slice %arg10[%add3A_28, %dma_start3A] : memref<10000x128xf32, #tpu.memory_space<vmem_shared>> -> memref<80x128xf32, #tpu.memory_space<vmem_shared>>
      %dma_start3A_60 = arith.constant 0 : i32
      %dma_start3A_61 = tpu.memref_slice %arg10[%add3A_28, %dma_start3A_60] : memref<10000x128xf32, #tpu.memory_space<vmem_shared>> -> memref<80x128xf32, #tpu.memory_space<vmem_shared>>
      tpu.enqueue_dma source(%dma_start3A_61 : memref<80x128xf32, #tpu.memory_space<vmem_shared>>) target(%arg9 : memref<80x128xf32, #tpu.memory_space<vmem>>) target_semaphore(%run_scoped3A : memref<!tpu.dma_semaphore, #tpu.memory_space<semaphore_mem>>)
      %dma_wait3A = arith.constant 0 : i32
      %dma_wait3A_62 = tpu.memref_slice %arg10[%add3A_28, %dma_wait3A] : memref<10000x128xf32, #tpu.memory_space<vmem_shared>> -> memref<80x128xf32, #tpu.memory_space<vmem_shared>>
      %dma_wait3A_63 = arith.constant 0 : i32
      %dma_wait3A_64 = tpu.memref_slice %arg10[%add3A_28, %dma_wait3A_63] : memref<10000x128xf32, #tpu.memory_space<vmem_shared>> -> memref<80x128xf32, #tpu.memory_space<vmem_shared>>
      tpu.wait_dma2 semaphore(%run_scoped3A : memref<!tpu.dma_semaphore, #tpu.memory_space<semaphore_mem>>) src(%dma_wait3A_64 : memref<80x128xf32, #tpu.memory_space<vmem_shared>>) dst(%arg9 : memref<80x128xf32, #tpu.memory_space<vmem>>)
      tpu.yield
    }) : () -> ()
    %add3A_29 = arith.constant 0 : i32
    %add3A_30 = arith.addi %mul3A_2, %add3A_29 : i32
    "tpu.region"() ({
      %run_scoped3A = tpu.sem_alloc : memref<!tpu.dma_semaphore, #tpu.memory_space<semaphore_mem>>
      %dma_start3A = arith.constant 0 : i32
      %dma_start3A_59 = tpu.memref_slice %arg6[%arg0, %add3A_30, %dma_start3A] : memref<2x10000x128xf32, #tpu.memory_space<hbm>> -> memref<1x80x128xf32, #tpu.memory_space<hbm>>
      %dma_start3A_60 = tpu.memref_squeeze %dma_start3A_59 : memref<1x80x128xf32, #tpu.memory_space<hbm>> -> memref<80x128xf32, #tpu.memory_space<hbm>>
      %dma_start3A_61 = arith.constant 0 : i32
      %dma_start3A_62 = tpu.memref_slice %arg6[%arg0, %add3A_30, %dma_start3A_61] : memref<2x10000x128xf32, #tpu.memory_space<hbm>> -> memref<1x80x128xf32, #tpu.memory_space<hbm>>
      %dma_start3A_63 = tpu.memref_squeeze %dma_start3A_62 : memref<1x80x128xf32, #tpu.memory_space<hbm>> -> memref<80x128xf32, #tpu.memory_space<hbm>>
      tpu.enqueue_dma source(%arg9 : memref<80x128xf32, #tpu.memory_space<vmem>>) target(%dma_start3A_63 : memref<80x128xf32, #tpu.memory_space<hbm>>) target_semaphore(%run_scoped3A : memref<!tpu.dma_semaphore, #tpu.memory_space<semaphore_mem>>)
      %dma_wait3A = arith.constant 0 : i32
      %dma_wait3A_64 = tpu.memref_slice %arg6[%arg0, %add3A_30, %dma_wait3A] : memref<2x10000x128xf32, #tpu.memory_space<hbm>> -> memref<1x80x128xf32, #tpu.memory_space<hbm>>
      %dma_wait3A_65 = tpu.memref_squeeze %dma_wait3A_64 : memref<1x80x128xf32, #tpu.memory_space<hbm>> -> memref<80x128xf32, #tpu.memory_space<hbm>>
      %dma_wait3A_66 = arith.constant 0 : i32
      %dma_wait3A_67 = tpu.memref_slice %arg6[%arg0, %add3A_30, %dma_wait3A_66] : memref<2x10000x128xf32, #tpu.memory_space<hbm>> -> memref<1x80x128xf32, #tpu.memory_space<hbm>>
      %dma_wait3A_68 = tpu.memref_squeeze %dma_wait3A_67 : memref<1x80x128xf32, #tpu.memory_space<hbm>> -> memref<80x128xf32, #tpu.memory_space<hbm>>
      tpu.wait_dma2 semaphore(%run_scoped3A : memref<!tpu.dma_semaphore, #tpu.memory_space<semaphore_mem>>) src(%arg9 : memref<80x128xf32, #tpu.memory_space<vmem>>) dst(%dma_wait3A_68 : memref<80x128xf32, #tpu.memory_space<hbm>>)
      tpu.yield
    }) : () -> ()
    %add3A_31 = arith.constant 80 : i32
    %add3A_32 = arith.addi %mul3A_2, %add3A_31 : i32
    "tpu.region"() ({
      %run_scoped3A = tpu.sem_alloc : memref<!tpu.dma_semaphore, #tpu.memory_space<semaphore_mem>>
      %dma_start3A = arith.constant 0 : i32
      %dma_start3A_59 = tpu.memref_slice %arg10[%add3A_32, %dma_start3A] : memref<10000x128xf32, #tpu.memory_space<vmem_shared>> -> memref<80x128xf32, #tpu.memory_space<vmem_shared>>
      %dma_start3A_60 = arith.constant 0 : i32
      %dma_start3A_61 = tpu.memref_slice %arg10[%add3A_32, %dma_start3A_60] : memref<10000x128xf32, #tpu.memory_space<vmem_shared>> -> memref<80x128xf32, #tpu.memory_space<vmem_shared>>
      tpu.enqueue_dma source(%dma_start3A_61 : memref<80x128xf32, #tpu.memory_space<vmem_shared>>) target(%arg9 : memref<80x128xf32, #tpu.memory_space<vmem>>) target_semaphore(%run_scoped3A : memref<!tpu.dma_semaphore, #tpu.memory_space<semaphore_mem>>)
      %dma_wait3A = arith.constant 0 : i32
      %dma_wait3A_62 = tpu.memref_slice %arg10[%add3A_32, %dma_wait3A] : memref<10000x128xf32, #tpu.memory_space<vmem_shared>> -> memref<80x128xf32, #tpu.memory_space<vmem_shared>>
      %dma_wait3A_63 = arith.constant 0 : i32
      %dma_wait3A_64 = tpu.memref_slice %arg10[%add3A_32, %dma_wait3A_63] : memref<10000x128xf32, #tpu.memory_space<vmem_shared>> -> memref<80x128xf32, #tpu.memory_space<vmem_shared>>
      tpu.wait_dma2 semaphore(%run_scoped3A : memref<!tpu.dma_semaphore, #tpu.memory_space<semaphore_mem>>) src(%dma_wait3A_64 : memref<80x128xf32, #tpu.memory_space<vmem_shared>>) dst(%arg9 : memref<80x128xf32, #tpu.memory_space<vmem>>)
      tpu.yield
    }) : () -> ()
    %add3A_33 = arith.constant 80 : i32
    %add3A_34 = arith.addi %mul3A_2, %add3A_33 : i32
    "tpu.region"() ({
      %run_scoped3A = tpu.sem_alloc : memref<!tpu.dma_semaphore, #tpu.memory_space<semaphore_mem>>
      %dma_start3A = arith.constant 0 : i32
      %dma_start3A_59 = tpu.memref_slice %arg6[%arg0, %add3A_34, %dma_start3A] : memref<2x10000x128xf32, #tpu.memory_space<hbm>> -> memref<1x80x128xf32, #tpu.memory_space<hbm>>
      %dma_start3A_60 = tpu.memref_squeeze %dma_start3A_59 : memref<1x80x128xf32, #tpu.memory_space<hbm>> -> memref<80x128xf32, #tpu.memory_space<hbm>>
      %dma_start3A_61 = arith.constant 0 : i32
      %dma_start3A_62 = tpu.memref_slice %arg6[%arg0, %add3A_34, %dma_start3A_61] : memref<2x10000x128xf32, #tpu.memory_space<hbm>> -> memref<1x80x128xf32, #tpu.memory_space<hbm>>
      %dma_start3A_63 = tpu.memref_squeeze %dma_start3A_62 : memref<1x80x128xf32, #tpu.memory_space<hbm>> -> memref<80x128xf32, #tpu.memory_space<hbm>>
      tpu.enqueue_dma source(%arg9 : memref<80x128xf32, #tpu.memory_space<vmem>>) target(%dma_start3A_63 : memref<80x128xf32, #tpu.memory_space<hbm>>) target_semaphore(%run_scoped3A : memref<!tpu.dma_semaphore, #tpu.memory_space<semaphore_mem>>)
      %dma_wait3A = arith.constant 0 : i32
      %dma_wait3A_64 = tpu.memref_slice %arg6[%arg0, %add3A_34, %dma_wait3A] : memref<2x10000x128xf32, #tpu.memory_space<hbm>> -> memref<1x80x128xf32, #tpu.memory_space<hbm>>
      %dma_wait3A_65 = tpu.memref_squeeze %dma_wait3A_64 : memref<1x80x128xf32, #tpu.memory_space<hbm>> -> memref<80x128xf32, #tpu.memory_space<hbm>>
      %dma_wait3A_66 = arith.constant 0 : i32
      %dma_wait3A_67 = tpu.memref_slice %arg6[%arg0, %add3A_34, %dma_wait3A_66] : memref<2x10000x128xf32, #tpu.memory_space<hbm>> -> memref<1x80x128xf32, #tpu.memory_space<hbm>>
      %dma_wait3A_68 = tpu.memref_squeeze %dma_wait3A_67 : memref<1x80x128xf32, #tpu.memory_space<hbm>> -> memref<80x128xf32, #tpu.memory_space<hbm>>
      tpu.wait_dma2 semaphore(%run_scoped3A : memref<!tpu.dma_semaphore, #tpu.memory_space<semaphore_mem>>) src(%arg9 : memref<80x128xf32, #tpu.memory_space<vmem>>) dst(%dma_wait3A_68 : memref<80x128xf32, #tpu.memory_space<hbm>>)
      tpu.yield
    }) : () -> ()
    %add3A_35 = arith.constant 160 : i32
    %add3A_36 = arith.addi %mul3A_2, %add3A_35 : i32
    "tpu.region"() ({
      %run_scoped3A = tpu.sem_alloc : memref<!tpu.dma_semaphore, #tpu.memory_space<semaphore_mem>>
      %dma_start3A = arith.constant 0 : i32
      %dma_start3A_59 = tpu.memref_slice %arg10[%add3A_36, %dma_start3A] : memref<10000x128xf32, #tpu.memory_space<vmem_shared>> -> memref<80x128xf32, #tpu.memory_space<vmem_shared>>
      %dma_start3A_60 = arith.constant 0 : i32
      %dma_start3A_61 = tpu.memref_slice %arg10[%add3A_36, %dma_start3A_60] : memref<10000x128xf32, #tpu.memory_space<vmem_shared>> -> memref<80x128xf32, #tpu.memory_space<vmem_shared>>
      tpu.enqueue_dma source(%dma_start3A_61 : memref<80x128xf32, #tpu.memory_space<vmem_shared>>) target(%arg9 : memref<80x128xf32, #tpu.memory_space<vmem>>) target_semaphore(%run_scoped3A : memref<!tpu.dma_semaphore, #tpu.memory_space<semaphore_mem>>)
      %dma_wait3A = arith.constant 0 : i32
      %dma_wait3A_62 = tpu.memref_slice %arg10[%add3A_36, %dma_wait3A] : memref<10000x128xf32, #tpu.memory_space<vmem_shared>> -> memref<80x128xf32, #tpu.memory_space<vmem_shared>>
      %dma_wait3A_63 = arith.constant 0 : i32
      %dma_wait3A_64 = tpu.memref_slice %arg10[%add3A_36, %dma_wait3A_63] : memref<10000x128xf32, #tpu.memory_space<vmem_shared>> -> memref<80x128xf32, #tpu.memory_space<vmem_shared>>
      tpu.wait_dma2 semaphore(%run_scoped3A : memref<!tpu.dma_semaphore, #tpu.memory_space<semaphore_mem>>) src(%dma_wait3A_64 : memref<80x128xf32, #tpu.memory_space<vmem_shared>>) dst(%arg9 : memref<80x128xf32, #tpu.memory_space<vmem>>)
      tpu.yield
    }) : () -> ()
    %add3A_37 = arith.constant 160 : i32
    %add3A_38 = arith.addi %mul3A_2, %add3A_37 : i32
    "tpu.region"() ({
      %run_scoped3A = tpu.sem_alloc : memref<!tpu.dma_semaphore, #tpu.memory_space<semaphore_mem>>
      %dma_start3A = arith.constant 0 : i32
      %dma_start3A_59 = tpu.memref_slice %arg6[%arg0, %add3A_38, %dma_start3A] : memref<2x10000x128xf32, #tpu.memory_space<hbm>> -> memref<1x80x128xf32, #tpu.memory_space<hbm>>
      %dma_start3A_60 = tpu.memref_squeeze %dma_start3A_59 : memref<1x80x128xf32, #tpu.memory_space<hbm>> -> memref<80x128xf32, #tpu.memory_space<hbm>>
      %dma_start3A_61 = arith.constant 0 : i32
      %dma_start3A_62 = tpu.memref_slice %arg6[%arg0, %add3A_38, %dma_start3A_61] : memref<2x10000x128xf32, #tpu.memory_space<hbm>> -> memref<1x80x128xf32, #tpu.memory_space<hbm>>
      %dma_start3A_63 = tpu.memref_squeeze %dma_start3A_62 : memref<1x80x128xf32, #tpu.memory_space<hbm>> -> memref<80x128xf32, #tpu.memory_space<hbm>>
      tpu.enqueue_dma source(%arg9 : memref<80x128xf32, #tpu.memory_space<vmem>>) target(%dma_start3A_63 : memref<80x128xf32, #tpu.memory_space<hbm>>) target_semaphore(%run_scoped3A : memref<!tpu.dma_semaphore, #tpu.memory_space<semaphore_mem>>)
      %dma_wait3A = arith.constant 0 : i32
      %dma_wait3A_64 = tpu.memref_slice %arg6[%arg0, %add3A_38, %dma_wait3A] : memref<2x10000x128xf32, #tpu.memory_space<hbm>> -> memref<1x80x128xf32, #tpu.memory_space<hbm>>
      %dma_wait3A_65 = tpu.memref_squeeze %dma_wait3A_64 : memref<1x80x128xf32, #tpu.memory_space<hbm>> -> memref<80x128xf32, #tpu.memory_space<hbm>>
      %dma_wait3A_66 = arith.constant 0 : i32
      %dma_wait3A_67 = tpu.memref_slice %arg6[%arg0, %add3A_38, %dma_wait3A_66] : memref<2x10000x128xf32, #tpu.memory_space<hbm>> -> memref<1x80x128xf32, #tpu.memory_space<hbm>>
      %dma_wait3A_68 = tpu.memref_squeeze %dma_wait3A_67 : memref<1x80x128xf32, #tpu.memory_space<hbm>> -> memref<80x128xf32, #tpu.memory_space<hbm>>
      tpu.wait_dma2 semaphore(%run_scoped3A : memref<!tpu.dma_semaphore, #tpu.memory_space<semaphore_mem>>) src(%arg9 : memref<80x128xf32, #tpu.memory_space<vmem>>) dst(%dma_wait3A_68 : memref<80x128xf32, #tpu.memory_space<hbm>>)
      tpu.yield
    }) : () -> ()
    %add3A_39 = arith.constant 240 : i32
    %add3A_40 = arith.addi %mul3A_2, %add3A_39 : i32
    "tpu.region"() ({
      %run_scoped3A = tpu.sem_alloc : memref<!tpu.dma_semaphore, #tpu.memory_space<semaphore_mem>>
      %dma_start3A = arith.constant 0 : i32
      %dma_start3A_59 = tpu.memref_slice %arg10[%add3A_40, %dma_start3A] : memref<10000x128xf32, #tpu.memory_space<vmem_shared>> -> memref<80x128xf32, #tpu.memory_space<vmem_shared>>
      %dma_start3A_60 = arith.constant 0 : i32
      %dma_start3A_61 = tpu.memref_slice %arg10[%add3A_40, %dma_start3A_60] : memref<10000x128xf32, #tpu.memory_space<vmem_shared>> -> memref<80x128xf32, #tpu.memory_space<vmem_shared>>
      tpu.enqueue_dma source(%dma_start3A_61 : memref<80x128xf32, #tpu.memory_space<vmem_shared>>) target(%arg9 : memref<80x128xf32, #tpu.memory_space<vmem>>) target_semaphore(%run_scoped3A : memref<!tpu.dma_semaphore, #tpu.memory_space<semaphore_mem>>)
      %dma_wait3A = arith.constant 0 : i32
      %dma_wait3A_62 = tpu.memref_slice %arg10[%add3A_40, %dma_wait3A] : memref<10000x128xf32, #tpu.memory_space<vmem_shared>> -> memref<80x128xf32, #tpu.memory_space<vmem_shared>>
      %dma_wait3A_63 = arith.constant 0 : i32
      %dma_wait3A_64 = tpu.memref_slice %arg10[%add3A_40, %dma_wait3A_63] : memref<10000x128xf32, #tpu.memory_space<vmem_shared>> -> memref<80x128xf32, #tpu.memory_space<vmem_shared>>
      tpu.wait_dma2 semaphore(%run_scoped3A : memref<!tpu.dma_semaphore, #tpu.memory_space<semaphore_mem>>) src(%dma_wait3A_64 : memref<80x128xf32, #tpu.memory_space<vmem_shared>>) dst(%arg9 : memref<80x128xf32, #tpu.memory_space<vmem>>)
      tpu.yield
    }) : () -> ()
    %add3A_41 = arith.constant 240 : i32
    %add3A_42 = arith.addi %mul3A_2, %add3A_41 : i32
    "tpu.region"() ({
      %run_scoped3A = tpu.sem_alloc : memref<!tpu.dma_semaphore, #tpu.memory_space<semaphore_mem>>
      %dma_start3A = arith.constant 0 : i32
      %dma_start3A_59 = tpu.memref_slice %arg6[%arg0, %add3A_42, %dma_start3A] : memref<2x10000x128xf32, #tpu.memory_space<hbm>> -> memref<1x80x128xf32, #tpu.memory_space<hbm>>
      %dma_start3A_60 = tpu.memref_squeeze %dma_start3A_59 : memref<1x80x128xf32, #tpu.memory_space<hbm>> -> memref<80x128xf32, #tpu.memory_space<hbm>>
      %dma_start3A_61 = arith.constant 0 : i32
      %dma_start3A_62 = tpu.memref_slice %arg6[%arg0, %add3A_42, %dma_start3A_61] : memref<2x10000x128xf32, #tpu.memory_space<hbm>> -> memref<1x80x128xf32, #tpu.memory_space<hbm>>
      %dma_start3A_63 = tpu.memref_squeeze %dma_start3A_62 : memref<1x80x128xf32, #tpu.memory_space<hbm>> -> memref<80x128xf32, #tpu.memory_space<hbm>>
      tpu.enqueue_dma source(%arg9 : memref<80x128xf32, #tpu.memory_space<vmem>>) target(%dma_start3A_63 : memref<80x128xf32, #tpu.memory_space<hbm>>) target_semaphore(%run_scoped3A : memref<!tpu.dma_semaphore, #tpu.memory_space<semaphore_mem>>)
      %dma_wait3A = arith.constant 0 : i32
      %dma_wait3A_64 = tpu.memref_slice %arg6[%arg0, %add3A_42, %dma_wait3A] : memref<2x10000x128xf32, #tpu.memory_space<hbm>> -> memref<1x80x128xf32, #tpu.memory_space<hbm>>
      %dma_wait3A_65 = tpu.memref_squeeze %dma_wait3A_64 : memref<1x80x128xf32, #tpu.memory_space<hbm>> -> memref<80x128xf32, #tpu.memory_space<hbm>>
      %dma_wait3A_66 = arith.constant 0 : i32
      %dma_wait3A_67 = tpu.memref_slice %arg6[%arg0, %add3A_42, %dma_wait3A_66] : memref<2x10000x128xf32, #tpu.memory_space<hbm>> -> memref<1x80x128xf32, #tpu.memory_space<hbm>>
      %dma_wait3A_68 = tpu.memref_squeeze %dma_wait3A_67 : memref<1x80x128xf32, #tpu.memory_space<hbm>> -> memref<80x128xf32, #tpu.memory_space<hbm>>
      tpu.wait_dma2 semaphore(%run_scoped3A : memref<!tpu.dma_semaphore, #tpu.memory_space<semaphore_mem>>) src(%arg9 : memref<80x128xf32, #tpu.memory_space<vmem>>) dst(%dma_wait3A_68 : memref<80x128xf32, #tpu.memory_space<hbm>>)
      tpu.yield
    }) : () -> ()
    %add3A_43 = arith.constant 320 : i32
    %add3A_44 = arith.addi %mul3A_2, %add3A_43 : i32
    "tpu.region"() ({
      %run_scoped3A = tpu.sem_alloc : memref<!tpu.dma_semaphore, #tpu.memory_space<semaphore_mem>>
      %dma_start3A = arith.constant 0 : i32
      %dma_start3A_59 = tpu.memref_slice %arg10[%add3A_44, %dma_start3A] : memref<10000x128xf32, #tpu.memory_space<vmem_shared>> -> memref<80x128xf32, #tpu.memory_space<vmem_shared>>
      %dma_start3A_60 = arith.constant 0 : i32
      %dma_start3A_61 = tpu.memref_slice %arg10[%add3A_44, %dma_start3A_60] : memref<10000x128xf32, #tpu.memory_space<vmem_shared>> -> memref<80x128xf32, #tpu.memory_space<vmem_shared>>
      tpu.enqueue_dma source(%dma_start3A_61 : memref<80x128xf32, #tpu.memory_space<vmem_shared>>) target(%arg9 : memref<80x128xf32, #tpu.memory_space<vmem>>) target_semaphore(%run_scoped3A : memref<!tpu.dma_semaphore, #tpu.memory_space<semaphore_mem>>)
      %dma_wait3A = arith.constant 0 : i32
      %dma_wait3A_62 = tpu.memref_slice %arg10[%add3A_44, %dma_wait3A] : memref<10000x128xf32, #tpu.memory_space<vmem_shared>> -> memref<80x128xf32, #tpu.memory_space<vmem_shared>>
      %dma_wait3A_63 = arith.constant 0 : i32
      %dma_wait3A_64 = tpu.memref_slice %arg10[%add3A_44, %dma_wait3A_63] : memref<10000x128xf32, #tpu.memory_space<vmem_shared>> -> memref<80x128xf32, #tpu.memory_space<vmem_shared>>
      tpu.wait_dma2 semaphore(%run_scoped3A : memref<!tpu.dma_semaphore, #tpu.memory_space<semaphore_mem>>) src(%dma_wait3A_64 : memref<80x128xf32, #tpu.memory_space<vmem_shared>>) dst(%arg9 : memref<80x128xf32, #tpu.memory_space<vmem>>)
      tpu.yield
    }) : () -> ()
    %add3A_45 = arith.constant 320 : i32
    %add3A_46 = arith.addi %mul3A_2, %add3A_45 : i32
    "tpu.region"() ({
      %run_scoped3A = tpu.sem_alloc : memref<!tpu.dma_semaphore, #tpu.memory_space<semaphore_mem>>
      %dma_start3A = arith.constant 0 : i32
      %dma_start3A_59 = tpu.memref_slice %arg6[%arg0, %add3A_46, %dma_start3A] : memref<2x10000x128xf32, #tpu.memory_space<hbm>> -> memref<1x80x128xf32, #tpu.memory_space<hbm>>
      %dma_start3A_60 = tpu.memref_squeeze %dma_start3A_59 : memref<1x80x128xf32, #tpu.memory_space<hbm>> -> memref<80x128xf32, #tpu.memory_space<hbm>>
      %dma_start3A_61 = arith.constant 0 : i32
      %dma_start3A_62 = tpu.memref_slice %arg6[%arg0, %add3A_46, %dma_start3A_61] : memref<2x10000x128xf32, #tpu.memory_space<hbm>> -> memref<1x80x128xf32, #tpu.memory_space<hbm>>
      %dma_start3A_63 = tpu.memref_squeeze %dma_start3A_62 : memref<1x80x128xf32, #tpu.memory_space<hbm>> -> memref<80x128xf32, #tpu.memory_space<hbm>>
      tpu.enqueue_dma source(%arg9 : memref<80x128xf32, #tpu.memory_space<vmem>>) target(%dma_start3A_63 : memref<80x128xf32, #tpu.memory_space<hbm>>) target_semaphore(%run_scoped3A : memref<!tpu.dma_semaphore, #tpu.memory_space<semaphore_mem>>)
      %dma_wait3A = arith.constant 0 : i32
      %dma_wait3A_64 = tpu.memref_slice %arg6[%arg0, %add3A_46, %dma_wait3A] : memref<2x10000x128xf32, #tpu.memory_space<hbm>> -> memref<1x80x128xf32, #tpu.memory_space<hbm>>
      %dma_wait3A_65 = tpu.memref_squeeze %dma_wait3A_64 : memref<1x80x128xf32, #tpu.memory_space<hbm>> -> memref<80x128xf32, #tpu.memory_space<hbm>>
      %dma_wait3A_66 = arith.constant 0 : i32
      %dma_wait3A_67 = tpu.memref_slice %arg6[%arg0, %add3A_46, %dma_wait3A_66] : memref<2x10000x128xf32, #tpu.memory_space<hbm>> -> memref<1x80x128xf32, #tpu.memory_space<hbm>>
      %dma_wait3A_68 = tpu.memref_squeeze %dma_wait3A_67 : memref<1x80x128xf32, #tpu.memory_space<hbm>> -> memref<80x128xf32, #tpu.memory_space<hbm>>
      tpu.wait_dma2 semaphore(%run_scoped3A : memref<!tpu.dma_semaphore, #tpu.memory_space<semaphore_mem>>) src(%arg9 : memref<80x128xf32, #tpu.memory_space<vmem>>) dst(%dma_wait3A_68 : memref<80x128xf32, #tpu.memory_space<hbm>>)
      tpu.yield
    }) : () -> ()
    %add3A_47 = arith.constant 400 : i32
    %add3A_48 = arith.addi %mul3A_2, %add3A_47 : i32
    "tpu.region"() ({
      %run_scoped3A = tpu.sem_alloc : memref<!tpu.dma_semaphore, #tpu.memory_space<semaphore_mem>>
      %dma_start3A = arith.constant 0 : i32
      %dma_start3A_59 = tpu.memref_slice %arg10[%add3A_48, %dma_start3A] : memref<10000x128xf32, #tpu.memory_space<vmem_shared>> -> memref<80x128xf32, #tpu.memory_space<vmem_shared>>
      %dma_start3A_60 = arith.constant 0 : i32
      %dma_start3A_61 = tpu.memref_slice %arg10[%add3A_48, %dma_start3A_60] : memref<10000x128xf32, #tpu.memory_space<vmem_shared>> -> memref<80x128xf32, #tpu.memory_space<vmem_shared>>
      tpu.enqueue_dma source(%dma_start3A_61 : memref<80x128xf32, #tpu.memory_space<vmem_shared>>) target(%arg9 : memref<80x128xf32, #tpu.memory_space<vmem>>) target_semaphore(%run_scoped3A : memref<!tpu.dma_semaphore, #tpu.memory_space<semaphore_mem>>)
      %dma_wait3A = arith.constant 0 : i32
      %dma_wait3A_62 = tpu.memref_slice %arg10[%add3A_48, %dma_wait3A] : memref<10000x128xf32, #tpu.memory_space<vmem_shared>> -> memref<80x128xf32, #tpu.memory_space<vmem_shared>>
      %dma_wait3A_63 = arith.constant 0 : i32
      %dma_wait3A_64 = tpu.memref_slice %arg10[%add3A_48, %dma_wait3A_63] : memref<10000x128xf32, #tpu.memory_space<vmem_shared>> -> memref<80x128xf32, #tpu.memory_space<vmem_shared>>
      tpu.wait_dma2 semaphore(%run_scoped3A : memref<!tpu.dma_semaphore, #tpu.memory_space<semaphore_mem>>) src(%dma_wait3A_64 : memref<80x128xf32, #tpu.memory_space<vmem_shared>>) dst(%arg9 : memref<80x128xf32, #tpu.memory_space<vmem>>)
      tpu.yield
    }) : () -> ()
    %add3A_49 = arith.constant 400 : i32
    %add3A_50 = arith.addi %mul3A_2, %add3A_49 : i32
    "tpu.region"() ({
      %run_scoped3A = tpu.sem_alloc : memref<!tpu.dma_semaphore, #tpu.memory_space<semaphore_mem>>
      %dma_start3A = arith.constant 0 : i32
      %dma_start3A_59 = tpu.memref_slice %arg6[%arg0, %add3A_50, %dma_start3A] : memref<2x10000x128xf32, #tpu.memory_space<hbm>> -> memref<1x80x128xf32, #tpu.memory_space<hbm>>
      %dma_start3A_60 = tpu.memref_squeeze %dma_start3A_59 : memref<1x80x128xf32, #tpu.memory_space<hbm>> -> memref<80x128xf32, #tpu.memory_space<hbm>>
      %dma_start3A_61 = arith.constant 0 : i32
      %dma_start3A_62 = tpu.memref_slice %arg6[%arg0, %add3A_50, %dma_start3A_61] : memref<2x10000x128xf32, #tpu.memory_space<hbm>> -> memref<1x80x128xf32, #tpu.memory_space<hbm>>
      %dma_start3A_63 = tpu.memref_squeeze %dma_start3A_62 : memref<1x80x128xf32, #tpu.memory_space<hbm>> -> memref<80x128xf32, #tpu.memory_space<hbm>>
      tpu.enqueue_dma source(%arg9 : memref<80x128xf32, #tpu.memory_space<vmem>>) target(%dma_start3A_63 : memref<80x128xf32, #tpu.memory_space<hbm>>) target_semaphore(%run_scoped3A : memref<!tpu.dma_semaphore, #tpu.memory_space<semaphore_mem>>)
      %dma_wait3A = arith.constant 0 : i32
      %dma_wait3A_64 = tpu.memref_slice %arg6[%arg0, %add3A_50, %dma_wait3A] : memref<2x10000x128xf32, #tpu.memory_space<hbm>> -> memref<1x80x128xf32, #tpu.memory_space<hbm>>
      %dma_wait3A_65 = tpu.memref_squeeze %dma_wait3A_64 : memref<1x80x128xf32, #tpu.memory_space<hbm>> -> memref<80x128xf32, #tpu.memory_space<hbm>>
      %dma_wait3A_66 = arith.constant 0 : i32
      %dma_wait3A_67 = tpu.memref_slice %arg6[%arg0, %add3A_50, %dma_wait3A_66] : memref<2x10000x128xf32, #tpu.memory_space<hbm>> -> memref<1x80x128xf32, #tpu.memory_space<hbm>>
      %dma_wait3A_68 = tpu.memref_squeeze %dma_wait3A_67 : memref<1x80x128xf32, #tpu.memory_space<hbm>> -> memref<80x128xf32, #tpu.memory_space<hbm>>
      tpu.wait_dma2 semaphore(%run_scoped3A : memref<!tpu.dma_semaphore, #tpu.memory_space<semaphore_mem>>) src(%arg9 : memref<80x128xf32, #tpu.memory_space<vmem>>) dst(%dma_wait3A_68 : memref<80x128xf32, #tpu.memory_space<hbm>>)
      tpu.yield
    }) : () -> ()
    %add3A_51 = arith.constant 480 : i32
    %add3A_52 = arith.addi %mul3A_2, %add3A_51 : i32
    "tpu.region"() ({
      %run_scoped3A = tpu.sem_alloc : memref<!tpu.dma_semaphore, #tpu.memory_space<semaphore_mem>>
      %dma_start3A = arith.constant 0 : i32
      %dma_start3A_59 = tpu.memref_slice %arg10[%add3A_52, %dma_start3A] : memref<10000x128xf32, #tpu.memory_space<vmem_shared>> -> memref<80x128xf32, #tpu.memory_space<vmem_shared>>
      %dma_start3A_60 = arith.constant 0 : i32
      %dma_start3A_61 = tpu.memref_slice %arg10[%add3A_52, %dma_start3A_60] : memref<10000x128xf32, #tpu.memory_space<vmem_shared>> -> memref<80x128xf32, #tpu.memory_space<vmem_shared>>
      tpu.enqueue_dma source(%dma_start3A_61 : memref<80x128xf32, #tpu.memory_space<vmem_shared>>) target(%arg9 : memref<80x128xf32, #tpu.memory_space<vmem>>) target_semaphore(%run_scoped3A : memref<!tpu.dma_semaphore, #tpu.memory_space<semaphore_mem>>)
      %dma_wait3A = arith.constant 0 : i32
      %dma_wait3A_62 = tpu.memref_slice %arg10[%add3A_52, %dma_wait3A] : memref<10000x128xf32, #tpu.memory_space<vmem_shared>> -> memref<80x128xf32, #tpu.memory_space<vmem_shared>>
      %dma_wait3A_63 = arith.constant 0 : i32
      %dma_wait3A_64 = tpu.memref_slice %arg10[%add3A_52, %dma_wait3A_63] : memref<10000x128xf32, #tpu.memory_space<vmem_shared>> -> memref<80x128xf32, #tpu.memory_space<vmem_shared>>
      tpu.wait_dma2 semaphore(%run_scoped3A : memref<!tpu.dma_semaphore, #tpu.memory_space<semaphore_mem>>) src(%dma_wait3A_64 : memref<80x128xf32, #tpu.memory_space<vmem_shared>>) dst(%arg9 : memref<80x128xf32, #tpu.memory_space<vmem>>)
      tpu.yield
    }) : () -> ()
    %add3A_53 = arith.constant 480 : i32
    %add3A_54 = arith.addi %mul3A_2, %add3A_53 : i32
    "tpu.region"() ({
      %run_scoped3A = tpu.sem_alloc : memref<!tpu.dma_semaphore, #tpu.memory_space<semaphore_mem>>
      %dma_start3A = arith.constant 0 : i32
      %dma_start3A_59 = tpu.memref_slice %arg6[%arg0, %add3A_54, %dma_start3A] : memref<2x10000x128xf32, #tpu.memory_space<hbm>> -> memref<1x80x128xf32, #tpu.memory_space<hbm>>
      %dma_start3A_60 = tpu.memref_squeeze %dma_start3A_59 : memref<1x80x128xf32, #tpu.memory_space<hbm>> -> memref<80x128xf32, #tpu.memory_space<hbm>>
      %dma_start3A_61 = arith.constant 0 : i32
      %dma_start3A_62 = tpu.memref_slice %arg6[%arg0, %add3A_54, %dma_start3A_61] : memref<2x10000x128xf32, #tpu.memory_space<hbm>> -> memref<1x80x128xf32, #tpu.memory_space<hbm>>
      %dma_start3A_63 = tpu.memref_squeeze %dma_start3A_62 : memref<1x80x128xf32, #tpu.memory_space<hbm>> -> memref<80x128xf32, #tpu.memory_space<hbm>>
      tpu.enqueue_dma source(%arg9 : memref<80x128xf32, #tpu.memory_space<vmem>>) target(%dma_start3A_63 : memref<80x128xf32, #tpu.memory_space<hbm>>) target_semaphore(%run_scoped3A : memref<!tpu.dma_semaphore, #tpu.memory_space<semaphore_mem>>)
      %dma_wait3A = arith.constant 0 : i32
      %dma_wait3A_64 = tpu.memref_slice %arg6[%arg0, %add3A_54, %dma_wait3A] : memref<2x10000x128xf32, #tpu.memory_space<hbm>> -> memref<1x80x128xf32, #tpu.memory_space<hbm>>
      %dma_wait3A_65 = tpu.memref_squeeze %dma_wait3A_64 : memref<1x80x128xf32, #tpu.memory_space<hbm>> -> memref<80x128xf32, #tpu.memory_space<hbm>>
      %dma_wait3A_66 = arith.constant 0 : i32
      %dma_wait3A_67 = tpu.memref_slice %arg6[%arg0, %add3A_54, %dma_wait3A_66] : memref<2x10000x128xf32, #tpu.memory_space<hbm>> -> memref<1x80x128xf32, #tpu.memory_space<hbm>>
      %dma_wait3A_68 = tpu.memref_squeeze %dma_wait3A_67 : memref<1x80x128xf32, #tpu.memory_space<hbm>> -> memref<80x128xf32, #tpu.memory_space<hbm>>
      tpu.wait_dma2 semaphore(%run_scoped3A : memref<!tpu.dma_semaphore, #tpu.memory_space<semaphore_mem>>) src(%arg9 : memref<80x128xf32, #tpu.memory_space<vmem>>) dst(%dma_wait3A_68 : memref<80x128xf32, #tpu.memory_space<hbm>>)
      tpu.yield
    }) : () -> ()
    %add3A_55 = arith.constant 560 : i32
    %add3A_56 = arith.addi %mul3A_2, %add3A_55 : i32
    "tpu.region"() ({
      %run_scoped3A = tpu.sem_alloc : memref<!tpu.dma_semaphore, #tpu.memory_space<semaphore_mem>>
      %dma_start3A = arith.constant 0 : i32
      %dma_start3A_59 = tpu.memref_slice %arg10[%add3A_56, %dma_start3A] : memref<10000x128xf32, #tpu.memory_space<vmem_shared>> -> memref<80x128xf32, #tpu.memory_space<vmem_shared>>
      %dma_start3A_60 = arith.constant 0 : i32
      %dma_start3A_61 = tpu.memref_slice %arg10[%add3A_56, %dma_start3A_60] : memref<10000x128xf32, #tpu.memory_space<vmem_shared>> -> memref<80x128xf32, #tpu.memory_space<vmem_shared>>
      tpu.enqueue_dma source(%dma_start3A_61 : memref<80x128xf32, #tpu.memory_space<vmem_shared>>) target(%arg9 : memref<80x128xf32, #tpu.memory_space<vmem>>) target_semaphore(%run_scoped3A : memref<!tpu.dma_semaphore, #tpu.memory_space<semaphore_mem>>)
      %dma_wait3A = arith.constant 0 : i32
      %dma_wait3A_62 = tpu.memref_slice %arg10[%add3A_56, %dma_wait3A] : memref<10000x128xf32, #tpu.memory_space<vmem_shared>> -> memref<80x128xf32, #tpu.memory_space<vmem_shared>>
      %dma_wait3A_63 = arith.constant 0 : i32
      %dma_wait3A_64 = tpu.memref_slice %arg10[%add3A_56, %dma_wait3A_63] : memref<10000x128xf32, #tpu.memory_space<vmem_shared>> -> memref<80x128xf32, #tpu.memory_space<vmem_shared>>
      tpu.wait_dma2 semaphore(%run_scoped3A : memref<!tpu.dma_semaphore, #tpu.memory_space<semaphore_mem>>) src(%dma_wait3A_64 : memref<80x128xf32, #tpu.memory_space<vmem_shared>>) dst(%arg9 : memref<80x128xf32, #tpu.memory_space<vmem>>)
      tpu.yield
    }) : () -> ()
    %add3A_57 = arith.constant 560 : i32
    %add3A_58 = arith.addi %mul3A_2, %add3A_57 : i32
    "tpu.region"() ({
      %run_scoped3A = tpu.sem_alloc : memref<!tpu.dma_semaphore, #tpu.memory_space<semaphore_mem>>
      %dma_start3A = arith.constant 0 : i32
      %dma_start3A_59 = tpu.memref_slice %arg6[%arg0, %add3A_58, %dma_start3A] : memref<2x10000x128xf32, #tpu.memory_space<hbm>> -> memref<1x80x128xf32, #tpu.memory_space<hbm>>
      %dma_start3A_60 = tpu.memref_squeeze %dma_start3A_59 : memref<1x80x128xf32, #tpu.memory_space<hbm>> -> memref<80x128xf32, #tpu.memory_space<hbm>>
      %dma_start3A_61 = arith.constant 0 : i32
      %dma_start3A_62 = tpu.memref_slice %arg6[%arg0, %add3A_58, %dma_start3A_61] : memref<2x10000x128xf32, #tpu.memory_space<hbm>> -> memref<1x80x128xf32, #tpu.memory_space<hbm>>
      %dma_start3A_63 = tpu.memref_squeeze %dma_start3A_62 : memref<1x80x128xf32, #tpu.memory_space<hbm>> -> memref<80x128xf32, #tpu.memory_space<hbm>>
      tpu.enqueue_dma source(%arg9 : memref<80x128xf32, #tpu.memory_space<vmem>>) target(%dma_start3A_63 : memref<80x128xf32, #tpu.memory_space<hbm>>) target_semaphore(%run_scoped3A : memref<!tpu.dma_semaphore, #tpu.memory_space<semaphore_mem>>)
      %dma_wait3A = arith.constant 0 : i32
      %dma_wait3A_64 = tpu.memref_slice %arg6[%arg0, %add3A_58, %dma_wait3A] : memref<2x10000x128xf32, #tpu.memory_space<hbm>> -> memref<1x80x128xf32, #tpu.memory_space<hbm>>
      %dma_wait3A_65 = tpu.memref_squeeze %dma_wait3A_64 : memref<1x80x128xf32, #tpu.memory_space<hbm>> -> memref<80x128xf32, #tpu.memory_space<hbm>>
      %dma_wait3A_66 = arith.constant 0 : i32
      %dma_wait3A_67 = tpu.memref_slice %arg6[%arg0, %add3A_58, %dma_wait3A_66] : memref<2x10000x128xf32, #tpu.memory_space<hbm>> -> memref<1x80x128xf32, #tpu.memory_space<hbm>>
      %dma_wait3A_68 = tpu.memref_squeeze %dma_wait3A_67 : memref<1x80x128xf32, #tpu.memory_space<hbm>> -> memref<80x128xf32, #tpu.memory_space<hbm>>
      tpu.wait_dma2 semaphore(%run_scoped3A : memref<!tpu.dma_semaphore, #tpu.memory_space<semaphore_mem>>) src(%arg9 : memref<80x128xf32, #tpu.memory_space<vmem>>) dst(%dma_wait3A_68 : memref<80x128xf32, #tpu.memory_space<hbm>>)
      tpu.yield
    }) : () -> ()
    return
  }
}

module attributes {stable_mosaic.version = 14 : i64} {
  func.func @_dis_body(%arg0: memref<10000x8xf32, #tpu.memory_space<vmem>>, %arg1: memref<10000x8xf32, #tpu.memory_space<vmem>>, %arg2: memref<10000x1xf32, #tpu.memory_space<vmem>>) attributes {dimension_semantics = [], scalar_prefetch = 0 : i64, scratch_operands = 0 : i64, tpu.core_type = #tpu.core_type<tc>} {
    %get3A = arith.constant 0 : index
    %get3A_0 = arith.constant 0 : index
    %get3A_1 = vector.load %arg0[%get3A, %get3A_0] : memref<10000x8xf32, #tpu.memory_space<vmem>>, vector<10000x1xf32>
    %get3A_2 = arith.constant 0 : index
    %get3A_3 = arith.constant 0 : index
    %get3A_4 = vector.load %arg1[%get3A_2, %get3A_3] : memref<10000x8xf32, #tpu.memory_space<vmem>>, vector<10000x1xf32>
    %add3A = arith.addf %get3A_1, %get3A_4 : vector<10000x1xf32>
    %add3A_5 = arith.constant 1.000000e+00 : f32
    %add3A_6 = vector.broadcast %add3A_5 : f32 to vector<10000x1xf32>
    %add3A_7 = arith.addf %add3A, %add3A_6 : vector<10000x1xf32>
    %rsqrt3A = math.rsqrt %add3A_7 : vector<10000x1xf32>
    %swap3A = arith.constant 0 : index
    %swap3A_8 = arith.constant 0 : index
    %swap3A_9 = vector.load %arg2[%swap3A, %swap3A_8] : memref<10000x1xf32, #tpu.memory_space<vmem>>, vector<10000x1xf32>
    tpu.vector_store %arg2[%swap3A, %swap3A_8], %rsqrt3A {strides = array<i32>} : memref<10000x1xf32, #tpu.memory_space<vmem>>, vector<10000x1xf32>,
    return
  }
}

module attributes {stable_mosaic.version = 14 : i64} {
  func.func @_first_body(%arg0: i32, %arg1: memref<1000x128xf32, #tpu.memory_space<vmem>>, %arg2: memref<128x128xf32, #tpu.memory_space<vmem>>, %arg3: memref<1x128xf32, #tpu.memory_space<vmem>>, %arg4: memref<1000x1xf32, #tpu.memory_space<vmem>>, %arg5: memref<1000x128xf32, #tpu.memory_space<vmem>>) attributes {dimension_semantics = [#tpu.dimension_semantics<arbitrary>], iteration_bounds = array<i64: 10>, scalar_prefetch = 0 : i64, scratch_operands = 0 : i64, tpu.core_type = #tpu.core_type<tc>, window_params = [{transform_indices = @transform_0, window_bounds = array<i64: 1000, 128>}, {pipeline_mode = #tpu.pipeline_mode<synchronous>, transform_indices = @transform_1, window_bounds = array<i64: 128, 128>}, {pipeline_mode = #tpu.pipeline_mode<synchronous>, transform_indices = @transform_2, window_bounds = array<i64: 1, 128>}, {transform_indices = @transform_3, window_bounds = array<i64: 1000, 1>}, {transform_indices = @transform_4, window_bounds = array<i64: 1000, 128>}]} {
    %get3A = arith.constant 0 : index
    %get3A_0 = arith.constant 0 : index
    %get3A_1 = vector.load %arg1[%get3A, %get3A_0] : memref<1000x128xf32, #tpu.memory_space<vmem>>, vector<1000x128xf32>
    %get3A_2 = arith.constant 0 : index
    %get3A_3 = arith.constant 0 : index
    %get3A_4 = vector.load %arg2[%get3A_2, %get3A_3] : memref<128x128xf32, #tpu.memory_space<vmem>>, vector<128x128xf32>
    %dot_general3A = arith.constant dense<0.000000e+00> : vector<1000x128xf32>
    %dot_general3A_5 = tpu.matmul %get3A_1, %get3A_4, %dot_general3A {dimension_numbers = #tpu.dot_dimension_numbers<[1], [0], [0], [1], [0, 0, 1, 1], [], []>, transpose_lhs_hint = false} : vector<1000x128xf32>, vector<128x128xf32>, vector<1000x128xf32> -> vector<1000x128xf32>
    %get3A_6 = arith.constant 0 : index
    %get3A_7 = arith.constant 0 : index
    %get3A_8 = vector.load %arg3[%get3A_6, %get3A_7] : memref<1x128xf32, #tpu.memory_space<vmem>>, vector<1x128xf32>
    %add3A = vector.broadcast %get3A_8 : vector<1x128xf32> to vector<1000x128xf32>
    %add3A_9 = arith.addf %dot_general3A_5, %add3A : vector<1000x128xf32>
    %get3A_10 = arith.constant 0 : index
    %get3A_11 = arith.constant 0 : index
    %get3A_12 = vector.load %arg4[%get3A_10, %get3A_11] : memref<1000x1xf32, #tpu.memory_space<vmem>>, vector<1000x1xf32>
    %mul3A = vector.broadcast %get3A_12 : vector<1000x1xf32> to vector<1000x128xf32>
    %mul3A_13 = arith.mulf %mul3A, %add3A_9 : vector<1000x128xf32>
    %swap3A = arith.constant 0 : index
    %swap3A_14 = arith.constant 0 : index
    %swap3A_15 = vector.load %arg5[%swap3A, %swap3A_14] : memref<1000x128xf32, #tpu.memory_space<vmem>>, vector<1000x128xf32>
    tpu.vector_store %arg5[%swap3A, %swap3A_14], %mul3A_13 {strides = array<i32>} : memref<1000x128xf32, #tpu.memory_space<vmem>>, vector<1000x128xf32>,
    return
  }
  func.func @transform_0(%arg0: i32) -> (i32, i32) {
    %c0_i32 = arith.constant 0 : i32
    %c0_i32_0 = arith.constant 0 : i32
    return %arg0, %c0_i32 : i32, i32
  }
  func.func @transform_1(%arg0: i32) -> (i32, i32) {
    %c0_i32 = arith.constant 0 : i32
    %c0_i32_0 = arith.constant 0 : i32
    %c0_i32_1 = arith.constant 0 : i32
    return %c0_i32, %c0_i32_0 : i32, i32
  }
  func.func @transform_2(%arg0: i32) -> (i32, i32) {
    %c0_i32 = arith.constant 0 : i32
    %c0_i32_0 = arith.constant 0 : i32
    %c0_i32_1 = arith.constant 0 : i32
    return %c0_i32, %c0_i32_0 : i32, i32
  }
  func.func @transform_3(%arg0: i32) -> (i32, i32) {
    %c0_i32 = arith.constant 0 : i32
    %c0_i32_0 = arith.constant 0 : i32
    return %arg0, %c0_i32 : i32, i32
  }
  func.func @transform_4(%arg0: i32) -> (i32, i32) {
    %c0_i32 = arith.constant 0 : i32
    %c0_i32_0 = arith.constant 0 : i32
    return %arg0, %c0_i32 : i32, i32
  }
}

module attributes {stable_mosaic.version = 14 : i64} {
  func.func @_mid_body(%arg0: i32, %arg1: memref<1000x128xf32, #tpu.memory_space<vmem>>, %arg2: memref<1000x128xf32, #tpu.memory_space<vmem>>, %arg3: memref<1000x128xf32, #tpu.memory_space<vmem>>, %arg4: memref<128x128xf32, #tpu.memory_space<vmem>>, %arg5: memref<1x128xf32, #tpu.memory_space<vmem>>, %arg6: memref<1000x1xf32, #tpu.memory_space<vmem>>, %arg7: memref<1000x128xf32, #tpu.memory_space<vmem>>) attributes {dimension_semantics = [#tpu.dimension_semantics<arbitrary>], iteration_bounds = array<i64: 10>, scalar_prefetch = 0 : i64, scratch_operands = 0 : i64, tpu.core_type = #tpu.core_type<tc>, window_params = [{transform_indices = @transform_0, window_bounds = array<i64: 1000, 128>}, {transform_indices = @transform_1, window_bounds = array<i64: 1000, 128>}, {transform_indices = @transform_2, window_bounds = array<i64: 1000, 128>}, {pipeline_mode = #tpu.pipeline_mode<synchronous>, transform_indices = @transform_3, window_bounds = array<i64: 128, 128>}, {pipeline_mode = #tpu.pipeline_mode<synchronous>, transform_indices = @transform_4, window_bounds = array<i64: 1, 128>}, {transform_indices = @transform_5, window_bounds = array<i64: 1000, 1>}, {transform_indices = @transform_6, window_bounds = array<i64: 1000, 128>}]} {
    %get3A = arith.constant 0 : index
    %get3A_0 = arith.constant 0 : index
    %get3A_1 = vector.load %arg6[%get3A, %get3A_0] : memref<1000x1xf32, #tpu.memory_space<vmem>>, vector<1000x1xf32>
    %get3A_2 = arith.constant 0 : index
    %get3A_3 = arith.constant 0 : index
    %get3A_4 = vector.load %arg1[%get3A_2, %get3A_3] : memref<1000x128xf32, #tpu.memory_space<vmem>>, vector<1000x128xf32>
    %get3A_5 = arith.constant 0 : index
    %get3A_6 = arith.constant 0 : index
    %get3A_7 = vector.load %arg2[%get3A_5, %get3A_6] : memref<1000x128xf32, #tpu.memory_space<vmem>>, vector<1000x128xf32>
    %add3A = arith.addf %get3A_4, %get3A_7 : vector<1000x128xf32>
    %get3A_8 = arith.constant 0 : index
    %get3A_9 = arith.constant 0 : index
    %get3A_10 = vector.load %arg3[%get3A_8, %get3A_9] : memref<1000x128xf32, #tpu.memory_space<vmem>>, vector<1000x128xf32>
    %add3A_11 = arith.addf %add3A, %get3A_10 : vector<1000x128xf32>
    %mul3A = vector.broadcast %get3A_1 : vector<1000x1xf32> to vector<1000x128xf32>
    %mul3A_12 = arith.mulf %mul3A, %add3A_11 : vector<1000x128xf32>
    %max3A = arith.constant 0.000000e+00 : f32
    %max3A_13 = vector.broadcast %max3A : f32 to vector<1000x128xf32>
    %max3A_14 = arith.maximumf %mul3A_12, %max3A_13 : vector<1000x128xf32>
    %get3A_15 = arith.constant 0 : index
    %get3A_16 = arith.constant 0 : index
    %get3A_17 = vector.load %arg4[%get3A_15, %get3A_16] : memref<128x128xf32, #tpu.memory_space<vmem>>, vector<128x128xf32>
    %dot_general3A = arith.constant dense<0.000000e+00> : vector<1000x128xf32>
    %dot_general3A_18 = tpu.matmul %max3A_14, %get3A_17, %dot_general3A {dimension_numbers = #tpu.dot_dimension_numbers<[1], [0], [0], [1], [0, 0, 1, 1], [], []>, transpose_lhs_hint = false} : vector<1000x128xf32>, vector<128x128xf32>, vector<1000x128xf32> -> vector<1000x128xf32>
    %get3A_19 = arith.constant 0 : index
    %get3A_20 = arith.constant 0 : index
    %get3A_21 = vector.load %arg5[%get3A_19, %get3A_20] : memref<1x128xf32, #tpu.memory_space<vmem>>, vector<1x128xf32>
    %add3A_22 = vector.broadcast %get3A_21 : vector<1x128xf32> to vector<1000x128xf32>
    %add3A_23 = arith.addf %dot_general3A_18, %add3A_22 : vector<1000x128xf32>
    %get3A_24 = arith.constant 0 : index
    %get3A_25 = arith.constant 0 : index
    %get3A_26 = vector.load %arg6[%get3A_24, %get3A_25] : memref<1000x1xf32, #tpu.memory_space<vmem>>, vector<1000x1xf32>
    %mul3A_27 = vector.broadcast %get3A_26 : vector<1000x1xf32> to vector<1000x128xf32>
    %mul3A_28 = arith.mulf %mul3A_27, %add3A_23 : vector<1000x128xf32>
    %swap3A = arith.constant 0 : index
    %swap3A_29 = arith.constant 0 : index
    %swap3A_30 = vector.load %arg7[%swap3A, %swap3A_29] : memref<1000x128xf32, #tpu.memory_space<vmem>>, vector<1000x128xf32>
    tpu.vector_store %arg7[%swap3A, %swap3A_29], %mul3A_28 {strides = array<i32>} : memref<1000x128xf32, #tpu.memory_space<vmem>>, vector<1000x128xf32>,
    return
  }
  func.func @transform_0(%arg0: i32) -> (i32, i32) {
    %c0_i32 = arith.constant 0 : i32
    %c0_i32_0 = arith.constant 0 : i32
    return %arg0, %c0_i32 : i32, i32
  }
  func.func @transform_1(%arg0: i32) -> (i32, i32) {
    %c0_i32 = arith.constant 0 : i32
    %c0_i32_0 = arith.constant 0 : i32
    return %arg0, %c0_i32 : i32, i32
  }
  func.func @transform_2(%arg0: i32) -> (i32, i32) {
    %c0_i32 = arith.constant 0 : i32
    %c0_i32_0 = arith.constant 0 : i32
    return %arg0, %c0_i32 : i32, i32
  }
  func.func @transform_3(%arg0: i32) -> (i32, i32) {
    %c0_i32 = arith.constant 0 : i32
    %c0_i32_0 = arith.constant 0 : i32
    %c0_i32_1 = arith.constant 0 : i32
    return %c0_i32, %c0_i32_0 : i32, i32
  }
  func.func @transform_4(%arg0: i32) -> (i32, i32) {
    %c0_i32 = arith.constant 0 : i32
    %c0_i32_0 = arith.constant 0 : i32
    %c0_i32_1 = arith.constant 0 : i32
    return %c0_i32, %c0_i32_0 : i32, i32
  }
  func.func @transform_5(%arg0: i32) -> (i32, i32) {
    %c0_i32 = arith.constant 0 : i32
    %c0_i32_0 = arith.constant 0 : i32
    return %arg0, %c0_i32 : i32, i32
  }
  func.func @transform_6(%arg0: i32) -> (i32, i32) {
    %c0_i32 = arith.constant 0 : i32
    %c0_i32_0 = arith.constant 0 : i32
    return %arg0, %c0_i32 : i32, i32
  }
}

module attributes {stable_mosaic.version = 14 : i64} {
  func.func @_mid_body(%arg0: i32, %arg1: memref<1000x128xf32, #tpu.memory_space<vmem>>, %arg2: memref<1000x128xf32, #tpu.memory_space<vmem>>, %arg3: memref<1000x128xf32, #tpu.memory_space<vmem>>, %arg4: memref<128x128xf32, #tpu.memory_space<vmem>>, %arg5: memref<1x128xf32, #tpu.memory_space<vmem>>, %arg6: memref<1000x1xf32, #tpu.memory_space<vmem>>, %arg7: memref<1000x128xf32, #tpu.memory_space<vmem>>) attributes {dimension_semantics = [#tpu.dimension_semantics<arbitrary>], iteration_bounds = array<i64: 10>, scalar_prefetch = 0 : i64, scratch_operands = 0 : i64, tpu.core_type = #tpu.core_type<tc>, window_params = [{transform_indices = @transform_0, window_bounds = array<i64: 1000, 128>}, {transform_indices = @transform_1, window_bounds = array<i64: 1000, 128>}, {transform_indices = @transform_2, window_bounds = array<i64: 1000, 128>}, {pipeline_mode = #tpu.pipeline_mode<synchronous>, transform_indices = @transform_3, window_bounds = array<i64: 128, 128>}, {pipeline_mode = #tpu.pipeline_mode<synchronous>, transform_indices = @transform_4, window_bounds = array<i64: 1, 128>}, {transform_indices = @transform_5, window_bounds = array<i64: 1000, 1>}, {transform_indices = @transform_6, window_bounds = array<i64: 1000, 128>}]} {
    %get3A = arith.constant 0 : index
    %get3A_0 = arith.constant 0 : index
    %get3A_1 = vector.load %arg6[%get3A, %get3A_0] : memref<1000x1xf32, #tpu.memory_space<vmem>>, vector<1000x1xf32>
    %get3A_2 = arith.constant 0 : index
    %get3A_3 = arith.constant 0 : index
    %get3A_4 = vector.load %arg1[%get3A_2, %get3A_3] : memref<1000x128xf32, #tpu.memory_space<vmem>>, vector<1000x128xf32>
    %get3A_5 = arith.constant 0 : index
    %get3A_6 = arith.constant 0 : index
    %get3A_7 = vector.load %arg2[%get3A_5, %get3A_6] : memref<1000x128xf32, #tpu.memory_space<vmem>>, vector<1000x128xf32>
    %add3A = arith.addf %get3A_4, %get3A_7 : vector<1000x128xf32>
    %get3A_8 = arith.constant 0 : index
    %get3A_9 = arith.constant 0 : index
    %get3A_10 = vector.load %arg3[%get3A_8, %get3A_9] : memref<1000x128xf32, #tpu.memory_space<vmem>>, vector<1000x128xf32>
    %add3A_11 = arith.addf %add3A, %get3A_10 : vector<1000x128xf32>
    %mul3A = vector.broadcast %get3A_1 : vector<1000x1xf32> to vector<1000x128xf32>
    %mul3A_12 = arith.mulf %mul3A, %add3A_11 : vector<1000x128xf32>
    %max3A = arith.constant 0.000000e+00 : f32
    %max3A_13 = vector.broadcast %max3A : f32 to vector<1000x128xf32>
    %max3A_14 = arith.maximumf %mul3A_12, %max3A_13 : vector<1000x128xf32>
    %get3A_15 = arith.constant 0 : index
    %get3A_16 = arith.constant 0 : index
    %get3A_17 = vector.load %arg4[%get3A_15, %get3A_16] : memref<128x128xf32, #tpu.memory_space<vmem>>, vector<128x128xf32>
    %dot_general3A = arith.constant dense<0.000000e+00> : vector<1000x128xf32>
    %dot_general3A_18 = tpu.matmul %max3A_14, %get3A_17, %dot_general3A {dimension_numbers = #tpu.dot_dimension_numbers<[1], [0], [0], [1], [0, 0, 1, 1], [], []>, transpose_lhs_hint = false} : vector<1000x128xf32>, vector<128x128xf32>, vector<1000x128xf32> -> vector<1000x128xf32>
    %get3A_19 = arith.constant 0 : index
    %get3A_20 = arith.constant 0 : index
    %get3A_21 = vector.load %arg5[%get3A_19, %get3A_20] : memref<1x128xf32, #tpu.memory_space<vmem>>, vector<1x128xf32>
    %add3A_22 = vector.broadcast %get3A_21 : vector<1x128xf32> to vector<1000x128xf32>
    %add3A_23 = arith.addf %dot_general3A_18, %add3A_22 : vector<1000x128xf32>
    %get3A_24 = arith.constant 0 : index
    %get3A_25 = arith.constant 0 : index
    %get3A_26 = vector.load %arg6[%get3A_24, %get3A_25] : memref<1000x1xf32, #tpu.memory_space<vmem>>, vector<1000x1xf32>
    %mul3A_27 = vector.broadcast %get3A_26 : vector<1000x1xf32> to vector<1000x128xf32>
    %mul3A_28 = arith.mulf %mul3A_27, %add3A_23 : vector<1000x128xf32>
    %swap3A = arith.constant 0 : index
    %swap3A_29 = arith.constant 0 : index
    %swap3A_30 = vector.load %arg7[%swap3A, %swap3A_29] : memref<1000x128xf32, #tpu.memory_space<vmem>>, vector<1000x128xf32>
    tpu.vector_store %arg7[%swap3A, %swap3A_29], %mul3A_28 {strides = array<i32>} : memref<1000x128xf32, #tpu.memory_space<vmem>>, vector<1000x128xf32>,
    return
  }
  func.func @transform_0(%arg0: i32) -> (i32, i32) {
    %c0_i32 = arith.constant 0 : i32
    %c0_i32_0 = arith.constant 0 : i32
    return %arg0, %c0_i32 : i32, i32
  }
  func.func @transform_1(%arg0: i32) -> (i32, i32) {
    %c0_i32 = arith.constant 0 : i32
    %c0_i32_0 = arith.constant 0 : i32
    return %arg0, %c0_i32 : i32, i32
  }
  func.func @transform_2(%arg0: i32) -> (i32, i32) {
    %c0_i32 = arith.constant 0 : i32
    %c0_i32_0 = arith.constant 0 : i32
    return %arg0, %c0_i32 : i32, i32
  }
  func.func @transform_3(%arg0: i32) -> (i32, i32) {
    %c0_i32 = arith.constant 0 : i32
    %c0_i32_0 = arith.constant 0 : i32
    %c0_i32_1 = arith.constant 0 : i32
    return %c0_i32, %c0_i32_0 : i32, i32
  }
  func.func @transform_4(%arg0: i32) -> (i32, i32) {
    %c0_i32 = arith.constant 0 : i32
    %c0_i32_0 = arith.constant 0 : i32
    %c0_i32_1 = arith.constant 0 : i32
    return %c0_i32, %c0_i32_0 : i32, i32
  }
  func.func @transform_5(%arg0: i32) -> (i32, i32) {
    %c0_i32 = arith.constant 0 : i32
    %c0_i32_0 = arith.constant 0 : i32
    return %arg0, %c0_i32 : i32, i32
  }
  func.func @transform_6(%arg0: i32) -> (i32, i32) {
    %c0_i32 = arith.constant 0 : i32
    %c0_i32_0 = arith.constant 0 : i32
    return %arg0, %c0_i32 : i32, i32
  }
}

module attributes {stable_mosaic.version = 14 : i64} {
  func.func @_final_body(%arg0: i32, %arg1: memref<1000x128xf32, #tpu.memory_space<vmem>>, %arg2: memref<1000x128xf32, #tpu.memory_space<vmem>>, %arg3: memref<1000x128xf32, #tpu.memory_space<vmem>>, %arg4: memref<1000x1xf32, #tpu.memory_space<vmem>>, %arg5: memref<64x64xf32, #tpu.memory_space<vmem>>, %arg6: memref<1000x64xf32, #tpu.memory_space<vmem>>) attributes {dimension_semantics = [#tpu.dimension_semantics<arbitrary>], iteration_bounds = array<i64: 10>, scalar_prefetch = 0 : i64, scratch_operands = 0 : i64, tpu.core_type = #tpu.core_type<tc>, window_params = [{transform_indices = @transform_0, window_bounds = array<i64: 1000, 128>}, {transform_indices = @transform_1, window_bounds = array<i64: 1000, 128>}, {transform_indices = @transform_2, window_bounds = array<i64: 1000, 128>}, {transform_indices = @transform_3, window_bounds = array<i64: 1000, 1>}, {pipeline_mode = #tpu.pipeline_mode<synchronous>, transform_indices = @transform_4, window_bounds = array<i64: 64, 64>}, {transform_indices = @transform_5, window_bounds = array<i64: 1000, 64>}]} {
    %get3A = arith.constant 0 : index
    %get3A_0 = arith.constant 0 : index
    %get3A_1 = vector.load %arg4[%get3A, %get3A_0] : memref<1000x1xf32, #tpu.memory_space<vmem>>, vector<1000x1xf32>
    %get3A_2 = arith.constant 0 : index
    %get3A_3 = arith.constant 0 : index
    %get3A_4 = vector.load %arg1[%get3A_2, %get3A_3] : memref<1000x128xf32, #tpu.memory_space<vmem>>, vector<1000x128xf32>
    %get3A_5 = arith.constant 0 : index
    %get3A_6 = arith.constant 0 : index
    %get3A_7 = vector.load %arg2[%get3A_5, %get3A_6] : memref<1000x128xf32, #tpu.memory_space<vmem>>, vector<1000x128xf32>
    %add3A = arith.addf %get3A_4, %get3A_7 : vector<1000x128xf32>
    %get3A_8 = arith.constant 0 : index
    %get3A_9 = arith.constant 0 : index
    %get3A_10 = vector.load %arg3[%get3A_8, %get3A_9] : memref<1000x128xf32, #tpu.memory_space<vmem>>, vector<1000x128xf32>
    %add3A_11 = arith.addf %add3A, %get3A_10 : vector<1000x128xf32>
    %mul3A = vector.broadcast %get3A_1 : vector<1000x1xf32> to vector<1000x128xf32>
    %mul3A_12 = arith.mulf %mul3A, %add3A_11 : vector<1000x128xf32>
    %slice3A = vector.extract_strided_slice %mul3A_12 {offsets = [0, 0], sizes = [1000, 64], strides = [1, 1]} : vector<1000x128xf32> to vector<1000x64xf32>
    %mul3A_13 = arith.constant 0.00999999977 : f32
    %mul3A_14 = vector.broadcast %mul3A_13 : f32 to vector<1000x64xf32>
    %mul3A_15 = arith.mulf %slice3A, %mul3A_14 : vector<1000x64xf32>
    %exp3A = math.exp %mul3A_15 : vector<1000x64xf32>
    %get3A_16 = arith.constant 0 : index
    %get3A_17 = arith.constant 0 : index
    %get3A_18 = vector.load %arg5[%get3A_16, %get3A_17] : memref<64x64xf32, #tpu.memory_space<vmem>>, vector<64x64xf32>
    %dot_general3A = arith.constant dense<0.000000e+00> : vector<1000x64xf32>
    %dot_general3A_19 = tpu.matmul %exp3A, %get3A_18, %dot_general3A {dimension_numbers = #tpu.dot_dimension_numbers<[1], [0], [0], [1], [0, 0, 1, 1], [], []>, transpose_lhs_hint = false} : vector<1000x64xf32>, vector<64x64xf32>, vector<1000x64xf32> -> vector<1000x64xf32>
    %div3A = arith.divf %exp3A, %dot_general3A_19 : vector<1000x64xf32>
    %swap3A = arith.constant 0 : index
    %swap3A_20 = arith.constant 0 : index
    %swap3A_21 = vector.load %arg6[%swap3A, %swap3A_20] : memref<1000x64xf32, #tpu.memory_space<vmem>>, vector<1000x64xf32>
    tpu.vector_store %arg6[%swap3A, %swap3A_20], %div3A {strides = array<i32>} : memref<1000x64xf32, #tpu.memory_space<vmem>>, vector<1000x64xf32>,
    return
  }
  func.func @transform_0(%arg0: i32) -> (i32, i32) {
    %c0_i32 = arith.constant 0 : i32
    %c0_i32_0 = arith.constant 0 : i32
    return %arg0, %c0_i32 : i32, i32
  }
  func.func @transform_1(%arg0: i32) -> (i32, i32) {
    %c0_i32 = arith.constant 0 : i32
    %c0_i32_0 = arith.constant 0 : i32
    return %arg0, %c0_i32 : i32, i32
  }
  func.func @transform_2(%arg0: i32) -> (i32, i32) {
    %c0_i32 = arith.constant 0 : i32
    %c0_i32_0 = arith.constant 0 : i32
    return %arg0, %c0_i32 : i32, i32
  }
  func.func @transform_3(%arg0: i32) -> (i32, i32) {
    %c0_i32 = arith.constant 0 : i32
    %c0_i32_0 = arith.constant 0 : i32
    return %arg0, %c0_i32 : i32, i32
  }
  func.func @transform_4(%arg0: i32) -> (i32, i32) {
    %c0_i32 = arith.constant 0 : i32
    %c0_i32_0 = arith.constant 0 : i32
    %c0_i32_1 = arith.constant 0 : i32
    return %c0_i32, %c0_i32_0 : i32, i32
  }
  func.func @transform_5(%arg0: i32) -> (i32, i32) {
    %c0_i32 = arith.constant 0 : i32
    %c0_i32_0 = arith.constant 0 : i32
    return %arg0, %c0_i32 : i32, i32
  }
}

</mosaic_0001>

<sc_bundles>
// kernel: closed_call.9.cloned.1.call-start
scs
__scs_entry_jumppad:
0x0: {  	(pc) =	sbr.rel $0x88, $3  }
0x1: {  	(tag) =	ssettag $0x0;
	lr =	simm.s32 $0x1  }
0x2: {  	[smem:$0x3F99] =	sst lr;
	_ =	strace $0xD0000000  }
0x3: {  	_ = 	snop  }
0x4: {  	_ = 	snop  }
0x5: {  	_ = 	snop  }
0x6: {  	_ = 	snop  }
0x7: {  	_ = 	snop  }
__scs_overlays_trampoline_lowered:
0x8: {  	[smem:$0x3FA8] =	sst s0  }
0x9: {  	[smem:$0x3FA9] =	sst s1  }
0xa: {  	[smem:$0x3FAA] =	sst s2  }
0xb: {  	[smem:$0x3FAB] =	sst s3  }
0xc: {  	[smem:$0x3FAC] =	sst s4  }
0xd: {  	[smem:$0x3FAD] =	sst s5  }
0xe: {  	[smem:$0x3FAE] =	sst s6  }
0xf: {  	[smem:$0x3FAF] =	sst s7  }
0x10: {  	[smem:$0x3FB0] =	sst s8  }
0x11: {  	[smem:$0x3FB1] =	sst s9;
	s0 =	simm.s32 @!p0 $0x0  }
0x12: {  	s1 =	sld [smem:$0x3F97];
	s0 =	simm.s32 @p0 $0x1  }
0x13: {  	[smem:$0x3FB2] =	sst s0;
	s0 =	simm.s32 @!p1 $0x0  }
0x14: {  	s2 =	sld [smem:$0x3F96];
	s0 =	simm.s32 @p1 $0x1  }
0x15: {  	[smem:$0x3FB3] =	sst s0;
	s0 =	simm.s32 @!p2 $0x0  }
0x16: {  	s3 =	sld [smem:$0x3FDB];
	s0 =	simm.s32 @p2 $0x1  }
0x17: {  	s4 =	simm.s32 $0x1BF5;
	[smem:$0x3FB5] =	sst s0  }
0x18: {  	s0 =	sld [smem:$0x3F98];
	_ =	swait.ge [sflag:s4], $0x0  }
0x19: {  	s7 =	sld [smem:$0x3F99]  }
0x1a: {  	s8 =	sadd.s32 $0xFFFFE003, lr  }
0x1b: {  	s9 =	sadd.s32 $0xFFFFFEF7, lr;
	s5 =	simm.s32 $0xFFFFFFFF;
	p2 =	slt.u32 s8, $0xFFFFF086  }
0x1c: {  	p1 =	slt.u32 s9, $0xF7A;
	s5 =	simm.s32 @!p2 $0x0  }
0x1d: {  	s5 =	simm.s32 @p1 $0x1;
	p0 =	seq.s32 s7, s2  }
0x1e: {  	s7 =	smul.u32 @!p0 $0xF7A, s2;
	p2 =	seq.s32 @!p0 s5, $0x0  }
0x1f: {  	s9 =	smul.u32 $0xF7A, s1;
	s8 =	simm.s32 @!p0 $0x1BF5;
	p2 =	por !p2, p0  }
0x20: {  	[sflag:s8] =	ssyncset.s32 @!p0 $0xFFFFF086;
	s6 =	sadd.s32 @!p0 s3, s7;
	s7 =	simm.s32 @!p0 $0x108  }
0x21: {  	s3 =	sadd.s32 s3, s9;
	s6 =	sadd.s32 @!p0 $0x88, s6;
	s7 =	simm.s32 @p2 $0x1082  }
0x22: {  	[simem:s7], [sflag:s8] =	dma.local @!p0 [hbm:s6], $0xF7A  }
0x23: {  	s9 =	sor.u32 $0xD0000000, s2;
	s6 =	simm.s32 $0x108;
	_ =	swait.ge @!p0 [sflag:s8], $0x0  }
0x24: {  	s3 =	sadd.s32 $0x88, s3;
	s6 =	simm.s32 @!p1 $0x1082;
	[sflag:s4] =	ssyncset.s32 $0xFFFFF086  }
0x25: {  	[simem:s6], [sflag:s4] =	dma.local [hbm:s3], $0xF7A  }
0x26: {  	[smem:$0x3F99] =	sst s1;
	(tag) =	ssettag s2;
	_ =	strace s9  }
0x27: {  	s1 =	sld [smem:$0x3FA9]  }
0x28: {  	s2 =	sld [smem:$0x3FAA]  }
0x29: {  	s4 =	sld [smem:$0x3FAC]  }
0x2a: {  	p0 =	seq.s32 s5, $0x0;
	s5 =	sld [smem:$0x3FAD]  }
0x2b: {  	s6 =	sld [smem:$0x3FAE]  }
0x2c: {  	s7 =	sld [smem:$0x3FAF]  }
0x2d: {  	s3 =	simm.s32 $0x108;
	s8 =	sld [smem:$0x3FB0]  }
0x2e: {  	s3 =	simm.s32 @!p0 $0x1082;
	s9 =	sld [smem:$0x3FB1]  }
0x2f: {  	lr =	sadd.s32 s0, s3;
	s0 =	sld [smem:$0x3FA8]  }
0x30: {  	s3 =	sld [smem:$0x3FAB]  }
0x31: {  	[smem:$0x3FB4] =	sst s10  }
0x32: {  	s10 =	sld [smem:$0x3FB2];
	_ =	sdelay $0x3  }
0x33: {  	p0 =	seq.s32 s10, $0x1;
	s10 =	sld [smem:$0x3FB4];
	_ =	sdelay $0x3  }
0x34: {  	[smem:$0x3FB4] =	sst s10  }
0x35: {  	s10 =	sld [smem:$0x3FB3];
	_ =	sdelay $0x3  }
0x36: {  	p1 =	seq.s32 s10, $0x1;
	s10 =	sld [smem:$0x3FB4];
	_ =	sdelay $0x3  }
0x37: {  	[smem:$0x3FB4] =	sst s10  }
0x38: {  	s10 =	sld [smem:$0x3FB5]  }
0x39: {  	_ = 	snop;
	(pc) =	sbr.ind lr, $3  }
0x3a: {  	_ = 	snop  }
0x3b: {  	_ = 	snop  }
0x3c: {  	p2 =	seq.s32 s10, $0x1;
	s10 =	sld [smem:$0x3FB4]  }
0x3d: {  	_ =	shalt  }
0x3e: {  	_ =	shalt  }
0x3f: {  	_ =	shalt  }
0x40: {  	_ =	shalt  }
0x41: {  	_ =	shalt  }
0x42: {  	_ =	shalt  }
0x43: {  	_ =	shalt  }
0x44: {  	_ =	shalt  }
0x45: {  	_ =	shalt  }
0x46: {  	_ =	shalt  }
0x47: {  	_ =	shalt  }
0x48: {  	_ =	shalt  }
0x49: {  	_ =	shalt  }
0x4a: {  	_ =	shalt  }
0x4b: {  	_ =	shalt  }
0x4c: {  	_ =	shalt  }
0x4d: {  	_ =	shalt  }
0x4e: {  	_ =	shalt  }
0x4f: {  	_ =	shalt  }
0x50: {  	_ =	shalt  }
0x51: {  	_ =	shalt  }
0x52: {  	_ =	shalt  }
0x53: {  	_ =	shalt  }
0x54: {  	_ =	shalt  }
0x55: {  	_ =	shalt  }
0x56: {  	_ =	shalt  }
0x57: {  	_ =	shalt  }
0x58: {  	_ =	shalt  }
0x59: {  	_ =	shalt  }
0x5a: {  	_ =	shalt  }
0x5b: {  	_ =	shalt  }
0x5c: {  	_ =	shalt  }
0x5d: {  	_ =	shalt  }
0x5e: {  	_ =	shalt  }
0x5f: {  	_ =	shalt  }
0x60: {  	_ =	shalt  }
0x61: {  	_ =	shalt  }
0x62: {  	_ =	shalt  }
0x63: {  	_ =	shalt  }
0x64: {  	_ =	shalt  }
0x65: {  	_ =	shalt  }
0x66: {  	_ =	shalt  }
0x67: {  	_ =	shalt  }
0x68: {  	_ =	shalt  }
0x69: {  	_ =	shalt  }
0x6a: {  	_ =	shalt  }
0x6b: {  	_ =	shalt  }
0x6c: {  	_ =	shalt  }
0x6d: {  	_ =	shalt  }
0x6e: {  	_ =	shalt  }
0x6f: {  	_ =	shalt  }
0x70: {  	_ =	shalt  }
0x71: {  	_ =	shalt  }
0x72: {  	_ =	shalt  }
0x73: {  	_ =	shalt  }
0x74: {  	_ =	shalt  }
0x75: {  	_ =	shalt  }
0x76: {  	_ =	shalt  }
0x77: {  	_ =	shalt  }
0x78: {  	_ =	shalt  }
0x79: {  	_ =	shalt  }
0x7a: {  	_ =	shalt  }
0x7b: {  	_ =	shalt  }
0x7c: {  	_ =	shalt  }
0x7d: {  	_ =	shalt  }
0x7e: {  	_ =	shalt  }
0x7f: {  	_ =	shalt  }
0x80: {  	_ =	shalt  }
0x81: {  	_ =	shalt  }
0x82: {  	_ =	shalt  }
0x83: {  	_ =	shalt  }
0x84: {  	_ =	shalt  }
0x85: {  	_ =	shalt  }
0x86: {  	_ =	shalt  }
0x87: {  	_ =	shalt  }
.Lfunc_end0:
.L_simem_size_0:
called_computation_lowered:
.L_overlay_start_0:
0x88: {  	s2 =	sld [smem:$0x3FD9]  }
0x89: {  	s3 =	sld [smem:$0x3FFE];
	_ =	sdelay $0x1  }
0x8a: {  	s1 =	srdreg.scid  }
0x8b: {  	s0 =	sand.u32 $0x1, s1  }
0x8c: {  	s17 =	sshll.u32 s0, $0xA;
	s2 =	sadd.s32 s3, s2  }
0x8d: {  	s2 =	sadd.s32 s2, s17  }
0x8e: {  	[smem:$0x3FC0] =	sst s2  }
0x8f: {  	_ = 	snop  }
0x90: {  	s2 =	sld [smem:$0x3FD0];
	(tm) =	ssettm $0x1  }
0x91: {  	s18 =	sld [smem:$0x3FFB];
	_ =	sdelay $0x3  }
0x92: {  	_ =	strace s18  }
0x93: {  	s3 =	sld [smem:$0x3FFC];
	_ =	sdelay $0x3  }
0x94: {  	_ =	strace s3  }
0x95: {  	s3 =	sld [smem:$0x3FFD];
	_ =	sdelay $0x3  }
0x96: {  	_ =	strace s3  }
0x97: {  	_ =	strace $0x8FFFFFFF  }
0x98: {  	s19 =	sld [smem:$0x3FDB];
	_ =	sdelay $0x1  }
0x99: {  	s4 =	simm.s32 $_scs_section_size  }
0x9a: {  	s5 =	simm.s32 $_size__tile_overlayer_lowered;
	s6 =	simm.s32 $_tile_overlayer_lowered  }
0x9b: {  	s22 =	simm.s32 $0x1BFF;
	s21 =	sshll.u32 s6, $0x1;
	s3 =	sadd.s32 s4, s19  }
0x9c: {  	s7 =	simm.s32 $0x0;
	s20 =	sshll.u32 s5, $0x1;
	s5 =	sadd.s32 s21, s3  }
0x9d: {  	[timem:s7], [sflag:s22] =	dma.local [hbm:s5], s20  }
0x9e: {  	_ =	swait.ge [sflag:s22], s20  }
0x9f: {  	s4 =	ssub.s32 $0x0, s20;
	[sflag:s22] =	ssyncset.done $0x0  }
0xa0: {  	[sflag:s22] =	ssyncadd.s32 s4;
	_ =	sdelay $0x1  }
0xa1: {  	s23 =	simm.s32 $0x1B8B  }
0xa2: {  	_ =	swait.ge [sflag:s23], $0x1  }
0xa3: {  	[sflag:s23] =	ssyncset.done $0x0  }
0xa4: {  	s25 =	simm.s32 $0x1B8E;
	s24 =	sld [smem:$0x3FFE];
	[sflag:s23] =	ssyncadd.s32 $0xFFFFFFFF  }
0xa5: {  	s26 =	simm.s32 $execute0_lowered;
	[smem:$0x3FD2] =	sst s25  }
0xa6: {  	s5 =	sshll.u32 s26, $0x1;
	_ =	strace $0x8000004F;
	[dreg:$0x1] =	wrdreg $0xFFFFFFFF  }
0xa7: {  	s28 =	simm.s32 $_size_execute0_lowered;
	s3 =	sadd.s32 s3, s5;
	[dreg:$0x0] =	wrdreg $0x0  }
0xa8: {  	s5 =	sshll.u32 s28, $0x1;
	[dreg:$0x2] =	wrdreg s3  }
0xa9: {  	[dreg:$0x3] =	wrdreg s5  }
0xaa: {  	[dreg:$0x4] =	wrdreg $0xC0  }
0xab: {  	_ =	task [dreg:s7], $0x5FFFF  }
0xac: {  	[dreg:$0x1] =	wrdreg $0xFFFFFFFF  }
0xad: {  	[dreg:$0x0] =	wrdreg $0x60  }
0xae: {  	[dreg:$0x2] =	wrdreg s24  }
0xaf: {  	[dreg:$0x3] =	wrdreg s2  }
0xb0: {  	[dreg:$0x4] =	wrdreg $0x29000  }
0xb1: {  	[dreg:$0x5] =	wrdreg $0x9  }
0xb2: {  	_ =	task.clear_ibuf [dreg:s7], $0x6FFFF;
	_ =	strace $0x9000004F  }
0xb3: {  	s29 =	simm.s32 $0x9;
	_ =	strace $0x80000051  }
0xb4: {  	_ =	swait.ge [sflag:s29], $0x1  }
0xb5: {  	[sflag:s29] =	ssyncadd.s32 $0xFFFFFFFF  }
0xb6: {  	_ =	strace $0x90000051  }
0xb7: {  	_ =	sfence  }
0xb8: {  	s30 =	sld [smem:$0x0];
	_ =	sdelay $0x2  }
0xb9: {  	s31 =	sshll.u32 s1, $0xD;
	s1 =	sshrl.u32 s1, $0x2  }
0xba: {  	s3 =	sand.u32 $0x4000, s31;
	s1 =	sadd.s32 s1, s30  }
0xbb: {  	s0 =	sor.u32 s3, s0;
	s1 =	sshll.u32 s1, $0x11  }
0xbc: {  	s0 =	sor.u32 s1, s0  }
0xbd: {  	s0 =	sadd.s32 $0x8F2B, s0  }
0xbe: {  	[sflag:s0] =	ssyncadd.remote.s32 $0x1  }
0xbf: {  	_ =	sfence.sel $0xFFFF  }
0xc0: {  	[dreg:$0x0] =	wrdreg $0xFFFFFFFF;
	(pc) =	sbr.abs _section_cstart, $3  }
0xc1: {  	[dreg:$0x1] =	wrdreg $0xFFFFFFFF  }
0xc2: {  	_ =	task.clear_ibuf [dreg:s7], $0x2FFFF;
	_ =	strace $0x9FFFFFFF  }
0xc3: {  	(tm) =	ssettm $0x7FFFFFFF  }
tec
execute0_lowered:
.L_overlay_start_1:
0x0: {  	(tag) =	ssettag $0x1  }
0x1: {  	s0 =	rddreg [dreg:$0x0]  }
0x2: {  	s24 =	rddreg [dreg:$0x1]  }
0x3: {  	s2 =	rddreg [dreg:$0x2]  }
0x4: {  	s1 =	srdreg.scid;
	s7 =	stileid.u32;
	s3 =	simm.s32 $0x0  }
0x5: {  	s28 =	simm.s32 $0x80;
	s29 =	simm.s32 $0x50;
	s5 =	smul.u32 $0x4E20, s7  }
0x6: {  	s30 =	simm.s32 $0x1;
	s31 =	simm.s32 $0x0;
	s13 =	smul.u32 $0x4E000, s7  }
0x7: {  	s1 =	sand.u32 $0x1, s1;
	[smem:$0x7FF] =	sst s3;
	s7 =	smul.u32 $0x13800, s7  }
0x8: {  	s4 =	sadd.s32 $0xDE00, s0;
	s12 =	sadd.s32 $0x5C800, s0;
	s6 =	smul.u32 $0x2710, s1  }
0x9: {  	_ =	strace $0x80000050;
	s26 =	ssub.s32 $0x2, s1;
	s1 =	smul.u32 $0x138800, s1  }
0xa: {  	s8 =	sshrl.u32 s26, $0x1;
	s15 =	sadd.s32 $0x2800, s7;
	s16 =	sadd.s32 $0x5000, s7  }
0xb: {  	s17 =	sadd.s32 $0x7800, s7;
	s18 =	sadd.s32 $0xA000, s7;
	s19 =	sadd.s32 $0xC800, s7  }
0xc: {  	s20 =	sadd.s32 $0xF000, s7;
	s21 =	sadd.s32 $0x11800, s7;
	s5 =	sadd.s32 s6, s5  }
0xd: {  	s22 =	ssub.s32 s26, s8;
	s9 =	sadd.s32 s7, s1;
	s10 =	sadd.s32 s1, s15  }
0xe: {  	s14 =	sadd.s32 s1, s16;
	s8 =	sadd.s32 s1, s17;
	s15 =	sadd.s32 s15, s2  }
0xf: {  	s16 =	sadd.s32 s16, s2;
	s17 =	sadd.s32 s17, s2;
	s25 =	sshrl.u32 s5, $0x3  }
0x10: {  	s5 =	sshrl.u32 s9, $0x3;
	s6 =	sshrl.u32 s10, $0x3;
	s7 =	sshrl.u32 s14, $0x3  }
0x11: {  	s8 =	sshrl.u32 s8, $0x3;
	s9 =	sadd.s32 s1, s18;
	s10 =	sadd.s32 s1, s19  }
0x12: {  	s14 =	sshrl.u32 s13, $0x2;
	s13 =	sadd.s32 $0x35000, s0;
	s18 =	sadd.s32 s18, s2  }
0x13: {  	s19 =	sadd.s32 s19, s2;
	s22 =	smax.u32 s22, $0x1;
	s5 =	sadd.s32 s12, s5  }
0x14: {  	s11 =	sadd.s32 s12, s6;
	s23 =	sadd.s32 s12, s7;
	s8 =	sadd.s32 s12, s8  }
0x15: {  	s9 =	sshrl.u32 s9, $0x3;
	s10 =	sshrl.u32 s10, $0x3;
	[dreg:$0x4] =	wrdreg s5  }
0x16: {  	s26 =	sadd.s32 s25, s0;
	s14 =	sadd.s32 s14, s2;
	[dreg:$0x5] =	wrdreg s11  }
0x17: {  	s24 =	sadd.s32 s25, s24;
	s25 =	simm.s32 $0x100;
	[dreg:$0x6] =	wrdreg s23  }
0x18: {  	s9 =	sadd.s32 s12, s9;
	s11 =	sadd.s32 s1, s20;
	s1 =	sadd.s32 s1, s21  }
0x19: {  	s10 =	sadd.s32 s12, s10;
	s20 =	sadd.s32 s20, s2;
	s21 =	sadd.s32 s21, s2  }
0x1a: {  	s23 =	sadd.s32 $0x3A00, s26;
	s11 =	sshrl.u32 s11, $0x3;
	s1 =	sshrl.u32 s1, $0x3  }
0x1b: {  	s26 =	simm.s32 $0x2;
	s11 =	sadd.s32 s12, s11;
	s12 =	sadd.s32 s12, s1  }
.LBB2_1:
0x1c: {  	[tilespmem:s25], [sflag:$0x2] =	stream.linear.gather [hbm4b:s13+s3], $0x2800, $0x38;
	[tilespmem:$0x16180] =	vst v63  }
0x1d: {  	_ =	swait.ge [sflag:s26], $0x2800  }
0x1e: {  	[sflag:s26] =	ssyncset.done $0x0  }
0x1f: {  	[sflag:s26] =	ssyncadd.s32 $0xFFFFD800  }
0x20: {  	[spmem:s14] =	stream.linear.scatter [tilespmem:s25], [sflag:$0x2], $0x2800, $0x38;
	[tilespmem:$0x16180] =	vst v63  }
0x21: {  	_ =	swait.ge [sflag:s26], $0x2800  }
0x22: {  	[sflag:s26] =	ssyncset.done $0x0  }
0x23: {  	[sflag:s26] =	ssyncadd.s32 $0xFFFFD800  }
0x24: {  	[spmem:s15] =	stream.linear.scatter [tilespmem:s25], [sflag:$0x2], $0x2800, $0x38;
	[tilespmem:$0x16180] =	vst v63  }
0x25: {  	_ =	swait.ge [sflag:s26], $0x2800  }
0x26: {  	[sflag:s26] =	ssyncset.done $0x0  }
0x27: {  	[sflag:s26] =	ssyncadd.s32 $0xFFFFD800  }
0x28: {  	[spmem:s16] =	stream.linear.scatter [tilespmem:s25], [sflag:$0x2], $0x2800, $0x38;
	[tilespmem:$0x16180] =	vst v63  }
0x29: {  	_ =	swait.ge [sflag:s26], $0x2800  }
0x2a: {  	[sflag:s26] =	ssyncset.done $0x0  }
0x2b: {  	[sflag:s26] =	ssyncadd.s32 $0xFFFFD800  }
0x2c: {  	[spmem:s17] =	stream.linear.scatter [tilespmem:s25], [sflag:$0x2], $0x2800, $0x38;
	[tilespmem:$0x16180] =	vst v63  }
0x2d: {  	_ =	swait.ge [sflag:s26], $0x2800  }
0x2e: {  	[sflag:s26] =	ssyncset.done $0x0  }
0x2f: {  	[sflag:s26] =	ssyncadd.s32 $0xFFFFD800  }
0x30: {  	[spmem:s18] =	stream.linear.scatter [tilespmem:s25], [sflag:$0x2], $0x2800, $0x38;
	[tilespmem:$0x16180] =	vst v63  }
0x31: {  	_ =	swait.ge [sflag:s26], $0x2800  }
0x32: {  	[sflag:s26] =	ssyncset.done $0x0  }
0x33: {  	[sflag:s26] =	ssyncadd.s32 $0xFFFFD800  }
0x34: {  	[spmem:s19] =	stream.linear.scatter [tilespmem:s25], [sflag:$0x2], $0x2800, $0x38;
	[tilespmem:$0x16180] =	vst v63  }
0x35: {  	_ =	swait.ge [sflag:s26], $0x2800  }
0x36: {  	[sflag:s26] =	ssyncset.done $0x0  }
0x37: {  	[sflag:s26] =	ssyncadd.s32 $0xFFFFD800  }
0x38: {  	[spmem:s20] =	stream.linear.scatter [tilespmem:s25], [sflag:$0x2], $0x2800, $0x38;
	[tilespmem:$0x16180] =	vst v63  }
0x39: {  	_ =	swait.ge [sflag:s26], $0x2800  }
0x3a: {  	[sflag:s26] =	ssyncset.done $0x0  }
0x3b: {  	[sflag:s26] =	ssyncadd.s32 $0xFFFFD800  }
0x3c: {  	[spmem:s21] =	stream.linear.scatter [tilespmem:s25], [sflag:$0x2], $0x2800, $0x38;
	[tilespmem:$0x16180] =	vst v63  }
0x3d: {  	_ =	swait.ge [sflag:s26], $0x2800  }
0x3e: {  	[sflag:s26] =	ssyncset.done $0x0  }
0x3f: {  	[sflag:s26] =	ssyncadd.s32 $0xFFFFD800  }
0x40: {  	s0 =	sadd.s32 $0x0, s24;
	[bflag:$0x0] =	sbarrier.arrive $0xFFFF  }
0x41: {  	[tilespmem:s28], [sflag:$0x2] =	stream.linear.gather [hbm4b:s0+s3], $0x50, $0x38;
	[tilespmem:$0x16180] =	vst v63  }
0x42: {  	_ =	swait.ge [sflag:s26], $0x50  }
0x43: {  	[sflag:s26] =	ssyncset.done $0x0  }
0x44: {  	s7 =	sadd.s32 $0x0, s23;
	[sflag:s26] =	ssyncadd.s32 $0xFFFFFFB0  }
0x45: {  	[tilespmem:s3], [sflag:$0x2] =	stream.linear.gather [hbm4b:s7+s3], $0x50, $0x38;
	[tilespmem:$0x16180] =	vst v63  }
0x46: {  	_ =	swait.ge [sflag:s26], $0x50  }
0x47: {  	[sflag:s26] =	ssyncset.done $0x0  }
0x48: {  	[sflag:s26] =	ssyncadd.s32 $0xFFFFFFB0  }
0x49: {  	[tilespmem:s25], [sflag:$0x1] =	stream.indirect.gather [hbm4b:s4+s29], $0x80, s3, s29, $0xb8;
	[tilespmem:$0x16180] =	vst v63  }
0x4a: {  	_ =	swait.ge [sflag:s30], $0x2800  }
0x4b: {  	[sflag:s30] =	ssyncset.done $0x0  }
0x4c: {  	[sflag:s30] =	ssyncadd.s32 $0xFFFFD800  }
0x4d: {  	[spmem:s2] =	stream.indirect.scatter.add.f32 [tilespmem:s25], [sflag:$0x2], $0x80, s28, s29, $0xb8;
	[tilespmem:$0x16180] =	vst v63  }
0x4e: {  	_ =	swait.ge [sflag:s26], $0x2800  }
0x4f: {  	s1 =	simm.s32 $0x14;
	s0 =	simm.s32 $0xA;
	[sflag:s26] =	ssyncset.done $0x0  }
.LBB2_2:
0x50: {  	s5 =	sadd.s32 s0, s24  }
0x51: {  	[sflag:s26] =	ssyncadd.s32 $0xFFFFD800;
	s6 =	smov.u32 s1;
	s7 =	sadd.s32 $0xA, s1  }
0x52: {  	[tilespmem:s28], [sflag:$0x2] =	stream.linear.gather [hbm4b:s5+s3], $0x50, $0x38;
	[tilespmem:$0x16180] =	vst v63  }
0x53: {  	p0 =	sne.s32 s1, $0x4D8;
	_ =	swait.ge [sflag:s26], $0x50  }
0x54: {  	[sflag:s26] =	ssyncset.done $0x0  }
0x55: {  	s1 =	sadd.s32 s0, s23;
	s0 =	smov.u32 s6;
	[sflag:s26] =	ssyncadd.s32 $0xFFFFFFB0  }
0x56: {  	[tilespmem:s3], [sflag:$0x2] =	stream.linear.gather [hbm4b:s1+s3], $0x50, $0x38;
	[tilespmem:$0x16180] =	vst v63  }
0x57: {  	_ =	swait.ge [sflag:s26], $0x50  }
0x58: {  	[sflag:s26] =	ssyncset.done $0x0  }
0x59: {  	[sflag:s26] =	ssyncadd.s32 $0xFFFFFFB0  }
0x5a: {  	[tilespmem:s25], [sflag:$0x1] =	stream.indirect.gather [hbm4b:s4+s29], $0x80, s3, s29, $0xb8;
	[tilespmem:$0x16180] =	vst v63  }
0x5b: {  	_ =	swait.ge [sflag:s30], $0x2800  }
.Ltmp0:
0x5c: {  	[sflag:s30] =	ssyncset.done $0x0;
	(pc) =	sbr.rel @p0 .LBB2_2-.Ltmp0, $4  }
0x5d: {  	[sflag:s30] =	ssyncadd.s32 $0xFFFFD800  }
0x5e: {  	[spmem:s2] =	stream.indirect.scatter.add.f32 [tilespmem:s25], [sflag:$0x2], $0x80, s28, s29, $0xb8;
	[tilespmem:$0x16180] =	vst v63  }
0x5f: {  	_ =	swait.ge [sflag:s26], $0x2800  }
0x60: {  	s1 =	smov.u32 s7;
	[sflag:s26] =	ssyncset.done $0x0  }
0x61: {  	s1 =	sadd.s32 s0, s24;
	[sflag:s26] =	ssyncadd.s32 $0xFFFFD800  }
0x62: {  	[tilespmem:s28], [sflag:$0x2] =	stream.linear.gather [hbm4b:s1+s3], $0x50, $0x38;
	[tilespmem:$0x16180] =	vst v63  }
0x63: {  	_ =	swait.ge [sflag:s26], $0x50  }
0x64: {  	[sflag:s26] =	ssyncset.done $0x0  }
0x65: {  	s1 =	sadd.s32 s0, s23;
	[sflag:s26] =	ssyncadd.s32 $0xFFFFFFB0  }
0x66: {  	[tilespmem:s3], [sflag:$0x2] =	stream.linear.gather [hbm4b:s1+s3], $0x50, $0x38;
	[tilespmem:$0x16180] =	vst v63  }
0x67: {  	_ =	swait.ge [sflag:s26], $0x50  }
0x68: {  	[sflag:s26] =	ssyncset.done $0x0  }
0x69: {  	[sflag:s26] =	ssyncadd.s32 $0xFFFFFFB0  }
0x6a: {  	[tilespmem:s25], [sflag:$0x1] =	stream.indirect.gather [hbm4b:s4+s29], $0x80, s3, s29, $0xb8;
	[tilespmem:$0x16180] =	vst v63  }
0x6b: {  	_ =	swait.ge [sflag:s30], $0x2800  }
0x6c: {  	[sflag:s30] =	ssyncset.done $0x0  }
0x6d: {  	[sflag:s30] =	ssyncadd.s32 $0xFFFFD800  }
0x6e: {  	[spmem:s2] =	stream.indirect.scatter.add.f32 [tilespmem:s25], [sflag:$0x2], $0x80, s28, s29, $0xb8;
	[tilespmem:$0x16180] =	vst v63  }
0x6f: {  	_ =	swait.ge [sflag:s26], $0x2800  }
0x70: {  	[sflag:s26] =	ssyncset.done $0x0  }
0x71: {  	[sflag:s26] =	ssyncadd.s32 $0xFFFFD800  }
0x72: {  	[bflag:$0x0] =	sbarrier.arrive $0xFFFF  }
0x73: {  	[tilespmem:s25], [sflag:$0x2] =	stream.linear.gather [spmem:s14], $0x2800, $0x38;
	[tilespmem:$0x16180] =	vst v63  }
0x74: {  	_ =	swait.ge [sflag:s26], $0x2800  }
0x75: {  	[sflag:s26] =	ssyncset.done $0x0  }
0x76: {  	s5 =	rddreg [dreg:$0x4];
	[sflag:s26] =	ssyncadd.s32 $0xFFFFD800  }
0x77: {  	[hbm4b:s5+s3] =	stream.linear.scatter [tilespmem:s25], [sflag:$0x2], $0x2800, $0x38;
	[tilespmem:$0x16180] =	vst v63  }
0x78: {  	_ =	swait.ge [sflag:s26], $0x2800  }
0x79: {  	[sflag:s26] =	ssyncset.done $0x0  }
0x7a: {  	[sflag:s26] =	ssyncadd.s32 $0xFFFFD800  }
0x7b: {  	[tilespmem:s25], [sflag:$0x2] =	stream.linear.gather [spmem:s15], $0x2800, $0x38;
	[tilespmem:$0x16180] =	vst v63  }
0x7c: {  	_ =	swait.ge [sflag:s26], $0x2800  }
0x7d: {  	[sflag:s26] =	ssyncset.done $0x0  }
0x7e: {  	s6 =	rddreg [dreg:$0x5];
	[sflag:s26] =	ssyncadd.s32 $0xFFFFD800  }
0x7f: {  	[hbm4b:s6+s3] =	stream.linear.scatter [tilespmem:s25], [sflag:$0x2], $0x2800, $0x38;
	[tilespmem:$0x16180] =	vst v63  }
0x80: {  	_ =	swait.ge [sflag:s26], $0x2800  }
0x81: {  	[sflag:s26] =	ssyncset.done $0x0  }
0x82: {  	[sflag:s26] =	ssyncadd.s32 $0xFFFFD800  }
0x83: {  	[tilespmem:s25], [sflag:$0x2] =	stream.linear.gather [spmem:s16], $0x2800, $0x38;
	[tilespmem:$0x16180] =	vst v63  }
0x84: {  	_ =	swait.ge [sflag:s26], $0x2800  }
0x85: {  	[sflag:s26] =	ssyncset.done $0x0  }
0x86: {  	s7 =	rddreg [dreg:$0x6];
	[sflag:s26] =	ssyncadd.s32 $0xFFFFD800  }
0x87: {  	[hbm4b:s7+s3] =	stream.linear.scatter [tilespmem:s25], [sflag:$0x2], $0x2800, $0x38;
	[tilespmem:$0x16180] =	vst v63  }
0x88: {  	_ =	swait.ge [sflag:s26], $0x2800  }
0x89: {  	[sflag:s26] =	ssyncset.done $0x0  }
0x8a: {  	[sflag:s26] =	ssyncadd.s32 $0xFFFFD800  }
0x8b: {  	[tilespmem:s25], [sflag:$0x2] =	stream.linear.gather [spmem:s17], $0x2800, $0x38;
	[tilespmem:$0x16180] =	vst v63  }
0x8c: {  	_ =	swait.ge [sflag:s26], $0x2800  }
0x8d: {  	[sflag:s26] =	ssyncset.done $0x0  }
0x8e: {  	[sflag:s26] =	ssyncadd.s32 $0xFFFFD800  }
0x8f: {  	[hbm4b:s8+s3] =	stream.linear.scatter [tilespmem:s25], [sflag:$0x2], $0x2800, $0x38;
	[tilespmem:$0x16180] =	vst v63  }
0x90: {  	_ =	swait.ge [sflag:s26], $0x2800  }
0x91: {  	[sflag:s26] =	ssyncset.done $0x0  }
0x92: {  	[sflag:s26] =	ssyncadd.s32 $0xFFFFD800  }
0x93: {  	[tilespmem:s25], [sflag:$0x2] =	stream.linear.gather [spmem:s18], $0x2800, $0x38;
	[tilespmem:$0x16180] =	vst v63  }
0x94: {  	_ =	swait.ge [sflag:s26], $0x2800  }
0x95: {  	[sflag:s26] =	ssyncset.done $0x0  }
0x96: {  	[sflag:s26] =	ssyncadd.s32 $0xFFFFD800  }
0x97: {  	[hbm4b:s9+s3] =	stream.linear.scatter [tilespmem:s25], [sflag:$0x2], $0x2800, $0x38;
	[tilespmem:$0x16180] =	vst v63  }
0x98: {  	_ =	swait.ge [sflag:s26], $0x2800  }
0x99: {  	[sflag:s26] =	ssyncset.done $0x0  }
0x9a: {  	[sflag:s26] =	ssyncadd.s32 $0xFFFFD800  }
0x9b: {  	[tilespmem:s25], [sflag:$0x2] =	stream.linear.gather [spmem:s19], $0x2800, $0x38;
	[tilespmem:$0x16180] =	vst v63  }
0x9c: {  	_ =	swait.ge [sflag:s26], $0x2800  }
0x9d: {  	[sflag:s26] =	ssyncset.done $0x0  }
0x9e: {  	[sflag:s26] =	ssyncadd.s32 $0xFFFFD800  }
0x9f: {  	[hbm4b:s10+s3] =	stream.linear.scatter [tilespmem:s25], [sflag:$0x2], $0x2800, $0x38;
	[tilespmem:$0x16180] =	vst v63  }
0xa0: {  	_ =	swait.ge [sflag:s26], $0x2800  }
0xa1: {  	[sflag:s26] =	ssyncset.done $0x0  }
0xa2: {  	[sflag:s26] =	ssyncadd.s32 $0xFFFFD800  }
0xa3: {  	[tilespmem:s25], [sflag:$0x2] =	stream.linear.gather [spmem:s20], $0x2800, $0x38;
	[tilespmem:$0x16180] =	vst v63  }
0xa4: {  	_ =	swait.ge [sflag:s26], $0x2800  }
0xa5: {  	[sflag:s26] =	ssyncset.done $0x0  }
0xa6: {  	[sflag:s26] =	ssyncadd.s32 $0xFFFFD800  }
0xa7: {  	[hbm4b:s11+s3] =	stream.linear.scatter [tilespmem:s25], [sflag:$0x2], $0x2800, $0x38;
	[tilespmem:$0x16180] =	vst v63  }
0xa8: {  	_ =	swait.ge [sflag:s26], $0x2800  }
0xa9: {  	[sflag:s26] =	ssyncset.done $0x0  }
0xaa: {  	[sflag:s26] =	ssyncadd.s32 $0xFFFFD800  }
0xab: {  	[tilespmem:s25], [sflag:$0x2] =	stream.linear.gather [spmem:s21], $0x2800, $0x38;
	[tilespmem:$0x16180] =	vst v63  }
0xac: {  	s31 =	sadd.s32 $0x1, s31;
	_ =	swait.ge [sflag:s26], $0x2800  }
0xad: {  	p0 =	sne.s32 s31, s22;
	[sflag:s26] =	ssyncset.done $0x0  }
.Ltmp1:
0xae: {  	[sflag:s26] =	ssyncadd.s32 $0xFFFFD800;
	(pc) =	sbr.rel @p0 .LBB2_1-.Ltmp1, $4  }
0xaf: {  	[hbm4b:s12+s3] =	stream.linear.scatter [tilespmem:s25], [sflag:$0x2], $0x2800, $0x38;
	[tilespmem:$0x16180] =	vst v63  }
0xb0: {  	_ =	swait.ge [sflag:s26], $0x2800  }
0xb1: {  	[sflag:s26] =	ssyncset.done $0x0  }
0xb2: {  	[sflag:s26] =	ssyncadd.s32 $0xFFFFD800  }
0xb3: {  	_ =	sfence.sel $0x180000  }
0xb4: {  	[bflag:$0x0] =	sbarrier.arrive $0xFFFF  }
0xb5: {  	_ =	strace $0x90000050  }
0xb6: {  	s0 =	stileid.u32;
	[bflag:$0x2] =	sbarrier.arrive $0xFFFF  }
0xb7: {  	p0 =	sne.s32 s0, $0x0;
	s0 =	rddreg [dreg:$0x3]  }
0xb8: {  	s0 =	sadd.s32 @!p0 $0x100000, s0  }
0xb9: {  	[sflag:s0] =	ssyncadd.tile.s32 @!p0 $0x1;
	_ =	shalt  }
.Lfunc_end2:
_tile_overlayer_lowered:
.L_overlay_start_2:
0xba: {  	(tag) =	ssettag $0x2  }
0xbb: {  	s0 =	rddreg [dreg:$0x0];
	s2 =	stileid.u32  }
0xbc: {  	s1 =	rddreg [dreg:$0x1];
	p0 =	sne.s32 s2, $0x0  }
0xbd: {  	s3 =	rddreg [dreg:$0x2];
	[bflag:$0x3] =	sbarrier.arrive $0xFFFF;
	s2 =	simm.s32 @!p0 $0x1C02  }
0xbe: {  	[timem:s3], [sflag:s2] =	dma.local @!p0 [hbm:s0], s1  }
0xbf: {  	s0 =	simm.s32 @!p0 $0x2  }
0xc0: {  	_ =	swait.ge @!p0 [sflag:s0], s1  }
0xc1: {  	s1 =	ssub.s32 @!p0 $0x0, s1;
	[sflag:s0] =	ssyncset.done @!p0 $0x0  }
0xc2: {  	[sflag:s0] =	ssyncadd.s32 @!p0 s1  }
0xc3: {  	[bflag:$0x3] =	sbarrier.arrive $0xFFFF  }
0xc4: {  	_ =	shalt  }

// kernel: kernel.12.cloned.1.call-start
scs
__scs_entry_jumppad:
0x0: {  	(pc) =	sbr.rel $0x88, $3  }
0x1: {  	(tag) =	ssettag $0x0;
	lr =	simm.s32 $0x1  }
0x2: {  	[smem:$0x3F99] =	sst lr;
	_ =	strace $0xD0000000  }
0x3: {  	_ = 	snop  }
0x4: {  	_ = 	snop  }
0x5: {  	_ = 	snop  }
0x6: {  	_ = 	snop  }
0x7: {  	_ = 	snop  }
__scs_overlays_trampoline_lowered:
0x8: {  	[smem:$0x3FA8] =	sst s0  }
0x9: {  	[smem:$0x3FA9] =	sst s1  }
0xa: {  	[smem:$0x3FAA] =	sst s2  }
0xb: {  	[smem:$0x3FAB] =	sst s3  }
0xc: {  	[smem:$0x3FAC] =	sst s4  }
0xd: {  	[smem:$0x3FAD] =	sst s5  }
0xe: {  	[smem:$0x3FAE] =	sst s6  }
0xf: {  	[smem:$0x3FAF] =	sst s7  }
0x10: {  	[smem:$0x3FB0] =	sst s8  }
0x11: {  	[smem:$0x3FB1] =	sst s9;
	s0 =	simm.s32 @!p0 $0x0  }
0x12: {  	s1 =	sld [smem:$0x3F97];
	s0 =	simm.s32 @p0 $0x1  }
0x13: {  	[smem:$0x3FB2] =	sst s0;
	s0 =	simm.s32 @!p1 $0x0  }
0x14: {  	s2 =	sld [smem:$0x3F96];
	s0 =	simm.s32 @p1 $0x1  }
0x15: {  	[smem:$0x3FB3] =	sst s0;
	s0 =	simm.s32 @!p2 $0x0  }
0x16: {  	s3 =	sld [smem:$0x3FDB];
	s0 =	simm.s32 @p2 $0x1  }
0x17: {  	s4 =	simm.s32 $0x1BF5;
	[smem:$0x3FB5] =	sst s0  }
0x18: {  	s0 =	sld [smem:$0x3F98];
	_ =	swait.ge [sflag:s4], $0x0  }
0x19: {  	s7 =	sld [smem:$0x3F99]  }
0x1a: {  	s8 =	sadd.s32 $0xFFFFE003, lr  }
0x1b: {  	s9 =	sadd.s32 $0xFFFFFEF7, lr;
	s5 =	simm.s32 $0xFFFFFFFF;
	p2 =	slt.u32 s8, $0xFFFFF086  }
0x1c: {  	p1 =	slt.u32 s9, $0xF7A;
	s5 =	simm.s32 @!p2 $0x0  }
0x1d: {  	s5 =	simm.s32 @p1 $0x1;
	p0 =	seq.s32 s7, s2  }
0x1e: {  	s7 =	smul.u32 @!p0 $0xF7A, s2;
	p2 =	seq.s32 @!p0 s5, $0x0  }
0x1f: {  	s9 =	smul.u32 $0xF7A, s1;
	s8 =	simm.s32 @!p0 $0x1BF5;
	p2 =	por !p2, p0  }
0x20: {  	[sflag:s8] =	ssyncset.s32 @!p0 $0xFFFFF086;
	s6 =	sadd.s32 @!p0 s3, s7;
	s7 =	simm.s32 @!p0 $0x108  }
0x21: {  	s3 =	sadd.s32 s3, s9;
	s6 =	sadd.s32 @!p0 $0x88, s6;
	s7 =	simm.s32 @p2 $0x1082  }
0x22: {  	[simem:s7], [sflag:s8] =	dma.local @!p0 [hbm:s6], $0xF7A  }
0x23: {  	s9 =	sor.u32 $0xD0000000, s2;
	s6 =	simm.s32 $0x108;
	_ =	swait.ge @!p0 [sflag:s8], $0x0  }
0x24: {  	s3 =	sadd.s32 $0x88, s3;
	s6 =	simm.s32 @!p1 $0x1082;
	[sflag:s4] =	ssyncset.s32 $0xFFFFF086  }
0x25: {  	[simem:s6], [sflag:s4] =	dma.local [hbm:s3], $0xF7A  }
0x26: {  	[smem:$0x3F99] =	sst s1;
	(tag) =	ssettag s2;
	_ =	strace s9  }
0x27: {  	s1 =	sld [smem:$0x3FA9]  }
0x28: {  	s2 =	sld [smem:$0x3FAA]  }
0x29: {  	s4 =	sld [smem:$0x3FAC]  }
0x2a: {  	p0 =	seq.s32 s5, $0x0;
	s5 =	sld [smem:$0x3FAD]  }
0x2b: {  	s6 =	sld [smem:$0x3FAE]  }
0x2c: {  	s7 =	sld [smem:$0x3FAF]  }
0x2d: {  	s3 =	simm.s32 $0x108;
	s8 =	sld [smem:$0x3FB0]  }
0x2e: {  	s3 =	simm.s32 @!p0 $0x1082;
	s9 =	sld [smem:$0x3FB1]  }
0x2f: {  	lr =	sadd.s32 s0, s3;
	s0 =	sld [smem:$0x3FA8]  }
0x30: {  	s3 =	sld [smem:$0x3FAB]  }
0x31: {  	[smem:$0x3FB4] =	sst s10  }
0x32: {  	s10 =	sld [smem:$0x3FB2];
	_ =	sdelay $0x3  }
0x33: {  	p0 =	seq.s32 s10, $0x1;
	s10 =	sld [smem:$0x3FB4];
	_ =	sdelay $0x3  }
0x34: {  	[smem:$0x3FB4] =	sst s10  }
0x35: {  	s10 =	sld [smem:$0x3FB3];
	_ =	sdelay $0x3  }
0x36: {  	p1 =	seq.s32 s10, $0x1;
	s10 =	sld [smem:$0x3FB4];
	_ =	sdelay $0x3  }
0x37: {  	[smem:$0x3FB4] =	sst s10  }
0x38: {  	s10 =	sld [smem:$0x3FB5]  }
0x39: {  	_ = 	snop;
	(pc) =	sbr.ind lr, $3  }
0x3a: {  	_ = 	snop  }
0x3b: {  	_ = 	snop  }
0x3c: {  	p2 =	seq.s32 s10, $0x1;
	s10 =	sld [smem:$0x3FB4]  }
0x3d: {  	_ =	shalt  }
0x3e: {  	_ =	shalt  }
0x3f: {  	_ =	shalt  }
0x40: {  	_ =	shalt  }
0x41: {  	_ =	shalt  }
0x42: {  	_ =	shalt  }
0x43: {  	_ =	shalt  }
0x44: {  	_ =	shalt  }
0x45: {  	_ =	shalt  }
0x46: {  	_ =	shalt  }
0x47: {  	_ =	shalt  }
0x48: {  	_ =	shalt  }
0x49: {  	_ =	shalt  }
0x4a: {  	_ =	shalt  }
0x4b: {  	_ =	shalt  }
0x4c: {  	_ =	shalt  }
0x4d: {  	_ =	shalt  }
0x4e: {  	_ =	shalt  }
0x4f: {  	_ =	shalt  }
0x50: {  	_ =	shalt  }
0x51: {  	_ =	shalt  }
0x52: {  	_ =	shalt  }
0x53: {  	_ =	shalt  }
0x54: {  	_ =	shalt  }
0x55: {  	_ =	shalt  }
0x56: {  	_ =	shalt  }
0x57: {  	_ =	shalt  }
0x58: {  	_ =	shalt  }
0x59: {  	_ =	shalt  }
0x5a: {  	_ =	shalt  }
0x5b: {  	_ =	shalt  }
0x5c: {  	_ =	shalt  }
0x5d: {  	_ =	shalt  }
0x5e: {  	_ =	shalt  }
0x5f: {  	_ =	shalt  }
0x60: {  	_ =	shalt  }
0x61: {  	_ =	shalt  }
0x62: {  	_ =	shalt  }
0x63: {  	_ =	shalt  }
0x64: {  	_ =	shalt  }
0x65: {  	_ =	shalt  }
0x66: {  	_ =	shalt  }
0x67: {  	_ =	shalt  }
0x68: {  	_ =	shalt  }
0x69: {  	_ =	shalt  }
0x6a: {  	_ =	shalt  }
0x6b: {  	_ =	shalt  }
0x6c: {  	_ =	shalt  }
0x6d: {  	_ =	shalt  }
0x6e: {  	_ =	shalt  }
0x6f: {  	_ =	shalt  }
0x70: {  	_ =	shalt  }
0x71: {  	_ =	shalt  }
0x72: {  	_ =	shalt  }
0x73: {  	_ =	shalt  }
0x74: {  	_ =	shalt  }
0x75: {  	_ =	shalt  }
0x76: {  	_ =	shalt  }
0x77: {  	_ =	shalt  }
0x78: {  	_ =	shalt  }
0x79: {  	_ =	shalt  }
0x7a: {  	_ =	shalt  }
0x7b: {  	_ =	shalt  }
0x7c: {  	_ =	shalt  }
0x7d: {  	_ =	shalt  }
0x7e: {  	_ =	shalt  }
0x7f: {  	_ =	shalt  }
0x80: {  	_ =	shalt  }
0x81: {  	_ =	shalt  }
0x82: {  	_ =	shalt  }
0x83: {  	_ =	shalt  }
0x84: {  	_ =	shalt  }
0x85: {  	_ =	shalt  }
0x86: {  	_ =	shalt  }
0x87: {  	_ =	shalt  }
.Lfunc_end0:
.L_simem_size_0:
called_computation.2_lowered:
.L_overlay_start_0:
0x88: {  	s2 =	sld [smem:$0x3FD9]  }
0x89: {  	s3 =	sld [smem:$0x3FFE];
	_ =	sdelay $0x1  }
0x8a: {  	s1 =	srdreg.scid  }
0x8b: {  	s0 =	sand.u32 $0x1, s1  }
0x8c: {  	s17 =	sshll.u32 s0, $0xA;
	s2 =	sadd.s32 s3, s2  }
0x8d: {  	s2 =	sadd.s32 s2, s17  }
0x8e: {  	[smem:$0x3FC0] =	sst s2  }
0x8f: {  	_ = 	snop  }
0x90: {  	s2 =	sld [smem:$0x3FD0];
	(tm) =	ssettm $0x1  }
0x91: {  	s18 =	sld [smem:$0x3FFB];
	_ =	sdelay $0x3  }
0x92: {  	_ =	strace s18  }
0x93: {  	s3 =	sld [smem:$0x3FFC];
	_ =	sdelay $0x3  }
0x94: {  	_ =	strace s3  }
0x95: {  	s3 =	sld [smem:$0x3FFD];
	_ =	sdelay $0x3  }
0x96: {  	_ =	strace s3  }
0x97: {  	_ =	strace $0x8FFFFFFF  }
0x98: {  	s19 =	sld [smem:$0x3FDB];
	_ =	sdelay $0x1  }
0x99: {  	s4 =	simm.s32 $_scs_section_size  }
0x9a: {  	s5 =	simm.s32 $_size__tile_overlayer_lowered;
	s6 =	simm.s32 $_tile_overlayer_lowered  }
0x9b: {  	s22 =	simm.s32 $0x1BFF;
	s21 =	sshll.u32 s6, $0x1;
	s3 =	sadd.s32 s4, s19  }
0x9c: {  	s7 =	simm.s32 $0x0;
	s20 =	sshll.u32 s5, $0x1;
	s5 =	sadd.s32 s21, s3  }
0x9d: {  	[timem:s7], [sflag:s22] =	dma.local [hbm:s5], s20  }
0x9e: {  	_ =	swait.ge [sflag:s22], s20  }
0x9f: {  	s4 =	ssub.s32 $0x0, s20;
	[sflag:s22] =	ssyncset.done $0x0  }
0xa0: {  	[sflag:s22] =	ssyncadd.s32 s4;
	_ =	sdelay $0x1  }
0xa1: {  	s23 =	simm.s32 $0x1B8B  }
0xa2: {  	_ =	swait.ge [sflag:s23], $0x1  }
0xa3: {  	[sflag:s23] =	ssyncset.done $0x0  }
0xa4: {  	s25 =	simm.s32 $0x1B8E;
	s24 =	sld [smem:$0x3FFE];
	[sflag:s23] =	ssyncadd.s32 $0xFFFFFFFF  }
0xa5: {  	s26 =	simm.s32 $execute0_lowered;
	[smem:$0x3FD2] =	sst s25  }
0xa6: {  	s5 =	sshll.u32 s26, $0x1;
	_ =	strace $0x80000049;
	[dreg:$0x1] =	wrdreg $0xFFFFFFFF  }
0xa7: {  	s28 =	simm.s32 $_size_execute0_lowered;
	s3 =	sadd.s32 s3, s5;
	[dreg:$0x0] =	wrdreg $0x0  }
0xa8: {  	s5 =	sshll.u32 s28, $0x1;
	[dreg:$0x2] =	wrdreg s3  }
0xa9: {  	[dreg:$0x3] =	wrdreg s5  }
0xaa: {  	[dreg:$0x4] =	wrdreg $0xC0  }
0xab: {  	_ =	task [dreg:s7], $0x5FFFF  }
0xac: {  	[dreg:$0x1] =	wrdreg $0xFFFFFFFF  }
0xad: {  	[dreg:$0x0] =	wrdreg $0x60  }
0xae: {  	[dreg:$0x2] =	wrdreg s24  }
0xaf: {  	[dreg:$0x3] =	wrdreg s2  }
0xb0: {  	[dreg:$0x4] =	wrdreg $0x29000  }
0xb1: {  	[dreg:$0x5] =	wrdreg $0x9  }
0xb2: {  	_ =	task.clear_ibuf [dreg:s7], $0x6FFFF;
	_ =	strace $0x90000049  }
0xb3: {  	s29 =	simm.s32 $0x9;
	_ =	strace $0x8000004B  }
0xb4: {  	_ =	swait.ge [sflag:s29], $0x1  }
0xb5: {  	[sflag:s29] =	ssyncadd.s32 $0xFFFFFFFF  }
0xb6: {  	_ =	strace $0x9000004B  }
0xb7: {  	_ =	sfence  }
0xb8: {  	s30 =	sld [smem:$0x0];
	_ =	sdelay $0x2  }
0xb9: {  	s31 =	sshll.u32 s1, $0xD;
	s1 =	sshrl.u32 s1, $0x2  }
0xba: {  	s3 =	sand.u32 $0x4000, s31;
	s1 =	sadd.s32 s1, s30  }
0xbb: {  	s0 =	sor.u32 s3, s0;
	s1 =	sshll.u32 s1, $0x11  }
0xbc: {  	s0 =	sor.u32 s1, s0  }
0xbd: {  	s0 =	sadd.s32 $0x8F2B, s0  }
0xbe: {  	[sflag:s0] =	ssyncadd.remote.s32 $0x1  }
0xbf: {  	_ =	sfence.sel $0xFFFF  }
0xc0: {  	[dreg:$0x0] =	wrdreg $0xFFFFFFFF;
	(pc) =	sbr.abs _section_cstart, $3  }
0xc1: {  	[dreg:$0x1] =	wrdreg $0xFFFFFFFF  }
0xc2: {  	_ =	task.clear_ibuf [dreg:s7], $0x2FFFF;
	_ =	strace $0x9FFFFFFF  }
0xc3: {  	(tm) =	ssettm $0x7FFFFFFF  }
tec
execute0_lowered:
.L_overlay_start_1:
0x0: {  	(tag) =	ssettag $0x1  }
0x1: {  	s0 =	rddreg [dreg:$0x0]  }
0x2: {  	s24 =	rddreg [dreg:$0x1]  }
0x3: {  	s2 =	rddreg [dreg:$0x2]  }
0x4: {  	s1 =	srdreg.scid;
	s7 =	stileid.u32;
	s3 =	simm.s32 $0x0  }
0x5: {  	s28 =	simm.s32 $0x80;
	s29 =	simm.s32 $0x50;
	s5 =	smul.u32 $0x4E20, s7  }
0x6: {  	s30 =	simm.s32 $0x1;
	s31 =	simm.s32 $0x0;
	s13 =	smul.u32 $0x4E000, s7  }
0x7: {  	s1 =	sand.u32 $0x1, s1;
	[smem:$0x7FF] =	sst s3;
	s7 =	smul.u32 $0x13800, s7  }
0x8: {  	s4 =	sadd.s32 $0xDE00, s0;
	s12 =	sadd.s32 $0x35000, s0;
	s6 =	smul.u32 $0x2710, s1  }
0x9: {  	_ =	strace $0x8000004A;
	s26 =	ssub.s32 $0x2, s1;
	s1 =	smul.u32 $0x138800, s1  }
0xa: {  	s8 =	sshrl.u32 s26, $0x1;
	s15 =	sadd.s32 $0x2800, s7;
	s16 =	sadd.s32 $0x5000, s7  }
0xb: {  	s17 =	sadd.s32 $0x7800, s7;
	s18 =	sadd.s32 $0xA000, s7;
	s19 =	sadd.s32 $0xC800, s7  }
0xc: {  	s20 =	sadd.s32 $0xF000, s7;
	s21 =	sadd.s32 $0x11800, s7;
	s5 =	sadd.s32 s6, s5  }
0xd: {  	s22 =	ssub.s32 s26, s8;
	s9 =	sadd.s32 s7, s1;
	s10 =	sadd.s32 s1, s15  }
0xe: {  	s14 =	sadd.s32 s1, s16;
	s8 =	sadd.s32 s1, s17;
	s15 =	sadd.s32 s15, s2  }
0xf: {  	s16 =	sadd.s32 s16, s2;
	s17 =	sadd.s32 s17, s2;
	s25 =	sshrl.u32 s5, $0x3  }
0x10: {  	s5 =	sshrl.u32 s9, $0x3;
	s6 =	sshrl.u32 s10, $0x3;
	s7 =	sshrl.u32 s14, $0x3  }
0x11: {  	s8 =	sshrl.u32 s8, $0x3;
	s9 =	sadd.s32 s1, s18;
	s10 =	sadd.s32 s1, s19  }
0x12: {  	s14 =	sshrl.u32 s13, $0x2;
	s13 =	sadd.s32 $0xD800, s0;
	s18 =	sadd.s32 s18, s2  }
0x13: {  	s19 =	sadd.s32 s19, s2;
	s22 =	smax.u32 s22, $0x1;
	s5 =	sadd.s32 s12, s5  }
0x14: {  	s11 =	sadd.s32 s12, s6;
	s23 =	sadd.s32 s12, s7;
	s8 =	sadd.s32 s12, s8  }
0x15: {  	s9 =	sshrl.u32 s9, $0x3;
	s10 =	sshrl.u32 s10, $0x3;
	[dreg:$0x4] =	wrdreg s5  }
0x16: {  	s26 =	sadd.s32 s25, s0;
	s14 =	sadd.s32 s14, s2;
	[dreg:$0x5] =	wrdreg s11  }
0x17: {  	s24 =	sadd.s32 s25, s24;
	s25 =	simm.s32 $0x100;
	[dreg:$0x6] =	wrdreg s23  }
0x18: {  	s9 =	sadd.s32 s12, s9;
	s11 =	sadd.s32 s1, s20;
	s1 =	sadd.s32 s1, s21  }
0x19: {  	s10 =	sadd.s32 s12, s10;
	s20 =	sadd.s32 s20, s2;
	s21 =	sadd.s32 s21, s2  }
0x1a: {  	s23 =	sadd.s32 $0x3A00, s26;
	s11 =	sshrl.u32 s11, $0x3;
	s1 =	sshrl.u32 s1, $0x3  }
0x1b: {  	s26 =	simm.s32 $0x2;
	s11 =	sadd.s32 s12, s11;
	s12 =	sadd.s32 s12, s1  }
.LBB2_1:
0x1c: {  	[tilespmem:s25], [sflag:$0x2] =	stream.linear.gather [hbm4b:s13+s3], $0x2800, $0x38;
	[tilespmem:$0x16180] =	vst v63  }
0x1d: {  	_ =	swait.ge [sflag:s26], $0x2800  }
0x1e: {  	[sflag:s26] =	ssyncset.done $0x0  }
0x1f: {  	[sflag:s26] =	ssyncadd.s32 $0xFFFFD800  }
0x20: {  	[spmem:s14] =	stream.linear.scatter [tilespmem:s25], [sflag:$0x2], $0x2800, $0x38;
	[tilespmem:$0x16180] =	vst v63  }
0x21: {  	_ =	swait.ge [sflag:s26], $0x2800  }
0x22: {  	[sflag:s26] =	ssyncset.done $0x0  }
0x23: {  	[sflag:s26] =	ssyncadd.s32 $0xFFFFD800  }
0x24: {  	[spmem:s15] =	stream.linear.scatter [tilespmem:s25], [sflag:$0x2], $0x2800, $0x38;
	[tilespmem:$0x16180] =	vst v63  }
0x25: {  	_ =	swait.ge [sflag:s26], $0x2800  }
0x26: {  	[sflag:s26] =	ssyncset.done $0x0  }
0x27: {  	[sflag:s26] =	ssyncadd.s32 $0xFFFFD800  }
0x28: {  	[spmem:s16] =	stream.linear.scatter [tilespmem:s25], [sflag:$0x2], $0x2800, $0x38;
	[tilespmem:$0x16180] =	vst v63  }
0x29: {  	_ =	swait.ge [sflag:s26], $0x2800  }
0x2a: {  	[sflag:s26] =	ssyncset.done $0x0  }
0x2b: {  	[sflag:s26] =	ssyncadd.s32 $0xFFFFD800  }
0x2c: {  	[spmem:s17] =	stream.linear.scatter [tilespmem:s25], [sflag:$0x2], $0x2800, $0x38;
	[tilespmem:$0x16180] =	vst v63  }
0x2d: {  	_ =	swait.ge [sflag:s26], $0x2800  }
0x2e: {  	[sflag:s26] =	ssyncset.done $0x0  }
0x2f: {  	[sflag:s26] =	ssyncadd.s32 $0xFFFFD800  }
0x30: {  	[spmem:s18] =	stream.linear.scatter [tilespmem:s25], [sflag:$0x2], $0x2800, $0x38;
	[tilespmem:$0x16180] =	vst v63  }
0x31: {  	_ =	swait.ge [sflag:s26], $0x2800  }
0x32: {  	[sflag:s26] =	ssyncset.done $0x0  }
0x33: {  	[sflag:s26] =	ssyncadd.s32 $0xFFFFD800  }
0x34: {  	[spmem:s19] =	stream.linear.scatter [tilespmem:s25], [sflag:$0x2], $0x2800, $0x38;
	[tilespmem:$0x16180] =	vst v63  }
0x35: {  	_ =	swait.ge [sflag:s26], $0x2800  }
0x36: {  	[sflag:s26] =	ssyncset.done $0x0  }
0x37: {  	[sflag:s26] =	ssyncadd.s32 $0xFFFFD800  }
0x38: {  	[spmem:s20] =	stream.linear.scatter [tilespmem:s25], [sflag:$0x2], $0x2800, $0x38;
	[tilespmem:$0x16180] =	vst v63  }
0x39: {  	_ =	swait.ge [sflag:s26], $0x2800  }
0x3a: {  	[sflag:s26] =	ssyncset.done $0x0  }
0x3b: {  	[sflag:s26] =	ssyncadd.s32 $0xFFFFD800  }
0x3c: {  	[spmem:s21] =	stream.linear.scatter [tilespmem:s25], [sflag:$0x2], $0x2800, $0x38;
	[tilespmem:$0x16180] =	vst v63  }
0x3d: {  	_ =	swait.ge [sflag:s26], $0x2800  }
0x3e: {  	[sflag:s26] =	ssyncset.done $0x0  }
0x3f: {  	[sflag:s26] =	ssyncadd.s32 $0xFFFFD800  }
0x40: {  	s0 =	sadd.s32 $0x0, s24;
	[bflag:$0x0] =	sbarrier.arrive $0xFFFF  }
0x41: {  	[tilespmem:s28], [sflag:$0x2] =	stream.linear.gather [hbm4b:s0+s3], $0x50, $0x38;
	[tilespmem:$0x16180] =	vst v63  }
0x42: {  	_ =	swait.ge [sflag:s26], $0x50  }
0x43: {  	[sflag:s26] =	ssyncset.done $0x0  }
0x44: {  	s7 =	sadd.s32 $0x0, s23;
	[sflag:s26] =	ssyncadd.s32 $0xFFFFFFB0  }
0x45: {  	[tilespmem:s3], [sflag:$0x2] =	stream.linear.gather [hbm4b:s7+s3], $0x50, $0x38;
	[tilespmem:$0x16180] =	vst v63  }
0x46: {  	_ =	swait.ge [sflag:s26], $0x50  }
0x47: {  	[sflag:s26] =	ssyncset.done $0x0  }
0x48: {  	[sflag:s26] =	ssyncadd.s32 $0xFFFFFFB0  }
0x49: {  	[tilespmem:s25], [sflag:$0x1] =	stream.indirect.gather [hbm4b:s4+s29], $0x80, s3, s29, $0xb8;
	[tilespmem:$0x16180] =	vst v63  }
0x4a: {  	_ =	swait.ge [sflag:s30], $0x2800  }
0x4b: {  	[sflag:s30] =	ssyncset.done $0x0  }
0x4c: {  	[sflag:s30] =	ssyncadd.s32 $0xFFFFD800  }
0x4d: {  	[spmem:s2] =	stream.indirect.scatter.add.f32 [tilespmem:s25], [sflag:$0x2], $0x80, s28, s29, $0xb8;
	[tilespmem:$0x16180] =	vst v63  }
0x4e: {  	_ =	swait.ge [sflag:s26], $0x2800  }
0x4f: {  	s1 =	simm.s32 $0x14;
	s0 =	simm.s32 $0xA;
	[sflag:s26] =	ssyncset.done $0x0  }
.LBB2_2:
0x50: {  	s5 =	sadd.s32 s0, s24  }
0x51: {  	[sflag:s26] =	ssyncadd.s32 $0xFFFFD800;
	s6 =	smov.u32 s1;
	s7 =	sadd.s32 $0xA, s1  }
0x52: {  	[tilespmem:s28], [sflag:$0x2] =	stream.linear.gather [hbm4b:s5+s3], $0x50, $0x38;
	[tilespmem:$0x16180] =	vst v63  }
0x53: {  	p0 =	sne.s32 s1, $0x4D8;
	_ =	swait.ge [sflag:s26], $0x50  }
0x54: {  	[sflag:s26] =	ssyncset.done $0x0  }
0x55: {  	s1 =	sadd.s32 s0, s23;
	s0 =	smov.u32 s6;
	[sflag:s26] =	ssyncadd.s32 $0xFFFFFFB0  }
0x56: {  	[tilespmem:s3], [sflag:$0x2] =	stream.linear.gather [hbm4b:s1+s3], $0x50, $0x38;
	[tilespmem:$0x16180] =	vst v63  }
0x57: {  	_ =	swait.ge [sflag:s26], $0x50  }
0x58: {  	[sflag:s26] =	ssyncset.done $0x0  }
0x59: {  	[sflag:s26] =	ssyncadd.s32 $0xFFFFFFB0  }
0x5a: {  	[tilespmem:s25], [sflag:$0x1] =	stream.indirect.gather [hbm4b:s4+s29], $0x80, s3, s29, $0xb8;
	[tilespmem:$0x16180] =	vst v63  }
0x5b: {  	_ =	swait.ge [sflag:s30], $0x2800  }
.Ltmp0:
0x5c: {  	[sflag:s30] =	ssyncset.done $0x0;
	(pc) =	sbr.rel @p0 .LBB2_2-.Ltmp0, $4  }
0x5d: {  	[sflag:s30] =	ssyncadd.s32 $0xFFFFD800  }
0x5e: {  	[spmem:s2] =	stream.indirect.scatter.add.f32 [tilespmem:s25], [sflag:$0x2], $0x80, s28, s29, $0xb8;
	[tilespmem:$0x16180] =	vst v63  }
0x5f: {  	_ =	swait.ge [sflag:s26], $0x2800  }
0x60: {  	s1 =	smov.u32 s7;
	[sflag:s26] =	ssyncset.done $0x0  }
0x61: {  	s1 =	sadd.s32 s0, s24;
	[sflag:s26] =	ssyncadd.s32 $0xFFFFD800  }
0x62: {  	[tilespmem:s28], [sflag:$0x2] =	stream.linear.gather [hbm4b:s1+s3], $0x50, $0x38;
	[tilespmem:$0x16180] =	vst v63  }
0x63: {  	_ =	swait.ge [sflag:s26], $0x50  }
0x64: {  	[sflag:s26] =	ssyncset.done $0x0  }
0x65: {  	s1 =	sadd.s32 s0, s23;
	[sflag:s26] =	ssyncadd.s32 $0xFFFFFFB0  }
0x66: {  	[tilespmem:s3], [sflag:$0x2] =	stream.linear.gather [hbm4b:s1+s3], $0x50, $0x38;
	[tilespmem:$0x16180] =	vst v63  }
0x67: {  	_ =	swait.ge [sflag:s26], $0x50  }
0x68: {  	[sflag:s26] =	ssyncset.done $0x0  }
0x69: {  	[sflag:s26] =	ssyncadd.s32 $0xFFFFFFB0  }
0x6a: {  	[tilespmem:s25], [sflag:$0x1] =	stream.indirect.gather [hbm4b:s4+s29], $0x80, s3, s29, $0xb8;
	[tilespmem:$0x16180] =	vst v63  }
0x6b: {  	_ =	swait.ge [sflag:s30], $0x2800  }
0x6c: {  	[sflag:s30] =	ssyncset.done $0x0  }
0x6d: {  	[sflag:s30] =	ssyncadd.s32 $0xFFFFD800  }
0x6e: {  	[spmem:s2] =	stream.indirect.scatter.add.f32 [tilespmem:s25], [sflag:$0x2], $0x80, s28, s29, $0xb8;
	[tilespmem:$0x16180] =	vst v63  }
0x6f: {  	_ =	swait.ge [sflag:s26], $0x2800  }
0x70: {  	[sflag:s26] =	ssyncset.done $0x0  }
0x71: {  	[sflag:s26] =	ssyncadd.s32 $0xFFFFD800  }
0x72: {  	[bflag:$0x0] =	sbarrier.arrive $0xFFFF  }
0x73: {  	[tilespmem:s25], [sflag:$0x2] =	stream.linear.gather [spmem:s14], $0x2800, $0x38;
	[tilespmem:$0x16180] =	vst v63  }
0x74: {  	_ =	swait.ge [sflag:s26], $0x2800  }
0x75: {  	[sflag:s26] =	ssyncset.done $0x0  }
0x76: {  	s5 =	rddreg [dreg:$0x4];
	[sflag:s26] =	ssyncadd.s32 $0xFFFFD800  }
0x77: {  	[hbm4b:s5+s3] =	stream.linear.scatter [tilespmem:s25], [sflag:$0x2], $0x2800, $0x38;
	[tilespmem:$0x16180] =	vst v63  }
0x78: {  	_ =	swait.ge [sflag:s26], $0x2800  }
0x79: {  	[sflag:s26] =	ssyncset.done $0x0  }
0x7a: {  	[sflag:s26] =	ssyncadd.s32 $0xFFFFD800  }
0x7b: {  	[tilespmem:s25], [sflag:$0x2] =	stream.linear.gather [spmem:s15], $0x2800, $0x38;
	[tilespmem:$0x16180] =	vst v63  }
0x7c: {  	_ =	swait.ge [sflag:s26], $0x2800  }
0x7d: {  	[sflag:s26] =	ssyncset.done $0x0  }
0x7e: {  	s6 =	rddreg [dreg:$0x5];
	[sflag:s26] =	ssyncadd.s32 $0xFFFFD800  }
0x7f: {  	[hbm4b:s6+s3] =	stream.linear.scatter [tilespmem:s25], [sflag:$0x2], $0x2800, $0x38;
	[tilespmem:$0x16180] =	vst v63  }
0x80: {  	_ =	swait.ge [sflag:s26], $0x2800  }
0x81: {  	[sflag:s26] =	ssyncset.done $0x0  }
0x82: {  	[sflag:s26] =	ssyncadd.s32 $0xFFFFD800  }
0x83: {  	[tilespmem:s25], [sflag:$0x2] =	stream.linear.gather [spmem:s16], $0x2800, $0x38;
	[tilespmem:$0x16180] =	vst v63  }
0x84: {  	_ =	swait.ge [sflag:s26], $0x2800  }
0x85: {  	[sflag:s26] =	ssyncset.done $0x0  }
0x86: {  	s7 =	rddreg [dreg:$0x6];
	[sflag:s26] =	ssyncadd.s32 $0xFFFFD800  }
0x87: {  	[hbm4b:s7+s3] =	stream.linear.scatter [tilespmem:s25], [sflag:$0x2], $0x2800, $0x38;
	[tilespmem:$0x16180] =	vst v63  }
0x88: {  	_ =	swait.ge [sflag:s26], $0x2800  }
0x89: {  	[sflag:s26] =	ssyncset.done $0x0  }
0x8a: {  	[sflag:s26] =	ssyncadd.s32 $0xFFFFD800  }
0x8b: {  	[tilespmem:s25], [sflag:$0x2] =	stream.linear.gather [spmem:s17], $0x2800, $0x38;
	[tilespmem:$0x16180] =	vst v63  }
0x8c: {  	_ =	swait.ge [sflag:s26], $0x2800  }
0x8d: {  	[sflag:s26] =	ssyncset.done $0x0  }
0x8e: {  	[sflag:s26] =	ssyncadd.s32 $0xFFFFD800  }
0x8f: {  	[hbm4b:s8+s3] =	stream.linear.scatter [tilespmem:s25], [sflag:$0x2], $0x2800, $0x38;
	[tilespmem:$0x16180] =	vst v63  }
0x90: {  	_ =	swait.ge [sflag:s26], $0x2800  }
0x91: {  	[sflag:s26] =	ssyncset.done $0x0  }
0x92: {  	[sflag:s26] =	ssyncadd.s32 $0xFFFFD800  }
0x93: {  	[tilespmem:s25], [sflag:$0x2] =	stream.linear.gather [spmem:s18], $0x2800, $0x38;
	[tilespmem:$0x16180] =	vst v63  }
0x94: {  	_ =	swait.ge [sflag:s26], $0x2800  }
0x95: {  	[sflag:s26] =	ssyncset.done $0x0  }
0x96: {  	[sflag:s26] =	ssyncadd.s32 $0xFFFFD800  }
0x97: {  	[hbm4b:s9+s3] =	stream.linear.scatter [tilespmem:s25], [sflag:$0x2], $0x2800, $0x38;
	[tilespmem:$0x16180] =	vst v63  }
0x98: {  	_ =	swait.ge [sflag:s26], $0x2800  }
0x99: {  	[sflag:s26] =	ssyncset.done $0x0  }
0x9a: {  	[sflag:s26] =	ssyncadd.s32 $0xFFFFD800  }
0x9b: {  	[tilespmem:s25], [sflag:$0x2] =	stream.linear.gather [spmem:s19], $0x2800, $0x38;
	[tilespmem:$0x16180] =	vst v63  }
0x9c: {  	_ =	swait.ge [sflag:s26], $0x2800  }
0x9d: {  	[sflag:s26] =	ssyncset.done $0x0  }
0x9e: {  	[sflag:s26] =	ssyncadd.s32 $0xFFFFD800  }
0x9f: {  	[hbm4b:s10+s3] =	stream.linear.scatter [tilespmem:s25], [sflag:$0x2], $0x2800, $0x38;
	[tilespmem:$0x16180] =	vst v63  }
0xa0: {  	_ =	swait.ge [sflag:s26], $0x2800  }
0xa1: {  	[sflag:s26] =	ssyncset.done $0x0  }
0xa2: {  	[sflag:s26] =	ssyncadd.s32 $0xFFFFD800  }
0xa3: {  	[tilespmem:s25], [sflag:$0x2] =	stream.linear.gather [spmem:s20], $0x2800, $0x38;
	[tilespmem:$0x16180] =	vst v63  }
0xa4: {  	_ =	swait.ge [sflag:s26], $0x2800  }
0xa5: {  	[sflag:s26] =	ssyncset.done $0x0  }
0xa6: {  	[sflag:s26] =	ssyncadd.s32 $0xFFFFD800  }
0xa7: {  	[hbm4b:s11+s3] =	stream.linear.scatter [tilespmem:s25], [sflag:$0x2], $0x2800, $0x38;
	[tilespmem:$0x16180] =	vst v63  }
0xa8: {  	_ =	swait.ge [sflag:s26], $0x2800  }
0xa9: {  	[sflag:s26] =	ssyncset.done $0x0  }
0xaa: {  	[sflag:s26] =	ssyncadd.s32 $0xFFFFD800  }
0xab: {  	[tilespmem:s25], [sflag:$0x2] =	stream.linear.gather [spmem:s21], $0x2800, $0x38;
	[tilespmem:$0x16180] =	vst v63  }
0xac: {  	s31 =	sadd.s32 $0x1, s31;
	_ =	swait.ge [sflag:s26], $0x2800  }
0xad: {  	p0 =	sne.s32 s31, s22;
	[sflag:s26] =	ssyncset.done $0x0  }
.Ltmp1:
0xae: {  	[sflag:s26] =	ssyncadd.s32 $0xFFFFD800;
	(pc) =	sbr.rel @p0 .LBB2_1-.Ltmp1, $4  }
0xaf: {  	[hbm4b:s12+s3] =	stream.linear.scatter [tilespmem:s25], [sflag:$0x2], $0x2800, $0x38;
	[tilespmem:$0x16180] =	vst v63  }
0xb0: {  	_ =	swait.ge [sflag:s26], $0x2800  }
0xb1: {  	[sflag:s26] =	ssyncset.done $0x0  }
0xb2: {  	[sflag:s26] =	ssyncadd.s32 $0xFFFFD800  }
0xb3: {  	_ =	sfence.sel $0x180000  }
0xb4: {  	[bflag:$0x0] =	sbarrier.arrive $0xFFFF  }
0xb5: {  	_ =	strace $0x9000004A  }
0xb6: {  	s0 =	stileid.u32;
	[bflag:$0x2] =	sbarrier.arrive $0xFFFF  }
0xb7: {  	p0 =	sne.s32 s0, $0x0;
	s0 =	rddreg [dreg:$0x3]  }
0xb8: {  	s0 =	sadd.s32 @!p0 $0x100000, s0  }
0xb9: {  	[sflag:s0] =	ssyncadd.tile.s32 @!p0 $0x1;
	_ =	shalt  }
.Lfunc_end2:
_tile_overlayer_lowered:
.L_overlay_start_2:
0xba: {  	(tag) =	ssettag $0x2  }
0xbb: {  	s0 =	rddreg [dreg:$0x0];
	s2 =	stileid.u32  }
0xbc: {  	s1 =	rddreg [dreg:$0x1];
	p0 =	sne.s32 s2, $0x0  }
0xbd: {  	s3 =	rddreg [dreg:$0x2];
	[bflag:$0x3] =	sbarrier.arrive $0xFFFF;
	s2 =	simm.s32 @!p0 $0x1C02  }
0xbe: {  	[timem:s3], [sflag:s2] =	dma.local @!p0 [hbm:s0], s1  }
0xbf: {  	s0 =	simm.s32 @!p0 $0x2  }
0xc0: {  	_ =	swait.ge @!p0 [sflag:s0], s1  }
0xc1: {  	s1 =	ssub.s32 @!p0 $0x0, s1;
	[sflag:s0] =	ssyncset.done @!p0 $0x0  }
0xc2: {  	[sflag:s0] =	ssyncadd.s32 @!p0 s1  }
0xc3: {  	[bflag:$0x3] =	sbarrier.arrive $0xFFFF  }
0xc4: {  	_ =	shalt  }

// kernel: kernel.15.cloned.1.call-start
scs
__scs_entry_jumppad:
0x0: {  	(pc) =	sbr.rel $0x88, $3  }
0x1: {  	(tag) =	ssettag $0x0;
	lr =	simm.s32 $0x1  }
0x2: {  	[smem:$0x3F99] =	sst lr;
	_ =	strace $0xD0000000  }
0x3: {  	_ = 	snop  }
0x4: {  	_ = 	snop  }
0x5: {  	_ = 	snop  }
0x6: {  	_ = 	snop  }
0x7: {  	_ = 	snop  }
__scs_overlays_trampoline_lowered:
0x8: {  	[smem:$0x3FA8] =	sst s0  }
0x9: {  	[smem:$0x3FA9] =	sst s1  }
0xa: {  	[smem:$0x3FAA] =	sst s2  }
0xb: {  	[smem:$0x3FAB] =	sst s3  }
0xc: {  	[smem:$0x3FAC] =	sst s4  }
0xd: {  	[smem:$0x3FAD] =	sst s5  }
0xe: {  	[smem:$0x3FAE] =	sst s6  }
0xf: {  	[smem:$0x3FAF] =	sst s7  }
0x10: {  	[smem:$0x3FB0] =	sst s8  }
0x11: {  	[smem:$0x3FB1] =	sst s9;
	s0 =	simm.s32 @!p0 $0x0  }
0x12: {  	s1 =	sld [smem:$0x3F97];
	s0 =	simm.s32 @p0 $0x1  }
0x13: {  	[smem:$0x3FB2] =	sst s0;
	s0 =	simm.s32 @!p1 $0x0  }
0x14: {  	s2 =	sld [smem:$0x3F96];
	s0 =	simm.s32 @p1 $0x1  }
0x15: {  	[smem:$0x3FB3] =	sst s0;
	s0 =	simm.s32 @!p2 $0x0  }
0x16: {  	s3 =	sld [smem:$0x3FDB];
	s0 =	simm.s32 @p2 $0x1  }
0x17: {  	s4 =	simm.s32 $0x1BF5;
	[smem:$0x3FB5] =	sst s0  }
0x18: {  	s0 =	sld [smem:$0x3F98];
	_ =	swait.ge [sflag:s4], $0x0  }
0x19: {  	s7 =	sld [smem:$0x3F99]  }
0x1a: {  	s8 =	sadd.s32 $0xFFFFE003, lr  }
0x1b: {  	s9 =	sadd.s32 $0xFFFFFEF7, lr;
	s5 =	simm.s32 $0xFFFFFFFF;
	p2 =	slt.u32 s8, $0xFFFFF086  }
0x1c: {  	p1 =	slt.u32 s9, $0xF7A;
	s5 =	simm.s32 @!p2 $0x0  }
0x1d: {  	s5 =	simm.s32 @p1 $0x1;
	p0 =	seq.s32 s7, s2  }
0x1e: {  	s7 =	smul.u32 @!p0 $0xF7A, s2;
	p2 =	seq.s32 @!p0 s5, $0x0  }
0x1f: {  	s9 =	smul.u32 $0xF7A, s1;
	s8 =	simm.s32 @!p0 $0x1BF5;
	p2 =	por !p2, p0  }
0x20: {  	[sflag:s8] =	ssyncset.s32 @!p0 $0xFFFFF086;
	s6 =	sadd.s32 @!p0 s3, s7;
	s7 =	simm.s32 @!p0 $0x108  }
0x21: {  	s3 =	sadd.s32 s3, s9;
	s6 =	sadd.s32 @!p0 $0x88, s6;
	s7 =	simm.s32 @p2 $0x1082  }
0x22: {  	[simem:s7], [sflag:s8] =	dma.local @!p0 [hbm:s6], $0xF7A  }
0x23: {  	s9 =	sor.u32 $0xD0000000, s2;
	s6 =	simm.s32 $0x108;
	_ =	swait.ge @!p0 [sflag:s8], $0x0  }
0x24: {  	s3 =	sadd.s32 $0x88, s3;
	s6 =	simm.s32 @!p1 $0x1082;
	[sflag:s4] =	ssyncset.s32 $0xFFFFF086  }
0x25: {  	[simem:s6], [sflag:s4] =	dma.local [hbm:s3], $0xF7A  }
0x26: {  	[smem:$0x3F99] =	sst s1;
	(tag) =	ssettag s2;
	_ =	strace s9  }
0x27: {  	s1 =	sld [smem:$0x3FA9]  }
0x28: {  	s2 =	sld [smem:$0x3FAA]  }
0x29: {  	s4 =	sld [smem:$0x3FAC]  }
0x2a: {  	p0 =	seq.s32 s5, $0x0;
	s5 =	sld [smem:$0x3FAD]  }
0x2b: {  	s6 =	sld [smem:$0x3FAE]  }
0x2c: {  	s7 =	sld [smem:$0x3FAF]  }
0x2d: {  	s3 =	simm.s32 $0x108;
	s8 =	sld [smem:$0x3FB0]  }
0x2e: {  	s3 =	simm.s32 @!p0 $0x1082;
	s9 =	sld [smem:$0x3FB1]  }
0x2f: {  	lr =	sadd.s32 s0, s3;
	s0 =	sld [smem:$0x3FA8]  }
0x30: {  	s3 =	sld [smem:$0x3FAB]  }
0x31: {  	[smem:$0x3FB4] =	sst s10  }
0x32: {  	s10 =	sld [smem:$0x3FB2];
	_ =	sdelay $0x3  }
0x33: {  	p0 =	seq.s32 s10, $0x1;
	s10 =	sld [smem:$0x3FB4];
	_ =	sdelay $0x3  }
0x34: {  	[smem:$0x3FB4] =	sst s10  }
0x35: {  	s10 =	sld [smem:$0x3FB3];
	_ =	sdelay $0x3  }
0x36: {  	p1 =	seq.s32 s10, $0x1;
	s10 =	sld [smem:$0x3FB4];
	_ =	sdelay $0x3  }
0x37: {  	[smem:$0x3FB4] =	sst s10  }
0x38: {  	s10 =	sld [smem:$0x3FB5]  }
0x39: {  	_ = 	snop;
	(pc) =	sbr.ind lr, $3  }
0x3a: {  	_ = 	snop  }
0x3b: {  	_ = 	snop  }
0x3c: {  	p2 =	seq.s32 s10, $0x1;
	s10 =	sld [smem:$0x3FB4]  }
0x3d: {  	_ =	shalt  }
0x3e: {  	_ =	shalt  }
0x3f: {  	_ =	shalt  }
0x40: {  	_ =	shalt  }
0x41: {  	_ =	shalt  }
0x42: {  	_ =	shalt  }
0x43: {  	_ =	shalt  }
0x44: {  	_ =	shalt  }
0x45: {  	_ =	shalt  }
0x46: {  	_ =	shalt  }
0x47: {  	_ =	shalt  }
0x48: {  	_ =	shalt  }
0x49: {  	_ =	shalt  }
0x4a: {  	_ =	shalt  }
0x4b: {  	_ =	shalt  }
0x4c: {  	_ =	shalt  }
0x4d: {  	_ =	shalt  }
0x4e: {  	_ =	shalt  }
0x4f: {  	_ =	shalt  }
0x50: {  	_ =	shalt  }
0x51: {  	_ =	shalt  }
0x52: {  	_ =	shalt  }
0x53: {  	_ =	shalt  }
0x54: {  	_ =	shalt  }
0x55: {  	_ =	shalt  }
0x56: {  	_ =	shalt  }
0x57: {  	_ =	shalt  }
0x58: {  	_ =	shalt  }
0x59: {  	_ =	shalt  }
0x5a: {  	_ =	shalt  }
0x5b: {  	_ =	shalt  }
0x5c: {  	_ =	shalt  }
0x5d: {  	_ =	shalt  }
0x5e: {  	_ =	shalt  }
0x5f: {  	_ =	shalt  }
0x60: {  	_ =	shalt  }
0x61: {  	_ =	shalt  }
0x62: {  	_ =	shalt  }
0x63: {  	_ =	shalt  }
0x64: {  	_ =	shalt  }
0x65: {  	_ =	shalt  }
0x66: {  	_ =	shalt  }
0x67: {  	_ =	shalt  }
0x68: {  	_ =	shalt  }
0x69: {  	_ =	shalt  }
0x6a: {  	_ =	shalt  }
0x6b: {  	_ =	shalt  }
0x6c: {  	_ =	shalt  }
0x6d: {  	_ =	shalt  }
0x6e: {  	_ =	shalt  }
0x6f: {  	_ =	shalt  }
0x70: {  	_ =	shalt  }
0x71: {  	_ =	shalt  }
0x72: {  	_ =	shalt  }
0x73: {  	_ =	shalt  }
0x74: {  	_ =	shalt  }
0x75: {  	_ =	shalt  }
0x76: {  	_ =	shalt  }
0x77: {  	_ =	shalt  }
0x78: {  	_ =	shalt  }
0x79: {  	_ =	shalt  }
0x7a: {  	_ =	shalt  }
0x7b: {  	_ =	shalt  }
0x7c: {  	_ =	shalt  }
0x7d: {  	_ =	shalt  }
0x7e: {  	_ =	shalt  }
0x7f: {  	_ =	shalt  }
0x80: {  	_ =	shalt  }
0x81: {  	_ =	shalt  }
0x82: {  	_ =	shalt  }
0x83: {  	_ =	shalt  }
0x84: {  	_ =	shalt  }
0x85: {  	_ =	shalt  }
0x86: {  	_ =	shalt  }
0x87: {  	_ =	shalt  }
.Lfunc_end0:
.L_simem_size_0:
called_computation.3_lowered:
.L_overlay_start_0:
0x88: {  	s2 =	sld [smem:$0x3FD9]  }
0x89: {  	s3 =	sld [smem:$0x3FFE];
	_ =	sdelay $0x1  }
0x8a: {  	s1 =	srdreg.scid  }
0x8b: {  	s0 =	sand.u32 $0x1, s1  }
0x8c: {  	s17 =	sshll.u32 s0, $0xA;
	s2 =	sadd.s32 s3, s2  }
0x8d: {  	s2 =	sadd.s32 s2, s17  }
0x8e: {  	[smem:$0x3FC0] =	sst s2  }
0x8f: {  	_ = 	snop  }
0x90: {  	s2 =	sld [smem:$0x3FD0];
	(tm) =	ssettm $0x1  }
0x91: {  	s18 =	sld [smem:$0x3FFB];
	_ =	sdelay $0x3  }
0x92: {  	_ =	strace s18  }
0x93: {  	s3 =	sld [smem:$0x3FFC];
	_ =	sdelay $0x3  }
0x94: {  	_ =	strace s3  }
0x95: {  	s3 =	sld [smem:$0x3FFD];
	_ =	sdelay $0x3  }
0x96: {  	_ =	strace s3  }
0x97: {  	_ =	strace $0x8FFFFFFF  }
0x98: {  	s19 =	sld [smem:$0x3FDB];
	_ =	sdelay $0x1  }
0x99: {  	s4 =	simm.s32 $_scs_section_size  }
0x9a: {  	s5 =	simm.s32 $_size__tile_overlayer_lowered;
	s6 =	simm.s32 $_tile_overlayer_lowered  }
0x9b: {  	s22 =	simm.s32 $0x1BFF;
	s21 =	sshll.u32 s6, $0x1;
	s3 =	sadd.s32 s4, s19  }
0x9c: {  	s7 =	simm.s32 $0x0;
	s20 =	sshll.u32 s5, $0x1;
	s5 =	sadd.s32 s21, s3  }
0x9d: {  	[timem:s7], [sflag:s22] =	dma.local [hbm:s5], s20  }
0x9e: {  	_ =	swait.ge [sflag:s22], s20  }
0x9f: {  	s4 =	ssub.s32 $0x0, s20;
	[sflag:s22] =	ssyncset.done $0x0  }
0xa0: {  	[sflag:s22] =	ssyncadd.s32 s4;
	_ =	sdelay $0x1  }
0xa1: {  	s23 =	simm.s32 $0x1B8B  }
0xa2: {  	_ =	swait.ge [sflag:s23], $0x1  }
0xa3: {  	[sflag:s23] =	ssyncset.done $0x0  }
0xa4: {  	s25 =	simm.s32 $0x1B8E;
	s24 =	sld [smem:$0x3FFE];
	[sflag:s23] =	ssyncadd.s32 $0xFFFFFFFF  }
0xa5: {  	s26 =	simm.s32 $execute0_lowered;
	[smem:$0x3FD2] =	sst s25  }
0xa6: {  	s5 =	sshll.u32 s26, $0x1;
	_ =	strace $0x8000004C;
	[dreg:$0x1] =	wrdreg $0xFFFFFFFF  }
0xa7: {  	s28 =	simm.s32 $_size_execute0_lowered;
	s3 =	sadd.s32 s3, s5;
	[dreg:$0x0] =	wrdreg $0x0  }
0xa8: {  	s5 =	sshll.u32 s28, $0x1;
	[dreg:$0x2] =	wrdreg s3  }
0xa9: {  	[dreg:$0x3] =	wrdreg s5  }
0xaa: {  	[dreg:$0x4] =	wrdreg $0xC0  }
0xab: {  	_ =	task [dreg:s7], $0x5FFFF  }
0xac: {  	[dreg:$0x1] =	wrdreg $0xFFFFFFFF  }
0xad: {  	[dreg:$0x0] =	wrdreg $0x60  }
0xae: {  	[dreg:$0x2] =	wrdreg s24  }
0xaf: {  	[dreg:$0x3] =	wrdreg s2  }
0xb0: {  	[dreg:$0x4] =	wrdreg $0x29000  }
0xb1: {  	[dreg:$0x5] =	wrdreg $0x9  }
0xb2: {  	_ =	task.clear_ibuf [dreg:s7], $0x6FFFF;
	_ =	strace $0x9000004C  }
0xb3: {  	s29 =	simm.s32 $0x9;
	_ =	strace $0x8000004E  }
0xb4: {  	_ =	swait.ge [sflag:s29], $0x1  }
0xb5: {  	[sflag:s29] =	ssyncadd.s32 $0xFFFFFFFF  }
0xb6: {  	_ =	strace $0x9000004E  }
0xb7: {  	_ =	sfence  }
0xb8: {  	s30 =	sld [smem:$0x0];
	_ =	sdelay $0x2  }
0xb9: {  	s31 =	sshll.u32 s1, $0xD;
	s1 =	sshrl.u32 s1, $0x2  }
0xba: {  	s3 =	sand.u32 $0x4000, s31;
	s1 =	sadd.s32 s1, s30  }
0xbb: {  	s0 =	sor.u32 s3, s0;
	s1 =	sshll.u32 s1, $0x11  }
0xbc: {  	s0 =	sor.u32 s1, s0  }
0xbd: {  	s0 =	sadd.s32 $0x8F2B, s0  }
0xbe: {  	[sflag:s0] =	ssyncadd.remote.s32 $0x1  }
0xbf: {  	_ =	sfence.sel $0xFFFF  }
0xc0: {  	[dreg:$0x0] =	wrdreg $0xFFFFFFFF;
	(pc) =	sbr.abs _section_cstart, $3  }
0xc1: {  	[dreg:$0x1] =	wrdreg $0xFFFFFFFF  }
0xc2: {  	_ =	task.clear_ibuf [dreg:s7], $0x2FFFF;
	_ =	strace $0x9FFFFFFF  }
0xc3: {  	(tm) =	ssettm $0x7FFFFFFF  }
tec
execute0_lowered:
.L_overlay_start_1:
0x0: {  	(tag) =	ssettag $0x1  }
0x1: {  	s0 =	rddreg [dreg:$0x0]  }
0x2: {  	s24 =	rddreg [dreg:$0x1]  }
0x3: {  	s2 =	rddreg [dreg:$0x2]  }
0x4: {  	s1 =	srdreg.scid;
	s7 =	stileid.u32;
	s3 =	simm.s32 $0x0  }
0x5: {  	s28 =	simm.s32 $0x80;
	s29 =	simm.s32 $0x50;
	s5 =	smul.u32 $0x4E20, s7  }
0x6: {  	s30 =	simm.s32 $0x1;
	s31 =	simm.s32 $0x0;
	s13 =	smul.u32 $0x4E000, s7  }
0x7: {  	s1 =	sand.u32 $0x1, s1;
	[smem:$0x7FF] =	sst s3;
	s7 =	smul.u32 $0x13800, s7  }
0x8: {  	s4 =	sadd.s32 $0xDE00, s0;
	s12 =	sadd.s32 $0x35000, s0;
	s6 =	smul.u32 $0x2710, s1  }
0x9: {  	_ =	strace $0x8000004D;
	s26 =	ssub.s32 $0x2, s1;
	s1 =	smul.u32 $0x138800, s1  }
0xa: {  	s8 =	sshrl.u32 s26, $0x1;
	s15 =	sadd.s32 $0x2800, s7;
	s16 =	sadd.s32 $0x5000, s7  }
0xb: {  	s17 =	sadd.s32 $0x7800, s7;
	s18 =	sadd.s32 $0xA000, s7;
	s19 =	sadd.s32 $0xC800, s7  }
0xc: {  	s20 =	sadd.s32 $0xF000, s7;
	s21 =	sadd.s32 $0x11800, s7;
	s5 =	sadd.s32 s6, s5  }
0xd: {  	s22 =	ssub.s32 s26, s8;
	s9 =	sadd.s32 s7, s1;
	s10 =	sadd.s32 s1, s15  }
0xe: {  	s14 =	sadd.s32 s1, s16;
	s8 =	sadd.s32 s1, s17;
	s15 =	sadd.s32 s15, s2  }
0xf: {  	s16 =	sadd.s32 s16, s2;
	s17 =	sadd.s32 s17, s2;
	s25 =	sshrl.u32 s5, $0x3  }
0x10: {  	s5 =	sshrl.u32 s9, $0x3;
	s6 =	sshrl.u32 s10, $0x3;
	s7 =	sshrl.u32 s14, $0x3  }
0x11: {  	s8 =	sshrl.u32 s8, $0x3;
	s9 =	sadd.s32 s1, s18;
	s10 =	sadd.s32 s1, s19  }
0x12: {  	s14 =	sshrl.u32 s13, $0x2;
	s13 =	sadd.s32 $0xD800, s0;
	s18 =	sadd.s32 s18, s2  }
0x13: {  	s19 =	sadd.s32 s19, s2;
	s22 =	smax.u32 s22, $0x1;
	s5 =	sadd.s32 s12, s5  }
0x14: {  	s11 =	sadd.s32 s12, s6;
	s23 =	sadd.s32 s12, s7;
	s8 =	sadd.s32 s12, s8  }
0x15: {  	s9 =	sshrl.u32 s9, $0x3;
	s10 =	sshrl.u32 s10, $0x3;
	[dreg:$0x4] =	wrdreg s5  }
0x16: {  	s26 =	sadd.s32 s25, s0;
	s14 =	sadd.s32 s14, s2;
	[dreg:$0x5] =	wrdreg s11  }
0x17: {  	s24 =	sadd.s32 s25, s24;
	s25 =	simm.s32 $0x100;
	[dreg:$0x6] =	wrdreg s23  }
0x18: {  	s9 =	sadd.s32 s12, s9;
	s11 =	sadd.s32 s1, s20;
	s1 =	sadd.s32 s1, s21  }
0x19: {  	s10 =	sadd.s32 s12, s10;
	s20 =	sadd.s32 s20, s2;
	s21 =	sadd.s32 s21, s2  }
0x1a: {  	s23 =	sadd.s32 $0x3A00, s26;
	s11 =	sshrl.u32 s11, $0x3;
	s1 =	sshrl.u32 s1, $0x3  }
0x1b: {  	s26 =	simm.s32 $0x2;
	s11 =	sadd.s32 s12, s11;
	s12 =	sadd.s32 s12, s1  }
.LBB2_1:
0x1c: {  	[tilespmem:s25], [sflag:$0x2] =	stream.linear.gather [hbm4b:s13+s3], $0x2800, $0x38;
	[tilespmem:$0x16180] =	vst v63  }
0x1d: {  	_ =	swait.ge [sflag:s26], $0x2800  }
0x1e: {  	[sflag:s26] =	ssyncset.done $0x0  }
0x1f: {  	[sflag:s26] =	ssyncadd.s32 $0xFFFFD800  }
0x20: {  	[spmem:s14] =	stream.linear.scatter [tilespmem:s25], [sflag:$0x2], $0x2800, $0x38;
	[tilespmem:$0x16180] =	vst v63  }
0x21: {  	_ =	swait.ge [sflag:s26], $0x2800  }
0x22: {  	[sflag:s26] =	ssyncset.done $0x0  }
0x23: {  	[sflag:s26] =	ssyncadd.s32 $0xFFFFD800  }
0x24: {  	[spmem:s15] =	stream.linear.scatter [tilespmem:s25], [sflag:$0x2], $0x2800, $0x38;
	[tilespmem:$0x16180] =	vst v63  }
0x25: {  	_ =	swait.ge [sflag:s26], $0x2800  }
0x26: {  	[sflag:s26] =	ssyncset.done $0x0  }
0x27: {  	[sflag:s26] =	ssyncadd.s32 $0xFFFFD800  }
0x28: {  	[spmem:s16] =	stream.linear.scatter [tilespmem:s25], [sflag:$0x2], $0x2800, $0x38;
	[tilespmem:$0x16180] =	vst v63  }
0x29: {  	_ =	swait.ge [sflag:s26], $0x2800  }
0x2a: {  	[sflag:s26] =	ssyncset.done $0x0  }
0x2b: {  	[sflag:s26] =	ssyncadd.s32 $0xFFFFD800  }
0x2c: {  	[spmem:s17] =	stream.linear.scatter [tilespmem:s25], [sflag:$0x2], $0x2800, $0x38;
	[tilespmem:$0x16180] =	vst v63  }
0x2d: {  	_ =	swait.ge [sflag:s26], $0x2800  }
0x2e: {  	[sflag:s26] =	ssyncset.done $0x0  }
0x2f: {  	[sflag:s26] =	ssyncadd.s32 $0xFFFFD800  }
0x30: {  	[spmem:s18] =	stream.linear.scatter [tilespmem:s25], [sflag:$0x2], $0x2800, $0x38;
	[tilespmem:$0x16180] =	vst v63  }
0x31: {  	_ =	swait.ge [sflag:s26], $0x2800  }
0x32: {  	[sflag:s26] =	ssyncset.done $0x0  }
0x33: {  	[sflag:s26] =	ssyncadd.s32 $0xFFFFD800  }
0x34: {  	[spmem:s19] =	stream.linear.scatter [tilespmem:s25], [sflag:$0x2], $0x2800, $0x38;
	[tilespmem:$0x16180] =	vst v63  }
0x35: {  	_ =	swait.ge [sflag:s26], $0x2800  }
0x36: {  	[sflag:s26] =	ssyncset.done $0x0  }
0x37: {  	[sflag:s26] =	ssyncadd.s32 $0xFFFFD800  }
0x38: {  	[spmem:s20] =	stream.linear.scatter [tilespmem:s25], [sflag:$0x2], $0x2800, $0x38;
	[tilespmem:$0x16180] =	vst v63  }
0x39: {  	_ =	swait.ge [sflag:s26], $0x2800  }
0x3a: {  	[sflag:s26] =	ssyncset.done $0x0  }
0x3b: {  	[sflag:s26] =	ssyncadd.s32 $0xFFFFD800  }
0x3c: {  	[spmem:s21] =	stream.linear.scatter [tilespmem:s25], [sflag:$0x2], $0x2800, $0x38;
	[tilespmem:$0x16180] =	vst v63  }
0x3d: {  	_ =	swait.ge [sflag:s26], $0x2800  }
0x3e: {  	[sflag:s26] =	ssyncset.done $0x0  }
0x3f: {  	[sflag:s26] =	ssyncadd.s32 $0xFFFFD800  }
0x40: {  	s0 =	sadd.s32 $0x0, s24;
	[bflag:$0x0] =	sbarrier.arrive $0xFFFF  }
0x41: {  	[tilespmem:s28], [sflag:$0x2] =	stream.linear.gather [hbm4b:s0+s3], $0x50, $0x38;
	[tilespmem:$0x16180] =	vst v63  }
0x42: {  	_ =	swait.ge [sflag:s26], $0x50  }
0x43: {  	[sflag:s26] =	ssyncset.done $0x0  }
0x44: {  	s7 =	sadd.s32 $0x0, s23;
	[sflag:s26] =	ssyncadd.s32 $0xFFFFFFB0  }
0x45: {  	[tilespmem:s3], [sflag:$0x2] =	stream.linear.gather [hbm4b:s7+s3], $0x50, $0x38;
	[tilespmem:$0x16180] =	vst v63  }
0x46: {  	_ =	swait.ge [sflag:s26], $0x50  }
0x47: {  	[sflag:s26] =	ssyncset.done $0x0  }
0x48: {  	[sflag:s26] =	ssyncadd.s32 $0xFFFFFFB0  }
0x49: {  	[tilespmem:s25], [sflag:$0x1] =	stream.indirect.gather [hbm4b:s4+s29], $0x80, s3, s29, $0xb8;
	[tilespmem:$0x16180] =	vst v63  }
0x4a: {  	_ =	swait.ge [sflag:s30], $0x2800  }
0x4b: {  	[sflag:s30] =	ssyncset.done $0x0  }
0x4c: {  	[sflag:s30] =	ssyncadd.s32 $0xFFFFD800  }
0x4d: {  	[spmem:s2] =	stream.indirect.scatter.add.f32 [tilespmem:s25], [sflag:$0x2], $0x80, s28, s29, $0xb8;
	[tilespmem:$0x16180] =	vst v63  }
0x4e: {  	_ =	swait.ge [sflag:s26], $0x2800  }
0x4f: {  	s1 =	simm.s32 $0x14;
	s0 =	simm.s32 $0xA;
	[sflag:s26] =	ssyncset.done $0x0  }
.LBB2_2:
0x50: {  	s5 =	sadd.s32 s0, s24  }
0x51: {  	[sflag:s26] =	ssyncadd.s32 $0xFFFFD800;
	s6 =	smov.u32 s1;
	s7 =	sadd.s32 $0xA, s1  }
0x52: {  	[tilespmem:s28], [sflag:$0x2] =	stream.linear.gather [hbm4b:s5+s3], $0x50, $0x38;
	[tilespmem:$0x16180] =	vst v63  }
0x53: {  	p0 =	sne.s32 s1, $0x4D8;
	_ =	swait.ge [sflag:s26], $0x50  }
0x54: {  	[sflag:s26] =	ssyncset.done $0x0  }
0x55: {  	s1 =	sadd.s32 s0, s23;
	s0 =	smov.u32 s6;
	[sflag:s26] =	ssyncadd.s32 $0xFFFFFFB0  }
0x56: {  	[tilespmem:s3], [sflag:$0x2] =	stream.linear.gather [hbm4b:s1+s3], $0x50, $0x38;
	[tilespmem:$0x16180] =	vst v63  }
0x57: {  	_ =	swait.ge [sflag:s26], $0x50  }
0x58: {  	[sflag:s26] =	ssyncset.done $0x0  }
0x59: {  	[sflag:s26] =	ssyncadd.s32 $0xFFFFFFB0  }
0x5a: {  	[tilespmem:s25], [sflag:$0x1] =	stream.indirect.gather [hbm4b:s4+s29], $0x80, s3, s29, $0xb8;
	[tilespmem:$0x16180] =	vst v63  }
0x5b: {  	_ =	swait.ge [sflag:s30], $0x2800  }
.Ltmp0:
0x5c: {  	[sflag:s30] =	ssyncset.done $0x0;
	(pc) =	sbr.rel @p0 .LBB2_2-.Ltmp0, $4  }
0x5d: {  	[sflag:s30] =	ssyncadd.s32 $0xFFFFD800  }
0x5e: {  	[spmem:s2] =	stream.indirect.scatter.add.f32 [tilespmem:s25], [sflag:$0x2], $0x80, s28, s29, $0xb8;
	[tilespmem:$0x16180] =	vst v63  }
0x5f: {  	_ =	swait.ge [sflag:s26], $0x2800  }
0x60: {  	s1 =	smov.u32 s7;
	[sflag:s26] =	ssyncset.done $0x0  }
0x61: {  	s1 =	sadd.s32 s0, s24;
	[sflag:s26] =	ssyncadd.s32 $0xFFFFD800  }
0x62: {  	[tilespmem:s28], [sflag:$0x2] =	stream.linear.gather [hbm4b:s1+s3], $0x50, $0x38;
	[tilespmem:$0x16180] =	vst v63  }
0x63: {  	_ =	swait.ge [sflag:s26], $0x50  }
0x64: {  	[sflag:s26] =	ssyncset.done $0x0  }
0x65: {  	s1 =	sadd.s32 s0, s23;
	[sflag:s26] =	ssyncadd.s32 $0xFFFFFFB0  }
0x66: {  	[tilespmem:s3], [sflag:$0x2] =	stream.linear.gather [hbm4b:s1+s3], $0x50, $0x38;
	[tilespmem:$0x16180] =	vst v63  }
0x67: {  	_ =	swait.ge [sflag:s26], $0x50  }
0x68: {  	[sflag:s26] =	ssyncset.done $0x0  }
0x69: {  	[sflag:s26] =	ssyncadd.s32 $0xFFFFFFB0  }
0x6a: {  	[tilespmem:s25], [sflag:$0x1] =	stream.indirect.gather [hbm4b:s4+s29], $0x80, s3, s29, $0xb8;
	[tilespmem:$0x16180] =	vst v63  }
0x6b: {  	_ =	swait.ge [sflag:s30], $0x2800  }
0x6c: {  	[sflag:s30] =	ssyncset.done $0x0  }
0x6d: {  	[sflag:s30] =	ssyncadd.s32 $0xFFFFD800  }
0x6e: {  	[spmem:s2] =	stream.indirect.scatter.add.f32 [tilespmem:s25], [sflag:$0x2], $0x80, s28, s29, $0xb8;
	[tilespmem:$0x16180] =	vst v63  }
0x6f: {  	_ =	swait.ge [sflag:s26], $0x2800  }
0x70: {  	[sflag:s26] =	ssyncset.done $0x0  }
0x71: {  	[sflag:s26] =	ssyncadd.s32 $0xFFFFD800  }
0x72: {  	[bflag:$0x0] =	sbarrier.arrive $0xFFFF  }
0x73: {  	[tilespmem:s25], [sflag:$0x2] =	stream.linear.gather [spmem:s14], $0x2800, $0x38;
	[tilespmem:$0x16180] =	vst v63  }
0x74: {  	_ =	swait.ge [sflag:s26], $0x2800  }
0x75: {  	[sflag:s26] =	ssyncset.done $0x0  }
0x76: {  	s5 =	rddreg [dreg:$0x4];
	[sflag:s26] =	ssyncadd.s32 $0xFFFFD800  }
0x77: {  	[hbm4b:s5+s3] =	stream.linear.scatter [tilespmem:s25], [sflag:$0x2], $0x2800, $0x38;
	[tilespmem:$0x16180] =	vst v63  }
0x78: {  	_ =	swait.ge [sflag:s26], $0x2800  }
0x79: {  	[sflag:s26] =	ssyncset.done $0x0  }
0x7a: {  	[sflag:s26] =	ssyncadd.s32 $0xFFFFD800  }
0x7b: {  	[tilespmem:s25], [sflag:$0x2] =	stream.linear.gather [spmem:s15], $0x2800, $0x38;
	[tilespmem:$0x16180] =	vst v63  }
0x7c: {  	_ =	swait.ge [sflag:s26], $0x2800  }
0x7d: {  	[sflag:s26] =	ssyncset.done $0x0  }
0x7e: {  	s6 =	rddreg [dreg:$0x5];
	[sflag:s26] =	ssyncadd.s32 $0xFFFFD800  }
0x7f: {  	[hbm4b:s6+s3] =	stream.linear.scatter [tilespmem:s25], [sflag:$0x2], $0x2800, $0x38;
	[tilespmem:$0x16180] =	vst v63  }
0x80: {  	_ =	swait.ge [sflag:s26], $0x2800  }
0x81: {  	[sflag:s26] =	ssyncset.done $0x0  }
0x82: {  	[sflag:s26] =	ssyncadd.s32 $0xFFFFD800  }
0x83: {  	[tilespmem:s25], [sflag:$0x2] =	stream.linear.gather [spmem:s16], $0x2800, $0x38;
	[tilespmem:$0x16180] =	vst v63  }
0x84: {  	_ =	swait.ge [sflag:s26], $0x2800  }
0x85: {  	[sflag:s26] =	ssyncset.done $0x0  }
0x86: {  	s7 =	rddreg [dreg:$0x6];
	[sflag:s26] =	ssyncadd.s32 $0xFFFFD800  }
0x87: {  	[hbm4b:s7+s3] =	stream.linear.scatter [tilespmem:s25], [sflag:$0x2], $0x2800, $0x38;
	[tilespmem:$0x16180] =	vst v63  }
0x88: {  	_ =	swait.ge [sflag:s26], $0x2800  }
0x89: {  	[sflag:s26] =	ssyncset.done $0x0  }
0x8a: {  	[sflag:s26] =	ssyncadd.s32 $0xFFFFD800  }
0x8b: {  	[tilespmem:s25], [sflag:$0x2] =	stream.linear.gather [spmem:s17], $0x2800, $0x38;
	[tilespmem:$0x16180] =	vst v63  }
0x8c: {  	_ =	swait.ge [sflag:s26], $0x2800  }
0x8d: {  	[sflag:s26] =	ssyncset.done $0x0  }
0x8e: {  	[sflag:s26] =	ssyncadd.s32 $0xFFFFD800  }
0x8f: {  	[hbm4b:s8+s3] =	stream.linear.scatter [tilespmem:s25], [sflag:$0x2], $0x2800, $0x38;
	[tilespmem:$0x16180] =	vst v63  }
0x90: {  	_ =	swait.ge [sflag:s26], $0x2800  }
0x91: {  	[sflag:s26] =	ssyncset.done $0x0  }
0x92: {  	[sflag:s26] =	ssyncadd.s32 $0xFFFFD800  }
0x93: {  	[tilespmem:s25], [sflag:$0x2] =	stream.linear.gather [spmem:s18], $0x2800, $0x38;
	[tilespmem:$0x16180] =	vst v63  }
0x94: {  	_ =	swait.ge [sflag:s26], $0x2800  }
0x95: {  	[sflag:s26] =	ssyncset.done $0x0  }
0x96: {  	[sflag:s26] =	ssyncadd.s32 $0xFFFFD800  }
0x97: {  	[hbm4b:s9+s3] =	stream.linear.scatter [tilespmem:s25], [sflag:$0x2], $0x2800, $0x38;
	[tilespmem:$0x16180] =	vst v63  }
0x98: {  	_ =	swait.ge [sflag:s26], $0x2800  }
0x99: {  	[sflag:s26] =	ssyncset.done $0x0  }
0x9a: {  	[sflag:s26] =	ssyncadd.s32 $0xFFFFD800  }
0x9b: {  	[tilespmem:s25], [sflag:$0x2] =	stream.linear.gather [spmem:s19], $0x2800, $0x38;
	[tilespmem:$0x16180] =	vst v63  }
0x9c: {  	_ =	swait.ge [sflag:s26], $0x2800  }
0x9d: {  	[sflag:s26] =	ssyncset.done $0x0  }
0x9e: {  	[sflag:s26] =	ssyncadd.s32 $0xFFFFD800  }
0x9f: {  	[hbm4b:s10+s3] =	stream.linear.scatter [tilespmem:s25], [sflag:$0x2], $0x2800, $0x38;
	[tilespmem:$0x16180] =	vst v63  }
0xa0: {  	_ =	swait.ge [sflag:s26], $0x2800  }
0xa1: {  	[sflag:s26] =	ssyncset.done $0x0  }
0xa2: {  	[sflag:s26] =	ssyncadd.s32 $0xFFFFD800  }
0xa3: {  	[tilespmem:s25], [sflag:$0x2] =	stream.linear.gather [spmem:s20], $0x2800, $0x38;
	[tilespmem:$0x16180] =	vst v63  }
0xa4: {  	_ =	swait.ge [sflag:s26], $0x2800  }
0xa5: {  	[sflag:s26] =	ssyncset.done $0x0  }
0xa6: {  	[sflag:s26] =	ssyncadd.s32 $0xFFFFD800  }
0xa7: {  	[hbm4b:s11+s3] =	stream.linear.scatter [tilespmem:s25], [sflag:$0x2], $0x2800, $0x38;
	[tilespmem:$0x16180] =	vst v63  }
0xa8: {  	_ =	swait.ge [sflag:s26], $0x2800  }
0xa9: {  	[sflag:s26] =	ssyncset.done $0x0  }
0xaa: {  	[sflag:s26] =	ssyncadd.s32 $0xFFFFD800  }
0xab: {  	[tilespmem:s25], [sflag:$0x2] =	stream.linear.gather [spmem:s21], $0x2800, $0x38;
	[tilespmem:$0x16180] =	vst v63  }
0xac: {  	s31 =	sadd.s32 $0x1, s31;
	_ =	swait.ge [sflag:s26], $0x2800  }
0xad: {  	p0 =	sne.s32 s31, s22;
	[sflag:s26] =	ssyncset.done $0x0  }
.Ltmp1:
0xae: {  	[sflag:s26] =	ssyncadd.s32 $0xFFFFD800;
	(pc) =	sbr.rel @p0 .LBB2_1-.Ltmp1, $4  }
0xaf: {  	[hbm4b:s12+s3] =	stream.linear.scatter [tilespmem:s25], [sflag:$0x2], $0x2800, $0x38;
	[tilespmem:$0x16180] =	vst v63  }
0xb0: {  	_ =	swait.ge [sflag:s26], $0x2800  }
0xb1: {  	[sflag:s26] =	ssyncset.done $0x0  }
0xb2: {  	[sflag:s26] =	ssyncadd.s32 $0xFFFFD800  }
0xb3: {  	_ =	sfence.sel $0x180000  }
0xb4: {  	[bflag:$0x0] =	sbarrier.arrive $0xFFFF  }
0xb5: {  	_ =	strace $0x9000004D  }
0xb6: {  	s0 =	stileid.u32;
	[bflag:$0x2] =	sbarrier.arrive $0xFFFF  }
0xb7: {  	p0 =	sne.s32 s0, $0x0;
	s0 =	rddreg [dreg:$0x3]  }
0xb8: {  	s0 =	sadd.s32 @!p0 $0x100000, s0  }
0xb9: {  	[sflag:s0] =	ssyncadd.tile.s32 @!p0 $0x1;
	_ =	shalt  }
.Lfunc_end2:
_tile_overlayer_lowered:
.L_overlay_start_2:
0xba: {  	(tag) =	ssettag $0x2  }
0xbb: {  	s0 =	rddreg [dreg:$0x0];
	s2 =	stileid.u32  }
0xbc: {  	s1 =	rddreg [dreg:$0x1];
	p0 =	sne.s32 s2, $0x0  }
0xbd: {  	s3 =	rddreg [dreg:$0x2];
	[bflag:$0x3] =	sbarrier.arrive $0xFFFF;
	s2 =	simm.s32 @!p0 $0x1C02  }
0xbe: {  	[timem:s3], [sflag:s2] =	dma.local @!p0 [hbm:s0], s1  }
0xbf: {  	s0 =	simm.s32 @!p0 $0x2  }
0xc0: {  	_ =	swait.ge @!p0 [sflag:s0], s1  }
0xc1: {  	s1 =	ssub.s32 @!p0 $0x0, s1;
	[sflag:s0] =	ssyncset.done @!p0 $0x0  }
0xc2: {  	[sflag:s0] =	ssyncadd.s32 @!p0 s1  }
0xc3: {  	[bflag:$0x3] =	sbarrier.arrive $0xFFFF  }
0xc4: {  	_ =	shalt  }

// kernel: kernel.9.cloned.1.call-start
scs
__scs_entry_jumppad:
0x0: {  	(pc) =	sbr.rel $0x88, $3  }
0x1: {  	(tag) =	ssettag $0x0;
	lr =	simm.s32 $0x1  }
0x2: {  	[smem:$0x3F99] =	sst lr;
	_ =	strace $0xD0000000  }
0x3: {  	_ = 	snop  }
0x4: {  	_ = 	snop  }
0x5: {  	_ = 	snop  }
0x6: {  	_ = 	snop  }
0x7: {  	_ = 	snop  }
__scs_overlays_trampoline_lowered:
0x8: {  	[smem:$0x3FA8] =	sst s0  }
0x9: {  	[smem:$0x3FA9] =	sst s1  }
0xa: {  	[smem:$0x3FAA] =	sst s2  }
0xb: {  	[smem:$0x3FAB] =	sst s3  }
0xc: {  	[smem:$0x3FAC] =	sst s4  }
0xd: {  	[smem:$0x3FAD] =	sst s5  }
0xe: {  	[smem:$0x3FAE] =	sst s6  }
0xf: {  	[smem:$0x3FAF] =	sst s7  }
0x10: {  	[smem:$0x3FB0] =	sst s8  }
0x11: {  	[smem:$0x3FB1] =	sst s9;
	s0 =	simm.s32 @!p0 $0x0  }
0x12: {  	s1 =	sld [smem:$0x3F97];
	s0 =	simm.s32 @p0 $0x1  }
0x13: {  	[smem:$0x3FB2] =	sst s0;
	s0 =	simm.s32 @!p1 $0x0  }
0x14: {  	s2 =	sld [smem:$0x3F96];
	s0 =	simm.s32 @p1 $0x1  }
0x15: {  	[smem:$0x3FB3] =	sst s0;
	s0 =	simm.s32 @!p2 $0x0  }
0x16: {  	s3 =	sld [smem:$0x3FDB];
	s0 =	simm.s32 @p2 $0x1  }
0x17: {  	s4 =	simm.s32 $0x1BF5;
	[smem:$0x3FB5] =	sst s0  }
0x18: {  	s0 =	sld [smem:$0x3F98];
	_ =	swait.ge [sflag:s4], $0x0  }
0x19: {  	s7 =	sld [smem:$0x3F99]  }
0x1a: {  	s8 =	sadd.s32 $0xFFFFE003, lr  }
0x1b: {  	s9 =	sadd.s32 $0xFFFFFEF7, lr;
	s5 =	simm.s32 $0xFFFFFFFF;
	p2 =	slt.u32 s8, $0xFFFFF086  }
0x1c: {  	p1 =	slt.u32 s9, $0xF7A;
	s5 =	simm.s32 @!p2 $0x0  }
0x1d: {  	s5 =	simm.s32 @p1 $0x1;
	p0 =	seq.s32 s7, s2  }
0x1e: {  	s7 =	smul.u32 @!p0 $0xF7A, s2;
	p2 =	seq.s32 @!p0 s5, $0x0  }
0x1f: {  	s9 =	smul.u32 $0xF7A, s1;
	s8 =	simm.s32 @!p0 $0x1BF5;
	p2 =	por !p2, p0  }
0x20: {  	[sflag:s8] =	ssyncset.s32 @!p0 $0xFFFFF086;
	s6 =	sadd.s32 @!p0 s3, s7;
	s7 =	simm.s32 @!p0 $0x108  }
0x21: {  	s3 =	sadd.s32 s3, s9;
	s6 =	sadd.s32 @!p0 $0x88, s6;
	s7 =	simm.s32 @p2 $0x1082  }
0x22: {  	[simem:s7], [sflag:s8] =	dma.local @!p0 [hbm:s6], $0xF7A  }
0x23: {  	s9 =	sor.u32 $0xD0000000, s2;
	s6 =	simm.s32 $0x108;
	_ =	swait.ge @!p0 [sflag:s8], $0x0  }
0x24: {  	s3 =	sadd.s32 $0x88, s3;
	s6 =	simm.s32 @!p1 $0x1082;
	[sflag:s4] =	ssyncset.s32 $0xFFFFF086  }
0x25: {  	[simem:s6], [sflag:s4] =	dma.local [hbm:s3], $0xF7A  }
0x26: {  	[smem:$0x3F99] =	sst s1;
	(tag) =	ssettag s2;
	_ =	strace s9  }
0x27: {  	s1 =	sld [smem:$0x3FA9]  }
0x28: {  	s2 =	sld [smem:$0x3FAA]  }
0x29: {  	s4 =	sld [smem:$0x3FAC]  }
0x2a: {  	p0 =	seq.s32 s5, $0x0;
	s5 =	sld [smem:$0x3FAD]  }
0x2b: {  	s6 =	sld [smem:$0x3FAE]  }
0x2c: {  	s7 =	sld [smem:$0x3FAF]  }
0x2d: {  	s3 =	simm.s32 $0x108;
	s8 =	sld [smem:$0x3FB0]  }
0x2e: {  	s3 =	simm.s32 @!p0 $0x1082;
	s9 =	sld [smem:$0x3FB1]  }
0x2f: {  	lr =	sadd.s32 s0, s3;
	s0 =	sld [smem:$0x3FA8]  }
0x30: {  	s3 =	sld [smem:$0x3FAB]  }
0x31: {  	[smem:$0x3FB4] =	sst s10  }
0x32: {  	s10 =	sld [smem:$0x3FB2];
	_ =	sdelay $0x3  }
0x33: {  	p0 =	seq.s32 s10, $0x1;
	s10 =	sld [smem:$0x3FB4];
	_ =	sdelay $0x3  }
0x34: {  	[smem:$0x3FB4] =	sst s10  }
0x35: {  	s10 =	sld [smem:$0x3FB3];
	_ =	sdelay $0x3  }
0x36: {  	p1 =	seq.s32 s10, $0x1;
	s10 =	sld [smem:$0x3FB4];
	_ =	sdelay $0x3  }
0x37: {  	[smem:$0x3FB4] =	sst s10  }
0x38: {  	s10 =	sld [smem:$0x3FB5]  }
0x39: {  	_ = 	snop;
	(pc) =	sbr.ind lr, $3  }
0x3a: {  	_ = 	snop  }
0x3b: {  	_ = 	snop  }
0x3c: {  	p2 =	seq.s32 s10, $0x1;
	s10 =	sld [smem:$0x3FB4]  }
0x3d: {  	_ =	shalt  }
0x3e: {  	_ =	shalt  }
0x3f: {  	_ =	shalt  }
0x40: {  	_ =	shalt  }
0x41: {  	_ =	shalt  }
0x42: {  	_ =	shalt  }
0x43: {  	_ =	shalt  }
0x44: {  	_ =	shalt  }
0x45: {  	_ =	shalt  }
0x46: {  	_ =	shalt  }
0x47: {  	_ =	shalt  }
0x48: {  	_ =	shalt  }
0x49: {  	_ =	shalt  }
0x4a: {  	_ =	shalt  }
0x4b: {  	_ =	shalt  }
0x4c: {  	_ =	shalt  }
0x4d: {  	_ =	shalt  }
0x4e: {  	_ =	shalt  }
0x4f: {  	_ =	shalt  }
0x50: {  	_ =	shalt  }
0x51: {  	_ =	shalt  }
0x52: {  	_ =	shalt  }
0x53: {  	_ =	shalt  }
0x54: {  	_ =	shalt  }
0x55: {  	_ =	shalt  }
0x56: {  	_ =	shalt  }
0x57: {  	_ =	shalt  }
0x58: {  	_ =	shalt  }
0x59: {  	_ =	shalt  }
0x5a: {  	_ =	shalt  }
0x5b: {  	_ =	shalt  }
0x5c: {  	_ =	shalt  }
0x5d: {  	_ =	shalt  }
0x5e: {  	_ =	shalt  }
0x5f: {  	_ =	shalt  }
0x60: {  	_ =	shalt  }
0x61: {  	_ =	shalt  }
0x62: {  	_ =	shalt  }
0x63: {  	_ =	shalt  }
0x64: {  	_ =	shalt  }
0x65: {  	_ =	shalt  }
0x66: {  	_ =	shalt  }
0x67: {  	_ =	shalt  }
0x68: {  	_ =	shalt  }
0x69: {  	_ =	shalt  }
0x6a: {  	_ =	shalt  }
0x6b: {  	_ =	shalt  }
0x6c: {  	_ =	shalt  }
0x6d: {  	_ =	shalt  }
0x6e: {  	_ =	shalt  }
0x6f: {  	_ =	shalt  }
0x70: {  	_ =	shalt  }
0x71: {  	_ =	shalt  }
0x72: {  	_ =	shalt  }
0x73: {  	_ =	shalt  }
0x74: {  	_ =	shalt  }
0x75: {  	_ =	shalt  }
0x76: {  	_ =	shalt  }
0x77: {  	_ =	shalt  }
0x78: {  	_ =	shalt  }
0x79: {  	_ =	shalt  }
0x7a: {  	_ =	shalt  }
0x7b: {  	_ =	shalt  }
0x7c: {  	_ =	shalt  }
0x7d: {  	_ =	shalt  }
0x7e: {  	_ =	shalt  }
0x7f: {  	_ =	shalt  }
0x80: {  	_ =	shalt  }
0x81: {  	_ =	shalt  }
0x82: {  	_ =	shalt  }
0x83: {  	_ =	shalt  }
0x84: {  	_ =	shalt  }
0x85: {  	_ =	shalt  }
0x86: {  	_ =	shalt  }
0x87: {  	_ =	shalt  }
.Lfunc_end0:
.L_simem_size_0:
called_computation.1_lowered:
.L_overlay_start_0:
0x88: {  	s2 =	sld [smem:$0x3FD9]  }
0x89: {  	s3 =	sld [smem:$0x3FFE];
	_ =	sdelay $0x1  }
0x8a: {  	s1 =	srdreg.scid  }
0x8b: {  	s0 =	sand.u32 $0x1, s1  }
0x8c: {  	s17 =	sshll.u32 s0, $0xA;
	s2 =	sadd.s32 s3, s2  }
0x8d: {  	s2 =	sadd.s32 s2, s17  }
0x8e: {  	[smem:$0x3FC0] =	sst s2  }
0x8f: {  	_ = 	snop  }
0x90: {  	s2 =	sld [smem:$0x3FD0];
	(tm) =	ssettm $0x1  }
0x91: {  	s18 =	sld [smem:$0x3FFB];
	_ =	sdelay $0x3  }
0x92: {  	_ =	strace s18  }
0x93: {  	s3 =	sld [smem:$0x3FFC];
	_ =	sdelay $0x3  }
0x94: {  	_ =	strace s3  }
0x95: {  	s3 =	sld [smem:$0x3FFD];
	_ =	sdelay $0x3  }
0x96: {  	_ =	strace s3  }
0x97: {  	_ =	strace $0x8FFFFFFF  }
0x98: {  	s19 =	sld [smem:$0x3FDB];
	_ =	sdelay $0x1  }
0x99: {  	s4 =	simm.s32 $_scs_section_size  }
0x9a: {  	s5 =	simm.s32 $_size__tile_overlayer_lowered;
	s6 =	simm.s32 $_tile_overlayer_lowered  }
0x9b: {  	s22 =	simm.s32 $0x1BFF;
	s21 =	sshll.u32 s6, $0x1;
	s3 =	sadd.s32 s4, s19  }
0x9c: {  	s7 =	simm.s32 $0x0;
	s20 =	sshll.u32 s5, $0x1;
	s5 =	sadd.s32 s21, s3  }
0x9d: {  	[timem:s7], [sflag:s22] =	dma.local [hbm:s5], s20  }
0x9e: {  	_ =	swait.ge [sflag:s22], s20  }
0x9f: {  	s4 =	ssub.s32 $0x0, s20;
	[sflag:s22] =	ssyncset.done $0x0  }
0xa0: {  	[sflag:s22] =	ssyncadd.s32 s4;
	_ =	sdelay $0x1  }
0xa1: {  	s23 =	simm.s32 $0x1B8B  }
0xa2: {  	_ =	swait.ge [sflag:s23], $0x1  }
0xa3: {  	[sflag:s23] =	ssyncset.done $0x0  }
0xa4: {  	s25 =	simm.s32 $0x1B8E;
	s24 =	sld [smem:$0x3FFE];
	[sflag:s23] =	ssyncadd.s32 $0xFFFFFFFF  }
0xa5: {  	s26 =	simm.s32 $execute0_lowered;
	[smem:$0x3FD2] =	sst s25  }
0xa6: {  	s5 =	sshll.u32 s26, $0x1;
	_ =	strace $0x80000046;
	[dreg:$0x1] =	wrdreg $0xFFFFFFFF  }
0xa7: {  	s28 =	simm.s32 $_size_execute0_lowered;
	s3 =	sadd.s32 s3, s5;
	[dreg:$0x0] =	wrdreg $0x0  }
0xa8: {  	s5 =	sshll.u32 s28, $0x1;
	[dreg:$0x2] =	wrdreg s3  }
0xa9: {  	[dreg:$0x3] =	wrdreg s5  }
0xaa: {  	[dreg:$0x4] =	wrdreg $0xC0  }
0xab: {  	_ =	task [dreg:s7], $0x5FFFF  }
0xac: {  	[dreg:$0x1] =	wrdreg $0xFFFFFFFF  }
0xad: {  	[dreg:$0x0] =	wrdreg $0x60  }
0xae: {  	[dreg:$0x2] =	wrdreg s24  }
0xaf: {  	[dreg:$0x3] =	wrdreg s2  }
0xb0: {  	[dreg:$0x4] =	wrdreg $0x28800  }
0xb1: {  	[dreg:$0x5] =	wrdreg $0x9  }
0xb2: {  	_ =	task.clear_ibuf [dreg:s7], $0x6FFFF;
	_ =	strace $0x90000046  }
0xb3: {  	s29 =	simm.s32 $0x9;
	_ =	strace $0x80000048  }
0xb4: {  	_ =	swait.ge [sflag:s29], $0x1  }
0xb5: {  	[sflag:s29] =	ssyncadd.s32 $0xFFFFFFFF  }
0xb6: {  	_ =	strace $0x90000048  }
0xb7: {  	_ =	sfence  }
0xb8: {  	s30 =	sld [smem:$0x0];
	_ =	sdelay $0x2  }
0xb9: {  	s31 =	sshll.u32 s1, $0xD;
	s1 =	sshrl.u32 s1, $0x2  }
0xba: {  	s3 =	sand.u32 $0x4000, s31;
	s1 =	sadd.s32 s1, s30  }
0xbb: {  	s0 =	sor.u32 s3, s0;
	s1 =	sshll.u32 s1, $0x11  }
0xbc: {  	s0 =	sor.u32 s1, s0  }
0xbd: {  	s0 =	sadd.s32 $0x8F2B, s0  }
0xbe: {  	[sflag:s0] =	ssyncadd.remote.s32 $0x1  }
0xbf: {  	_ =	sfence.sel $0xFFFF  }
0xc0: {  	[dreg:$0x0] =	wrdreg $0xFFFFFFFF;
	(pc) =	sbr.abs _section_cstart, $3  }
0xc1: {  	[dreg:$0x1] =	wrdreg $0xFFFFFFFF  }
0xc2: {  	_ =	task.clear_ibuf [dreg:s7], $0x2FFFF;
	_ =	strace $0x9FFFFFFF  }
0xc3: {  	(tm) =	ssettm $0x7FFFFFFF  }
tec
execute0_lowered:
.L_overlay_start_1:
0x0: {  	(tag) =	ssettag $0x1  }
0x1: {  	s6 =	rddreg [dreg:$0x0]  }
0x2: {  	s23 =	rddreg [dreg:$0x1]  }
0x3: {  	s1 =	rddreg [dreg:$0x2]  }
0x4: {  	s3 =	simm.s32 $0x0;
	s4 =	srdreg.scid;
	s2 =	stileid.u32  }
0x5: {  	[smem:$0x7FF] =	sst s3;
	s8 =	smul.u32 $0x4E000, s2  }
0x6: {  	s11 =	sand.u32 $0x1, s4;
	s4 =	sadd.s32 $0xDE00, s6;
	s13 =	smul.u32 $0x13800, s2  }
0x7: {  	s5 =	sadd.s32 $0xD800, s6;
	s21 =	sadd.s32 $0xE400, s6;
	s18 =	smul.u32 $0x4E20, s2  }
0x8: {  	_ =	strace $0x80000047;
	s7 =	ssub.s32 $0x2, s11;
	s19 =	smul.u32 $0x2710, s11  }
0x9: {  	s25 =	smul.u32 $0x138800, s11;
	s9 =	sshrl.u32 s7, $0x1;
	s30 =	sshrl.u32 s8, $0x2  }
0xa: {  	s14 =	sadd.s32 $0x2800, s13;
	s15 =	sadd.s32 $0x5000, s13;
	s16 =	sadd.s32 $0x7800, s13  }
0xb: {  	s17 =	sadd.s32 $0xA000, s13;
	s20 =	sadd.s32 $0xC800, s13;
	s24 =	sadd.s32 $0xF000, s13  }
0xc: {  	s31 =	sadd.s32 $0x11800, s13;
	s22 =	ssub.s32 s7, s9;
	s6 =	sadd.s32 s30, s1  }
0xd: {  	s7 =	sadd.s32 s14, s1;
	s8 =	sadd.s32 s15, s1;
	s9 =	sadd.s32 s16, s1  }
0xe: {  	s10 =	sadd.s32 s17, s1;
	s11 =	sadd.s32 s20, s1;
	s12 =	sadd.s32 s24, s1  }
0xf: {  	s26 =	sadd.s32 s19, s18;
	s0 =	sadd.s32 s13, s25;
	s14 =	sadd.s32 s25, s14  }
0x10: {  	s28 =	sadd.s32 s25, s15;
	s29 =	sadd.s32 s25, s16;
	s17 =	sadd.s32 s25, s17  }
0x11: {  	s20 =	sadd.s32 s25, s20;
	s24 =	sadd.s32 s25, s24;
	s25 =	sadd.s32 s25, s31  }
0x12: {  	s13 =	sadd.s32 s31, s1;
	s18 =	sshrl.u32 s0, $0x3;
	s19 =	sshrl.u32 s14, $0x3  }
0x13: {  	s30 =	sshrl.u32 s28, $0x3;
	s31 =	sshrl.u32 s29, $0x3;
	s0 =	sshrl.u32 s17, $0x3  }
0x14: {  	s20 =	sshrl.u32 s20, $0x3;
	s29 =	sshrl.u32 s24, $0x3;
	s22 =	smax.u32 s22, $0x1  }
0x15: {  	s24 =	simm.s32 $0x80;
	s28 =	simm.s32 $0x0;
	s14 =	sadd.s32 s21, s18  }
0x16: {  	s15 =	sadd.s32 s21, s19;
	s16 =	sadd.s32 s21, s30;
	s17 =	sadd.s32 s21, s31  }
0x17: {  	s18 =	sadd.s32 s21, s0;
	s19 =	sadd.s32 s21, s20;
	s30 =	sshrl.u32 s25, $0x3  }
0x18: {  	s20 =	sadd.s32 s21, s29;
	s31 =	sshrl.u32 s26, $0x3;
	s25 =	simm.s32 $0x1  }
0x19: {  	s26 =	simm.s32 $0x50;
	s21 =	sadd.s32 s21, s30;
	s23 =	sadd.s32 s31, s23  }
.LBB2_1:
0x1a: {  	[tilespmem:s24], [sflag:$0x1] =	stream.linear.gather [hbm4b:s5+s3], $0x2800, $0x38;
	[tilespmem:$0x16100] =	vst v63  }
0x1b: {  	_ =	swait.ge [sflag:s25], $0x2800  }
0x1c: {  	[sflag:s25] =	ssyncset.done $0x0  }
0x1d: {  	[sflag:s25] =	ssyncadd.s32 $0xFFFFD800  }
0x1e: {  	[spmem:s6] =	stream.linear.scatter [tilespmem:s24], [sflag:$0x1], $0x2800, $0x38;
	[tilespmem:$0x16100] =	vst v63  }
0x1f: {  	_ =	swait.ge [sflag:s25], $0x2800  }
0x20: {  	[sflag:s25] =	ssyncset.done $0x0  }
0x21: {  	[sflag:s25] =	ssyncadd.s32 $0xFFFFD800  }
0x22: {  	[spmem:s7] =	stream.linear.scatter [tilespmem:s24], [sflag:$0x1], $0x2800, $0x38;
	[tilespmem:$0x16100] =	vst v63  }
0x23: {  	_ =	swait.ge [sflag:s25], $0x2800  }
0x24: {  	[sflag:s25] =	ssyncset.done $0x0  }
0x25: {  	[sflag:s25] =	ssyncadd.s32 $0xFFFFD800  }
0x26: {  	[spmem:s8] =	stream.linear.scatter [tilespmem:s24], [sflag:$0x1], $0x2800, $0x38;
	[tilespmem:$0x16100] =	vst v63  }
0x27: {  	_ =	swait.ge [sflag:s25], $0x2800  }
0x28: {  	[sflag:s25] =	ssyncset.done $0x0  }
0x29: {  	[sflag:s25] =	ssyncadd.s32 $0xFFFFD800  }
0x2a: {  	[spmem:s9] =	stream.linear.scatter [tilespmem:s24], [sflag:$0x1], $0x2800, $0x38;
	[tilespmem:$0x16100] =	vst v63  }
0x2b: {  	_ =	swait.ge [sflag:s25], $0x2800  }
0x2c: {  	[sflag:s25] =	ssyncset.done $0x0  }
0x2d: {  	[sflag:s25] =	ssyncadd.s32 $0xFFFFD800  }
0x2e: {  	[spmem:s10] =	stream.linear.scatter [tilespmem:s24], [sflag:$0x1], $0x2800, $0x38;
	[tilespmem:$0x16100] =	vst v63  }
0x2f: {  	_ =	swait.ge [sflag:s25], $0x2800  }
0x30: {  	[sflag:s25] =	ssyncset.done $0x0  }
0x31: {  	[sflag:s25] =	ssyncadd.s32 $0xFFFFD800  }
0x32: {  	[spmem:s11] =	stream.linear.scatter [tilespmem:s24], [sflag:$0x1], $0x2800, $0x38;
	[tilespmem:$0x16100] =	vst v63  }
0x33: {  	_ =	swait.ge [sflag:s25], $0x2800  }
0x34: {  	[sflag:s25] =	ssyncset.done $0x0  }
0x35: {  	[sflag:s25] =	ssyncadd.s32 $0xFFFFD800  }
0x36: {  	[spmem:s12] =	stream.linear.scatter [tilespmem:s24], [sflag:$0x1], $0x2800, $0x38;
	[tilespmem:$0x16100] =	vst v63  }
0x37: {  	_ =	swait.ge [sflag:s25], $0x2800  }
0x38: {  	[sflag:s25] =	ssyncset.done $0x0  }
0x39: {  	[sflag:s25] =	ssyncadd.s32 $0xFFFFD800  }
0x3a: {  	[spmem:s13] =	stream.linear.scatter [tilespmem:s24], [sflag:$0x1], $0x2800, $0x38;
	[tilespmem:$0x16100] =	vst v63  }
0x3b: {  	_ =	swait.ge [sflag:s25], $0x2800  }
0x3c: {  	[sflag:s25] =	ssyncset.done $0x0  }
0x3d: {  	[sflag:s25] =	ssyncadd.s32 $0xFFFFD800  }
0x3e: {  	[bflag:$0x0] =	sbarrier.arrive $0xFFFF  }
0x3f: {  	[tilespmem:s24], [sflag:$0x1] =	stream.linear.gather [hbm4b:s4+s3], $0x2800, $0x38;
	[tilespmem:$0x16100] =	vst v63  }
0x40: {  	_ =	swait.ge [sflag:s25], $0x2800  }
0x41: {  	[sflag:s25] =	ssyncset.done $0x0  }
0x42: {  	s29 =	sadd.s32 $0x0, s23;
	[sflag:s25] =	ssyncadd.s32 $0xFFFFD800  }
0x43: {  	[tilespmem:s3], [sflag:$0x1] =	stream.linear.gather [hbm4b:s29+s3], $0x50, $0x38;
	[tilespmem:$0x16100] =	vst v63  }
0x44: {  	_ =	swait.ge [sflag:s25], $0x50  }
0x45: {  	[sflag:s25] =	ssyncset.done $0x0  }
0x46: {  	[sflag:s25] =	ssyncadd.s32 $0xFFFFFFB0  }
0x47: {  	[spmem:s1] =	stream.indirect.scatter.add.f32 [tilespmem:s24], [sflag:$0x1], $0x80, s3, s26, $0xb8;
	[tilespmem:$0x16100] =	vst v63  }
0x48: {  	_ =	swait.ge [sflag:s25], $0x2800  }
0x49: {  	s30 =	simm.s32 $0x14;
	s29 =	simm.s32 $0xA;
	[sflag:s25] =	ssyncset.done $0x0  }
.LBB2_2:
0x4a: {  	s31 =	sadd.s32 s29, s23  }
0x4b: {  	[sflag:s25] =	ssyncadd.s32 $0xFFFFD800;
	s29 =	smov.u32 s30;
	s0 =	sadd.s32 $0xA, s30  }
0x4c: {  	[tilespmem:s3], [sflag:$0x1] =	stream.linear.gather [hbm4b:s31+s3], $0x50, $0x38;
	[tilespmem:$0x16100] =	vst v63  }
0x4d: {  	p0 =	sne.s32 s30, $0x4D8;
	_ =	swait.ge [sflag:s25], $0x50  }
.Ltmp0:
0x4e: {  	[sflag:s25] =	ssyncset.done $0x0;
	(pc) =	sbr.rel @p0 .LBB2_2-.Ltmp0, $4  }
0x4f: {  	[sflag:s25] =	ssyncadd.s32 $0xFFFFFFB0  }
0x50: {  	[spmem:s1] =	stream.indirect.scatter.add.f32 [tilespmem:s24], [sflag:$0x1], $0x80, s3, s26, $0xb8;
	[tilespmem:$0x16100] =	vst v63  }
0x51: {  	_ =	swait.ge [sflag:s25], $0x2800  }
0x52: {  	s30 =	smov.u32 s0;
	[sflag:s25] =	ssyncset.done $0x0  }
0x53: {  	s0 =	sadd.s32 s29, s23;
	[sflag:s25] =	ssyncadd.s32 $0xFFFFD800  }
0x54: {  	[tilespmem:s3], [sflag:$0x1] =	stream.linear.gather [hbm4b:s0+s3], $0x50, $0x38;
	[tilespmem:$0x16100] =	vst v63  }
0x55: {  	_ =	swait.ge [sflag:s25], $0x50  }
0x56: {  	[sflag:s25] =	ssyncset.done $0x0  }
0x57: {  	[sflag:s25] =	ssyncadd.s32 $0xFFFFFFB0  }
0x58: {  	[spmem:s1] =	stream.indirect.scatter.add.f32 [tilespmem:s24], [sflag:$0x1], $0x80, s3, s26, $0xb8;
	[tilespmem:$0x16100] =	vst v63  }
0x59: {  	_ =	swait.ge [sflag:s25], $0x2800  }
0x5a: {  	[sflag:s25] =	ssyncset.done $0x0  }
0x5b: {  	[sflag:s25] =	ssyncadd.s32 $0xFFFFD800  }
0x5c: {  	[bflag:$0x0] =	sbarrier.arrive $0xFFFF  }
0x5d: {  	[tilespmem:s24], [sflag:$0x1] =	stream.linear.gather [spmem:s6], $0x2800, $0x38;
	[tilespmem:$0x16100] =	vst v63  }
0x5e: {  	_ =	swait.ge [sflag:s25], $0x2800  }
0x5f: {  	[sflag:s25] =	ssyncset.done $0x0  }
0x60: {  	[sflag:s25] =	ssyncadd.s32 $0xFFFFD800  }
0x61: {  	[hbm4b:s14+s3] =	stream.linear.scatter [tilespmem:s24], [sflag:$0x1], $0x2800, $0x38;
	[tilespmem:$0x16100] =	vst v63  }
0x62: {  	_ =	swait.ge [sflag:s25], $0x2800  }
0x63: {  	[sflag:s25] =	ssyncset.done $0x0  }
0x64: {  	[sflag:s25] =	ssyncadd.s32 $0xFFFFD800  }
0x65: {  	[tilespmem:s24], [sflag:$0x1] =	stream.linear.gather [spmem:s7], $0x2800, $0x38;
	[tilespmem:$0x16100] =	vst v63  }
0x66: {  	_ =	swait.ge [sflag:s25], $0x2800  }
0x67: {  	[sflag:s25] =	ssyncset.done $0x0  }
0x68: {  	[sflag:s25] =	ssyncadd.s32 $0xFFFFD800  }
0x69: {  	[hbm4b:s15+s3] =	stream.linear.scatter [tilespmem:s24], [sflag:$0x1], $0x2800, $0x38;
	[tilespmem:$0x16100] =	vst v63  }
0x6a: {  	_ =	swait.ge [sflag:s25], $0x2800  }
0x6b: {  	[sflag:s25] =	ssyncset.done $0x0  }
0x6c: {  	[sflag:s25] =	ssyncadd.s32 $0xFFFFD800  }
0x6d: {  	[tilespmem:s24], [sflag:$0x1] =	stream.linear.gather [spmem:s8], $0x2800, $0x38;
	[tilespmem:$0x16100] =	vst v63  }
0x6e: {  	_ =	swait.ge [sflag:s25], $0x2800  }
0x6f: {  	[sflag:s25] =	ssyncset.done $0x0  }
0x70: {  	[sflag:s25] =	ssyncadd.s32 $0xFFFFD800  }
0x71: {  	[hbm4b:s16+s3] =	stream.linear.scatter [tilespmem:s24], [sflag:$0x1], $0x2800, $0x38;
	[tilespmem:$0x16100] =	vst v63  }
0x72: {  	_ =	swait.ge [sflag:s25], $0x2800  }
0x73: {  	[sflag:s25] =	ssyncset.done $0x0  }
0x74: {  	[sflag:s25] =	ssyncadd.s32 $0xFFFFD800  }
0x75: {  	[tilespmem:s24], [sflag:$0x1] =	stream.linear.gather [spmem:s9], $0x2800, $0x38;
	[tilespmem:$0x16100] =	vst v63  }
0x76: {  	_ =	swait.ge [sflag:s25], $0x2800  }
0x77: {  	[sflag:s25] =	ssyncset.done $0x0  }
0x78: {  	[sflag:s25] =	ssyncadd.s32 $0xFFFFD800  }
0x79: {  	[hbm4b:s17+s3] =	stream.linear.scatter [tilespmem:s24], [sflag:$0x1], $0x2800, $0x38;
	[tilespmem:$0x16100] =	vst v63  }
0x7a: {  	_ =	swait.ge [sflag:s25], $0x2800  }
0x7b: {  	[sflag:s25] =	ssyncset.done $0x0  }
0x7c: {  	[sflag:s25] =	ssyncadd.s32 $0xFFFFD800  }
0x7d: {  	[tilespmem:s24], [sflag:$0x1] =	stream.linear.gather [spmem:s10], $0x2800, $0x38;
	[tilespmem:$0x16100] =	vst v63  }
0x7e: {  	_ =	swait.ge [sflag:s25], $0x2800  }
0x7f: {  	[sflag:s25] =	ssyncset.done $0x0  }
0x80: {  	[sflag:s25] =	ssyncadd.s32 $0xFFFFD800  }
0x81: {  	[hbm4b:s18+s3] =	stream.linear.scatter [tilespmem:s24], [sflag:$0x1], $0x2800, $0x38;
	[tilespmem:$0x16100] =	vst v63  }
0x82: {  	_ =	swait.ge [sflag:s25], $0x2800  }
0x83: {  	[sflag:s25] =	ssyncset.done $0x0  }
0x84: {  	[sflag:s25] =	ssyncadd.s32 $0xFFFFD800  }
0x85: {  	[tilespmem:s24], [sflag:$0x1] =	stream.linear.gather [spmem:s11], $0x2800, $0x38;
	[tilespmem:$0x16100] =	vst v63  }
0x86: {  	_ =	swait.ge [sflag:s25], $0x2800  }
0x87: {  	[sflag:s25] =	ssyncset.done $0x0  }
0x88: {  	[sflag:s25] =	ssyncadd.s32 $0xFFFFD800  }
0x89: {  	[hbm4b:s19+s3] =	stream.linear.scatter [tilespmem:s24], [sflag:$0x1], $0x2800, $0x38;
	[tilespmem:$0x16100] =	vst v63  }
0x8a: {  	_ =	swait.ge [sflag:s25], $0x2800  }
0x8b: {  	[sflag:s25] =	ssyncset.done $0x0  }
0x8c: {  	[sflag:s25] =	ssyncadd.s32 $0xFFFFD800  }
0x8d: {  	[tilespmem:s24], [sflag:$0x1] =	stream.linear.gather [spmem:s12], $0x2800, $0x38;
	[tilespmem:$0x16100] =	vst v63  }
0x8e: {  	_ =	swait.ge [sflag:s25], $0x2800  }
0x8f: {  	[sflag:s25] =	ssyncset.done $0x0  }
0x90: {  	[sflag:s25] =	ssyncadd.s32 $0xFFFFD800  }
0x91: {  	[hbm4b:s20+s3] =	stream.linear.scatter [tilespmem:s24], [sflag:$0x1], $0x2800, $0x38;
	[tilespmem:$0x16100] =	vst v63  }
0x92: {  	_ =	swait.ge [sflag:s25], $0x2800  }
0x93: {  	[sflag:s25] =	ssyncset.done $0x0  }
0x94: {  	[sflag:s25] =	ssyncadd.s32 $0xFFFFD800  }
0x95: {  	[tilespmem:s24], [sflag:$0x1] =	stream.linear.gather [spmem:s13], $0x2800, $0x38;
	[tilespmem:$0x16100] =	vst v63  }
0x96: {  	s28 =	sadd.s32 $0x1, s28;
	_ =	swait.ge [sflag:s25], $0x2800  }
0x97: {  	p0 =	sne.s32 s28, s22;
	[sflag:s25] =	ssyncset.done $0x0  }
.Ltmp1:
0x98: {  	[sflag:s25] =	ssyncadd.s32 $0xFFFFD800;
	(pc) =	sbr.rel @p0 .LBB2_1-.Ltmp1, $4  }
0x99: {  	[hbm4b:s21+s3] =	stream.linear.scatter [tilespmem:s24], [sflag:$0x1], $0x2800, $0x38;
	[tilespmem:$0x16100] =	vst v63  }
0x9a: {  	_ =	swait.ge [sflag:s25], $0x2800  }
0x9b: {  	[sflag:s25] =	ssyncset.done $0x0  }
0x9c: {  	[sflag:s25] =	ssyncadd.s32 $0xFFFFD800  }
0x9d: {  	_ =	sfence.sel $0x180000  }
0x9e: {  	[bflag:$0x0] =	sbarrier.arrive $0xFFFF  }
0x9f: {  	_ =	strace $0x90000047  }
0xa0: {  	[bflag:$0x2] =	sbarrier.arrive $0xFFFF  }
0xa1: {  	p0 =	sne.s32 s2, $0x0;
	s0 =	rddreg [dreg:$0x3]  }
0xa2: {  	s0 =	sadd.s32 @!p0 $0x100000, s0  }
0xa3: {  	[sflag:s0] =	ssyncadd.tile.s32 @!p0 $0x1;
	_ =	shalt  }
.Lfunc_end2:
_tile_overlayer_lowered:
.L_overlay_start_2:
0xa4: {  	(tag) =	ssettag $0x2  }
0xa5: {  	s0 =	rddreg [dreg:$0x0];
	s2 =	stileid.u32  }
0xa6: {  	s1 =	rddreg [dreg:$0x1];
	p0 =	sne.s32 s2, $0x0  }
0xa7: {  	s3 =	rddreg [dreg:$0x2];
	[bflag:$0x3] =	sbarrier.arrive $0xFFFF;
	s2 =	simm.s32 @!p0 $0x1C01  }
0xa8: {  	[timem:s3], [sflag:s2] =	dma.local @!p0 [hbm:s0], s1  }
0xa9: {  	s0 =	simm.s32 @!p0 $0x1  }
0xaa: {  	_ =	swait.ge @!p0 [sflag:s0], s1  }
0xab: {  	s1 =	ssub.s32 @!p0 $0x0, s1;
	[sflag:s0] =	ssyncset.done @!p0 $0x0  }
0xac: {  	[sflag:s0] =	ssyncadd.s32 @!p0 s1  }
0xad: {  	[bflag:$0x3] =	sbarrier.arrive $0xFFFF  }
0xae: {  	_ =	shalt  }

</sc_bundles>
